<compile_context>
chip_gen: v7x
topology: tpu7x:2x2x1
jax: 0.10.2.dev20260603
libtpu: 0.0.44.dev20260713+nightly
codegen_flags: <defaults>
</compile_context>

<pallas_src>
import jax
import jax.numpy as jnp
from jax import lax
from jax.experimental import pallas as pl
from jax.experimental.pallas import tpu as pltpu
from jax.experimental.pallas import tpu_sc as plsc

NVAR = 100
NCOMB = 5051
BSZ = 16384
NW = 32
ROWS_PER_W = BSZ // NW
B2 = 256
NG = B2 // 16
CC = 64
NMAIN = 78
TOFF = NCOMB - CC
TSKIP = NMAIN * CC - TOFF
ACCR = NVAR + 4


def _body(xt_hbm, xtt_hbm, out_hbm, buf0, buf1, buf2, acc2,
          sem0, sem1, sem2):
    wid = lax.axis_index("s") * 2 + lax.axis_index("c")
    zeros16 = jnp.zeros((16,), jnp.float32)
    i32 = jnp.int32

    for half in range(2):
        b0 = wid * ROWS_PER_W + half * B2

        def chunk_src(g):
            return xt_hbm.at[pl.ds(g * CC, CC), pl.ds(b0, B2)]

        bufs = (buf0, buf1)
        sems = (sem0, sem1)
        pltpu.async_copy(chunk_src(0), bufs[0], sems[0])
        pltpu.async_copy(chunk_src(1), bufs[1], sems[1])
        pltpu.async_copy(xtt_hbm.at[:, pl.ds(b0, B2)], buf2, sem2)

        def zbody(i, c):
            for k in range(NG):
                acc2[i, pl.ds(16 * k, 16)] = zeros16
            return c

        lax.fori_loop(0, NVAR, zbody, 0)

        def make_cbody(bufb):
            def cbody(c, st):
                a, v, rs = st
                jt = jnp.where(v >= NVAR, NVAR, v)
                nrs = []
                for k in range(NG):
                    vals = bufb[c, pl.ds(16 * k, 16)]
                    plsc.addupdate(acc2.at[jt, pl.ds(16 * k, 16)], vals)
                    nrs.append(rs[k] + vals)
                vn = v + 1
                ended = vn > NVAR

                @pl.when(ended)
                def _():
                    at = jnp.where(a >= NVAR, NVAR + 1, a)
                    for k in range(NG):
                        plsc.addupdate(acc2.at[at, pl.ds(16 * k, 16)],
                                       nrs[k])

                keep = jnp.where(ended, 0.0, 1.0)
                nrs = tuple(x * keep for x in nrs)
                na = a + ended.astype(i32)
                nv = jnp.where(ended, na + 1, vn)
                return (na, nv, nrs)

            return cbody

        st = (jnp.asarray(0, i32), jnp.asarray(1, i32),
              tuple(zeros16 for _ in range(NG)))

        def gbody(h, st):
            for b in range(2):
                g = 2 * h + b
                pltpu.make_async_copy(chunk_src(g), bufs[b], sems[b]).wait()
                st = plsc.parallel_loop(0, CC, unroll=4, carry=st)(make_cbody(bufs[b]))
                nxt = g + 2

                @pl.when(nxt < NMAIN)
                def _():
                    pltpu.async_copy(chunk_src(nxt), bufs[b], sems[b])

            return st

        st = lax.fori_loop(0, NMAIN // 2, gbody, st)

        pltpu.make_async_copy(xtt_hbm.at[:, pl.ds(b0, B2)], buf2,
                              sem2).wait()
        st = plsc.parallel_loop(TSKIP, CC, carry=st)(make_cbody(buf2))

        pltpu.sync_copy(acc2, out_hbm.at[:, pl.ds(b0, B2)])


@jax.jit
def kernel(simplex, comb):
    del comb
    mesh = plsc.VectorSubcoreMesh(core_axis_name="c", subcore_axis_name="s")
    run = pl.kernel(
        _body,
        mesh=mesh,
        compiler_params=pltpu.CompilerParams(needs_layout_passes=False),
        out_type=jax.ShapeDtypeStruct((ACCR, BSZ), jnp.float32),
        scratch_types=[
            pltpu.VMEM((CC, B2), jnp.float32),
            pltpu.VMEM((CC, B2), jnp.float32),
            pltpu.VMEM((CC, B2), jnp.float32),
            pltpu.VMEM((ACCR, B2), jnp.float32),
            pltpu.SemaphoreType.DMA,
            pltpu.SemaphoreType.DMA,
            pltpu.SemaphoreType.DMA,
        ],
    )
    xt = simplex.T
    xtt = xt[TOFF:, :]
    outt = run(xt, xtt)
    return outt[:NVAR].T

# --- scband reference (transcript-rebuilt; emitter-appended) ---
"""Pipeline reference for scband-interv-design-13537736917825 (READ-ONLY COPY).

The authoritative reference and input builder live on the scoring server;
editing this copy changes nothing except your own understanding.
"""

import jax, jax.numpy as jnp
import numpy as np
from itertools import combinations_with_replacement

N_VARS = 100
K = 2
BS = 16384


def _build_comb():
    # elem = arange(n_vars)[mask] ++ [n_vars]; mask is all-True here
    elem = list(range(N_VARS)) + [N_VARS]
    rows = []
    for r in combinations_with_replacement(elem, K):
        vals = [v for v in r if v < N_VARS]
        if len(set(vals)) == len(vals):  # each real variable appears at most once
            rows.append(r)
    return np.asarray(rows, dtype=np.int32)  # [n_comb, K]


def setup_inputs(seed: int = 0) -> dict:
    key = jax.random.key(seed)
    comb = jnp.asarray(_build_comb())
    n_comb = comb.shape[0]  # 5051
    simplex = jax.random.normal(key, (BS, n_comb), dtype=jnp.float32)
    return {"simplex": simplex, "comb": comb}


def reference(simplex, comb):
    # IntervDesign.simplex2regime:
    #   comb expanded to [bs, n_comb, k]; simplex value broadcast over k slots;
    #   scatter_add along dim=1 into zeros[bs, n_vars+1, k]; sum over k; drop last col.
    bs = simplex.shape[0]
    out = jnp.zeros((bs, N_VARS + 1, K), dtype=simplex.dtype)
    for j in range(K):
        out = out.at[:, comb[:, j], j].add(simplex)
    return out.sum(axis=-1)[:, :-1]

if __name__ == "__main__":
    import jax
    _d = setup_inputs()
    print(jax.jit(kernel)(*tuple(_d.values())))

</pallas_src>

<mosaic_0001>
#map = affine_map<(d0, d1) -> (0, 0)>
module attributes {stable_mosaic.version = 14 : i64} {
  func.func @_body(%arg0: i32, %arg1: i32, %arg2: memref<5051x16384xf32, #tpu.memory_space<hbm>>, %arg3: memref<64x16384xf32, #tpu.memory_space<hbm>>, %arg4: memref<104x16384xf32, #tpu.memory_space<hbm>>, %arg5: memref<64x256xf32, #tpu.memory_space<vmem>>, %arg6: memref<64x256xf32, #tpu.memory_space<vmem>>, %arg7: memref<64x256xf32, #tpu.memory_space<vmem>>, %arg8: memref<104x256xf32, #tpu.memory_space<vmem>>, %arg9: memref<!tpu.dma_semaphore, #tpu.memory_space<semaphore_mem>>, %arg10: memref<!tpu.dma_semaphore, #tpu.memory_space<semaphore_mem>>, %arg11: memref<!tpu.dma_semaphore, #tpu.memory_space<semaphore_mem>>) attributes {dimension_semantics = [#tpu.dimension_semantics<core_parallel>, #tpu.dimension_semantics<subcore_parallel>], iteration_bounds = array<i64: 2, 16>, scalar_prefetch = 0 : i64, scratch_operands = 7 : i64, tpu.core_type = #tpu.core_type<sc_vector_subcore>, window_params = [{transform_indices = #map}, {transform_indices = #map}, {transform_indices = #map}]} {
    %mul3A = arith.constant 2 : i32
    %mul3A_0 = arith.muli %arg1, %mul3A : i32
    %add3A = arith.addi %mul3A_0, %arg0 : i32
    %broadcast_in_dim3A = arith.constant 0.000000e+00 : f32
    %broadcast_in_dim3A_1 = vector.broadcast %broadcast_in_dim3A : f32 to vector<16xf32>
    %mul3A_2 = arith.constant 512 : i32
    %mul3A_3 = arith.muli %add3A, %mul3A_2 : i32
    %add3A_4 = arith.constant 0 : i32
    %add3A_5 = arith.addi %mul3A_3, %add3A_4 : i32
    %dma_start3A = arith.constant 0 : i32
    %dma_start3A_6 = tpu.memref_slice %arg2[%dma_start3A, %add3A_5] : memref<5051x16384xf32, #tpu.memory_space<hbm>> -> memref<64x256xf32, #tpu.memory_space<hbm>>
    %dma_start3A_7 = arith.constant 0 : i32
    %dma_start3A_8 = tpu.memref_slice %arg2[%dma_start3A_7, %add3A_5] : memref<5051x16384xf32, #tpu.memory_space<hbm>> -> memref<64x256xf32, #tpu.memory_space<hbm>>
    tpu.enqueue_dma source(%dma_start3A_8 : memref<64x256xf32, #tpu.memory_space<hbm>>) target(%arg5 : memref<64x256xf32, #tpu.memory_space<vmem>>) target_semaphore(%arg9 : memref<!tpu.dma_semaphore, #tpu.memory_space<semaphore_mem>>)
    %dma_start3A_9 = arith.constant 64 : i32
    %dma_start3A_10 = tpu.memref_slice %arg2[%dma_start3A_9, %add3A_5] : memref<5051x16384xf32, #tpu.memory_space<hbm>> -> memref<64x256xf32, #tpu.memory_space<hbm>>
    %dma_start3A_11 = arith.constant 64 : i32
    %dma_start3A_12 = tpu.memref_slice %arg2[%dma_start3A_11, %add3A_5] : memref<5051x16384xf32, #tpu.memory_space<hbm>> -> memref<64x256xf32, #tpu.memory_space<hbm>>
    tpu.enqueue_dma source(%dma_start3A_12 : memref<64x256xf32, #tpu.memory_space<hbm>>) target(%arg6 : memref<64x256xf32, #tpu.memory_space<vmem>>) target_semaphore(%arg10 : memref<!tpu.dma_semaphore, #tpu.memory_space<semaphore_mem>>)
    %dma_start3A_13 = arith.constant 0 : i32
    %dma_start3A_14 = tpu.memref_slice %arg3[%dma_start3A_13, %add3A_5] : memref<64x16384xf32, #tpu.memory_space<hbm>> -> memref<64x256xf32, #tpu.memory_space<hbm>>
    %dma_start3A_15 = arith.constant 0 : i32
    %dma_start3A_16 = tpu.memref_slice %arg3[%dma_start3A_15, %add3A_5] : memref<64x16384xf32, #tpu.memory_space<hbm>> -> memref<64x256xf32, #tpu.memory_space<hbm>>
    tpu.enqueue_dma source(%dma_start3A_16 : memref<64x256xf32, #tpu.memory_space<hbm>>) target(%arg7 : memref<64x256xf32, #tpu.memory_space<vmem>>) target_semaphore(%arg11 : memref<!tpu.dma_semaphore, #tpu.memory_space<semaphore_mem>>)
    %scan3A = arith.constant 0 : i32
    %scan3A_17 = arith.constant 0 : i32
    %scan3A_18 = arith.constant 100 : i32
    %scan3A_19 = arith.addi %scan3A_17, %scan3A_18 : i32
    %scan3A_20 = arith.constant 1 : i32
    scf.for %scan3A_74 = %scan3A_17 to %scan3A_19 step %scan3A_20  : i32 {
      %swap3A = arith.index_cast %scan3A_74 : i32 to index
      %swap3A_75 = arith.constant 0 : index
      %swap3A_76 = tpu.vector_load %arg8[%swap3A, %swap3A_75] {strides = array<i32>} : memref<104x256xf32, #tpu.memory_space<vmem>>, vector<16xf32>,
      tpu.vector_store %arg8[%swap3A, %swap3A_75], %broadcast_in_dim3A_1 {strides = array<i32>} : memref<104x256xf32, #tpu.memory_space<vmem>>, vector<16xf32>,
      %swap3A_77 = arith.index_cast %scan3A_74 : i32 to index
      %swap3A_78 = arith.constant 16 : index
      %swap3A_79 = tpu.vector_load %arg8[%swap3A_77, %swap3A_78] {strides = array<i32>} : memref<104x256xf32, #tpu.memory_space<vmem>>, vector<16xf32>,
      tpu.vector_store %arg8[%swap3A_77, %swap3A_78], %broadcast_in_dim3A_1 {strides = array<i32>} : memref<104x256xf32, #tpu.memory_space<vmem>>, vector<16xf32>,
      %swap3A_80 = arith.index_cast %scan3A_74 : i32 to index
      %swap3A_81 = arith.constant 32 : index
      %swap3A_82 = tpu.vector_load %arg8[%swap3A_80, %swap3A_81] {strides = array<i32>} : memref<104x256xf32, #tpu.memory_space<vmem>>, vector<16xf32>,
      tpu.vector_store %arg8[%swap3A_80, %swap3A_81], %broadcast_in_dim3A_1 {strides = array<i32>} : memref<104x256xf32, #tpu.memory_space<vmem>>, vector<16xf32>,
      %swap3A_83 = arith.index_cast %scan3A_74 : i32 to index
      %swap3A_84 = arith.constant 48 : index
      %swap3A_85 = tpu.vector_load %arg8[%swap3A_83, %swap3A_84] {strides = array<i32>} : memref<104x256xf32, #tpu.memory_space<vmem>>, vector<16xf32>,
      tpu.vector_store %arg8[%swap3A_83, %swap3A_84], %broadcast_in_dim3A_1 {strides = array<i32>} : memref<104x256xf32, #tpu.memory_space<vmem>>, vector<16xf32>,
      %swap3A_86 = arith.index_cast %scan3A_74 : i32 to index
      %swap3A_87 = arith.constant 64 : index
      %swap3A_88 = tpu.vector_load %arg8[%swap3A_86, %swap3A_87] {strides = array<i32>} : memref<104x256xf32, #tpu.memory_space<vmem>>, vector<16xf32>,
      tpu.vector_store %arg8[%swap3A_86, %swap3A_87], %broadcast_in_dim3A_1 {strides = array<i32>} : memref<104x256xf32, #tpu.memory_space<vmem>>, vector<16xf32>,
      %swap3A_89 = arith.index_cast %scan3A_74 : i32 to index
      %swap3A_90 = arith.constant 80 : index
      %swap3A_91 = tpu.vector_load %arg8[%swap3A_89, %swap3A_90] {strides = array<i32>} : memref<104x256xf32, #tpu.memory_space<vmem>>, vector<16xf32>,
      tpu.vector_store %arg8[%swap3A_89, %swap3A_90], %broadcast_in_dim3A_1 {strides = array<i32>} : memref<104x256xf32, #tpu.memory_space<vmem>>, vector<16xf32>,
      %swap3A_92 = arith.index_cast %scan3A_74 : i32 to index
      %swap3A_93 = arith.constant 96 : index
      %swap3A_94 = tpu.vector_load %arg8[%swap3A_92, %swap3A_93] {strides = array<i32>} : memref<104x256xf32, #tpu.memory_space<vmem>>, vector<16xf32>,
      tpu.vector_store %arg8[%swap3A_92, %swap3A_93], %broadcast_in_dim3A_1 {strides = array<i32>} : memref<104x256xf32, #tpu.memory_space<vmem>>, vector<16xf32>,
      %swap3A_95 = arith.index_cast %scan3A_74 : i32 to index
      %swap3A_96 = arith.constant 112 : index
      %swap3A_97 = tpu.vector_load %arg8[%swap3A_95, %swap3A_96] {strides = array<i32>} : memref<104x256xf32, #tpu.memory_space<vmem>>, vector<16xf32>,
      tpu.vector_store %arg8[%swap3A_95, %swap3A_96], %broadcast_in_dim3A_1 {strides = array<i32>} : memref<104x256xf32, #tpu.memory_space<vmem>>, vector<16xf32>,
      %swap3A_98 = arith.index_cast %scan3A_74 : i32 to index
      %swap3A_99 = arith.constant 128 : index
      %swap3A_100 = tpu.vector_load %arg8[%swap3A_98, %swap3A_99] {strides = array<i32>} : memref<104x256xf32, #tpu.memory_space<vmem>>, vector<16xf32>,
      tpu.vector_store %arg8[%swap3A_98, %swap3A_99], %broadcast_in_dim3A_1 {strides = array<i32>} : memref<104x256xf32, #tpu.memory_space<vmem>>, vector<16xf32>,
      %swap3A_101 = arith.index_cast %scan3A_74 : i32 to index
      %swap3A_102 = arith.constant 144 : index
      %swap3A_103 = tpu.vector_load %arg8[%swap3A_101, %swap3A_102] {strides = array<i32>} : memref<104x256xf32, #tpu.memory_space<vmem>>, vector<16xf32>,
      tpu.vector_store %arg8[%swap3A_101, %swap3A_102], %broadcast_in_dim3A_1 {strides = array<i32>} : memref<104x256xf32, #tpu.memory_space<vmem>>, vector<16xf32>,
      %swap3A_104 = arith.index_cast %scan3A_74 : i32 to index
      %swap3A_105 = arith.constant 160 : index
      %swap3A_106 = tpu.vector_load %arg8[%swap3A_104, %swap3A_105] {strides = array<i32>} : memref<104x256xf32, #tpu.memory_space<vmem>>, vector<16xf32>,
      tpu.vector_store %arg8[%swap3A_104, %swap3A_105], %broadcast_in_dim3A_1 {strides = array<i32>} : memref<104x256xf32, #tpu.memory_space<vmem>>, vector<16xf32>,
      %swap3A_107 = arith.index_cast %scan3A_74 : i32 to index
      %swap3A_108 = arith.constant 176 : index
      %swap3A_109 = tpu.vector_load %arg8[%swap3A_107, %swap3A_108] {strides = array<i32>} : memref<104x256xf32, #tpu.memory_space<vmem>>, vector<16xf32>,
      tpu.vector_store %arg8[%swap3A_107, %swap3A_108], %broadcast_in_dim3A_1 {strides = array<i32>} : memref<104x256xf32, #tpu.memory_space<vmem>>, vector<16xf32>,
      %swap3A_110 = arith.index_cast %scan3A_74 : i32 to index
      %swap3A_111 = arith.constant 192 : index
      %swap3A_112 = tpu.vector_load %arg8[%swap3A_110, %swap3A_111] {strides = array<i32>} : memref<104x256xf32, #tpu.memory_space<vmem>>, vector<16xf32>,
      tpu.vector_store %arg8[%swap3A_110, %swap3A_111], %broadcast_in_dim3A_1 {strides = array<i32>} : memref<104x256xf32, #tpu.memory_space<vmem>>, vector<16xf32>,
      %swap3A_113 = arith.index_cast %scan3A_74 : i32 to index
      %swap3A_114 = arith.constant 208 : index
      %swap3A_115 = tpu.vector_load %arg8[%swap3A_113, %swap3A_114] {strides = array<i32>} : memref<104x256xf32, #tpu.memory_space<vmem>>, vector<16xf32>,
      tpu.vector_store %arg8[%swap3A_113, %swap3A_114], %broadcast_in_dim3A_1 {strides = array<i32>} : memref<104x256xf32, #tpu.memory_space<vmem>>, vector<16xf32>,
      %swap3A_116 = arith.index_cast %scan3A_74 : i32 to index
      %swap3A_117 = arith.constant 224 : index
      %swap3A_118 = tpu.vector_load %arg8[%swap3A_116, %swap3A_117] {strides = array<i32>} : memref<104x256xf32, #tpu.memory_space<vmem>>, vector<16xf32>,
      tpu.vector_store %arg8[%swap3A_116, %swap3A_117], %broadcast_in_dim3A_1 {strides = array<i32>} : memref<104x256xf32, #tpu.memory_space<vmem>>, vector<16xf32>,
      %swap3A_119 = arith.index_cast %scan3A_74 : i32 to index
      %swap3A_120 = arith.constant 240 : index
      %swap3A_121 = tpu.vector_load %arg8[%swap3A_119, %swap3A_120] {strides = array<i32>} : memref<104x256xf32, #tpu.memory_space<vmem>>, vector<16xf32>,
      tpu.vector_store %arg8[%swap3A_119, %swap3A_120], %broadcast_in_dim3A_1 {strides = array<i32>} : memref<104x256xf32, #tpu.memory_space<vmem>>, vector<16xf32>,
    }
    %scan3A_21 = arith.constant 100 : i32
    %scan3A_22 = arith.constant 0 : i32
    %scan3A_23 = arith.constant 1 : i32
    %scan3A_24 = arith.constant 0 : i32
    %scan3A_25 = arith.constant 39 : i32
    %scan3A_26 = arith.addi %scan3A_24, %scan3A_25 : i32
    %scan3A_27 = arith.constant 1 : i32
    %scan3A_28:18 = scf.for %scan3A_74 = %scan3A_24 to %scan3A_26 step %scan3A_27 iter_args(%scan3A_75 = %scan3A_22, %scan3A_76 = %scan3A_23, %scan3A_77 = %broadcast_in_dim3A_1, %scan3A_78 = %broadcast_in_dim3A_1, %scan3A_79 = %broadcast_in_dim3A_1, %scan3A_80 = %broadcast_in_dim3A_1, %scan3A_81 = %broadcast_in_dim3A_1, %scan3A_82 = %broadcast_in_dim3A_1, %scan3A_83 = %broadcast_in_dim3A_1, %scan3A_84 = %broadcast_in_dim3A_1, %scan3A_85 = %broadcast_in_dim3A_1, %scan3A_86 = %broadcast_in_dim3A_1, %scan3A_87 = %broadcast_in_dim3A_1, %scan3A_88 = %broadcast_in_dim3A_1, %scan3A_89 = %broadcast_in_dim3A_1, %scan3A_90 = %broadcast_in_dim3A_1, %scan3A_91 = %broadcast_in_dim3A_1, %scan3A_92 = %broadcast_in_dim3A_1) -> (i32, i32, vector<16xf32>, vector<16xf32>, vector<16xf32>, vector<16xf32>, vector<16xf32>, vector<16xf32>, vector<16xf32>, vector<16xf32>, vector<16xf32>, vector<16xf32>, vector<16xf32>, vector<16xf32>, vector<16xf32>, vector<16xf32>, vector<16xf32>, vector<16xf32>)  : i32 {
      %mul3A_93 = arith.constant 2 : i32
      %mul3A_94 = arith.muli %mul3A_93, %scan3A_74 : i32
      %add3A_95 = arith.constant 0 : i32
      %add3A_96 = arith.addi %mul3A_94, %add3A_95 : i32
      %mul3A_97 = arith.constant 64 : i32
      %mul3A_98 = arith.muli %add3A_96, %mul3A_97 : i32
      %dma_wait3A_99 = tpu.memref_slice %arg2[%mul3A_98, %add3A_5] : memref<5051x16384xf32, #tpu.memory_space<hbm>> -> memref<64x256xf32, #tpu.memory_space<hbm>>
      %dma_wait3A_100 = tpu.memref_slice %arg2[%mul3A_98, %add3A_5] : memref<5051x16384xf32, #tpu.memory_space<hbm>> -> memref<64x256xf32, #tpu.memory_space<hbm>>
      tpu.wait_dma2 semaphore(%arg9 : memref<!tpu.dma_semaphore, #tpu.memory_space<semaphore_mem>>) src(%dma_wait3A_100 : memref<64x256xf32, #tpu.memory_space<hbm>>) dst(%arg5 : memref<64x256xf32, #tpu.memory_space<vmem>>)
      %parallel_loop3A_101 = arith.constant 0 : i32
      %parallel_loop3A_102 = arith.constant 64 : i32
      %parallel_loop3A_103 = arith.constant 1 : i32
      %parallel_loop3A_104:18 = scf.for %parallel_loop3A_128 = %parallel_loop3A_101 to %parallel_loop3A_102 step %parallel_loop3A_103 iter_args(%parallel_loop3A_129 = %scan3A_75, %parallel_loop3A_130 = %scan3A_76, %parallel_loop3A_131 = %scan3A_77, %parallel_loop3A_132 = %scan3A_78, %parallel_loop3A_133 = %scan3A_79, %parallel_loop3A_134 = %scan3A_80, %parallel_loop3A_135 = %scan3A_81, %parallel_loop3A_136 = %scan3A_82, %parallel_loop3A_137 = %scan3A_83, %parallel_loop3A_138 = %scan3A_84, %parallel_loop3A_139 = %scan3A_85, %parallel_loop3A_140 = %scan3A_86, %parallel_loop3A_141 = %scan3A_87, %parallel_loop3A_142 = %scan3A_88, %parallel_loop3A_143 = %scan3A_89, %parallel_loop3A_144 = %scan3A_90, %parallel_loop3A_145 = %scan3A_91, %parallel_loop3A_146 = %scan3A_92) -> (i32, i32, vector<16xf32>, vector<16xf32>, vector<16xf32>, vector<16xf32>, vector<16xf32>, vector<16xf32>, vector<16xf32>, vector<16xf32>, vector<16xf32>, vector<16xf32>, vector<16xf32>, vector<16xf32>, vector<16xf32>, vector<16xf32>, vector<16xf32>, vector<16xf32>)  : i32 {
        %parallel_loop3A_147 = arith.constant 100 : i32
        %parallel_loop3A_148 = arith.cmpi sge, %parallel_loop3A_130, %parallel_loop3A_147 : i32
        %parallel_loop3A_149 = arith.constant 100 : i32
        %parallel_loop3A_150 = arith.select %parallel_loop3A_148, %parallel_loop3A_149, %parallel_loop3A_130 : i32
        %parallel_loop3A_151 = arith.index_cast %parallel_loop3A_128 : i32 to index
        %parallel_loop3A_152 = arith.constant 0 : index
        %parallel_loop3A_153 = tpu.vector_load %arg5[%parallel_loop3A_151, %parallel_loop3A_152] {strides = array<i32>} : memref<64x256xf32, #tpu.memory_space<vmem>>, vector<16xf32>,
        %parallel_loop3A_154 = arith.index_cast %parallel_loop3A_150 : i32 to index
        %parallel_loop3A_155 = arith.constant 0 : index
        %parallel_loop3A_156 = tpu.vector_load %arg8[%parallel_loop3A_154, %parallel_loop3A_155] {strides = array<i32>} : memref<104x256xf32, #tpu.memory_space<vmem>>, vector<16xf32>,
        tpu.vector_store %arg8[%parallel_loop3A_154, %parallel_loop3A_155], %parallel_loop3A_153 {add = true, strides = array<i32>} : memref<104x256xf32, #tpu.memory_space<vmem>>, vector<16xf32>,
        %parallel_loop3A_157 = arith.addf %parallel_loop3A_131, %parallel_loop3A_153 : vector<16xf32>
        %parallel_loop3A_158 = arith.index_cast %parallel_loop3A_128 : i32 to index
        %parallel_loop3A_159 = arith.constant 16 : index
        %parallel_loop3A_160 = tpu.vector_load %arg5[%parallel_loop3A_158, %parallel_loop3A_159] {strides = array<i32>} : memref<64x256xf32, #tpu.memory_space<vmem>>, vector<16xf32>,
        %parallel_loop3A_161 = arith.index_cast %parallel_loop3A_150 : i32 to index
        %parallel_loop3A_162 = arith.constant 16 : index
        %parallel_loop3A_163 = tpu.vector_load %arg8[%parallel_loop3A_161, %parallel_loop3A_162] {strides = array<i32>} : memref<104x256xf32, #tpu.memory_space<vmem>>, vector<16xf32>,
        tpu.vector_store %arg8[%parallel_loop3A_161, %parallel_loop3A_162], %parallel_loop3A_160 {add = true, strides = array<i32>} : memref<104x256xf32, #tpu.memory_space<vmem>>, vector<16xf32>,
        %parallel_loop3A_164 = arith.addf %parallel_loop3A_132, %parallel_loop3A_160 : vector<16xf32>
        %parallel_loop3A_165 = arith.index_cast %parallel_loop3A_128 : i32 to index
        %parallel_loop3A_166 = arith.constant 32 : index
        %parallel_loop3A_167 = tpu.vector_load %arg5[%parallel_loop3A_165, %parallel_loop3A_166] {strides = array<i32>} : memref<64x256xf32, #tpu.memory_space<vmem>>, vector<16xf32>,
        %parallel_loop3A_168 = arith.index_cast %parallel_loop3A_150 : i32 to index
        %parallel_loop3A_169 = arith.constant 32 : index
        %parallel_loop3A_170 = tpu.vector_load %arg8[%parallel_loop3A_168, %parallel_loop3A_169] {strides = array<i32>} : memref<104x256xf32, #tpu.memory_space<vmem>>, vector<16xf32>,
        tpu.vector_store %arg8[%parallel_loop3A_168, %parallel_loop3A_169], %parallel_loop3A_167 {add = true, strides = array<i32>} : memref<104x256xf32, #tpu.memory_space<vmem>>, vector<16xf32>,
        %parallel_loop3A_171 = arith.addf %parallel_loop3A_133, %parallel_loop3A_167 : vector<16xf32>
        %parallel_loop3A_172 = arith.index_cast %parallel_loop3A_128 : i32 to index
        %parallel_loop3A_173 = arith.constant 48 : index
        %parallel_loop3A_174 = tpu.vector_load %arg5[%parallel_loop3A_172, %parallel_loop3A_173] {strides = array<i32>} : memref<64x256xf32, #tpu.memory_space<vmem>>, vector<16xf32>,
        %parallel_loop3A_175 = arith.index_cast %parallel_loop3A_150 : i32 to index
        %parallel_loop3A_176 = arith.constant 48 : index
        %parallel_loop3A_177 = tpu.vector_load %arg8[%parallel_loop3A_175, %parallel_loop3A_176] {strides = array<i32>} : memref<104x256xf32, #tpu.memory_space<vmem>>, vector<16xf32>,
        tpu.vector_store %arg8[%parallel_loop3A_175, %parallel_loop3A_176], %parallel_loop3A_174 {add = true, strides = array<i32>} : memref<104x256xf32, #tpu.memory_space<vmem>>, vector<16xf32>,
        %parallel_loop3A_178 = arith.addf %parallel_loop3A_134, %parallel_loop3A_174 : vector<16xf32>
        %parallel_loop3A_179 = arith.index_cast %parallel_loop3A_128 : i32 to index
        %parallel_loop3A_180 = arith.constant 64 : index
        %parallel_loop3A_181 = tpu.vector_load %arg5[%parallel_loop3A_179, %parallel_loop3A_180] {strides = array<i32>} : memref<64x256xf32, #tpu.memory_space<vmem>>, vector<16xf32>,
        %parallel_loop3A_182 = arith.index_cast %parallel_loop3A_150 : i32 to index
        %parallel_loop3A_183 = arith.constant 64 : index
        %parallel_loop3A_184 = tpu.vector_load %arg8[%parallel_loop3A_182, %parallel_loop3A_183] {strides = array<i32>} : memref<104x256xf32, #tpu.memory_space<vmem>>, vector<16xf32>,
        tpu.vector_store %arg8[%parallel_loop3A_182, %parallel_loop3A_183], %parallel_loop3A_181 {add = true, strides = array<i32>} : memref<104x256xf32, #tpu.memory_space<vmem>>, vector<16xf32>,
        %parallel_loop3A_185 = arith.addf %parallel_loop3A_135, %parallel_loop3A_181 : vector<16xf32>
        %parallel_loop3A_186 = arith.index_cast %parallel_loop3A_128 : i32 to index
        %parallel_loop3A_187 = arith.constant 80 : index
        %parallel_loop3A_188 = tpu.vector_load %arg5[%parallel_loop3A_186, %parallel_loop3A_187] {strides = array<i32>} : memref<64x256xf32, #tpu.memory_space<vmem>>, vector<16xf32>,
        %parallel_loop3A_189 = arith.index_cast %parallel_loop3A_150 : i32 to index
        %parallel_loop3A_190 = arith.constant 80 : index
        %parallel_loop3A_191 = tpu.vector_load %arg8[%parallel_loop3A_189, %parallel_loop3A_190] {strides = array<i32>} : memref<104x256xf32, #tpu.memory_space<vmem>>, vector<16xf32>,
        tpu.vector_store %arg8[%parallel_loop3A_189, %parallel_loop3A_190], %parallel_loop3A_188 {add = true, strides = array<i32>} : memref<104x256xf32, #tpu.memory_space<vmem>>, vector<16xf32>,
        %parallel_loop3A_192 = arith.addf %parallel_loop3A_136, %parallel_loop3A_188 : vector<16xf32>
        %parallel_loop3A_193 = arith.index_cast %parallel_loop3A_128 : i32 to index
        %parallel_loop3A_194 = arith.constant 96 : index
        %parallel_loop3A_195 = tpu.vector_load %arg5[%parallel_loop3A_193, %parallel_loop3A_194] {strides = array<i32>} : memref<64x256xf32, #tpu.memory_space<vmem>>, vector<16xf32>,
        %parallel_loop3A_196 = arith.index_cast %parallel_loop3A_150 : i32 to index
        %parallel_loop3A_197 = arith.constant 96 : index
        %parallel_loop3A_198 = tpu.vector_load %arg8[%parallel_loop3A_196, %parallel_loop3A_197] {strides = array<i32>} : memref<104x256xf32, #tpu.memory_space<vmem>>, vector<16xf32>,
        tpu.vector_store %arg8[%parallel_loop3A_196, %parallel_loop3A_197], %parallel_loop3A_195 {add = true, strides = array<i32>} : memref<104x256xf32, #tpu.memory_space<vmem>>, vector<16xf32>,
        %parallel_loop3A_199 = arith.addf %parallel_loop3A_137, %parallel_loop3A_195 : vector<16xf32>
        %parallel_loop3A_200 = arith.index_cast %parallel_loop3A_128 : i32 to index
        %parallel_loop3A_201 = arith.constant 112 : index
        %parallel_loop3A_202 = tpu.vector_load %arg5[%parallel_loop3A_200, %parallel_loop3A_201] {strides = array<i32>} : memref<64x256xf32, #tpu.memory_space<vmem>>, vector<16xf32>,
        %parallel_loop3A_203 = arith.index_cast %parallel_loop3A_150 : i32 to index
        %parallel_loop3A_204 = arith.constant 112 : index
        %parallel_loop3A_205 = tpu.vector_load %arg8[%parallel_loop3A_203, %parallel_loop3A_204] {strides = array<i32>} : memref<104x256xf32, #tpu.memory_space<vmem>>, vector<16xf32>,
        tpu.vector_store %arg8[%parallel_loop3A_203, %parallel_loop3A_204], %parallel_loop3A_202 {add = true, strides = array<i32>} : memref<104x256xf32, #tpu.memory_space<vmem>>, vector<16xf32>,
        %parallel_loop3A_206 = arith.addf %parallel_loop3A_138, %parallel_loop3A_202 : vector<16xf32>
        %parallel_loop3A_207 = arith.index_cast %parallel_loop3A_128 : i32 to index
        %parallel_loop3A_208 = arith.constant 128 : index
        %parallel_loop3A_209 = tpu.vector_load %arg5[%parallel_loop3A_207, %parallel_loop3A_208] {strides = array<i32>} : memref<64x256xf32, #tpu.memory_space<vmem>>, vector<16xf32>,
        %parallel_loop3A_210 = arith.index_cast %parallel_loop3A_150 : i32 to index
        %parallel_loop3A_211 = arith.constant 128 : index
        %parallel_loop3A_212 = tpu.vector_load %arg8[%parallel_loop3A_210, %parallel_loop3A_211] {strides = array<i32>} : memref<104x256xf32, #tpu.memory_space<vmem>>, vector<16xf32>,
        tpu.vector_store %arg8[%parallel_loop3A_210, %parallel_loop3A_211], %parallel_loop3A_209 {add = true, strides = array<i32>} : memref<104x256xf32, #tpu.memory_space<vmem>>, vector<16xf32>,
        %parallel_loop3A_213 = arith.addf %parallel_loop3A_139, %parallel_loop3A_209 : vector<16xf32>
        %parallel_loop3A_214 = arith.index_cast %parallel_loop3A_128 : i32 to index
        %parallel_loop3A_215 = arith.constant 144 : index
        %parallel_loop3A_216 = tpu.vector_load %arg5[%parallel_loop3A_214, %parallel_loop3A_215] {strides = array<i32>} : memref<64x256xf32, #tpu.memory_space<vmem>>, vector<16xf32>,
        %parallel_loop3A_217 = arith.index_cast %parallel_loop3A_150 : i32 to index
        %parallel_loop3A_218 = arith.constant 144 : index
        %parallel_loop3A_219 = tpu.vector_load %arg8[%parallel_loop3A_217, %parallel_loop3A_218] {strides = array<i32>} : memref<104x256xf32, #tpu.memory_space<vmem>>, vector<16xf32>,
        tpu.vector_store %arg8[%parallel_loop3A_217, %parallel_loop3A_218], %parallel_loop3A_216 {add = true, strides = array<i32>} : memref<104x256xf32, #tpu.memory_space<vmem>>, vector<16xf32>,
        %parallel_loop3A_220 = arith.addf %parallel_loop3A_140, %parallel_loop3A_216 : vector<16xf32>
        %parallel_loop3A_221 = arith.index_cast %parallel_loop3A_128 : i32 to index
        %parallel_loop3A_222 = arith.constant 160 : index
        %parallel_loop3A_223 = tpu.vector_load %arg5[%parallel_loop3A_221, %parallel_loop3A_222] {strides = array<i32>} : memref<64x256xf32, #tpu.memory_space<vmem>>, vector<16xf32>,
        %parallel_loop3A_224 = arith.index_cast %parallel_loop3A_150 : i32 to index
        %parallel_loop3A_225 = arith.constant 160 : index
        %parallel_loop3A_226 = tpu.vector_load %arg8[%parallel_loop3A_224, %parallel_loop3A_225] {strides = array<i32>} : memref<104x256xf32, #tpu.memory_space<vmem>>, vector<16xf32>,
        tpu.vector_store %arg8[%parallel_loop3A_224, %parallel_loop3A_225], %parallel_loop3A_223 {add = true, strides = array<i32>} : memref<104x256xf32, #tpu.memory_space<vmem>>, vector<16xf32>,
        %parallel_loop3A_227 = arith.addf %parallel_loop3A_141, %parallel_loop3A_223 : vector<16xf32>
        %parallel_loop3A_228 = arith.index_cast %parallel_loop3A_128 : i32 to index
        %parallel_loop3A_229 = arith.constant 176 : index
        %parallel_loop3A_230 = tpu.vector_load %arg5[%parallel_loop3A_228, %parallel_loop3A_229] {strides = array<i32>} : memref<64x256xf32, #tpu.memory_space<vmem>>, vector<16xf32>,
        %parallel_loop3A_231 = arith.index_cast %parallel_loop3A_150 : i32 to index
        %parallel_loop3A_232 = arith.constant 176 : index
        %parallel_loop3A_233 = tpu.vector_load %arg8[%parallel_loop3A_231, %parallel_loop3A_232] {strides = array<i32>} : memref<104x256xf32, #tpu.memory_space<vmem>>, vector<16xf32>,
        tpu.vector_store %arg8[%parallel_loop3A_231, %parallel_loop3A_232], %parallel_loop3A_230 {add = true, strides = array<i32>} : memref<104x256xf32, #tpu.memory_space<vmem>>, vector<16xf32>,
        %parallel_loop3A_234 = arith.addf %parallel_loop3A_142, %parallel_loop3A_230 : vector<16xf32>
        %parallel_loop3A_235 = arith.index_cast %parallel_loop3A_128 : i32 to index
        %parallel_loop3A_236 = arith.constant 192 : index
        %parallel_loop3A_237 = tpu.vector_load %arg5[%parallel_loop3A_235, %parallel_loop3A_236] {strides = array<i32>} : memref<64x256xf32, #tpu.memory_space<vmem>>, vector<16xf32>,
        %parallel_loop3A_238 = arith.index_cast %parallel_loop3A_150 : i32 to index
        %parallel_loop3A_239 = arith.constant 192 : index
        %parallel_loop3A_240 = tpu.vector_load %arg8[%parallel_loop3A_238, %parallel_loop3A_239] {strides = array<i32>} : memref<104x256xf32, #tpu.memory_space<vmem>>, vector<16xf32>,
        tpu.vector_store %arg8[%parallel_loop3A_238, %parallel_loop3A_239], %parallel_loop3A_237 {add = true, strides = array<i32>} : memref<104x256xf32, #tpu.memory_space<vmem>>, vector<16xf32>,
        %parallel_loop3A_241 = arith.addf %parallel_loop3A_143, %parallel_loop3A_237 : vector<16xf32>
        %parallel_loop3A_242 = arith.index_cast %parallel_loop3A_128 : i32 to index
        %parallel_loop3A_243 = arith.constant 208 : index
        %parallel_loop3A_244 = tpu.vector_load %arg5[%parallel_loop3A_242, %parallel_loop3A_243] {strides = array<i32>} : memref<64x256xf32, #tpu.memory_space<vmem>>, vector<16xf32>,
        %parallel_loop3A_245 = arith.index_cast %parallel_loop3A_150 : i32 to index
        %parallel_loop3A_246 = arith.constant 208 : index
        %parallel_loop3A_247 = tpu.vector_load %arg8[%parallel_loop3A_245, %parallel_loop3A_246] {strides = array<i32>} : memref<104x256xf32, #tpu.memory_space<vmem>>, vector<16xf32>,
        tpu.vector_store %arg8[%parallel_loop3A_245, %parallel_loop3A_246], %parallel_loop3A_244 {add = true, strides = array<i32>} : memref<104x256xf32, #tpu.memory_space<vmem>>, vector<16xf32>,
        %parallel_loop3A_248 = arith.addf %parallel_loop3A_144, %parallel_loop3A_244 : vector<16xf32>
        %parallel_loop3A_249 = arith.index_cast %parallel_loop3A_128 : i32 to index
        %parallel_loop3A_250 = arith.constant 224 : index
        %parallel_loop3A_251 = tpu.vector_load %arg5[%parallel_loop3A_249, %parallel_loop3A_250] {strides = array<i32>} : memref<64x256xf32, #tpu.memory_space<vmem>>, vector<16xf32>,
        %parallel_loop3A_252 = arith.index_cast %parallel_loop3A_150 : i32 to index
        %parallel_loop3A_253 = arith.constant 224 : index
        %parallel_loop3A_254 = tpu.vector_load %arg8[%parallel_loop3A_252, %parallel_loop3A_253] {strides = array<i32>} : memref<104x256xf32, #tpu.memory_space<vmem>>, vector<16xf32>,
        tpu.vector_store %arg8[%parallel_loop3A_252, %parallel_loop3A_253], %parallel_loop3A_251 {add = true, strides = array<i32>} : memref<104x256xf32, #tpu.memory_space<vmem>>, vector<16xf32>,
        %parallel_loop3A_255 = arith.addf %parallel_loop3A_145, %parallel_loop3A_251 : vector<16xf32>
        %parallel_loop3A_256 = arith.index_cast %parallel_loop3A_128 : i32 to index
        %parallel_loop3A_257 = arith.constant 240 : index
        %parallel_loop3A_258 = tpu.vector_load %arg5[%parallel_loop3A_256, %parallel_loop3A_257] {strides = array<i32>} : memref<64x256xf32, #tpu.memory_space<vmem>>, vector<16xf32>,
        %parallel_loop3A_259 = arith.index_cast %parallel_loop3A_150 : i32 to index
        %parallel_loop3A_260 = arith.constant 240 : index
        %parallel_loop3A_261 = tpu.vector_load %arg8[%parallel_loop3A_259, %parallel_loop3A_260] {strides = array<i32>} : memref<104x256xf32, #tpu.memory_space<vmem>>, vector<16xf32>,
        tpu.vector_store %arg8[%parallel_loop3A_259, %parallel_loop3A_260], %parallel_loop3A_258 {add = true, strides = array<i32>} : memref<104x256xf32, #tpu.memory_space<vmem>>, vector<16xf32>,
        %parallel_loop3A_262 = arith.addf %parallel_loop3A_146, %parallel_loop3A_258 : vector<16xf32>
        %parallel_loop3A_263 = arith.constant 1 : i32
        %parallel_loop3A_264 = arith.addi %parallel_loop3A_130, %parallel_loop3A_263 : i32
        %parallel_loop3A_265 = arith.constant 100 : i32
        %parallel_loop3A_266 = arith.cmpi sgt, %parallel_loop3A_264, %parallel_loop3A_265 : i32
        %parallel_loop3A_267 = arith.extui %parallel_loop3A_266 : i1 to i32
        %parallel_loop3A_268 = arith.constant 0 : i32
        %parallel_loop3A_269 = arith.cmpi ne, %parallel_loop3A_267, %parallel_loop3A_268 : i32
        scf.if %parallel_loop3A_269 {
          %parallel_loop3A_310 = arith.constant 100 : i32
          %parallel_loop3A_311 = arith.cmpi sge, %parallel_loop3A_129, %parallel_loop3A_310 : i32
          %parallel_loop3A_312 = arith.constant 101 : i32
          %parallel_loop3A_313 = arith.select %parallel_loop3A_311, %parallel_loop3A_312, %parallel_loop3A_129 : i32
          %parallel_loop3A_314 = arith.index_cast %parallel_loop3A_313 : i32 to index
          %parallel_loop3A_315 = arith.constant 0 : index
          %parallel_loop3A_316 = tpu.vector_load %arg8[%parallel_loop3A_314, %parallel_loop3A_315] {strides = array<i32>} : memref<104x256xf32, #tpu.memory_space<vmem>>, vector<16xf32>,
          tpu.vector_store %arg8[%parallel_loop3A_314, %parallel_loop3A_315], %parallel_loop3A_157 {add = true, strides = array<i32>} : memref<104x256xf32, #tpu.memory_space<vmem>>, vector<16xf32>,
          %parallel_loop3A_317 = arith.index_cast %parallel_loop3A_313 : i32 to index
          %parallel_loop3A_318 = arith.constant 16 : index
          %parallel_loop3A_319 = tpu.vector_load %arg8[%parallel_loop3A_317, %parallel_loop3A_318] {strides = array<i32>} : memref<104x256xf32, #tpu.memory_space<vmem>>, vector<16xf32>,
          tpu.vector_store %arg8[%parallel_loop3A_317, %parallel_loop3A_318], %parallel_loop3A_164 {add = true, strides = array<i32>} : memref<104x256xf32, #tpu.memory_space<vmem>>, vector<16xf32>,
          %parallel_loop3A_320 = arith.index_cast %parallel_loop3A_313 : i32 to index
          %parallel_loop3A_321 = arith.constant 32 : index
          %parallel_loop3A_322 = tpu.vector_load %arg8[%parallel_loop3A_320, %parallel_loop3A_321] {strides = array<i32>} : memref<104x256xf32, #tpu.memory_space<vmem>>, vector<16xf32>,
          tpu.vector_store %arg8[%parallel_loop3A_320, %parallel_loop3A_321], %parallel_loop3A_171 {add = true, strides = array<i32>} : memref<104x256xf32, #tpu.memory_space<vmem>>, vector<16xf32>,
          %parallel_loop3A_323 = arith.index_cast %parallel_loop3A_313 : i32 to index
          %parallel_loop3A_324 = arith.constant 48 : index
          %parallel_loop3A_325 = tpu.vector_load %arg8[%parallel_loop3A_323, %parallel_loop3A_324] {strides = array<i32>} : memref<104x256xf32, #tpu.memory_space<vmem>>, vector<16xf32>,
          tpu.vector_store %arg8[%parallel_loop3A_323, %parallel_loop3A_324], %parallel_loop3A_178 {add = true, strides = array<i32>} : memref<104x256xf32, #tpu.memory_space<vmem>>, vector<16xf32>,
          %parallel_loop3A_326 = arith.index_cast %parallel_loop3A_313 : i32 to index
          %parallel_loop3A_327 = arith.constant 64 : index
          %parallel_loop3A_328 = tpu.vector_load %arg8[%parallel_loop3A_326, %parallel_loop3A_327] {strides = array<i32>} : memref<104x256xf32, #tpu.memory_space<vmem>>, vector<16xf32>,
          tpu.vector_store %arg8[%parallel_loop3A_326, %parallel_loop3A_327], %parallel_loop3A_185 {add = true, strides = array<i32>} : memref<104x256xf32, #tpu.memory_space<vmem>>, vector<16xf32>,
          %parallel_loop3A_329 = arith.index_cast %parallel_loop3A_313 : i32 to index
          %parallel_loop3A_330 = arith.constant 80 : index
          %parallel_loop3A_331 = tpu.vector_load %arg8[%parallel_loop3A_329, %parallel_loop3A_330] {strides = array<i32>} : memref<104x256xf32, #tpu.memory_space<vmem>>, vector<16xf32>,
          tpu.vector_store %arg8[%parallel_loop3A_329, %parallel_loop3A_330], %parallel_loop3A_192 {add = true, strides = array<i32>} : memref<104x256xf32, #tpu.memory_space<vmem>>, vector<16xf32>,
          %parallel_loop3A_332 = arith.index_cast %parallel_loop3A_313 : i32 to index
          %parallel_loop3A_333 = arith.constant 96 : index
          %parallel_loop3A_334 = tpu.vector_load %arg8[%parallel_loop3A_332, %parallel_loop3A_333] {strides = array<i32>} : memref<104x256xf32, #tpu.memory_space<vmem>>, vector<16xf32>,
          tpu.vector_store %arg8[%parallel_loop3A_332, %parallel_loop3A_333], %parallel_loop3A_199 {add = true, strides = array<i32>} : memref<104x256xf32, #tpu.memory_space<vmem>>, vector<16xf32>,
          %parallel_loop3A_335 = arith.index_cast %parallel_loop3A_313 : i32 to index
          %parallel_loop3A_336 = arith.constant 112 : index
          %parallel_loop3A_337 = tpu.vector_load %arg8[%parallel_loop3A_335, %parallel_loop3A_336] {strides = array<i32>} : memref<104x256xf32, #tpu.memory_space<vmem>>, vector<16xf32>,
          tpu.vector_store %arg8[%parallel_loop3A_335, %parallel_loop3A_336], %parallel_loop3A_206 {add = true, strides = array<i32>} : memref<104x256xf32, #tpu.memory_space<vmem>>, vector<16xf32>,
          %parallel_loop3A_338 = arith.index_cast %parallel_loop3A_313 : i32 to index
          %parallel_loop3A_339 = arith.constant 128 : index
          %parallel_loop3A_340 = tpu.vector_load %arg8[%parallel_loop3A_338, %parallel_loop3A_339] {strides = array<i32>} : memref<104x256xf32, #tpu.memory_space<vmem>>, vector<16xf32>,
          tpu.vector_store %arg8[%parallel_loop3A_338, %parallel_loop3A_339], %parallel_loop3A_213 {add = true, strides = array<i32>} : memref<104x256xf32, #tpu.memory_space<vmem>>, vector<16xf32>,
          %parallel_loop3A_341 = arith.index_cast %parallel_loop3A_313 : i32 to index
          %parallel_loop3A_342 = arith.constant 144 : index
          %parallel_loop3A_343 = tpu.vector_load %arg8[%parallel_loop3A_341, %parallel_loop3A_342] {strides = array<i32>} : memref<104x256xf32, #tpu.memory_space<vmem>>, vector<16xf32>,
          tpu.vector_store %arg8[%parallel_loop3A_341, %parallel_loop3A_342], %parallel_loop3A_220 {add = true, strides = array<i32>} : memref<104x256xf32, #tpu.memory_space<vmem>>, vector<16xf32>,
          %parallel_loop3A_344 = arith.index_cast %parallel_loop3A_313 : i32 to index
          %parallel_loop3A_345 = arith.constant 160 : index
          %parallel_loop3A_346 = tpu.vector_load %arg8[%parallel_loop3A_344, %parallel_loop3A_345] {strides = array<i32>} : memref<104x256xf32, #tpu.memory_space<vmem>>, vector<16xf32>,
          tpu.vector_store %arg8[%parallel_loop3A_344, %parallel_loop3A_345], %parallel_loop3A_227 {add = true, strides = array<i32>} : memref<104x256xf32, #tpu.memory_space<vmem>>, vector<16xf32>,
          %parallel_loop3A_347 = arith.index_cast %parallel_loop3A_313 : i32 to index
          %parallel_loop3A_348 = arith.constant 176 : index
          %parallel_loop3A_349 = tpu.vector_load %arg8[%parallel_loop3A_347, %parallel_loop3A_348] {strides = array<i32>} : memref<104x256xf32, #tpu.memory_space<vmem>>, vector<16xf32>,
          tpu.vector_store %arg8[%parallel_loop3A_347, %parallel_loop3A_348], %parallel_loop3A_234 {add = true, strides = array<i32>} : memref<104x256xf32, #tpu.memory_space<vmem>>, vector<16xf32>,
          %parallel_loop3A_350 = arith.index_cast %parallel_loop3A_313 : i32 to index
          %parallel_loop3A_351 = arith.constant 192 : index
          %parallel_loop3A_352 = tpu.vector_load %arg8[%parallel_loop3A_350, %parallel_loop3A_351] {strides = array<i32>} : memref<104x256xf32, #tpu.memory_space<vmem>>, vector<16xf32>,
          tpu.vector_store %arg8[%parallel_loop3A_350, %parallel_loop3A_351], %parallel_loop3A_241 {add = true, strides = array<i32>} : memref<104x256xf32, #tpu.memory_space<vmem>>, vector<16xf32>,
          %parallel_loop3A_353 = arith.index_cast %parallel_loop3A_313 : i32 to index
          %parallel_loop3A_354 = arith.constant 208 : index
          %parallel_loop3A_355 = tpu.vector_load %arg8[%parallel_loop3A_353, %parallel_loop3A_354] {strides = array<i32>} : memref<104x256xf32, #tpu.memory_space<vmem>>, vector<16xf32>,
          tpu.vector_store %arg8[%parallel_loop3A_353, %parallel_loop3A_354], %parallel_loop3A_248 {add = true, strides = array<i32>} : memref<104x256xf32, #tpu.memory_space<vmem>>, vector<16xf32>,
          %parallel_loop3A_356 = arith.index_cast %parallel_loop3A_313 : i32 to index
          %parallel_loop3A_357 = arith.constant 224 : index
          %parallel_loop3A_358 = tpu.vector_load %arg8[%parallel_loop3A_356, %parallel_loop3A_357] {strides = array<i32>} : memref<104x256xf32, #tpu.memory_space<vmem>>, vector<16xf32>,
          tpu.vector_store %arg8[%parallel_loop3A_356, %parallel_loop3A_357], %parallel_loop3A_255 {add = true, strides = array<i32>} : memref<104x256xf32, #tpu.memory_space<vmem>>, vector<16xf32>,
          %parallel_loop3A_359 = arith.index_cast %parallel_loop3A_313 : i32 to index
          %parallel_loop3A_360 = arith.constant 240 : index
          %parallel_loop3A_361 = tpu.vector_load %arg8[%parallel_loop3A_359, %parallel_loop3A_360] {strides = array<i32>} : memref<104x256xf32, #tpu.memory_space<vmem>>, vector<16xf32>,
          tpu.vector_store %arg8[%parallel_loop3A_359, %parallel_loop3A_360], %parallel_loop3A_262 {add = true, strides = array<i32>} : memref<104x256xf32, #tpu.memory_space<vmem>>, vector<16xf32>,
        } else {
        }
        %parallel_loop3A_270 = arith.constant 0.000000e+00 : f32
        %parallel_loop3A_271 = arith.constant 1.000000e+00 : f32
        %parallel_loop3A_272 = arith.select %parallel_loop3A_266, %parallel_loop3A_270, %parallel_loop3A_271 : f32
        %parallel_loop3A_273 = vector.broadcast %parallel_loop3A_272 : f32 to vector<16xf32>
        %parallel_loop3A_274 = arith.mulf %parallel_loop3A_157, %parallel_loop3A_273 : vector<16xf32>
        %parallel_loop3A_275 = vector.broadcast %parallel_loop3A_272 : f32 to vector<16xf32>
        %parallel_loop3A_276 = arith.mulf %parallel_loop3A_164, %parallel_loop3A_275 : vector<16xf32>
        %parallel_loop3A_277 = vector.broadcast %parallel_loop3A_272 : f32 to vector<16xf32>
        %parallel_loop3A_278 = arith.mulf %parallel_loop3A_171, %parallel_loop3A_277 : vector<16xf32>
        %parallel_loop3A_279 = vector.broadcast %parallel_loop3A_272 : f32 to vector<16xf32>
        %parallel_loop3A_280 = arith.mulf %parallel_loop3A_178, %parallel_loop3A_279 : vector<16xf32>
        %parallel_loop3A_281 = vector.broadcast %parallel_loop3A_272 : f32 to vector<16xf32>
        %parallel_loop3A_282 = arith.mulf %parallel_loop3A_185, %parallel_loop3A_281 : vector<16xf32>
        %parallel_loop3A_283 = vector.broadcast %parallel_loop3A_272 : f32 to vector<16xf32>
        %parallel_loop3A_284 = arith.mulf %parallel_loop3A_192, %parallel_loop3A_283 : vector<16xf32>
        %parallel_loop3A_285 = vector.broadcast %parallel_loop3A_272 : f32 to vector<16xf32>
        %parallel_loop3A_286 = arith.mulf %parallel_loop3A_199, %parallel_loop3A_285 : vector<16xf32>
        %parallel_loop3A_287 = vector.broadcast %parallel_loop3A_272 : f32 to vector<16xf32>
        %parallel_loop3A_288 = arith.mulf %parallel_loop3A_206, %parallel_loop3A_287 : vector<16xf32>
        %parallel_loop3A_289 = vector.broadcast %parallel_loop3A_272 : f32 to vector<16xf32>
        %parallel_loop3A_290 = arith.mulf %parallel_loop3A_213, %parallel_loop3A_289 : vector<16xf32>
        %parallel_loop3A_291 = vector.broadcast %parallel_loop3A_272 : f32 to vector<16xf32>
        %parallel_loop3A_292 = arith.mulf %parallel_loop3A_220, %parallel_loop3A_291 : vector<16xf32>
        %parallel_loop3A_293 = vector.broadcast %parallel_loop3A_272 : f32 to vector<16xf32>
        %parallel_loop3A_294 = arith.mulf %parallel_loop3A_227, %parallel_loop3A_293 : vector<16xf32>
        %parallel_loop3A_295 = vector.broadcast %parallel_loop3A_272 : f32 to vector<16xf32>
        %parallel_loop3A_296 = arith.mulf %parallel_loop3A_234, %parallel_loop3A_295 : vector<16xf32>
        %parallel_loop3A_297 = vector.broadcast %parallel_loop3A_272 : f32 to vector<16xf32>
        %parallel_loop3A_298 = arith.mulf %parallel_loop3A_241, %parallel_loop3A_297 : vector<16xf32>
        %parallel_loop3A_299 = vector.broadcast %parallel_loop3A_272 : f32 to vector<16xf32>
        %parallel_loop3A_300 = arith.mulf %parallel_loop3A_248, %parallel_loop3A_299 : vector<16xf32>
        %parallel_loop3A_301 = vector.broadcast %parallel_loop3A_272 : f32 to vector<16xf32>
        %parallel_loop3A_302 = arith.mulf %parallel_loop3A_255, %parallel_loop3A_301 : vector<16xf32>
        %parallel_loop3A_303 = vector.broadcast %parallel_loop3A_272 : f32 to vector<16xf32>
        %parallel_loop3A_304 = arith.mulf %parallel_loop3A_262, %parallel_loop3A_303 : vector<16xf32>
        %parallel_loop3A_305 = arith.extui %parallel_loop3A_266 : i1 to i32
        %parallel_loop3A_306 = arith.addi %parallel_loop3A_129, %parallel_loop3A_305 : i32
        %parallel_loop3A_307 = arith.constant 1 : i32
        %parallel_loop3A_308 = arith.addi %parallel_loop3A_306, %parallel_loop3A_307 : i32
        %parallel_loop3A_309 = arith.select %parallel_loop3A_266, %parallel_loop3A_308, %parallel_loop3A_264 : i32
        scf.yield %parallel_loop3A_306, %parallel_loop3A_309, %parallel_loop3A_274, %parallel_loop3A_276, %parallel_loop3A_278, %parallel_loop3A_280, %parallel_loop3A_282, %parallel_loop3A_284, %parallel_loop3A_286, %parallel_loop3A_288, %parallel_loop3A_290, %parallel_loop3A_292, %parallel_loop3A_294, %parallel_loop3A_296, %parallel_loop3A_298, %parallel_loop3A_300, %parallel_loop3A_302, %parallel_loop3A_304 : i32, i32, vector<16xf32>, vector<16xf32>, vector<16xf32>, vector<16xf32>, vector<16xf32>, vector<16xf32>, vector<16xf32>, vector<16xf32>, vector<16xf32>, vector<16xf32>, vector<16xf32>, vector<16xf32>, vector<16xf32>, vector<16xf32>, vector<16xf32>, vector<16xf32>
      } {sc.loop_unroll_factor = 4 : i64, sc.parallel_access}
      %add3A_105 = arith.constant 2 : i32
      %add3A_106 = arith.addi %add3A_96, %add3A_105 : i32
      %lt3A = arith.constant 78 : i32
      %lt3A_107 = arith.cmpi slt, %add3A_106, %lt3A : i32
      %convert_element_type3A = arith.extui %lt3A_107 : i1 to i32
      %cond3A = arith.constant 0 : i32
      %cond3A_108 = arith.cmpi ne, %convert_element_type3A, %cond3A : i32
      scf.if %cond3A_108 {
        %mul3A_128 = arith.constant 64 : i32
        %mul3A_129 = arith.muli %add3A_106, %mul3A_128 : i32
        %dma_start3A_130 = tpu.memref_slice %arg2[%mul3A_129, %add3A_5] : memref<5051x16384xf32, #tpu.memory_space<hbm>> -> memref<64x256xf32, #tpu.memory_space<hbm>>
        %dma_start3A_131 = tpu.memref_slice %arg2[%mul3A_129, %add3A_5] : memref<5051x16384xf32, #tpu.memory_space<hbm>> -> memref<64x256xf32, #tpu.memory_space<hbm>>
        tpu.enqueue_dma source(%dma_start3A_131 : memref<64x256xf32, #tpu.memory_space<hbm>>) target(%arg5 : memref<64x256xf32, #tpu.memory_space<vmem>>) target_semaphore(%arg9 : memref<!tpu.dma_semaphore, #tpu.memory_space<semaphore_mem>>)
      } else {
      }
      %mul3A_109 = arith.constant 2 : i32
      %mul3A_110 = arith.muli %mul3A_109, %scan3A_74 : i32
      %add3A_111 = arith.constant 1 : i32
      %add3A_112 = arith.addi %mul3A_110, %add3A_111 : i32
      %mul3A_113 = arith.constant 64 : i32
      %mul3A_114 = arith.muli %add3A_112, %mul3A_113 : i32
      %dma_wait3A_115 = tpu.memref_slice %arg2[%mul3A_114, %add3A_5] : memref<5051x16384xf32, #tpu.memory_space<hbm>> -> memref<64x256xf32, #tpu.memory_space<hbm>>
      %dma_wait3A_116 = tpu.memref_slice %arg2[%mul3A_114, %add3A_5] : memref<5051x16384xf32, #tpu.memory_space<hbm>> -> memref<64x256xf32, #tpu.memory_space<hbm>>
      tpu.wait_dma2 semaphore(%arg10 : memref<!tpu.dma_semaphore, #tpu.memory_space<semaphore_mem>>) src(%dma_wait3A_116 : memref<64x256xf32, #tpu.memory_space<hbm>>) dst(%arg6 : memref<64x256xf32, #tpu.memory_space<vmem>>)
      %parallel_loop3A_117 = arith.constant 0 : i32
      %parallel_loop3A_118 = arith.constant 64 : i32
      %parallel_loop3A_119 = arith.constant 1 : i32
      %parallel_loop3A_120:18 = scf.for %parallel_loop3A_128 = %parallel_loop3A_117 to %parallel_loop3A_118 step %parallel_loop3A_119 iter_args(%parallel_loop3A_129 = %parallel_loop3A_104#0, %parallel_loop3A_130 = %parallel_loop3A_104#1, %parallel_loop3A_131 = %parallel_loop3A_104#2, %parallel_loop3A_132 = %parallel_loop3A_104#3, %parallel_loop3A_133 = %parallel_loop3A_104#4, %parallel_loop3A_134 = %parallel_loop3A_104#5, %parallel_loop3A_135 = %parallel_loop3A_104#6, %parallel_loop3A_136 = %parallel_loop3A_104#7, %parallel_loop3A_137 = %parallel_loop3A_104#8, %parallel_loop3A_138 = %parallel_loop3A_104#9, %parallel_loop3A_139 = %parallel_loop3A_104#10, %parallel_loop3A_140 = %parallel_loop3A_104#11, %parallel_loop3A_141 = %parallel_loop3A_104#12, %parallel_loop3A_142 = %parallel_loop3A_104#13, %parallel_loop3A_143 = %parallel_loop3A_104#14, %parallel_loop3A_144 = %parallel_loop3A_104#15, %parallel_loop3A_145 = %parallel_loop3A_104#16, %parallel_loop3A_146 = %parallel_loop3A_104#17) -> (i32, i32, vector<16xf32>, vector<16xf32>, vector<16xf32>, vector<16xf32>, vector<16xf32>, vector<16xf32>, vector<16xf32>, vector<16xf32>, vector<16xf32>, vector<16xf32>, vector<16xf32>, vector<16xf32>, vector<16xf32>, vector<16xf32>, vector<16xf32>, vector<16xf32>)  : i32 {
        %parallel_loop3A_147 = arith.constant 100 : i32
        %parallel_loop3A_148 = arith.cmpi sge, %parallel_loop3A_130, %parallel_loop3A_147 : i32
        %parallel_loop3A_149 = arith.constant 100 : i32
        %parallel_loop3A_150 = arith.select %parallel_loop3A_148, %parallel_loop3A_149, %parallel_loop3A_130 : i32
        %parallel_loop3A_151 = arith.index_cast %parallel_loop3A_128 : i32 to index
        %parallel_loop3A_152 = arith.constant 0 : index
        %parallel_loop3A_153 = tpu.vector_load %arg6[%parallel_loop3A_151, %parallel_loop3A_152] {strides = array<i32>} : memref<64x256xf32, #tpu.memory_space<vmem>>, vector<16xf32>,
        %parallel_loop3A_154 = arith.index_cast %parallel_loop3A_150 : i32 to index
        %parallel_loop3A_155 = arith.constant 0 : index
        %parallel_loop3A_156 = tpu.vector_load %arg8[%parallel_loop3A_154, %parallel_loop3A_155] {strides = array<i32>} : memref<104x256xf32, #tpu.memory_space<vmem>>, vector<16xf32>,
        tpu.vector_store %arg8[%parallel_loop3A_154, %parallel_loop3A_155], %parallel_loop3A_153 {add = true, strides = array<i32>} : memref<104x256xf32, #tpu.memory_space<vmem>>, vector<16xf32>,
        %parallel_loop3A_157 = arith.addf %parallel_loop3A_131, %parallel_loop3A_153 : vector<16xf32>
        %parallel_loop3A_158 = arith.index_cast %parallel_loop3A_128 : i32 to index
        %parallel_loop3A_159 = arith.constant 16 : index
        %parallel_loop3A_160 = tpu.vector_load %arg6[%parallel_loop3A_158, %parallel_loop3A_159] {strides = array<i32>} : memref<64x256xf32, #tpu.memory_space<vmem>>, vector<16xf32>,
        %parallel_loop3A_161 = arith.index_cast %parallel_loop3A_150 : i32 to index
        %parallel_loop3A_162 = arith.constant 16 : index
        %parallel_loop3A_163 = tpu.vector_load %arg8[%parallel_loop3A_161, %parallel_loop3A_162] {strides = array<i32>} : memref<104x256xf32, #tpu.memory_space<vmem>>, vector<16xf32>,
        tpu.vector_store %arg8[%parallel_loop3A_161, %parallel_loop3A_162], %parallel_loop3A_160 {add = true, strides = array<i32>} : memref<104x256xf32, #tpu.memory_space<vmem>>, vector<16xf32>,
        %parallel_loop3A_164 = arith.addf %parallel_loop3A_132, %parallel_loop3A_160 : vector<16xf32>
        %parallel_loop3A_165 = arith.index_cast %parallel_loop3A_128 : i32 to index
        %parallel_loop3A_166 = arith.constant 32 : index
        %parallel_loop3A_167 = tpu.vector_load %arg6[%parallel_loop3A_165, %parallel_loop3A_166] {strides = array<i32>} : memref<64x256xf32, #tpu.memory_space<vmem>>, vector<16xf32>,
        %parallel_loop3A_168 = arith.index_cast %parallel_loop3A_150 : i32 to index
        %parallel_loop3A_169 = arith.constant 32 : index
        %parallel_loop3A_170 = tpu.vector_load %arg8[%parallel_loop3A_168, %parallel_loop3A_169] {strides = array<i32>} : memref<104x256xf32, #tpu.memory_space<vmem>>, vector<16xf32>,
        tpu.vector_store %arg8[%parallel_loop3A_168, %parallel_loop3A_169], %parallel_loop3A_167 {add = true, strides = array<i32>} : memref<104x256xf32, #tpu.memory_space<vmem>>, vector<16xf32>,
        %parallel_loop3A_171 = arith.addf %parallel_loop3A_133, %parallel_loop3A_167 : vector<16xf32>
        %parallel_loop3A_172 = arith.index_cast %parallel_loop3A_128 : i32 to index
        %parallel_loop3A_173 = arith.constant 48 : index
        %parallel_loop3A_174 = tpu.vector_load %arg6[%parallel_loop3A_172, %parallel_loop3A_173] {strides = array<i32>} : memref<64x256xf32, #tpu.memory_space<vmem>>, vector<16xf32>,
        %parallel_loop3A_175 = arith.index_cast %parallel_loop3A_150 : i32 to index
        %parallel_loop3A_176 = arith.constant 48 : index
        %parallel_loop3A_177 = tpu.vector_load %arg8[%parallel_loop3A_175, %parallel_loop3A_176] {strides = array<i32>} : memref<104x256xf32, #tpu.memory_space<vmem>>, vector<16xf32>,
        tpu.vector_store %arg8[%parallel_loop3A_175, %parallel_loop3A_176], %parallel_loop3A_174 {add = true, strides = array<i32>} : memref<104x256xf32, #tpu.memory_space<vmem>>, vector<16xf32>,
        %parallel_loop3A_178 = arith.addf %parallel_loop3A_134, %parallel_loop3A_174 : vector<16xf32>
        %parallel_loop3A_179 = arith.index_cast %parallel_loop3A_128 : i32 to index
        %parallel_loop3A_180 = arith.constant 64 : index
        %parallel_loop3A_181 = tpu.vector_load %arg6[%parallel_loop3A_179, %parallel_loop3A_180] {strides = array<i32>} : memref<64x256xf32, #tpu.memory_space<vmem>>, vector<16xf32>,
        %parallel_loop3A_182 = arith.index_cast %parallel_loop3A_150 : i32 to index
        %parallel_loop3A_183 = arith.constant 64 : index
        %parallel_loop3A_184 = tpu.vector_load %arg8[%parallel_loop3A_182, %parallel_loop3A_183] {strides = array<i32>} : memref<104x256xf32, #tpu.memory_space<vmem>>, vector<16xf32>,
        tpu.vector_store %arg8[%parallel_loop3A_182, %parallel_loop3A_183], %parallel_loop3A_181 {add = true, strides = array<i32>} : memref<104x256xf32, #tpu.memory_space<vmem>>, vector<16xf32>,
        %parallel_loop3A_185 = arith.addf %parallel_loop3A_135, %parallel_loop3A_181 : vector<16xf32>
        %parallel_loop3A_186 = arith.index_cast %parallel_loop3A_128 : i32 to index
        %parallel_loop3A_187 = arith.constant 80 : index
        %parallel_loop3A_188 = tpu.vector_load %arg6[%parallel_loop3A_186, %parallel_loop3A_187] {strides = array<i32>} : memref<64x256xf32, #tpu.memory_space<vmem>>, vector<16xf32>,
        %parallel_loop3A_189 = arith.index_cast %parallel_loop3A_150 : i32 to index
        %parallel_loop3A_190 = arith.constant 80 : index
        %parallel_loop3A_191 = tpu.vector_load %arg8[%parallel_loop3A_189, %parallel_loop3A_190] {strides = array<i32>} : memref<104x256xf32, #tpu.memory_space<vmem>>, vector<16xf32>,
        tpu.vector_store %arg8[%parallel_loop3A_189, %parallel_loop3A_190], %parallel_loop3A_188 {add = true, strides = array<i32>} : memref<104x256xf32, #tpu.memory_space<vmem>>, vector<16xf32>,
        %parallel_loop3A_192 = arith.addf %parallel_loop3A_136, %parallel_loop3A_188 : vector<16xf32>
        %parallel_loop3A_193 = arith.index_cast %parallel_loop3A_128 : i32 to index
        %parallel_loop3A_194 = arith.constant 96 : index
        %parallel_loop3A_195 = tpu.vector_load %arg6[%parallel_loop3A_193, %parallel_loop3A_194] {strides = array<i32>} : memref<64x256xf32, #tpu.memory_space<vmem>>, vector<16xf32>,
        %parallel_loop3A_196 = arith.index_cast %parallel_loop3A_150 : i32 to index
        %parallel_loop3A_197 = arith.constant 96 : index
        %parallel_loop3A_198 = tpu.vector_load %arg8[%parallel_loop3A_196, %parallel_loop3A_197] {strides = array<i32>} : memref<104x256xf32, #tpu.memory_space<vmem>>, vector<16xf32>,
        tpu.vector_store %arg8[%parallel_loop3A_196, %parallel_loop3A_197], %parallel_loop3A_195 {add = true, strides = array<i32>} : memref<104x256xf32, #tpu.memory_space<vmem>>, vector<16xf32>,
        %parallel_loop3A_199 = arith.addf %parallel_loop3A_137, %parallel_loop3A_195 : vector<16xf32>
        %parallel_loop3A_200 = arith.index_cast %parallel_loop3A_128 : i32 to index
        %parallel_loop3A_201 = arith.constant 112 : index
        %parallel_loop3A_202 = tpu.vector_load %arg6[%parallel_loop3A_200, %parallel_loop3A_201] {strides = array<i32>} : memref<64x256xf32, #tpu.memory_space<vmem>>, vector<16xf32>,
        %parallel_loop3A_203 = arith.index_cast %parallel_loop3A_150 : i32 to index
        %parallel_loop3A_204 = arith.constant 112 : index
        %parallel_loop3A_205 = tpu.vector_load %arg8[%parallel_loop3A_203, %parallel_loop3A_204] {strides = array<i32>} : memref<104x256xf32, #tpu.memory_space<vmem>>, vector<16xf32>,
        tpu.vector_store %arg8[%parallel_loop3A_203, %parallel_loop3A_204], %parallel_loop3A_202 {add = true, strides = array<i32>} : memref<104x256xf32, #tpu.memory_space<vmem>>, vector<16xf32>,
        %parallel_loop3A_206 = arith.addf %parallel_loop3A_138, %parallel_loop3A_202 : vector<16xf32>
        %parallel_loop3A_207 = arith.index_cast %parallel_loop3A_128 : i32 to index
        %parallel_loop3A_208 = arith.constant 128 : index
        %parallel_loop3A_209 = tpu.vector_load %arg6[%parallel_loop3A_207, %parallel_loop3A_208] {strides = array<i32>} : memref<64x256xf32, #tpu.memory_space<vmem>>, vector<16xf32>,
        %parallel_loop3A_210 = arith.index_cast %parallel_loop3A_150 : i32 to index
        %parallel_loop3A_211 = arith.constant 128 : index
        %parallel_loop3A_212 = tpu.vector_load %arg8[%parallel_loop3A_210, %parallel_loop3A_211] {strides = array<i32>} : memref<104x256xf32, #tpu.memory_space<vmem>>, vector<16xf32>,
        tpu.vector_store %arg8[%parallel_loop3A_210, %parallel_loop3A_211], %parallel_loop3A_209 {add = true, strides = array<i32>} : memref<104x256xf32, #tpu.memory_space<vmem>>, vector<16xf32>,
        %parallel_loop3A_213 = arith.addf %parallel_loop3A_139, %parallel_loop3A_209 : vector<16xf32>
        %parallel_loop3A_214 = arith.index_cast %parallel_loop3A_128 : i32 to index
        %parallel_loop3A_215 = arith.constant 144 : index
        %parallel_loop3A_216 = tpu.vector_load %arg6[%parallel_loop3A_214, %parallel_loop3A_215] {strides = array<i32>} : memref<64x256xf32, #tpu.memory_space<vmem>>, vector<16xf32>,
        %parallel_loop3A_217 = arith.index_cast %parallel_loop3A_150 : i32 to index
        %parallel_loop3A_218 = arith.constant 144 : index
        %parallel_loop3A_219 = tpu.vector_load %arg8[%parallel_loop3A_217, %parallel_loop3A_218] {strides = array<i32>} : memref<104x256xf32, #tpu.memory_space<vmem>>, vector<16xf32>,
        tpu.vector_store %arg8[%parallel_loop3A_217, %parallel_loop3A_218], %parallel_loop3A_216 {add = true, strides = array<i32>} : memref<104x256xf32, #tpu.memory_space<vmem>>, vector<16xf32>,
        %parallel_loop3A_220 = arith.addf %parallel_loop3A_140, %parallel_loop3A_216 : vector<16xf32>
        %parallel_loop3A_221 = arith.index_cast %parallel_loop3A_128 : i32 to index
        %parallel_loop3A_222 = arith.constant 160 : index
        %parallel_loop3A_223 = tpu.vector_load %arg6[%parallel_loop3A_221, %parallel_loop3A_222] {strides = array<i32>} : memref<64x256xf32, #tpu.memory_space<vmem>>, vector<16xf32>,
        %parallel_loop3A_224 = arith.index_cast %parallel_loop3A_150 : i32 to index
        %parallel_loop3A_225 = arith.constant 160 : index
        %parallel_loop3A_226 = tpu.vector_load %arg8[%parallel_loop3A_224, %parallel_loop3A_225] {strides = array<i32>} : memref<104x256xf32, #tpu.memory_space<vmem>>, vector<16xf32>,
        tpu.vector_store %arg8[%parallel_loop3A_224, %parallel_loop3A_225], %parallel_loop3A_223 {add = true, strides = array<i32>} : memref<104x256xf32, #tpu.memory_space<vmem>>, vector<16xf32>,
        %parallel_loop3A_227 = arith.addf %parallel_loop3A_141, %parallel_loop3A_223 : vector<16xf32>
        %parallel_loop3A_228 = arith.index_cast %parallel_loop3A_128 : i32 to index
        %parallel_loop3A_229 = arith.constant 176 : index
        %parallel_loop3A_230 = tpu.vector_load %arg6[%parallel_loop3A_228, %parallel_loop3A_229] {strides = array<i32>} : memref<64x256xf32, #tpu.memory_space<vmem>>, vector<16xf32>,
        %parallel_loop3A_231 = arith.index_cast %parallel_loop3A_150 : i32 to index
        %parallel_loop3A_232 = arith.constant 176 : index
        %parallel_loop3A_233 = tpu.vector_load %arg8[%parallel_loop3A_231, %parallel_loop3A_232] {strides = array<i32>} : memref<104x256xf32, #tpu.memory_space<vmem>>, vector<16xf32>,
        tpu.vector_store %arg8[%parallel_loop3A_231, %parallel_loop3A_232], %parallel_loop3A_230 {add = true, strides = array<i32>} : memref<104x256xf32, #tpu.memory_space<vmem>>, vector<16xf32>,
        %parallel_loop3A_234 = arith.addf %parallel_loop3A_142, %parallel_loop3A_230 : vector<16xf32>
        %parallel_loop3A_235 = arith.index_cast %parallel_loop3A_128 : i32 to index
        %parallel_loop3A_236 = arith.constant 192 : index
        %parallel_loop3A_237 = tpu.vector_load %arg6[%parallel_loop3A_235, %parallel_loop3A_236] {strides = array<i32>} : memref<64x256xf32, #tpu.memory_space<vmem>>, vector<16xf32>,
        %parallel_loop3A_238 = arith.index_cast %parallel_loop3A_150 : i32 to index
        %parallel_loop3A_239 = arith.constant 192 : index
        %parallel_loop3A_240 = tpu.vector_load %arg8[%parallel_loop3A_238, %parallel_loop3A_239] {strides = array<i32>} : memref<104x256xf32, #tpu.memory_space<vmem>>, vector<16xf32>,
        tpu.vector_store %arg8[%parallel_loop3A_238, %parallel_loop3A_239], %parallel_loop3A_237 {add = true, strides = array<i32>} : memref<104x256xf32, #tpu.memory_space<vmem>>, vector<16xf32>,
        %parallel_loop3A_241 = arith.addf %parallel_loop3A_143, %parallel_loop3A_237 : vector<16xf32>
        %parallel_loop3A_242 = arith.index_cast %parallel_loop3A_128 : i32 to index
        %parallel_loop3A_243 = arith.constant 208 : index
        %parallel_loop3A_244 = tpu.vector_load %arg6[%parallel_loop3A_242, %parallel_loop3A_243] {strides = array<i32>} : memref<64x256xf32, #tpu.memory_space<vmem>>, vector<16xf32>,
        %parallel_loop3A_245 = arith.index_cast %parallel_loop3A_150 : i32 to index
        %parallel_loop3A_246 = arith.constant 208 : index
        %parallel_loop3A_247 = tpu.vector_load %arg8[%parallel_loop3A_245, %parallel_loop3A_246] {strides = array<i32>} : memref<104x256xf32, #tpu.memory_space<vmem>>, vector<16xf32>,
        tpu.vector_store %arg8[%parallel_loop3A_245, %parallel_loop3A_246], %parallel_loop3A_244 {add = true, strides = array<i32>} : memref<104x256xf32, #tpu.memory_space<vmem>>, vector<16xf32>,
        %parallel_loop3A_248 = arith.addf %parallel_loop3A_144, %parallel_loop3A_244 : vector<16xf32>
        %parallel_loop3A_249 = arith.index_cast %parallel_loop3A_128 : i32 to index
        %parallel_loop3A_250 = arith.constant 224 : index
        %parallel_loop3A_251 = tpu.vector_load %arg6[%parallel_loop3A_249, %parallel_loop3A_250] {strides = array<i32>} : memref<64x256xf32, #tpu.memory_space<vmem>>, vector<16xf32>,
        %parallel_loop3A_252 = arith.index_cast %parallel_loop3A_150 : i32 to index
        %parallel_loop3A_253 = arith.constant 224 : index
        %parallel_loop3A_254 = tpu.vector_load %arg8[%parallel_loop3A_252, %parallel_loop3A_253] {strides = array<i32>} : memref<104x256xf32, #tpu.memory_space<vmem>>, vector<16xf32>,
        tpu.vector_store %arg8[%parallel_loop3A_252, %parallel_loop3A_253], %parallel_loop3A_251 {add = true, strides = array<i32>} : memref<104x256xf32, #tpu.memory_space<vmem>>, vector<16xf32>,
        %parallel_loop3A_255 = arith.addf %parallel_loop3A_145, %parallel_loop3A_251 : vector<16xf32>
        %parallel_loop3A_256 = arith.index_cast %parallel_loop3A_128 : i32 to index
        %parallel_loop3A_257 = arith.constant 240 : index
        %parallel_loop3A_258 = tpu.vector_load %arg6[%parallel_loop3A_256, %parallel_loop3A_257] {strides = array<i32>} : memref<64x256xf32, #tpu.memory_space<vmem>>, vector<16xf32>,
        %parallel_loop3A_259 = arith.index_cast %parallel_loop3A_150 : i32 to index
        %parallel_loop3A_260 = arith.constant 240 : index
        %parallel_loop3A_261 = tpu.vector_load %arg8[%parallel_loop3A_259, %parallel_loop3A_260] {strides = array<i32>} : memref<104x256xf32, #tpu.memory_space<vmem>>, vector<16xf32>,
        tpu.vector_store %arg8[%parallel_loop3A_259, %parallel_loop3A_260], %parallel_loop3A_258 {add = true, strides = array<i32>} : memref<104x256xf32, #tpu.memory_space<vmem>>, vector<16xf32>,
        %parallel_loop3A_262 = arith.addf %parallel_loop3A_146, %parallel_loop3A_258 : vector<16xf32>
        %parallel_loop3A_263 = arith.constant 1 : i32
        %parallel_loop3A_264 = arith.addi %parallel_loop3A_130, %parallel_loop3A_263 : i32
        %parallel_loop3A_265 = arith.constant 100 : i32
        %parallel_loop3A_266 = arith.cmpi sgt, %parallel_loop3A_264, %parallel_loop3A_265 : i32
        %parallel_loop3A_267 = arith.extui %parallel_loop3A_266 : i1 to i32
        %parallel_loop3A_268 = arith.constant 0 : i32
        %parallel_loop3A_269 = arith.cmpi ne, %parallel_loop3A_267, %parallel_loop3A_268 : i32
        scf.if %parallel_loop3A_269 {
          %parallel_loop3A_310 = arith.constant 100 : i32
          %parallel_loop3A_311 = arith.cmpi sge, %parallel_loop3A_129, %parallel_loop3A_310 : i32
          %parallel_loop3A_312 = arith.constant 101 : i32
          %parallel_loop3A_313 = arith.select %parallel_loop3A_311, %parallel_loop3A_312, %parallel_loop3A_129 : i32
          %parallel_loop3A_314 = arith.index_cast %parallel_loop3A_313 : i32 to index
          %parallel_loop3A_315 = arith.constant 0 : index
          %parallel_loop3A_316 = tpu.vector_load %arg8[%parallel_loop3A_314, %parallel_loop3A_315] {strides = array<i32>} : memref<104x256xf32, #tpu.memory_space<vmem>>, vector<16xf32>,
          tpu.vector_store %arg8[%parallel_loop3A_314, %parallel_loop3A_315], %parallel_loop3A_157 {add = true, strides = array<i32>} : memref<104x256xf32, #tpu.memory_space<vmem>>, vector<16xf32>,
          %parallel_loop3A_317 = arith.index_cast %parallel_loop3A_313 : i32 to index
          %parallel_loop3A_318 = arith.constant 16 : index
          %parallel_loop3A_319 = tpu.vector_load %arg8[%parallel_loop3A_317, %parallel_loop3A_318] {strides = array<i32>} : memref<104x256xf32, #tpu.memory_space<vmem>>, vector<16xf32>,
          tpu.vector_store %arg8[%parallel_loop3A_317, %parallel_loop3A_318], %parallel_loop3A_164 {add = true, strides = array<i32>} : memref<104x256xf32, #tpu.memory_space<vmem>>, vector<16xf32>,
          %parallel_loop3A_320 = arith.index_cast %parallel_loop3A_313 : i32 to index
          %parallel_loop3A_321 = arith.constant 32 : index
          %parallel_loop3A_322 = tpu.vector_load %arg8[%parallel_loop3A_320, %parallel_loop3A_321] {strides = array<i32>} : memref<104x256xf32, #tpu.memory_space<vmem>>, vector<16xf32>,
          tpu.vector_store %arg8[%parallel_loop3A_320, %parallel_loop3A_321], %parallel_loop3A_171 {add = true, strides = array<i32>} : memref<104x256xf32, #tpu.memory_space<vmem>>, vector<16xf32>,
          %parallel_loop3A_323 = arith.index_cast %parallel_loop3A_313 : i32 to index
          %parallel_loop3A_324 = arith.constant 48 : index
          %parallel_loop3A_325 = tpu.vector_load %arg8[%parallel_loop3A_323, %parallel_loop3A_324] {strides = array<i32>} : memref<104x256xf32, #tpu.memory_space<vmem>>, vector<16xf32>,
          tpu.vector_store %arg8[%parallel_loop3A_323, %parallel_loop3A_324], %parallel_loop3A_178 {add = true, strides = array<i32>} : memref<104x256xf32, #tpu.memory_space<vmem>>, vector<16xf32>,
          %parallel_loop3A_326 = arith.index_cast %parallel_loop3A_313 : i32 to index
          %parallel_loop3A_327 = arith.constant 64 : index
          %parallel_loop3A_328 = tpu.vector_load %arg8[%parallel_loop3A_326, %parallel_loop3A_327] {strides = array<i32>} : memref<104x256xf32, #tpu.memory_space<vmem>>, vector<16xf32>,
          tpu.vector_store %arg8[%parallel_loop3A_326, %parallel_loop3A_327], %parallel_loop3A_185 {add = true, strides = array<i32>} : memref<104x256xf32, #tpu.memory_space<vmem>>, vector<16xf32>,
          %parallel_loop3A_329 = arith.index_cast %parallel_loop3A_313 : i32 to index
          %parallel_loop3A_330 = arith.constant 80 : index
          %parallel_loop3A_331 = tpu.vector_load %arg8[%parallel_loop3A_329, %parallel_loop3A_330] {strides = array<i32>} : memref<104x256xf32, #tpu.memory_space<vmem>>, vector<16xf32>,
          tpu.vector_store %arg8[%parallel_loop3A_329, %parallel_loop3A_330], %parallel_loop3A_192 {add = true, strides = array<i32>} : memref<104x256xf32, #tpu.memory_space<vmem>>, vector<16xf32>,
          %parallel_loop3A_332 = arith.index_cast %parallel_loop3A_313 : i32 to index
          %parallel_loop3A_333 = arith.constant 96 : index
          %parallel_loop3A_334 = tpu.vector_load %arg8[%parallel_loop3A_332, %parallel_loop3A_333] {strides = array<i32>} : memref<104x256xf32, #tpu.memory_space<vmem>>, vector<16xf32>,
          tpu.vector_store %arg8[%parallel_loop3A_332, %parallel_loop3A_333], %parallel_loop3A_199 {add = true, strides = array<i32>} : memref<104x256xf32, #tpu.memory_space<vmem>>, vector<16xf32>,
          %parallel_loop3A_335 = arith.index_cast %parallel_loop3A_313 : i32 to index
          %parallel_loop3A_336 = arith.constant 112 : index
          %parallel_loop3A_337 = tpu.vector_load %arg8[%parallel_loop3A_335, %parallel_loop3A_336] {strides = array<i32>} : memref<104x256xf32, #tpu.memory_space<vmem>>, vector<16xf32>,
          tpu.vector_store %arg8[%parallel_loop3A_335, %parallel_loop3A_336], %parallel_loop3A_206 {add = true, strides = array<i32>} : memref<104x256xf32, #tpu.memory_space<vmem>>, vector<16xf32>,
          %parallel_loop3A_338 = arith.index_cast %parallel_loop3A_313 : i32 to index
          %parallel_loop3A_339 = arith.constant 128 : index
          %parallel_loop3A_340 = tpu.vector_load %arg8[%parallel_loop3A_338, %parallel_loop3A_339] {strides = array<i32>} : memref<104x256xf32, #tpu.memory_space<vmem>>, vector<16xf32>,
          tpu.vector_store %arg8[%parallel_loop3A_338, %parallel_loop3A_339], %parallel_loop3A_213 {add = true, strides = array<i32>} : memref<104x256xf32, #tpu.memory_space<vmem>>, vector<16xf32>,
          %parallel_loop3A_341 = arith.index_cast %parallel_loop3A_313 : i32 to index
          %parallel_loop3A_342 = arith.constant 144 : index
          %parallel_loop3A_343 = tpu.vector_load %arg8[%parallel_loop3A_341, %parallel_loop3A_342] {strides = array<i32>} : memref<104x256xf32, #tpu.memory_space<vmem>>, vector<16xf32>,
          tpu.vector_store %arg8[%parallel_loop3A_341, %parallel_loop3A_342], %parallel_loop3A_220 {add = true, strides = array<i32>} : memref<104x256xf32, #tpu.memory_space<vmem>>, vector<16xf32>,
          %parallel_loop3A_344 = arith.index_cast %parallel_loop3A_313 : i32 to index
          %parallel_loop3A_345 = arith.constant 160 : index
          %parallel_loop3A_346 = tpu.vector_load %arg8[%parallel_loop3A_344, %parallel_loop3A_345] {strides = array<i32>} : memref<104x256xf32, #tpu.memory_space<vmem>>, vector<16xf32>,
          tpu.vector_store %arg8[%parallel_loop3A_344, %parallel_loop3A_345], %parallel_loop3A_227 {add = true, strides = array<i32>} : memref<104x256xf32, #tpu.memory_space<vmem>>, vector<16xf32>,
          %parallel_loop3A_347 = arith.index_cast %parallel_loop3A_313 : i32 to index
          %parallel_loop3A_348 = arith.constant 176 : index
          %parallel_loop3A_349 = tpu.vector_load %arg8[%parallel_loop3A_347, %parallel_loop3A_348] {strides = array<i32>} : memref<104x256xf32, #tpu.memory_space<vmem>>, vector<16xf32>,
          tpu.vector_store %arg8[%parallel_loop3A_347, %parallel_loop3A_348], %parallel_loop3A_234 {add = true, strides = array<i32>} : memref<104x256xf32, #tpu.memory_space<vmem>>, vector<16xf32>,
          %parallel_loop3A_350 = arith.index_cast %parallel_loop3A_313 : i32 to index
          %parallel_loop3A_351 = arith.constant 192 : index
          %parallel_loop3A_352 = tpu.vector_load %arg8[%parallel_loop3A_350, %parallel_loop3A_351] {strides = array<i32>} : memref<104x256xf32, #tpu.memory_space<vmem>>, vector<16xf32>,
          tpu.vector_store %arg8[%parallel_loop3A_350, %parallel_loop3A_351], %parallel_loop3A_241 {add = true, strides = array<i32>} : memref<104x256xf32, #tpu.memory_space<vmem>>, vector<16xf32>,
          %parallel_loop3A_353 = arith.index_cast %parallel_loop3A_313 : i32 to index
          %parallel_loop3A_354 = arith.constant 208 : index
          %parallel_loop3A_355 = tpu.vector_load %arg8[%parallel_loop3A_353, %parallel_loop3A_354] {strides = array<i32>} : memref<104x256xf32, #tpu.memory_space<vmem>>, vector<16xf32>,
          tpu.vector_store %arg8[%parallel_loop3A_353, %parallel_loop3A_354], %parallel_loop3A_248 {add = true, strides = array<i32>} : memref<104x256xf32, #tpu.memory_space<vmem>>, vector<16xf32>,
          %parallel_loop3A_356 = arith.index_cast %parallel_loop3A_313 : i32 to index
          %parallel_loop3A_357 = arith.constant 224 : index
          %parallel_loop3A_358 = tpu.vector_load %arg8[%parallel_loop3A_356, %parallel_loop3A_357] {strides = array<i32>} : memref<104x256xf32, #tpu.memory_space<vmem>>, vector<16xf32>,
          tpu.vector_store %arg8[%parallel_loop3A_356, %parallel_loop3A_357], %parallel_loop3A_255 {add = true, strides = array<i32>} : memref<104x256xf32, #tpu.memory_space<vmem>>, vector<16xf32>,
          %parallel_loop3A_359 = arith.index_cast %parallel_loop3A_313 : i32 to index
          %parallel_loop3A_360 = arith.constant 240 : index
          %parallel_loop3A_361 = tpu.vector_load %arg8[%parallel_loop3A_359, %parallel_loop3A_360] {strides = array<i32>} : memref<104x256xf32, #tpu.memory_space<vmem>>, vector<16xf32>,
          tpu.vector_store %arg8[%parallel_loop3A_359, %parallel_loop3A_360], %parallel_loop3A_262 {add = true, strides = array<i32>} : memref<104x256xf32, #tpu.memory_space<vmem>>, vector<16xf32>,
        } else {
        }
        %parallel_loop3A_270 = arith.constant 0.000000e+00 : f32
        %parallel_loop3A_271 = arith.constant 1.000000e+00 : f32
        %parallel_loop3A_272 = arith.select %parallel_loop3A_266, %parallel_loop3A_270, %parallel_loop3A_271 : f32
        %parallel_loop3A_273 = vector.broadcast %parallel_loop3A_272 : f32 to vector<16xf32>
        %parallel_loop3A_274 = arith.mulf %parallel_loop3A_157, %parallel_loop3A_273 : vector<16xf32>
        %parallel_loop3A_275 = vector.broadcast %parallel_loop3A_272 : f32 to vector<16xf32>
        %parallel_loop3A_276 = arith.mulf %parallel_loop3A_164, %parallel_loop3A_275 : vector<16xf32>
        %parallel_loop3A_277 = vector.broadcast %parallel_loop3A_272 : f32 to vector<16xf32>
        %parallel_loop3A_278 = arith.mulf %parallel_loop3A_171, %parallel_loop3A_277 : vector<16xf32>
        %parallel_loop3A_279 = vector.broadcast %parallel_loop3A_272 : f32 to vector<16xf32>
        %parallel_loop3A_280 = arith.mulf %parallel_loop3A_178, %parallel_loop3A_279 : vector<16xf32>
        %parallel_loop3A_281 = vector.broadcast %parallel_loop3A_272 : f32 to vector<16xf32>
        %parallel_loop3A_282 = arith.mulf %parallel_loop3A_185, %parallel_loop3A_281 : vector<16xf32>
        %parallel_loop3A_283 = vector.broadcast %parallel_loop3A_272 : f32 to vector<16xf32>
        %parallel_loop3A_284 = arith.mulf %parallel_loop3A_192, %parallel_loop3A_283 : vector<16xf32>
        %parallel_loop3A_285 = vector.broadcast %parallel_loop3A_272 : f32 to vector<16xf32>
        %parallel_loop3A_286 = arith.mulf %parallel_loop3A_199, %parallel_loop3A_285 : vector<16xf32>
        %parallel_loop3A_287 = vector.broadcast %parallel_loop3A_272 : f32 to vector<16xf32>
        %parallel_loop3A_288 = arith.mulf %parallel_loop3A_206, %parallel_loop3A_287 : vector<16xf32>
        %parallel_loop3A_289 = vector.broadcast %parallel_loop3A_272 : f32 to vector<16xf32>
        %parallel_loop3A_290 = arith.mulf %parallel_loop3A_213, %parallel_loop3A_289 : vector<16xf32>
        %parallel_loop3A_291 = vector.broadcast %parallel_loop3A_272 : f32 to vector<16xf32>
        %parallel_loop3A_292 = arith.mulf %parallel_loop3A_220, %parallel_loop3A_291 : vector<16xf32>
        %parallel_loop3A_293 = vector.broadcast %parallel_loop3A_272 : f32 to vector<16xf32>
        %parallel_loop3A_294 = arith.mulf %parallel_loop3A_227, %parallel_loop3A_293 : vector<16xf32>
        %parallel_loop3A_295 = vector.broadcast %parallel_loop3A_272 : f32 to vector<16xf32>
        %parallel_loop3A_296 = arith.mulf %parallel_loop3A_234, %parallel_loop3A_295 : vector<16xf32>
        %parallel_loop3A_297 = vector.broadcast %parallel_loop3A_272 : f32 to vector<16xf32>
        %parallel_loop3A_298 = arith.mulf %parallel_loop3A_241, %parallel_loop3A_297 : vector<16xf32>
        %parallel_loop3A_299 = vector.broadcast %parallel_loop3A_272 : f32 to vector<16xf32>
        %parallel_loop3A_300 = arith.mulf %parallel_loop3A_248, %parallel_loop3A_299 : vector<16xf32>
        %parallel_loop3A_301 = vector.broadcast %parallel_loop3A_272 : f32 to vector<16xf32>
        %parallel_loop3A_302 = arith.mulf %parallel_loop3A_255, %parallel_loop3A_301 : vector<16xf32>
        %parallel_loop3A_303 = vector.broadcast %parallel_loop3A_272 : f32 to vector<16xf32>
        %parallel_loop3A_304 = arith.mulf %parallel_loop3A_262, %parallel_loop3A_303 : vector<16xf32>
        %parallel_loop3A_305 = arith.extui %parallel_loop3A_266 : i1 to i32
        %parallel_loop3A_306 = arith.addi %parallel_loop3A_129, %parallel_loop3A_305 : i32
        %parallel_loop3A_307 = arith.constant 1 : i32
        %parallel_loop3A_308 = arith.addi %parallel_loop3A_306, %parallel_loop3A_307 : i32
        %parallel_loop3A_309 = arith.select %parallel_loop3A_266, %parallel_loop3A_308, %parallel_loop3A_264 : i32
        scf.yield %parallel_loop3A_306, %parallel_loop3A_309, %parallel_loop3A_274, %parallel_loop3A_276, %parallel_loop3A_278, %parallel_loop3A_280, %parallel_loop3A_282, %parallel_loop3A_284, %parallel_loop3A_286, %parallel_loop3A_288, %parallel_loop3A_290, %parallel_loop3A_292, %parallel_loop3A_294, %parallel_loop3A_296, %parallel_loop3A_298, %parallel_loop3A_300, %parallel_loop3A_302, %parallel_loop3A_304 : i32, i32, vector<16xf32>, vector<16xf32>, vector<16xf32>, vector<16xf32>, vector<16xf32>, vector<16xf32>, vector<16xf32>, vector<16xf32>, vector<16xf32>, vector<16xf32>, vector<16xf32>, vector<16xf32>, vector<16xf32>, vector<16xf32>, vector<16xf32>, vector<16xf32>
      } {sc.loop_unroll_factor = 4 : i64, sc.parallel_access}
      %add3A_121 = arith.constant 2 : i32
      %add3A_122 = arith.addi %add3A_112, %add3A_121 : i32
      %lt3A_123 = arith.constant 78 : i32
      %lt3A_124 = arith.cmpi slt, %add3A_122, %lt3A_123 : i32
      %convert_element_type3A_125 = arith.extui %lt3A_124 : i1 to i32
      %cond3A_126 = arith.constant 0 : i32
      %cond3A_127 = arith.cmpi ne, %convert_element_type3A_125, %cond3A_126 : i32
      scf.if %cond3A_127 {
        %mul3A_128 = arith.constant 64 : i32
        %mul3A_129 = arith.muli %add3A_122, %mul3A_128 : i32
        %dma_start3A_130 = tpu.memref_slice %arg2[%mul3A_129, %add3A_5] : memref<5051x16384xf32, #tpu.memory_space<hbm>> -> memref<64x256xf32, #tpu.memory_space<hbm>>
        %dma_start3A_131 = tpu.memref_slice %arg2[%mul3A_129, %add3A_5] : memref<5051x16384xf32, #tpu.memory_space<hbm>> -> memref<64x256xf32, #tpu.memory_space<hbm>>
        tpu.enqueue_dma source(%dma_start3A_131 : memref<64x256xf32, #tpu.memory_space<hbm>>) target(%arg6 : memref<64x256xf32, #tpu.memory_space<vmem>>) target_semaphore(%arg10 : memref<!tpu.dma_semaphore, #tpu.memory_space<semaphore_mem>>)
      } else {
      }
      scf.yield %parallel_loop3A_120#0, %parallel_loop3A_120#1, %parallel_loop3A_120#2, %parallel_loop3A_120#3, %parallel_loop3A_120#4, %parallel_loop3A_120#5, %parallel_loop3A_120#6, %parallel_loop3A_120#7, %parallel_loop3A_120#8, %parallel_loop3A_120#9, %parallel_loop3A_120#10, %parallel_loop3A_120#11, %parallel_loop3A_120#12, %parallel_loop3A_120#13, %parallel_loop3A_120#14, %parallel_loop3A_120#15, %parallel_loop3A_120#16, %parallel_loop3A_120#17 : i32, i32, vector<16xf32>, vector<16xf32>, vector<16xf32>, vector<16xf32>, vector<16xf32>, vector<16xf32>, vector<16xf32>, vector<16xf32>, vector<16xf32>, vector<16xf32>, vector<16xf32>, vector<16xf32>, vector<16xf32>, vector<16xf32>, vector<16xf32>, vector<16xf32>
    }
    %scan3A_29 = arith.constant 39 : i32
    %dma_wait3A = arith.constant 0 : i32
    %dma_wait3A_30 = tpu.memref_slice %arg3[%dma_wait3A, %add3A_5] : memref<64x16384xf32, #tpu.memory_space<hbm>> -> memref<64x256xf32, #tpu.memory_space<hbm>>
    %dma_wait3A_31 = arith.constant 0 : i32
    %dma_wait3A_32 = tpu.memref_slice %arg3[%dma_wait3A_31, %add3A_5] : memref<64x16384xf32, #tpu.memory_space<hbm>> -> memref<64x256xf32, #tpu.memory_space<hbm>>
    tpu.wait_dma2 semaphore(%arg11 : memref<!tpu.dma_semaphore, #tpu.memory_space<semaphore_mem>>) src(%dma_wait3A_32 : memref<64x256xf32, #tpu.memory_space<hbm>>) dst(%arg7 : memref<64x256xf32, #tpu.memory_space<vmem>>)
    %parallel_loop3A = arith.constant 5 : i32
    %parallel_loop3A_33 = arith.constant 64 : i32
    %parallel_loop3A_34 = arith.constant 1 : i32
    %parallel_loop3A_35:18 = scf.for %parallel_loop3A_74 = %parallel_loop3A to %parallel_loop3A_33 step %parallel_loop3A_34 iter_args(%parallel_loop3A_75 = %scan3A_28#0, %parallel_loop3A_76 = %scan3A_28#1, %parallel_loop3A_77 = %scan3A_28#2, %parallel_loop3A_78 = %scan3A_28#3, %parallel_loop3A_79 = %scan3A_28#4, %parallel_loop3A_80 = %scan3A_28#5, %parallel_loop3A_81 = %scan3A_28#6, %parallel_loop3A_82 = %scan3A_28#7, %parallel_loop3A_83 = %scan3A_28#8, %parallel_loop3A_84 = %scan3A_28#9, %parallel_loop3A_85 = %scan3A_28#10, %parallel_loop3A_86 = %scan3A_28#11, %parallel_loop3A_87 = %scan3A_28#12, %parallel_loop3A_88 = %scan3A_28#13, %parallel_loop3A_89 = %scan3A_28#14, %parallel_loop3A_90 = %scan3A_28#15, %parallel_loop3A_91 = %scan3A_28#16, %parallel_loop3A_92 = %scan3A_28#17) -> (i32, i32, vector<16xf32>, vector<16xf32>, vector<16xf32>, vector<16xf32>, vector<16xf32>, vector<16xf32>, vector<16xf32>, vector<16xf32>, vector<16xf32>, vector<16xf32>, vector<16xf32>, vector<16xf32>, vector<16xf32>, vector<16xf32>, vector<16xf32>, vector<16xf32>)  : i32 {
      %parallel_loop3A_93 = arith.constant 100 : i32
      %parallel_loop3A_94 = arith.cmpi sge, %parallel_loop3A_76, %parallel_loop3A_93 : i32
      %parallel_loop3A_95 = arith.constant 100 : i32
      %parallel_loop3A_96 = arith.select %parallel_loop3A_94, %parallel_loop3A_95, %parallel_loop3A_76 : i32
      %parallel_loop3A_97 = arith.index_cast %parallel_loop3A_74 : i32 to index
      %parallel_loop3A_98 = arith.constant 0 : index
      %parallel_loop3A_99 = tpu.vector_load %arg7[%parallel_loop3A_97, %parallel_loop3A_98] {strides = array<i32>} : memref<64x256xf32, #tpu.memory_space<vmem>>, vector<16xf32>,
      %parallel_loop3A_100 = arith.index_cast %parallel_loop3A_96 : i32 to index
      %parallel_loop3A_101 = arith.constant 0 : index
      %parallel_loop3A_102 = tpu.vector_load %arg8[%parallel_loop3A_100, %parallel_loop3A_101] {strides = array<i32>} : memref<104x256xf32, #tpu.memory_space<vmem>>, vector<16xf32>,
      tpu.vector_store %arg8[%parallel_loop3A_100, %parallel_loop3A_101], %parallel_loop3A_99 {add = true, strides = array<i32>} : memref<104x256xf32, #tpu.memory_space<vmem>>, vector<16xf32>,
      %parallel_loop3A_103 = arith.addf %parallel_loop3A_77, %parallel_loop3A_99 : vector<16xf32>
      %parallel_loop3A_104 = arith.index_cast %parallel_loop3A_74 : i32 to index
      %parallel_loop3A_105 = arith.constant 16 : index
      %parallel_loop3A_106 = tpu.vector_load %arg7[%parallel_loop3A_104, %parallel_loop3A_105] {strides = array<i32>} : memref<64x256xf32, #tpu.memory_space<vmem>>, vector<16xf32>,
      %parallel_loop3A_107 = arith.index_cast %parallel_loop3A_96 : i32 to index
      %parallel_loop3A_108 = arith.constant 16 : index
      %parallel_loop3A_109 = tpu.vector_load %arg8[%parallel_loop3A_107, %parallel_loop3A_108] {strides = array<i32>} : memref<104x256xf32, #tpu.memory_space<vmem>>, vector<16xf32>,
      tpu.vector_store %arg8[%parallel_loop3A_107, %parallel_loop3A_108], %parallel_loop3A_106 {add = true, strides = array<i32>} : memref<104x256xf32, #tpu.memory_space<vmem>>, vector<16xf32>,
      %parallel_loop3A_110 = arith.addf %parallel_loop3A_78, %parallel_loop3A_106 : vector<16xf32>
      %parallel_loop3A_111 = arith.index_cast %parallel_loop3A_74 : i32 to index
      %parallel_loop3A_112 = arith.constant 32 : index
      %parallel_loop3A_113 = tpu.vector_load %arg7[%parallel_loop3A_111, %parallel_loop3A_112] {strides = array<i32>} : memref<64x256xf32, #tpu.memory_space<vmem>>, vector<16xf32>,
      %parallel_loop3A_114 = arith.index_cast %parallel_loop3A_96 : i32 to index
      %parallel_loop3A_115 = arith.constant 32 : index
      %parallel_loop3A_116 = tpu.vector_load %arg8[%parallel_loop3A_114, %parallel_loop3A_115] {strides = array<i32>} : memref<104x256xf32, #tpu.memory_space<vmem>>, vector<16xf32>,
      tpu.vector_store %arg8[%parallel_loop3A_114, %parallel_loop3A_115], %parallel_loop3A_113 {add = true, strides = array<i32>} : memref<104x256xf32, #tpu.memory_space<vmem>>, vector<16xf32>,
      %parallel_loop3A_117 = arith.addf %parallel_loop3A_79, %parallel_loop3A_113 : vector<16xf32>
      %parallel_loop3A_118 = arith.index_cast %parallel_loop3A_74 : i32 to index
      %parallel_loop3A_119 = arith.constant 48 : index
      %parallel_loop3A_120 = tpu.vector_load %arg7[%parallel_loop3A_118, %parallel_loop3A_119] {strides = array<i32>} : memref<64x256xf32, #tpu.memory_space<vmem>>, vector<16xf32>,
      %parallel_loop3A_121 = arith.index_cast %parallel_loop3A_96 : i32 to index
      %parallel_loop3A_122 = arith.constant 48 : index
      %parallel_loop3A_123 = tpu.vector_load %arg8[%parallel_loop3A_121, %parallel_loop3A_122] {strides = array<i32>} : memref<104x256xf32, #tpu.memory_space<vmem>>, vector<16xf32>,
      tpu.vector_store %arg8[%parallel_loop3A_121, %parallel_loop3A_122], %parallel_loop3A_120 {add = true, strides = array<i32>} : memref<104x256xf32, #tpu.memory_space<vmem>>, vector<16xf32>,
      %parallel_loop3A_124 = arith.addf %parallel_loop3A_80, %parallel_loop3A_120 : vector<16xf32>
      %parallel_loop3A_125 = arith.index_cast %parallel_loop3A_74 : i32 to index
      %parallel_loop3A_126 = arith.constant 64 : index
      %parallel_loop3A_127 = tpu.vector_load %arg7[%parallel_loop3A_125, %parallel_loop3A_126] {strides = array<i32>} : memref<64x256xf32, #tpu.memory_space<vmem>>, vector<16xf32>,
      %parallel_loop3A_128 = arith.index_cast %parallel_loop3A_96 : i32 to index
      %parallel_loop3A_129 = arith.constant 64 : index
      %parallel_loop3A_130 = tpu.vector_load %arg8[%parallel_loop3A_128, %parallel_loop3A_129] {strides = array<i32>} : memref<104x256xf32, #tpu.memory_space<vmem>>, vector<16xf32>,
      tpu.vector_store %arg8[%parallel_loop3A_128, %parallel_loop3A_129], %parallel_loop3A_127 {add = true, strides = array<i32>} : memref<104x256xf32, #tpu.memory_space<vmem>>, vector<16xf32>,
      %parallel_loop3A_131 = arith.addf %parallel_loop3A_81, %parallel_loop3A_127 : vector<16xf32>
      %parallel_loop3A_132 = arith.index_cast %parallel_loop3A_74 : i32 to index
      %parallel_loop3A_133 = arith.constant 80 : index
      %parallel_loop3A_134 = tpu.vector_load %arg7[%parallel_loop3A_132, %parallel_loop3A_133] {strides = array<i32>} : memref<64x256xf32, #tpu.memory_space<vmem>>, vector<16xf32>,
      %parallel_loop3A_135 = arith.index_cast %parallel_loop3A_96 : i32 to index
      %parallel_loop3A_136 = arith.constant 80 : index
      %parallel_loop3A_137 = tpu.vector_load %arg8[%parallel_loop3A_135, %parallel_loop3A_136] {strides = array<i32>} : memref<104x256xf32, #tpu.memory_space<vmem>>, vector<16xf32>,
      tpu.vector_store %arg8[%parallel_loop3A_135, %parallel_loop3A_136], %parallel_loop3A_134 {add = true, strides = array<i32>} : memref<104x256xf32, #tpu.memory_space<vmem>>, vector<16xf32>,
      %parallel_loop3A_138 = arith.addf %parallel_loop3A_82, %parallel_loop3A_134 : vector<16xf32>
      %parallel_loop3A_139 = arith.index_cast %parallel_loop3A_74 : i32 to index
      %parallel_loop3A_140 = arith.constant 96 : index
      %parallel_loop3A_141 = tpu.vector_load %arg7[%parallel_loop3A_139, %parallel_loop3A_140] {strides = array<i32>} : memref<64x256xf32, #tpu.memory_space<vmem>>, vector<16xf32>,
      %parallel_loop3A_142 = arith.index_cast %parallel_loop3A_96 : i32 to index
      %parallel_loop3A_143 = arith.constant 96 : index
      %parallel_loop3A_144 = tpu.vector_load %arg8[%parallel_loop3A_142, %parallel_loop3A_143] {strides = array<i32>} : memref<104x256xf32, #tpu.memory_space<vmem>>, vector<16xf32>,
      tpu.vector_store %arg8[%parallel_loop3A_142, %parallel_loop3A_143], %parallel_loop3A_141 {add = true, strides = array<i32>} : memref<104x256xf32, #tpu.memory_space<vmem>>, vector<16xf32>,
      %parallel_loop3A_145 = arith.addf %parallel_loop3A_83, %parallel_loop3A_141 : vector<16xf32>
      %parallel_loop3A_146 = arith.index_cast %parallel_loop3A_74 : i32 to index
      %parallel_loop3A_147 = arith.constant 112 : index
      %parallel_loop3A_148 = tpu.vector_load %arg7[%parallel_loop3A_146, %parallel_loop3A_147] {strides = array<i32>} : memref<64x256xf32, #tpu.memory_space<vmem>>, vector<16xf32>,
      %parallel_loop3A_149 = arith.index_cast %parallel_loop3A_96 : i32 to index
      %parallel_loop3A_150 = arith.constant 112 : index
      %parallel_loop3A_151 = tpu.vector_load %arg8[%parallel_loop3A_149, %parallel_loop3A_150] {strides = array<i32>} : memref<104x256xf32, #tpu.memory_space<vmem>>, vector<16xf32>,
      tpu.vector_store %arg8[%parallel_loop3A_149, %parallel_loop3A_150], %parallel_loop3A_148 {add = true, strides = array<i32>} : memref<104x256xf32, #tpu.memory_space<vmem>>, vector<16xf32>,
      %parallel_loop3A_152 = arith.addf %parallel_loop3A_84, %parallel_loop3A_148 : vector<16xf32>
      %parallel_loop3A_153 = arith.index_cast %parallel_loop3A_74 : i32 to index
      %parallel_loop3A_154 = arith.constant 128 : index
      %parallel_loop3A_155 = tpu.vector_load %arg7[%parallel_loop3A_153, %parallel_loop3A_154] {strides = array<i32>} : memref<64x256xf32, #tpu.memory_space<vmem>>, vector<16xf32>,
      %parallel_loop3A_156 = arith.index_cast %parallel_loop3A_96 : i32 to index
      %parallel_loop3A_157 = arith.constant 128 : index
      %parallel_loop3A_158 = tpu.vector_load %arg8[%parallel_loop3A_156, %parallel_loop3A_157] {strides = array<i32>} : memref<104x256xf32, #tpu.memory_space<vmem>>, vector<16xf32>,
      tpu.vector_store %arg8[%parallel_loop3A_156, %parallel_loop3A_157], %parallel_loop3A_155 {add = true, strides = array<i32>} : memref<104x256xf32, #tpu.memory_space<vmem>>, vector<16xf32>,
      %parallel_loop3A_159 = arith.addf %parallel_loop3A_85, %parallel_loop3A_155 : vector<16xf32>
      %parallel_loop3A_160 = arith.index_cast %parallel_loop3A_74 : i32 to index
      %parallel_loop3A_161 = arith.constant 144 : index
      %parallel_loop3A_162 = tpu.vector_load %arg7[%parallel_loop3A_160, %parallel_loop3A_161] {strides = array<i32>} : memref<64x256xf32, #tpu.memory_space<vmem>>, vector<16xf32>,
      %parallel_loop3A_163 = arith.index_cast %parallel_loop3A_96 : i32 to index
      %parallel_loop3A_164 = arith.constant 144 : index
      %parallel_loop3A_165 = tpu.vector_load %arg8[%parallel_loop3A_163, %parallel_loop3A_164] {strides = array<i32>} : memref<104x256xf32, #tpu.memory_space<vmem>>, vector<16xf32>,
      tpu.vector_store %arg8[%parallel_loop3A_163, %parallel_loop3A_164], %parallel_loop3A_162 {add = true, strides = array<i32>} : memref<104x256xf32, #tpu.memory_space<vmem>>, vector<16xf32>,
      %parallel_loop3A_166 = arith.addf %parallel_loop3A_86, %parallel_loop3A_162 : vector<16xf32>
      %parallel_loop3A_167 = arith.index_cast %parallel_loop3A_74 : i32 to index
      %parallel_loop3A_168 = arith.constant 160 : index
      %parallel_loop3A_169 = tpu.vector_load %arg7[%parallel_loop3A_167, %parallel_loop3A_168] {strides = array<i32>} : memref<64x256xf32, #tpu.memory_space<vmem>>, vector<16xf32>,
      %parallel_loop3A_170 = arith.index_cast %parallel_loop3A_96 : i32 to index
      %parallel_loop3A_171 = arith.constant 160 : index
      %parallel_loop3A_172 = tpu.vector_load %arg8[%parallel_loop3A_170, %parallel_loop3A_171] {strides = array<i32>} : memref<104x256xf32, #tpu.memory_space<vmem>>, vector<16xf32>,
      tpu.vector_store %arg8[%parallel_loop3A_170, %parallel_loop3A_171], %parallel_loop3A_169 {add = true, strides = array<i32>} : memref<104x256xf32, #tpu.memory_space<vmem>>, vector<16xf32>,
      %parallel_loop3A_173 = arith.addf %parallel_loop3A_87, %parallel_loop3A_169 : vector<16xf32>
      %parallel_loop3A_174 = arith.index_cast %parallel_loop3A_74 : i32 to index
      %parallel_loop3A_175 = arith.constant 176 : index
      %parallel_loop3A_176 = tpu.vector_load %arg7[%parallel_loop3A_174, %parallel_loop3A_175] {strides = array<i32>} : memref<64x256xf32, #tpu.memory_space<vmem>>, vector<16xf32>,
      %parallel_loop3A_177 = arith.index_cast %parallel_loop3A_96 : i32 to index
      %parallel_loop3A_178 = arith.constant 176 : index
      %parallel_loop3A_179 = tpu.vector_load %arg8[%parallel_loop3A_177, %parallel_loop3A_178] {strides = array<i32>} : memref<104x256xf32, #tpu.memory_space<vmem>>, vector<16xf32>,
      tpu.vector_store %arg8[%parallel_loop3A_177, %parallel_loop3A_178], %parallel_loop3A_176 {add = true, strides = array<i32>} : memref<104x256xf32, #tpu.memory_space<vmem>>, vector<16xf32>,
      %parallel_loop3A_180 = arith.addf %parallel_loop3A_88, %parallel_loop3A_176 : vector<16xf32>
      %parallel_loop3A_181 = arith.index_cast %parallel_loop3A_74 : i32 to index
      %parallel_loop3A_182 = arith.constant 192 : index
      %parallel_loop3A_183 = tpu.vector_load %arg7[%parallel_loop3A_181, %parallel_loop3A_182] {strides = array<i32>} : memref<64x256xf32, #tpu.memory_space<vmem>>, vector<16xf32>,
      %parallel_loop3A_184 = arith.index_cast %parallel_loop3A_96 : i32 to index
      %parallel_loop3A_185 = arith.constant 192 : index
      %parallel_loop3A_186 = tpu.vector_load %arg8[%parallel_loop3A_184, %parallel_loop3A_185] {strides = array<i32>} : memref<104x256xf32, #tpu.memory_space<vmem>>, vector<16xf32>,
      tpu.vector_store %arg8[%parallel_loop3A_184, %parallel_loop3A_185], %parallel_loop3A_183 {add = true, strides = array<i32>} : memref<104x256xf32, #tpu.memory_space<vmem>>, vector<16xf32>,
      %parallel_loop3A_187 = arith.addf %parallel_loop3A_89, %parallel_loop3A_183 : vector<16xf32>
      %parallel_loop3A_188 = arith.index_cast %parallel_loop3A_74 : i32 to index
      %parallel_loop3A_189 = arith.constant 208 : index
      %parallel_loop3A_190 = tpu.vector_load %arg7[%parallel_loop3A_188, %parallel_loop3A_189] {strides = array<i32>} : memref<64x256xf32, #tpu.memory_space<vmem>>, vector<16xf32>,
      %parallel_loop3A_191 = arith.index_cast %parallel_loop3A_96 : i32 to index
      %parallel_loop3A_192 = arith.constant 208 : index
      %parallel_loop3A_193 = tpu.vector_load %arg8[%parallel_loop3A_191, %parallel_loop3A_192] {strides = array<i32>} : memref<104x256xf32, #tpu.memory_space<vmem>>, vector<16xf32>,
      tpu.vector_store %arg8[%parallel_loop3A_191, %parallel_loop3A_192], %parallel_loop3A_190 {add = true, strides = array<i32>} : memref<104x256xf32, #tpu.memory_space<vmem>>, vector<16xf32>,
      %parallel_loop3A_194 = arith.addf %parallel_loop3A_90, %parallel_loop3A_190 : vector<16xf32>
      %parallel_loop3A_195 = arith.index_cast %parallel_loop3A_74 : i32 to index
      %parallel_loop3A_196 = arith.constant 224 : index
      %parallel_loop3A_197 = tpu.vector_load %arg7[%parallel_loop3A_195, %parallel_loop3A_196] {strides = array<i32>} : memref<64x256xf32, #tpu.memory_space<vmem>>, vector<16xf32>,
      %parallel_loop3A_198 = arith.index_cast %parallel_loop3A_96 : i32 to index
      %parallel_loop3A_199 = arith.constant 224 : index
      %parallel_loop3A_200 = tpu.vector_load %arg8[%parallel_loop3A_198, %parallel_loop3A_199] {strides = array<i32>} : memref<104x256xf32, #tpu.memory_space<vmem>>, vector<16xf32>,
      tpu.vector_store %arg8[%parallel_loop3A_198, %parallel_loop3A_199], %parallel_loop3A_197 {add = true, strides = array<i32>} : memref<104x256xf32, #tpu.memory_space<vmem>>, vector<16xf32>,
      %parallel_loop3A_201 = arith.addf %parallel_loop3A_91, %parallel_loop3A_197 : vector<16xf32>
      %parallel_loop3A_202 = arith.index_cast %parallel_loop3A_74 : i32 to index
      %parallel_loop3A_203 = arith.constant 240 : index
      %parallel_loop3A_204 = tpu.vector_load %arg7[%parallel_loop3A_202, %parallel_loop3A_203] {strides = array<i32>} : memref<64x256xf32, #tpu.memory_space<vmem>>, vector<16xf32>,
      %parallel_loop3A_205 = arith.index_cast %parallel_loop3A_96 : i32 to index
      %parallel_loop3A_206 = arith.constant 240 : index
      %parallel_loop3A_207 = tpu.vector_load %arg8[%parallel_loop3A_205, %parallel_loop3A_206] {strides = array<i32>} : memref<104x256xf32, #tpu.memory_space<vmem>>, vector<16xf32>,
      tpu.vector_store %arg8[%parallel_loop3A_205, %parallel_loop3A_206], %parallel_loop3A_204 {add = true, strides = array<i32>} : memref<104x256xf32, #tpu.memory_space<vmem>>, vector<16xf32>,
      %parallel_loop3A_208 = arith.addf %parallel_loop3A_92, %parallel_loop3A_204 : vector<16xf32>
      %parallel_loop3A_209 = arith.constant 1 : i32
      %parallel_loop3A_210 = arith.addi %parallel_loop3A_76, %parallel_loop3A_209 : i32
      %parallel_loop3A_211 = arith.constant 100 : i32
      %parallel_loop3A_212 = arith.cmpi sgt, %parallel_loop3A_210, %parallel_loop3A_211 : i32
      %parallel_loop3A_213 = arith.extui %parallel_loop3A_212 : i1 to i32
      %parallel_loop3A_214 = arith.constant 0 : i32
      %parallel_loop3A_215 = arith.cmpi ne, %parallel_loop3A_213, %parallel_loop3A_214 : i32
      scf.if %parallel_loop3A_215 {
        %parallel_loop3A_256 = arith.constant 100 : i32
        %parallel_loop3A_257 = arith.cmpi sge, %parallel_loop3A_75, %parallel_loop3A_256 : i32
        %parallel_loop3A_258 = arith.constant 101 : i32
        %parallel_loop3A_259 = arith.select %parallel_loop3A_257, %parallel_loop3A_258, %parallel_loop3A_75 : i32
        %parallel_loop3A_260 = arith.index_cast %parallel_loop3A_259 : i32 to index
        %parallel_loop3A_261 = arith.constant 0 : index
        %parallel_loop3A_262 = tpu.vector_load %arg8[%parallel_loop3A_260, %parallel_loop3A_261] {strides = array<i32>} : memref<104x256xf32, #tpu.memory_space<vmem>>, vector<16xf32>,
        tpu.vector_store %arg8[%parallel_loop3A_260, %parallel_loop3A_261], %parallel_loop3A_103 {add = true, strides = array<i32>} : memref<104x256xf32, #tpu.memory_space<vmem>>, vector<16xf32>,
        %parallel_loop3A_263 = arith.index_cast %parallel_loop3A_259 : i32 to index
        %parallel_loop3A_264 = arith.constant 16 : index
        %parallel_loop3A_265 = tpu.vector_load %arg8[%parallel_loop3A_263, %parallel_loop3A_264] {strides = array<i32>} : memref<104x256xf32, #tpu.memory_space<vmem>>, vector<16xf32>,
        tpu.vector_store %arg8[%parallel_loop3A_263, %parallel_loop3A_264], %parallel_loop3A_110 {add = true, strides = array<i32>} : memref<104x256xf32, #tpu.memory_space<vmem>>, vector<16xf32>,
        %parallel_loop3A_266 = arith.index_cast %parallel_loop3A_259 : i32 to index
        %parallel_loop3A_267 = arith.constant 32 : index
        %parallel_loop3A_268 = tpu.vector_load %arg8[%parallel_loop3A_266, %parallel_loop3A_267] {strides = array<i32>} : memref<104x256xf32, #tpu.memory_space<vmem>>, vector<16xf32>,
        tpu.vector_store %arg8[%parallel_loop3A_266, %parallel_loop3A_267], %parallel_loop3A_117 {add = true, strides = array<i32>} : memref<104x256xf32, #tpu.memory_space<vmem>>, vector<16xf32>,
        %parallel_loop3A_269 = arith.index_cast %parallel_loop3A_259 : i32 to index
        %parallel_loop3A_270 = arith.constant 48 : index
        %parallel_loop3A_271 = tpu.vector_load %arg8[%parallel_loop3A_269, %parallel_loop3A_270] {strides = array<i32>} : memref<104x256xf32, #tpu.memory_space<vmem>>, vector<16xf32>,
        tpu.vector_store %arg8[%parallel_loop3A_269, %parallel_loop3A_270], %parallel_loop3A_124 {add = true, strides = array<i32>} : memref<104x256xf32, #tpu.memory_space<vmem>>, vector<16xf32>,
        %parallel_loop3A_272 = arith.index_cast %parallel_loop3A_259 : i32 to index
        %parallel_loop3A_273 = arith.constant 64 : index
        %parallel_loop3A_274 = tpu.vector_load %arg8[%parallel_loop3A_272, %parallel_loop3A_273] {strides = array<i32>} : memref<104x256xf32, #tpu.memory_space<vmem>>, vector<16xf32>,
        tpu.vector_store %arg8[%parallel_loop3A_272, %parallel_loop3A_273], %parallel_loop3A_131 {add = true, strides = array<i32>} : memref<104x256xf32, #tpu.memory_space<vmem>>, vector<16xf32>,
        %parallel_loop3A_275 = arith.index_cast %parallel_loop3A_259 : i32 to index
        %parallel_loop3A_276 = arith.constant 80 : index
        %parallel_loop3A_277 = tpu.vector_load %arg8[%parallel_loop3A_275, %parallel_loop3A_276] {strides = array<i32>} : memref<104x256xf32, #tpu.memory_space<vmem>>, vector<16xf32>,
        tpu.vector_store %arg8[%parallel_loop3A_275, %parallel_loop3A_276], %parallel_loop3A_138 {add = true, strides = array<i32>} : memref<104x256xf32, #tpu.memory_space<vmem>>, vector<16xf32>,
        %parallel_loop3A_278 = arith.index_cast %parallel_loop3A_259 : i32 to index
        %parallel_loop3A_279 = arith.constant 96 : index
        %parallel_loop3A_280 = tpu.vector_load %arg8[%parallel_loop3A_278, %parallel_loop3A_279] {strides = array<i32>} : memref<104x256xf32, #tpu.memory_space<vmem>>, vector<16xf32>,
        tpu.vector_store %arg8[%parallel_loop3A_278, %parallel_loop3A_279], %parallel_loop3A_145 {add = true, strides = array<i32>} : memref<104x256xf32, #tpu.memory_space<vmem>>, vector<16xf32>,
        %parallel_loop3A_281 = arith.index_cast %parallel_loop3A_259 : i32 to index
        %parallel_loop3A_282 = arith.constant 112 : index
        %parallel_loop3A_283 = tpu.vector_load %arg8[%parallel_loop3A_281, %parallel_loop3A_282] {strides = array<i32>} : memref<104x256xf32, #tpu.memory_space<vmem>>, vector<16xf32>,
        tpu.vector_store %arg8[%parallel_loop3A_281, %parallel_loop3A_282], %parallel_loop3A_152 {add = true, strides = array<i32>} : memref<104x256xf32, #tpu.memory_space<vmem>>, vector<16xf32>,
        %parallel_loop3A_284 = arith.index_cast %parallel_loop3A_259 : i32 to index
        %parallel_loop3A_285 = arith.constant 128 : index
        %parallel_loop3A_286 = tpu.vector_load %arg8[%parallel_loop3A_284, %parallel_loop3A_285] {strides = array<i32>} : memref<104x256xf32, #tpu.memory_space<vmem>>, vector<16xf32>,
        tpu.vector_store %arg8[%parallel_loop3A_284, %parallel_loop3A_285], %parallel_loop3A_159 {add = true, strides = array<i32>} : memref<104x256xf32, #tpu.memory_space<vmem>>, vector<16xf32>,
        %parallel_loop3A_287 = arith.index_cast %parallel_loop3A_259 : i32 to index
        %parallel_loop3A_288 = arith.constant 144 : index
        %parallel_loop3A_289 = tpu.vector_load %arg8[%parallel_loop3A_287, %parallel_loop3A_288] {strides = array<i32>} : memref<104x256xf32, #tpu.memory_space<vmem>>, vector<16xf32>,
        tpu.vector_store %arg8[%parallel_loop3A_287, %parallel_loop3A_288], %parallel_loop3A_166 {add = true, strides = array<i32>} : memref<104x256xf32, #tpu.memory_space<vmem>>, vector<16xf32>,
        %parallel_loop3A_290 = arith.index_cast %parallel_loop3A_259 : i32 to index
        %parallel_loop3A_291 = arith.constant 160 : index
        %parallel_loop3A_292 = tpu.vector_load %arg8[%parallel_loop3A_290, %parallel_loop3A_291] {strides = array<i32>} : memref<104x256xf32, #tpu.memory_space<vmem>>, vector<16xf32>,
        tpu.vector_store %arg8[%parallel_loop3A_290, %parallel_loop3A_291], %parallel_loop3A_173 {add = true, strides = array<i32>} : memref<104x256xf32, #tpu.memory_space<vmem>>, vector<16xf32>,
        %parallel_loop3A_293 = arith.index_cast %parallel_loop3A_259 : i32 to index
        %parallel_loop3A_294 = arith.constant 176 : index
        %parallel_loop3A_295 = tpu.vector_load %arg8[%parallel_loop3A_293, %parallel_loop3A_294] {strides = array<i32>} : memref<104x256xf32, #tpu.memory_space<vmem>>, vector<16xf32>,
        tpu.vector_store %arg8[%parallel_loop3A_293, %parallel_loop3A_294], %parallel_loop3A_180 {add = true, strides = array<i32>} : memref<104x256xf32, #tpu.memory_space<vmem>>, vector<16xf32>,
        %parallel_loop3A_296 = arith.index_cast %parallel_loop3A_259 : i32 to index
        %parallel_loop3A_297 = arith.constant 192 : index
        %parallel_loop3A_298 = tpu.vector_load %arg8[%parallel_loop3A_296, %parallel_loop3A_297] {strides = array<i32>} : memref<104x256xf32, #tpu.memory_space<vmem>>, vector<16xf32>,
        tpu.vector_store %arg8[%parallel_loop3A_296, %parallel_loop3A_297], %parallel_loop3A_187 {add = true, strides = array<i32>} : memref<104x256xf32, #tpu.memory_space<vmem>>, vector<16xf32>,
        %parallel_loop3A_299 = arith.index_cast %parallel_loop3A_259 : i32 to index
        %parallel_loop3A_300 = arith.constant 208 : index
        %parallel_loop3A_301 = tpu.vector_load %arg8[%parallel_loop3A_299, %parallel_loop3A_300] {strides = array<i32>} : memref<104x256xf32, #tpu.memory_space<vmem>>, vector<16xf32>,
        tpu.vector_store %arg8[%parallel_loop3A_299, %parallel_loop3A_300], %parallel_loop3A_194 {add = true, strides = array<i32>} : memref<104x256xf32, #tpu.memory_space<vmem>>, vector<16xf32>,
        %parallel_loop3A_302 = arith.index_cast %parallel_loop3A_259 : i32 to index
        %parallel_loop3A_303 = arith.constant 224 : index
        %parallel_loop3A_304 = tpu.vector_load %arg8[%parallel_loop3A_302, %parallel_loop3A_303] {strides = array<i32>} : memref<104x256xf32, #tpu.memory_space<vmem>>, vector<16xf32>,
        tpu.vector_store %arg8[%parallel_loop3A_302, %parallel_loop3A_303], %parallel_loop3A_201 {add = true, strides = array<i32>} : memref<104x256xf32, #tpu.memory_space<vmem>>, vector<16xf32>,
        %parallel_loop3A_305 = arith.index_cast %parallel_loop3A_259 : i32 to index
        %parallel_loop3A_306 = arith.constant 240 : index
        %parallel_loop3A_307 = tpu.vector_load %arg8[%parallel_loop3A_305, %parallel_loop3A_306] {strides = array<i32>} : memref<104x256xf32, #tpu.memory_space<vmem>>, vector<16xf32>,
        tpu.vector_store %arg8[%parallel_loop3A_305, %parallel_loop3A_306], %parallel_loop3A_208 {add = true, strides = array<i32>} : memref<104x256xf32, #tpu.memory_space<vmem>>, vector<16xf32>,
      } else {
      }
      %parallel_loop3A_216 = arith.constant 0.000000e+00 : f32
      %parallel_loop3A_217 = arith.constant 1.000000e+00 : f32
      %parallel_loop3A_218 = arith.select %parallel_loop3A_212, %parallel_loop3A_216, %parallel_loop3A_217 : f32
      %parallel_loop3A_219 = vector.broadcast %parallel_loop3A_218 : f32 to vector<16xf32>
      %parallel_loop3A_220 = arith.mulf %parallel_loop3A_103, %parallel_loop3A_219 : vector<16xf32>
      %parallel_loop3A_221 = vector.broadcast %parallel_loop3A_218 : f32 to vector<16xf32>
      %parallel_loop3A_222 = arith.mulf %parallel_loop3A_110, %parallel_loop3A_221 : vector<16xf32>
      %parallel_loop3A_223 = vector.broadcast %parallel_loop3A_218 : f32 to vector<16xf32>
      %parallel_loop3A_224 = arith.mulf %parallel_loop3A_117, %parallel_loop3A_223 : vector<16xf32>
      %parallel_loop3A_225 = vector.broadcast %parallel_loop3A_218 : f32 to vector<16xf32>
      %parallel_loop3A_226 = arith.mulf %parallel_loop3A_124, %parallel_loop3A_225 : vector<16xf32>
      %parallel_loop3A_227 = vector.broadcast %parallel_loop3A_218 : f32 to vector<16xf32>
      %parallel_loop3A_228 = arith.mulf %parallel_loop3A_131, %parallel_loop3A_227 : vector<16xf32>
      %parallel_loop3A_229 = vector.broadcast %parallel_loop3A_218 : f32 to vector<16xf32>
      %parallel_loop3A_230 = arith.mulf %parallel_loop3A_138, %parallel_loop3A_229 : vector<16xf32>
      %parallel_loop3A_231 = vector.broadcast %parallel_loop3A_218 : f32 to vector<16xf32>
      %parallel_loop3A_232 = arith.mulf %parallel_loop3A_145, %parallel_loop3A_231 : vector<16xf32>
      %parallel_loop3A_233 = vector.broadcast %parallel_loop3A_218 : f32 to vector<16xf32>
      %parallel_loop3A_234 = arith.mulf %parallel_loop3A_152, %parallel_loop3A_233 : vector<16xf32>
      %parallel_loop3A_235 = vector.broadcast %parallel_loop3A_218 : f32 to vector<16xf32>
      %parallel_loop3A_236 = arith.mulf %parallel_loop3A_159, %parallel_loop3A_235 : vector<16xf32>
      %parallel_loop3A_237 = vector.broadcast %parallel_loop3A_218 : f32 to vector<16xf32>
      %parallel_loop3A_238 = arith.mulf %parallel_loop3A_166, %parallel_loop3A_237 : vector<16xf32>
      %parallel_loop3A_239 = vector.broadcast %parallel_loop3A_218 : f32 to vector<16xf32>
      %parallel_loop3A_240 = arith.mulf %parallel_loop3A_173, %parallel_loop3A_239 : vector<16xf32>
      %parallel_loop3A_241 = vector.broadcast %parallel_loop3A_218 : f32 to vector<16xf32>
      %parallel_loop3A_242 = arith.mulf %parallel_loop3A_180, %parallel_loop3A_241 : vector<16xf32>
      %parallel_loop3A_243 = vector.broadcast %parallel_loop3A_218 : f32 to vector<16xf32>
      %parallel_loop3A_244 = arith.mulf %parallel_loop3A_187, %parallel_loop3A_243 : vector<16xf32>
      %parallel_loop3A_245 = vector.broadcast %parallel_loop3A_218 : f32 to vector<16xf32>
      %parallel_loop3A_246 = arith.mulf %parallel_loop3A_194, %parallel_loop3A_245 : vector<16xf32>
      %parallel_loop3A_247 = vector.broadcast %parallel_loop3A_218 : f32 to vector<16xf32>
      %parallel_loop3A_248 = arith.mulf %parallel_loop3A_201, %parallel_loop3A_247 : vector<16xf32>
      %parallel_loop3A_249 = vector.broadcast %parallel_loop3A_218 : f32 to vector<16xf32>
      %parallel_loop3A_250 = arith.mulf %parallel_loop3A_208, %parallel_loop3A_249 : vector<16xf32>
      %parallel_loop3A_251 = arith.extui %parallel_loop3A_212 : i1 to i32
      %parallel_loop3A_252 = arith.addi %parallel_loop3A_75, %parallel_loop3A_251 : i32
      %parallel_loop3A_253 = arith.constant 1 : i32
      %parallel_loop3A_254 = arith.addi %parallel_loop3A_252, %parallel_loop3A_253 : i32
      %parallel_loop3A_255 = arith.select %parallel_loop3A_212, %parallel_loop3A_254, %parallel_loop3A_210 : i32
      scf.yield %parallel_loop3A_252, %parallel_loop3A_255, %parallel_loop3A_220, %parallel_loop3A_222, %parallel_loop3A_224, %parallel_loop3A_226, %parallel_loop3A_228, %parallel_loop3A_230, %parallel_loop3A_232, %parallel_loop3A_234, %parallel_loop3A_236, %parallel_loop3A_238, %parallel_loop3A_240, %parallel_loop3A_242, %parallel_loop3A_244, %parallel_loop3A_246, %parallel_loop3A_248, %parallel_loop3A_250 : i32, i32, vector<16xf32>, vector<16xf32>, vector<16xf32>, vector<16xf32>, vector<16xf32>, vector<16xf32>, vector<16xf32>, vector<16xf32>, vector<16xf32>, vector<16xf32>, vector<16xf32>, vector<16xf32>, vector<16xf32>, vector<16xf32>, vector<16xf32>, vector<16xf32>
    } {sc.loop_unroll_factor = 1 : i64, sc.parallel_access}
    "tpu.region"() ({
      %run_scoped3A = tpu.sem_alloc : memref<!tpu.dma_semaphore, #tpu.memory_space<semaphore_mem>>
      %dma_start3A_74 = arith.constant 0 : i32
      %dma_start3A_75 = tpu.memref_slice %arg4[%dma_start3A_74, %add3A_5] : memref<104x16384xf32, #tpu.memory_space<hbm>> -> memref<104x256xf32, #tpu.memory_space<hbm>>
      %dma_start3A_76 = arith.constant 0 : i32
      %dma_start3A_77 = tpu.memref_slice %arg4[%dma_start3A_76, %add3A_5] : memref<104x16384xf32, #tpu.memory_space<hbm>> -> memref<104x256xf32, #tpu.memory_space<hbm>>
      tpu.enqueue_dma source(%arg8 : memref<104x256xf32, #tpu.memory_space<vmem>>) target(%dma_start3A_77 : memref<104x256xf32, #tpu.memory_space<hbm>>) target_semaphore(%run_scoped3A : memref<!tpu.dma_semaphore, #tpu.memory_space<semaphore_mem>>)
      %dma_wait3A_78 = arith.constant 0 : i32
      %dma_wait3A_79 = tpu.memref_slice %arg4[%dma_wait3A_78, %add3A_5] : memref<104x16384xf32, #tpu.memory_space<hbm>> -> memref<104x256xf32, #tpu.memory_space<hbm>>
      %dma_wait3A_80 = arith.constant 0 : i32
      %dma_wait3A_81 = tpu.memref_slice %arg4[%dma_wait3A_80, %add3A_5] : memref<104x16384xf32, #tpu.memory_space<hbm>> -> memref<104x256xf32, #tpu.memory_space<hbm>>
      tpu.wait_dma2 semaphore(%run_scoped3A : memref<!tpu.dma_semaphore, #tpu.memory_space<semaphore_mem>>) src(%arg8 : memref<104x256xf32, #tpu.memory_space<vmem>>) dst(%dma_wait3A_81 : memref<104x256xf32, #tpu.memory_space<hbm>>)
      tpu.yield
    }) : () -> ()
    %mul3A_36 = arith.constant 512 : i32
    %mul3A_37 = arith.muli %add3A, %mul3A_36 : i32
    %add3A_38 = arith.constant 256 : i32
    %add3A_39 = arith.addi %mul3A_37, %add3A_38 : i32
    %dma_start3A_40 = arith.constant 0 : i32
    %dma_start3A_41 = tpu.memref_slice %arg2[%dma_start3A_40, %add3A_39] : memref<5051x16384xf32, #tpu.memory_space<hbm>> -> memref<64x256xf32, #tpu.memory_space<hbm>>
    %dma_start3A_42 = arith.constant 0 : i32
    %dma_start3A_43 = tpu.memref_slice %arg2[%dma_start3A_42, %add3A_39] : memref<5051x16384xf32, #tpu.memory_space<hbm>> -> memref<64x256xf32, #tpu.memory_space<hbm>>
    tpu.enqueue_dma source(%dma_start3A_43 : memref<64x256xf32, #tpu.memory_space<hbm>>) target(%arg5 : memref<64x256xf32, #tpu.memory_space<vmem>>) target_semaphore(%arg9 : memref<!tpu.dma_semaphore, #tpu.memory_space<semaphore_mem>>)
    %dma_start3A_44 = arith.constant 64 : i32
    %dma_start3A_45 = tpu.memref_slice %arg2[%dma_start3A_44, %add3A_39] : memref<5051x16384xf32, #tpu.memory_space<hbm>> -> memref<64x256xf32, #tpu.memory_space<hbm>>
    %dma_start3A_46 = arith.constant 64 : i32
    %dma_start3A_47 = tpu.memref_slice %arg2[%dma_start3A_46, %add3A_39] : memref<5051x16384xf32, #tpu.memory_space<hbm>> -> memref<64x256xf32, #tpu.memory_space<hbm>>
    tpu.enqueue_dma source(%dma_start3A_47 : memref<64x256xf32, #tpu.memory_space<hbm>>) target(%arg6 : memref<64x256xf32, #tpu.memory_space<vmem>>) target_semaphore(%arg10 : memref<!tpu.dma_semaphore, #tpu.memory_space<semaphore_mem>>)
    %dma_start3A_48 = arith.constant 0 : i32
    %dma_start3A_49 = tpu.memref_slice %arg3[%dma_start3A_48, %add3A_39] : memref<64x16384xf32, #tpu.memory_space<hbm>> -> memref<64x256xf32, #tpu.memory_space<hbm>>
    %dma_start3A_50 = arith.constant 0 : i32
    %dma_start3A_51 = tpu.memref_slice %arg3[%dma_start3A_50, %add3A_39] : memref<64x16384xf32, #tpu.memory_space<hbm>> -> memref<64x256xf32, #tpu.memory_space<hbm>>
    tpu.enqueue_dma source(%dma_start3A_51 : memref<64x256xf32, #tpu.memory_space<hbm>>) target(%arg7 : memref<64x256xf32, #tpu.memory_space<vmem>>) target_semaphore(%arg11 : memref<!tpu.dma_semaphore, #tpu.memory_space<semaphore_mem>>)
    %scan3A_52 = arith.constant 0 : i32
    %scan3A_53 = arith.constant 0 : i32
    %scan3A_54 = arith.constant 100 : i32
    %scan3A_55 = arith.addi %scan3A_53, %scan3A_54 : i32
    %scan3A_56 = arith.constant 1 : i32
    scf.for %scan3A_74 = %scan3A_53 to %scan3A_55 step %scan3A_56  : i32 {
      %swap3A = arith.index_cast %scan3A_74 : i32 to index
      %swap3A_75 = arith.constant 0 : index
      %swap3A_76 = tpu.vector_load %arg8[%swap3A, %swap3A_75] {strides = array<i32>} : memref<104x256xf32, #tpu.memory_space<vmem>>, vector<16xf32>,
      tpu.vector_store %arg8[%swap3A, %swap3A_75], %broadcast_in_dim3A_1 {strides = array<i32>} : memref<104x256xf32, #tpu.memory_space<vmem>>, vector<16xf32>,
      %swap3A_77 = arith.index_cast %scan3A_74 : i32 to index
      %swap3A_78 = arith.constant 16 : index
      %swap3A_79 = tpu.vector_load %arg8[%swap3A_77, %swap3A_78] {strides = array<i32>} : memref<104x256xf32, #tpu.memory_space<vmem>>, vector<16xf32>,
      tpu.vector_store %arg8[%swap3A_77, %swap3A_78], %broadcast_in_dim3A_1 {strides = array<i32>} : memref<104x256xf32, #tpu.memory_space<vmem>>, vector<16xf32>,
      %swap3A_80 = arith.index_cast %scan3A_74 : i32 to index
      %swap3A_81 = arith.constant 32 : index
      %swap3A_82 = tpu.vector_load %arg8[%swap3A_80, %swap3A_81] {strides = array<i32>} : memref<104x256xf32, #tpu.memory_space<vmem>>, vector<16xf32>,
      tpu.vector_store %arg8[%swap3A_80, %swap3A_81], %broadcast_in_dim3A_1 {strides = array<i32>} : memref<104x256xf32, #tpu.memory_space<vmem>>, vector<16xf32>,
      %swap3A_83 = arith.index_cast %scan3A_74 : i32 to index
      %swap3A_84 = arith.constant 48 : index
      %swap3A_85 = tpu.vector_load %arg8[%swap3A_83, %swap3A_84] {strides = array<i32>} : memref<104x256xf32, #tpu.memory_space<vmem>>, vector<16xf32>,
      tpu.vector_store %arg8[%swap3A_83, %swap3A_84], %broadcast_in_dim3A_1 {strides = array<i32>} : memref<104x256xf32, #tpu.memory_space<vmem>>, vector<16xf32>,
      %swap3A_86 = arith.index_cast %scan3A_74 : i32 to index
      %swap3A_87 = arith.constant 64 : index
      %swap3A_88 = tpu.vector_load %arg8[%swap3A_86, %swap3A_87] {strides = array<i32>} : memref<104x256xf32, #tpu.memory_space<vmem>>, vector<16xf32>,
      tpu.vector_store %arg8[%swap3A_86, %swap3A_87], %broadcast_in_dim3A_1 {strides = array<i32>} : memref<104x256xf32, #tpu.memory_space<vmem>>, vector<16xf32>,
      %swap3A_89 = arith.index_cast %scan3A_74 : i32 to index
      %swap3A_90 = arith.constant 80 : index
      %swap3A_91 = tpu.vector_load %arg8[%swap3A_89, %swap3A_90] {strides = array<i32>} : memref<104x256xf32, #tpu.memory_space<vmem>>, vector<16xf32>,
      tpu.vector_store %arg8[%swap3A_89, %swap3A_90], %broadcast_in_dim3A_1 {strides = array<i32>} : memref<104x256xf32, #tpu.memory_space<vmem>>, vector<16xf32>,
      %swap3A_92 = arith.index_cast %scan3A_74 : i32 to index
      %swap3A_93 = arith.constant 96 : index
      %swap3A_94 = tpu.vector_load %arg8[%swap3A_92, %swap3A_93] {strides = array<i32>} : memref<104x256xf32, #tpu.memory_space<vmem>>, vector<16xf32>,
      tpu.vector_store %arg8[%swap3A_92, %swap3A_93], %broadcast_in_dim3A_1 {strides = array<i32>} : memref<104x256xf32, #tpu.memory_space<vmem>>, vector<16xf32>,
      %swap3A_95 = arith.index_cast %scan3A_74 : i32 to index
      %swap3A_96 = arith.constant 112 : index
      %swap3A_97 = tpu.vector_load %arg8[%swap3A_95, %swap3A_96] {strides = array<i32>} : memref<104x256xf32, #tpu.memory_space<vmem>>, vector<16xf32>,
      tpu.vector_store %arg8[%swap3A_95, %swap3A_96], %broadcast_in_dim3A_1 {strides = array<i32>} : memref<104x256xf32, #tpu.memory_space<vmem>>, vector<16xf32>,
      %swap3A_98 = arith.index_cast %scan3A_74 : i32 to index
      %swap3A_99 = arith.constant 128 : index
      %swap3A_100 = tpu.vector_load %arg8[%swap3A_98, %swap3A_99] {strides = array<i32>} : memref<104x256xf32, #tpu.memory_space<vmem>>, vector<16xf32>,
      tpu.vector_store %arg8[%swap3A_98, %swap3A_99], %broadcast_in_dim3A_1 {strides = array<i32>} : memref<104x256xf32, #tpu.memory_space<vmem>>, vector<16xf32>,
      %swap3A_101 = arith.index_cast %scan3A_74 : i32 to index
      %swap3A_102 = arith.constant 144 : index
      %swap3A_103 = tpu.vector_load %arg8[%swap3A_101, %swap3A_102] {strides = array<i32>} : memref<104x256xf32, #tpu.memory_space<vmem>>, vector<16xf32>,
      tpu.vector_store %arg8[%swap3A_101, %swap3A_102], %broadcast_in_dim3A_1 {strides = array<i32>} : memref<104x256xf32, #tpu.memory_space<vmem>>, vector<16xf32>,
      %swap3A_104 = arith.index_cast %scan3A_74 : i32 to index
      %swap3A_105 = arith.constant 160 : index
      %swap3A_106 = tpu.vector_load %arg8[%swap3A_104, %swap3A_105] {strides = array<i32>} : memref<104x256xf32, #tpu.memory_space<vmem>>, vector<16xf32>,
      tpu.vector_store %arg8[%swap3A_104, %swap3A_105], %broadcast_in_dim3A_1 {strides = array<i32>} : memref<104x256xf32, #tpu.memory_space<vmem>>, vector<16xf32>,
      %swap3A_107 = arith.index_cast %scan3A_74 : i32 to index
      %swap3A_108 = arith.constant 176 : index
      %swap3A_109 = tpu.vector_load %arg8[%swap3A_107, %swap3A_108] {strides = array<i32>} : memref<104x256xf32, #tpu.memory_space<vmem>>, vector<16xf32>,
      tpu.vector_store %arg8[%swap3A_107, %swap3A_108], %broadcast_in_dim3A_1 {strides = array<i32>} : memref<104x256xf32, #tpu.memory_space<vmem>>, vector<16xf32>,
      %swap3A_110 = arith.index_cast %scan3A_74 : i32 to index
      %swap3A_111 = arith.constant 192 : index
      %swap3A_112 = tpu.vector_load %arg8[%swap3A_110, %swap3A_111] {strides = array<i32>} : memref<104x256xf32, #tpu.memory_space<vmem>>, vector<16xf32>,
      tpu.vector_store %arg8[%swap3A_110, %swap3A_111], %broadcast_in_dim3A_1 {strides = array<i32>} : memref<104x256xf32, #tpu.memory_space<vmem>>, vector<16xf32>,
      %swap3A_113 = arith.index_cast %scan3A_74 : i32 to index
      %swap3A_114 = arith.constant 208 : index
      %swap3A_115 = tpu.vector_load %arg8[%swap3A_113, %swap3A_114] {strides = array<i32>} : memref<104x256xf32, #tpu.memory_space<vmem>>, vector<16xf32>,
      tpu.vector_store %arg8[%swap3A_113, %swap3A_114], %broadcast_in_dim3A_1 {strides = array<i32>} : memref<104x256xf32, #tpu.memory_space<vmem>>, vector<16xf32>,
      %swap3A_116 = arith.index_cast %scan3A_74 : i32 to index
      %swap3A_117 = arith.constant 224 : index
      %swap3A_118 = tpu.vector_load %arg8[%swap3A_116, %swap3A_117] {strides = array<i32>} : memref<104x256xf32, #tpu.memory_space<vmem>>, vector<16xf32>,
      tpu.vector_store %arg8[%swap3A_116, %swap3A_117], %broadcast_in_dim3A_1 {strides = array<i32>} : memref<104x256xf32, #tpu.memory_space<vmem>>, vector<16xf32>,
      %swap3A_119 = arith.index_cast %scan3A_74 : i32 to index
      %swap3A_120 = arith.constant 240 : index
      %swap3A_121 = tpu.vector_load %arg8[%swap3A_119, %swap3A_120] {strides = array<i32>} : memref<104x256xf32, #tpu.memory_space<vmem>>, vector<16xf32>,
      tpu.vector_store %arg8[%swap3A_119, %swap3A_120], %broadcast_in_dim3A_1 {strides = array<i32>} : memref<104x256xf32, #tpu.memory_space<vmem>>, vector<16xf32>,
    }
    %scan3A_57 = arith.constant 100 : i32
    %scan3A_58 = arith.constant 0 : i32
    %scan3A_59 = arith.constant 1 : i32
    %scan3A_60 = arith.constant 0 : i32
    %scan3A_61 = arith.constant 39 : i32
    %scan3A_62 = arith.addi %scan3A_60, %scan3A_61 : i32
    %scan3A_63 = arith.constant 1 : i32
    %scan3A_64:18 = scf.for %scan3A_74 = %scan3A_60 to %scan3A_62 step %scan3A_63 iter_args(%scan3A_75 = %scan3A_58, %scan3A_76 = %scan3A_59, %scan3A_77 = %broadcast_in_dim3A_1, %scan3A_78 = %broadcast_in_dim3A_1, %scan3A_79 = %broadcast_in_dim3A_1, %scan3A_80 = %broadcast_in_dim3A_1, %scan3A_81 = %broadcast_in_dim3A_1, %scan3A_82 = %broadcast_in_dim3A_1, %scan3A_83 = %broadcast_in_dim3A_1, %scan3A_84 = %broadcast_in_dim3A_1, %scan3A_85 = %broadcast_in_dim3A_1, %scan3A_86 = %broadcast_in_dim3A_1, %scan3A_87 = %broadcast_in_dim3A_1, %scan3A_88 = %broadcast_in_dim3A_1, %scan3A_89 = %broadcast_in_dim3A_1, %scan3A_90 = %broadcast_in_dim3A_1, %scan3A_91 = %broadcast_in_dim3A_1, %scan3A_92 = %broadcast_in_dim3A_1) -> (i32, i32, vector<16xf32>, vector<16xf32>, vector<16xf32>, vector<16xf32>, vector<16xf32>, vector<16xf32>, vector<16xf32>, vector<16xf32>, vector<16xf32>, vector<16xf32>, vector<16xf32>, vector<16xf32>, vector<16xf32>, vector<16xf32>, vector<16xf32>, vector<16xf32>)  : i32 {
      %mul3A_93 = arith.constant 2 : i32
      %mul3A_94 = arith.muli %mul3A_93, %scan3A_74 : i32
      %add3A_95 = arith.constant 0 : i32
      %add3A_96 = arith.addi %mul3A_94, %add3A_95 : i32
      %mul3A_97 = arith.constant 64 : i32
      %mul3A_98 = arith.muli %add3A_96, %mul3A_97 : i32
      %dma_wait3A_99 = tpu.memref_slice %arg2[%mul3A_98, %add3A_39] : memref<5051x16384xf32, #tpu.memory_space<hbm>> -> memref<64x256xf32, #tpu.memory_space<hbm>>
      %dma_wait3A_100 = tpu.memref_slice %arg2[%mul3A_98, %add3A_39] : memref<5051x16384xf32, #tpu.memory_space<hbm>> -> memref<64x256xf32, #tpu.memory_space<hbm>>
      tpu.wait_dma2 semaphore(%arg9 : memref<!tpu.dma_semaphore, #tpu.memory_space<semaphore_mem>>) src(%dma_wait3A_100 : memref<64x256xf32, #tpu.memory_space<hbm>>) dst(%arg5 : memref<64x256xf32, #tpu.memory_space<vmem>>)
      %parallel_loop3A_101 = arith.constant 0 : i32
      %parallel_loop3A_102 = arith.constant 64 : i32
      %parallel_loop3A_103 = arith.constant 1 : i32
      %parallel_loop3A_104:18 = scf.for %parallel_loop3A_128 = %parallel_loop3A_101 to %parallel_loop3A_102 step %parallel_loop3A_103 iter_args(%parallel_loop3A_129 = %scan3A_75, %parallel_loop3A_130 = %scan3A_76, %parallel_loop3A_131 = %scan3A_77, %parallel_loop3A_132 = %scan3A_78, %parallel_loop3A_133 = %scan3A_79, %parallel_loop3A_134 = %scan3A_80, %parallel_loop3A_135 = %scan3A_81, %parallel_loop3A_136 = %scan3A_82, %parallel_loop3A_137 = %scan3A_83, %parallel_loop3A_138 = %scan3A_84, %parallel_loop3A_139 = %scan3A_85, %parallel_loop3A_140 = %scan3A_86, %parallel_loop3A_141 = %scan3A_87, %parallel_loop3A_142 = %scan3A_88, %parallel_loop3A_143 = %scan3A_89, %parallel_loop3A_144 = %scan3A_90, %parallel_loop3A_145 = %scan3A_91, %parallel_loop3A_146 = %scan3A_92) -> (i32, i32, vector<16xf32>, vector<16xf32>, vector<16xf32>, vector<16xf32>, vector<16xf32>, vector<16xf32>, vector<16xf32>, vector<16xf32>, vector<16xf32>, vector<16xf32>, vector<16xf32>, vector<16xf32>, vector<16xf32>, vector<16xf32>, vector<16xf32>, vector<16xf32>)  : i32 {
        %parallel_loop3A_147 = arith.constant 100 : i32
        %parallel_loop3A_148 = arith.cmpi sge, %parallel_loop3A_130, %parallel_loop3A_147 : i32
        %parallel_loop3A_149 = arith.constant 100 : i32
        %parallel_loop3A_150 = arith.select %parallel_loop3A_148, %parallel_loop3A_149, %parallel_loop3A_130 : i32
        %parallel_loop3A_151 = arith.index_cast %parallel_loop3A_128 : i32 to index
        %parallel_loop3A_152 = arith.constant 0 : index
        %parallel_loop3A_153 = tpu.vector_load %arg5[%parallel_loop3A_151, %parallel_loop3A_152] {strides = array<i32>} : memref<64x256xf32, #tpu.memory_space<vmem>>, vector<16xf32>,
        %parallel_loop3A_154 = arith.index_cast %parallel_loop3A_150 : i32 to index
        %parallel_loop3A_155 = arith.constant 0 : index
        %parallel_loop3A_156 = tpu.vector_load %arg8[%parallel_loop3A_154, %parallel_loop3A_155] {strides = array<i32>} : memref<104x256xf32, #tpu.memory_space<vmem>>, vector<16xf32>,
        tpu.vector_store %arg8[%parallel_loop3A_154, %parallel_loop3A_155], %parallel_loop3A_153 {add = true, strides = array<i32>} : memref<104x256xf32, #tpu.memory_space<vmem>>, vector<16xf32>,
        %parallel_loop3A_157 = arith.addf %parallel_loop3A_131, %parallel_loop3A_153 : vector<16xf32>
        %parallel_loop3A_158 = arith.index_cast %parallel_loop3A_128 : i32 to index
        %parallel_loop3A_159 = arith.constant 16 : index
        %parallel_loop3A_160 = tpu.vector_load %arg5[%parallel_loop3A_158, %parallel_loop3A_159] {strides = array<i32>} : memref<64x256xf32, #tpu.memory_space<vmem>>, vector<16xf32>,
        %parallel_loop3A_161 = arith.index_cast %parallel_loop3A_150 : i32 to index
        %parallel_loop3A_162 = arith.constant 16 : index
        %parallel_loop3A_163 = tpu.vector_load %arg8[%parallel_loop3A_161, %parallel_loop3A_162] {strides = array<i32>} : memref<104x256xf32, #tpu.memory_space<vmem>>, vector<16xf32>,
        tpu.vector_store %arg8[%parallel_loop3A_161, %parallel_loop3A_162], %parallel_loop3A_160 {add = true, strides = array<i32>} : memref<104x256xf32, #tpu.memory_space<vmem>>, vector<16xf32>,
        %parallel_loop3A_164 = arith.addf %parallel_loop3A_132, %parallel_loop3A_160 : vector<16xf32>
        %parallel_loop3A_165 = arith.index_cast %parallel_loop3A_128 : i32 to index
        %parallel_loop3A_166 = arith.constant 32 : index
        %parallel_loop3A_167 = tpu.vector_load %arg5[%parallel_loop3A_165, %parallel_loop3A_166] {strides = array<i32>} : memref<64x256xf32, #tpu.memory_space<vmem>>, vector<16xf32>,
        %parallel_loop3A_168 = arith.index_cast %parallel_loop3A_150 : i32 to index
        %parallel_loop3A_169 = arith.constant 32 : index
        %parallel_loop3A_170 = tpu.vector_load %arg8[%parallel_loop3A_168, %parallel_loop3A_169] {strides = array<i32>} : memref<104x256xf32, #tpu.memory_space<vmem>>, vector<16xf32>,
        tpu.vector_store %arg8[%parallel_loop3A_168, %parallel_loop3A_169], %parallel_loop3A_167 {add = true, strides = array<i32>} : memref<104x256xf32, #tpu.memory_space<vmem>>, vector<16xf32>,
        %parallel_loop3A_171 = arith.addf %parallel_loop3A_133, %parallel_loop3A_167 : vector<16xf32>
        %parallel_loop3A_172 = arith.index_cast %parallel_loop3A_128 : i32 to index
        %parallel_loop3A_173 = arith.constant 48 : index
        %parallel_loop3A_174 = tpu.vector_load %arg5[%parallel_loop3A_172, %parallel_loop3A_173] {strides = array<i32>} : memref<64x256xf32, #tpu.memory_space<vmem>>, vector<16xf32>,
        %parallel_loop3A_175 = arith.index_cast %parallel_loop3A_150 : i32 to index
        %parallel_loop3A_176 = arith.constant 48 : index
        %parallel_loop3A_177 = tpu.vector_load %arg8[%parallel_loop3A_175, %parallel_loop3A_176] {strides = array<i32>} : memref<104x256xf32, #tpu.memory_space<vmem>>, vector<16xf32>,
        tpu.vector_store %arg8[%parallel_loop3A_175, %parallel_loop3A_176], %parallel_loop3A_174 {add = true, strides = array<i32>} : memref<104x256xf32, #tpu.memory_space<vmem>>, vector<16xf32>,
        %parallel_loop3A_178 = arith.addf %parallel_loop3A_134, %parallel_loop3A_174 : vector<16xf32>
        %parallel_loop3A_179 = arith.index_cast %parallel_loop3A_128 : i32 to index
        %parallel_loop3A_180 = arith.constant 64 : index
        %parallel_loop3A_181 = tpu.vector_load %arg5[%parallel_loop3A_179, %parallel_loop3A_180] {strides = array<i32>} : memref<64x256xf32, #tpu.memory_space<vmem>>, vector<16xf32>,
        %parallel_loop3A_182 = arith.index_cast %parallel_loop3A_150 : i32 to index
        %parallel_loop3A_183 = arith.constant 64 : index
        %parallel_loop3A_184 = tpu.vector_load %arg8[%parallel_loop3A_182, %parallel_loop3A_183] {strides = array<i32>} : memref<104x256xf32, #tpu.memory_space<vmem>>, vector<16xf32>,
        tpu.vector_store %arg8[%parallel_loop3A_182, %parallel_loop3A_183], %parallel_loop3A_181 {add = true, strides = array<i32>} : memref<104x256xf32, #tpu.memory_space<vmem>>, vector<16xf32>,
        %parallel_loop3A_185 = arith.addf %parallel_loop3A_135, %parallel_loop3A_181 : vector<16xf32>
        %parallel_loop3A_186 = arith.index_cast %parallel_loop3A_128 : i32 to index
        %parallel_loop3A_187 = arith.constant 80 : index
        %parallel_loop3A_188 = tpu.vector_load %arg5[%parallel_loop3A_186, %parallel_loop3A_187] {strides = array<i32>} : memref<64x256xf32, #tpu.memory_space<vmem>>, vector<16xf32>,
        %parallel_loop3A_189 = arith.index_cast %parallel_loop3A_150 : i32 to index
        %parallel_loop3A_190 = arith.constant 80 : index
        %parallel_loop3A_191 = tpu.vector_load %arg8[%parallel_loop3A_189, %parallel_loop3A_190] {strides = array<i32>} : memref<104x256xf32, #tpu.memory_space<vmem>>, vector<16xf32>,
        tpu.vector_store %arg8[%parallel_loop3A_189, %parallel_loop3A_190], %parallel_loop3A_188 {add = true, strides = array<i32>} : memref<104x256xf32, #tpu.memory_space<vmem>>, vector<16xf32>,
        %parallel_loop3A_192 = arith.addf %parallel_loop3A_136, %parallel_loop3A_188 : vector<16xf32>
        %parallel_loop3A_193 = arith.index_cast %parallel_loop3A_128 : i32 to index
        %parallel_loop3A_194 = arith.constant 96 : index
        %parallel_loop3A_195 = tpu.vector_load %arg5[%parallel_loop3A_193, %parallel_loop3A_194] {strides = array<i32>} : memref<64x256xf32, #tpu.memory_space<vmem>>, vector<16xf32>,
        %parallel_loop3A_196 = arith.index_cast %parallel_loop3A_150 : i32 to index
        %parallel_loop3A_197 = arith.constant 96 : index
        %parallel_loop3A_198 = tpu.vector_load %arg8[%parallel_loop3A_196, %parallel_loop3A_197] {strides = array<i32>} : memref<104x256xf32, #tpu.memory_space<vmem>>, vector<16xf32>,
        tpu.vector_store %arg8[%parallel_loop3A_196, %parallel_loop3A_197], %parallel_loop3A_195 {add = true, strides = array<i32>} : memref<104x256xf32, #tpu.memory_space<vmem>>, vector<16xf32>,
        %parallel_loop3A_199 = arith.addf %parallel_loop3A_137, %parallel_loop3A_195 : vector<16xf32>
        %parallel_loop3A_200 = arith.index_cast %parallel_loop3A_128 : i32 to index
        %parallel_loop3A_201 = arith.constant 112 : index
        %parallel_loop3A_202 = tpu.vector_load %arg5[%parallel_loop3A_200, %parallel_loop3A_201] {strides = array<i32>} : memref<64x256xf32, #tpu.memory_space<vmem>>, vector<16xf32>,
        %parallel_loop3A_203 = arith.index_cast %parallel_loop3A_150 : i32 to index
        %parallel_loop3A_204 = arith.constant 112 : index
        %parallel_loop3A_205 = tpu.vector_load %arg8[%parallel_loop3A_203, %parallel_loop3A_204] {strides = array<i32>} : memref<104x256xf32, #tpu.memory_space<vmem>>, vector<16xf32>,
        tpu.vector_store %arg8[%parallel_loop3A_203, %parallel_loop3A_204], %parallel_loop3A_202 {add = true, strides = array<i32>} : memref<104x256xf32, #tpu.memory_space<vmem>>, vector<16xf32>,
        %parallel_loop3A_206 = arith.addf %parallel_loop3A_138, %parallel_loop3A_202 : vector<16xf32>
        %parallel_loop3A_207 = arith.index_cast %parallel_loop3A_128 : i32 to index
        %parallel_loop3A_208 = arith.constant 128 : index
        %parallel_loop3A_209 = tpu.vector_load %arg5[%parallel_loop3A_207, %parallel_loop3A_208] {strides = array<i32>} : memref<64x256xf32, #tpu.memory_space<vmem>>, vector<16xf32>,
        %parallel_loop3A_210 = arith.index_cast %parallel_loop3A_150 : i32 to index
        %parallel_loop3A_211 = arith.constant 128 : index
        %parallel_loop3A_212 = tpu.vector_load %arg8[%parallel_loop3A_210, %parallel_loop3A_211] {strides = array<i32>} : memref<104x256xf32, #tpu.memory_space<vmem>>, vector<16xf32>,
        tpu.vector_store %arg8[%parallel_loop3A_210, %parallel_loop3A_211], %parallel_loop3A_209 {add = true, strides = array<i32>} : memref<104x256xf32, #tpu.memory_space<vmem>>, vector<16xf32>,
        %parallel_loop3A_213 = arith.addf %parallel_loop3A_139, %parallel_loop3A_209 : vector<16xf32>
        %parallel_loop3A_214 = arith.index_cast %parallel_loop3A_128 : i32 to index
        %parallel_loop3A_215 = arith.constant 144 : index
        %parallel_loop3A_216 = tpu.vector_load %arg5[%parallel_loop3A_214, %parallel_loop3A_215] {strides = array<i32>} : memref<64x256xf32, #tpu.memory_space<vmem>>, vector<16xf32>,
        %parallel_loop3A_217 = arith.index_cast %parallel_loop3A_150 : i32 to index
        %parallel_loop3A_218 = arith.constant 144 : index
        %parallel_loop3A_219 = tpu.vector_load %arg8[%parallel_loop3A_217, %parallel_loop3A_218] {strides = array<i32>} : memref<104x256xf32, #tpu.memory_space<vmem>>, vector<16xf32>,
        tpu.vector_store %arg8[%parallel_loop3A_217, %parallel_loop3A_218], %parallel_loop3A_216 {add = true, strides = array<i32>} : memref<104x256xf32, #tpu.memory_space<vmem>>, vector<16xf32>,
        %parallel_loop3A_220 = arith.addf %parallel_loop3A_140, %parallel_loop3A_216 : vector<16xf32>
        %parallel_loop3A_221 = arith.index_cast %parallel_loop3A_128 : i32 to index
        %parallel_loop3A_222 = arith.constant 160 : index
        %parallel_loop3A_223 = tpu.vector_load %arg5[%parallel_loop3A_221, %parallel_loop3A_222] {strides = array<i32>} : memref<64x256xf32, #tpu.memory_space<vmem>>, vector<16xf32>,
        %parallel_loop3A_224 = arith.index_cast %parallel_loop3A_150 : i32 to index
        %parallel_loop3A_225 = arith.constant 160 : index
        %parallel_loop3A_226 = tpu.vector_load %arg8[%parallel_loop3A_224, %parallel_loop3A_225] {strides = array<i32>} : memref<104x256xf32, #tpu.memory_space<vmem>>, vector<16xf32>,
        tpu.vector_store %arg8[%parallel_loop3A_224, %parallel_loop3A_225], %parallel_loop3A_223 {add = true, strides = array<i32>} : memref<104x256xf32, #tpu.memory_space<vmem>>, vector<16xf32>,
        %parallel_loop3A_227 = arith.addf %parallel_loop3A_141, %parallel_loop3A_223 : vector<16xf32>
        %parallel_loop3A_228 = arith.index_cast %parallel_loop3A_128 : i32 to index
        %parallel_loop3A_229 = arith.constant 176 : index
        %parallel_loop3A_230 = tpu.vector_load %arg5[%parallel_loop3A_228, %parallel_loop3A_229] {strides = array<i32>} : memref<64x256xf32, #tpu.memory_space<vmem>>, vector<16xf32>,
        %parallel_loop3A_231 = arith.index_cast %parallel_loop3A_150 : i32 to index
        %parallel_loop3A_232 = arith.constant 176 : index
        %parallel_loop3A_233 = tpu.vector_load %arg8[%parallel_loop3A_231, %parallel_loop3A_232] {strides = array<i32>} : memref<104x256xf32, #tpu.memory_space<vmem>>, vector<16xf32>,
        tpu.vector_store %arg8[%parallel_loop3A_231, %parallel_loop3A_232], %parallel_loop3A_230 {add = true, strides = array<i32>} : memref<104x256xf32, #tpu.memory_space<vmem>>, vector<16xf32>,
        %parallel_loop3A_234 = arith.addf %parallel_loop3A_142, %parallel_loop3A_230 : vector<16xf32>
        %parallel_loop3A_235 = arith.index_cast %parallel_loop3A_128 : i32 to index
        %parallel_loop3A_236 = arith.constant 192 : index
        %parallel_loop3A_237 = tpu.vector_load %arg5[%parallel_loop3A_235, %parallel_loop3A_236] {strides = array<i32>} : memref<64x256xf32, #tpu.memory_space<vmem>>, vector<16xf32>,
        %parallel_loop3A_238 = arith.index_cast %parallel_loop3A_150 : i32 to index
        %parallel_loop3A_239 = arith.constant 192 : index
        %parallel_loop3A_240 = tpu.vector_load %arg8[%parallel_loop3A_238, %parallel_loop3A_239] {strides = array<i32>} : memref<104x256xf32, #tpu.memory_space<vmem>>, vector<16xf32>,
        tpu.vector_store %arg8[%parallel_loop3A_238, %parallel_loop3A_239], %parallel_loop3A_237 {add = true, strides = array<i32>} : memref<104x256xf32, #tpu.memory_space<vmem>>, vector<16xf32>,
        %parallel_loop3A_241 = arith.addf %parallel_loop3A_143, %parallel_loop3A_237 : vector<16xf32>
        %parallel_loop3A_242 = arith.index_cast %parallel_loop3A_128 : i32 to index
        %parallel_loop3A_243 = arith.constant 208 : index
        %parallel_loop3A_244 = tpu.vector_load %arg5[%parallel_loop3A_242, %parallel_loop3A_243] {strides = array<i32>} : memref<64x256xf32, #tpu.memory_space<vmem>>, vector<16xf32>,
        %parallel_loop3A_245 = arith.index_cast %parallel_loop3A_150 : i32 to index
        %parallel_loop3A_246 = arith.constant 208 : index
        %parallel_loop3A_247 = tpu.vector_load %arg8[%parallel_loop3A_245, %parallel_loop3A_246] {strides = array<i32>} : memref<104x256xf32, #tpu.memory_space<vmem>>, vector<16xf32>,
        tpu.vector_store %arg8[%parallel_loop3A_245, %parallel_loop3A_246], %parallel_loop3A_244 {add = true, strides = array<i32>} : memref<104x256xf32, #tpu.memory_space<vmem>>, vector<16xf32>,
        %parallel_loop3A_248 = arith.addf %parallel_loop3A_144, %parallel_loop3A_244 : vector<16xf32>
        %parallel_loop3A_249 = arith.index_cast %parallel_loop3A_128 : i32 to index
        %parallel_loop3A_250 = arith.constant 224 : index
        %parallel_loop3A_251 = tpu.vector_load %arg5[%parallel_loop3A_249, %parallel_loop3A_250] {strides = array<i32>} : memref<64x256xf32, #tpu.memory_space<vmem>>, vector<16xf32>,
        %parallel_loop3A_252 = arith.index_cast %parallel_loop3A_150 : i32 to index
        %parallel_loop3A_253 = arith.constant 224 : index
        %parallel_loop3A_254 = tpu.vector_load %arg8[%parallel_loop3A_252, %parallel_loop3A_253] {strides = array<i32>} : memref<104x256xf32, #tpu.memory_space<vmem>>, vector<16xf32>,
        tpu.vector_store %arg8[%parallel_loop3A_252, %parallel_loop3A_253], %parallel_loop3A_251 {add = true, strides = array<i32>} : memref<104x256xf32, #tpu.memory_space<vmem>>, vector<16xf32>,
        %parallel_loop3A_255 = arith.addf %parallel_loop3A_145, %parallel_loop3A_251 : vector<16xf32>
        %parallel_loop3A_256 = arith.index_cast %parallel_loop3A_128 : i32 to index
        %parallel_loop3A_257 = arith.constant 240 : index
        %parallel_loop3A_258 = tpu.vector_load %arg5[%parallel_loop3A_256, %parallel_loop3A_257] {strides = array<i32>} : memref<64x256xf32, #tpu.memory_space<vmem>>, vector<16xf32>,
        %parallel_loop3A_259 = arith.index_cast %parallel_loop3A_150 : i32 to index
        %parallel_loop3A_260 = arith.constant 240 : index
        %parallel_loop3A_261 = tpu.vector_load %arg8[%parallel_loop3A_259, %parallel_loop3A_260] {strides = array<i32>} : memref<104x256xf32, #tpu.memory_space<vmem>>, vector<16xf32>,
        tpu.vector_store %arg8[%parallel_loop3A_259, %parallel_loop3A_260], %parallel_loop3A_258 {add = true, strides = array<i32>} : memref<104x256xf32, #tpu.memory_space<vmem>>, vector<16xf32>,
        %parallel_loop3A_262 = arith.addf %parallel_loop3A_146, %parallel_loop3A_258 : vector<16xf32>
        %parallel_loop3A_263 = arith.constant 1 : i32
        %parallel_loop3A_264 = arith.addi %parallel_loop3A_130, %parallel_loop3A_263 : i32
        %parallel_loop3A_265 = arith.constant 100 : i32
        %parallel_loop3A_266 = arith.cmpi sgt, %parallel_loop3A_264, %parallel_loop3A_265 : i32
        %parallel_loop3A_267 = arith.extui %parallel_loop3A_266 : i1 to i32
        %parallel_loop3A_268 = arith.constant 0 : i32
        %parallel_loop3A_269 = arith.cmpi ne, %parallel_loop3A_267, %parallel_loop3A_268 : i32
        scf.if %parallel_loop3A_269 {
          %parallel_loop3A_310 = arith.constant 100 : i32
          %parallel_loop3A_311 = arith.cmpi sge, %parallel_loop3A_129, %parallel_loop3A_310 : i32
          %parallel_loop3A_312 = arith.constant 101 : i32
          %parallel_loop3A_313 = arith.select %parallel_loop3A_311, %parallel_loop3A_312, %parallel_loop3A_129 : i32
          %parallel_loop3A_314 = arith.index_cast %parallel_loop3A_313 : i32 to index
          %parallel_loop3A_315 = arith.constant 0 : index
          %parallel_loop3A_316 = tpu.vector_load %arg8[%parallel_loop3A_314, %parallel_loop3A_315] {strides = array<i32>} : memref<104x256xf32, #tpu.memory_space<vmem>>, vector<16xf32>,
          tpu.vector_store %arg8[%parallel_loop3A_314, %parallel_loop3A_315], %parallel_loop3A_157 {add = true, strides = array<i32>} : memref<104x256xf32, #tpu.memory_space<vmem>>, vector<16xf32>,
          %parallel_loop3A_317 = arith.index_cast %parallel_loop3A_313 : i32 to index
          %parallel_loop3A_318 = arith.constant 16 : index
          %parallel_loop3A_319 = tpu.vector_load %arg8[%parallel_loop3A_317, %parallel_loop3A_318] {strides = array<i32>} : memref<104x256xf32, #tpu.memory_space<vmem>>, vector<16xf32>,
          tpu.vector_store %arg8[%parallel_loop3A_317, %parallel_loop3A_318], %parallel_loop3A_164 {add = true, strides = array<i32>} : memref<104x256xf32, #tpu.memory_space<vmem>>, vector<16xf32>,
          %parallel_loop3A_320 = arith.index_cast %parallel_loop3A_313 : i32 to index
          %parallel_loop3A_321 = arith.constant 32 : index
          %parallel_loop3A_322 = tpu.vector_load %arg8[%parallel_loop3A_320, %parallel_loop3A_321] {strides = array<i32>} : memref<104x256xf32, #tpu.memory_space<vmem>>, vector<16xf32>,
          tpu.vector_store %arg8[%parallel_loop3A_320, %parallel_loop3A_321], %parallel_loop3A_171 {add = true, strides = array<i32>} : memref<104x256xf32, #tpu.memory_space<vmem>>, vector<16xf32>,
          %parallel_loop3A_323 = arith.index_cast %parallel_loop3A_313 : i32 to index
          %parallel_loop3A_324 = arith.constant 48 : index
          %parallel_loop3A_325 = tpu.vector_load %arg8[%parallel_loop3A_323, %parallel_loop3A_324] {strides = array<i32>} : memref<104x256xf32, #tpu.memory_space<vmem>>, vector<16xf32>,
          tpu.vector_store %arg8[%parallel_loop3A_323, %parallel_loop3A_324], %parallel_loop3A_178 {add = true, strides = array<i32>} : memref<104x256xf32, #tpu.memory_space<vmem>>, vector<16xf32>,
          %parallel_loop3A_326 = arith.index_cast %parallel_loop3A_313 : i32 to index
          %parallel_loop3A_327 = arith.constant 64 : index
          %parallel_loop3A_328 = tpu.vector_load %arg8[%parallel_loop3A_326, %parallel_loop3A_327] {strides = array<i32>} : memref<104x256xf32, #tpu.memory_space<vmem>>, vector<16xf32>,
          tpu.vector_store %arg8[%parallel_loop3A_326, %parallel_loop3A_327], %parallel_loop3A_185 {add = true, strides = array<i32>} : memref<104x256xf32, #tpu.memory_space<vmem>>, vector<16xf32>,
          %parallel_loop3A_329 = arith.index_cast %parallel_loop3A_313 : i32 to index
          %parallel_loop3A_330 = arith.constant 80 : index
          %parallel_loop3A_331 = tpu.vector_load %arg8[%parallel_loop3A_329, %parallel_loop3A_330] {strides = array<i32>} : memref<104x256xf32, #tpu.memory_space<vmem>>, vector<16xf32>,
          tpu.vector_store %arg8[%parallel_loop3A_329, %parallel_loop3A_330], %parallel_loop3A_192 {add = true, strides = array<i32>} : memref<104x256xf32, #tpu.memory_space<vmem>>, vector<16xf32>,
          %parallel_loop3A_332 = arith.index_cast %parallel_loop3A_313 : i32 to index
          %parallel_loop3A_333 = arith.constant 96 : index
          %parallel_loop3A_334 = tpu.vector_load %arg8[%parallel_loop3A_332, %parallel_loop3A_333] {strides = array<i32>} : memref<104x256xf32, #tpu.memory_space<vmem>>, vector<16xf32>,
          tpu.vector_store %arg8[%parallel_loop3A_332, %parallel_loop3A_333], %parallel_loop3A_199 {add = true, strides = array<i32>} : memref<104x256xf32, #tpu.memory_space<vmem>>, vector<16xf32>,
          %parallel_loop3A_335 = arith.index_cast %parallel_loop3A_313 : i32 to index
          %parallel_loop3A_336 = arith.constant 112 : index
          %parallel_loop3A_337 = tpu.vector_load %arg8[%parallel_loop3A_335, %parallel_loop3A_336] {strides = array<i32>} : memref<104x256xf32, #tpu.memory_space<vmem>>, vector<16xf32>,
          tpu.vector_store %arg8[%parallel_loop3A_335, %parallel_loop3A_336], %parallel_loop3A_206 {add = true, strides = array<i32>} : memref<104x256xf32, #tpu.memory_space<vmem>>, vector<16xf32>,
          %parallel_loop3A_338 = arith.index_cast %parallel_loop3A_313 : i32 to index
          %parallel_loop3A_339 = arith.constant 128 : index
          %parallel_loop3A_340 = tpu.vector_load %arg8[%parallel_loop3A_338, %parallel_loop3A_339] {strides = array<i32>} : memref<104x256xf32, #tpu.memory_space<vmem>>, vector<16xf32>,
          tpu.vector_store %arg8[%parallel_loop3A_338, %parallel_loop3A_339], %parallel_loop3A_213 {add = true, strides = array<i32>} : memref<104x256xf32, #tpu.memory_space<vmem>>, vector<16xf32>,
          %parallel_loop3A_341 = arith.index_cast %parallel_loop3A_313 : i32 to index
          %parallel_loop3A_342 = arith.constant 144 : index
          %parallel_loop3A_343 = tpu.vector_load %arg8[%parallel_loop3A_341, %parallel_loop3A_342] {strides = array<i32>} : memref<104x256xf32, #tpu.memory_space<vmem>>, vector<16xf32>,
          tpu.vector_store %arg8[%parallel_loop3A_341, %parallel_loop3A_342], %parallel_loop3A_220 {add = true, strides = array<i32>} : memref<104x256xf32, #tpu.memory_space<vmem>>, vector<16xf32>,
          %parallel_loop3A_344 = arith.index_cast %parallel_loop3A_313 : i32 to index
          %parallel_loop3A_345 = arith.constant 160 : index
          %parallel_loop3A_346 = tpu.vector_load %arg8[%parallel_loop3A_344, %parallel_loop3A_345] {strides = array<i32>} : memref<104x256xf32, #tpu.memory_space<vmem>>, vector<16xf32>,
          tpu.vector_store %arg8[%parallel_loop3A_344, %parallel_loop3A_345], %parallel_loop3A_227 {add = true, strides = array<i32>} : memref<104x256xf32, #tpu.memory_space<vmem>>, vector<16xf32>,
          %parallel_loop3A_347 = arith.index_cast %parallel_loop3A_313 : i32 to index
          %parallel_loop3A_348 = arith.constant 176 : index
          %parallel_loop3A_349 = tpu.vector_load %arg8[%parallel_loop3A_347, %parallel_loop3A_348] {strides = array<i32>} : memref<104x256xf32, #tpu.memory_space<vmem>>, vector<16xf32>,
          tpu.vector_store %arg8[%parallel_loop3A_347, %parallel_loop3A_348], %parallel_loop3A_234 {add = true, strides = array<i32>} : memref<104x256xf32, #tpu.memory_space<vmem>>, vector<16xf32>,
          %parallel_loop3A_350 = arith.index_cast %parallel_loop3A_313 : i32 to index
          %parallel_loop3A_351 = arith.constant 192 : index
          %parallel_loop3A_352 = tpu.vector_load %arg8[%parallel_loop3A_350, %parallel_loop3A_351] {strides = array<i32>} : memref<104x256xf32, #tpu.memory_space<vmem>>, vector<16xf32>,
          tpu.vector_store %arg8[%parallel_loop3A_350, %parallel_loop3A_351], %parallel_loop3A_241 {add = true, strides = array<i32>} : memref<104x256xf32, #tpu.memory_space<vmem>>, vector<16xf32>,
          %parallel_loop3A_353 = arith.index_cast %parallel_loop3A_313 : i32 to index
          %parallel_loop3A_354 = arith.constant 208 : index
          %parallel_loop3A_355 = tpu.vector_load %arg8[%parallel_loop3A_353, %parallel_loop3A_354] {strides = array<i32>} : memref<104x256xf32, #tpu.memory_space<vmem>>, vector<16xf32>,
          tpu.vector_store %arg8[%parallel_loop3A_353, %parallel_loop3A_354], %parallel_loop3A_248 {add = true, strides = array<i32>} : memref<104x256xf32, #tpu.memory_space<vmem>>, vector<16xf32>,
          %parallel_loop3A_356 = arith.index_cast %parallel_loop3A_313 : i32 to index
          %parallel_loop3A_357 = arith.constant 224 : index
          %parallel_loop3A_358 = tpu.vector_load %arg8[%parallel_loop3A_356, %parallel_loop3A_357] {strides = array<i32>} : memref<104x256xf32, #tpu.memory_space<vmem>>, vector<16xf32>,
          tpu.vector_store %arg8[%parallel_loop3A_356, %parallel_loop3A_357], %parallel_loop3A_255 {add = true, strides = array<i32>} : memref<104x256xf32, #tpu.memory_space<vmem>>, vector<16xf32>,
          %parallel_loop3A_359 = arith.index_cast %parallel_loop3A_313 : i32 to index
          %parallel_loop3A_360 = arith.constant 240 : index
          %parallel_loop3A_361 = tpu.vector_load %arg8[%parallel_loop3A_359, %parallel_loop3A_360] {strides = array<i32>} : memref<104x256xf32, #tpu.memory_space<vmem>>, vector<16xf32>,
          tpu.vector_store %arg8[%parallel_loop3A_359, %parallel_loop3A_360], %parallel_loop3A_262 {add = true, strides = array<i32>} : memref<104x256xf32, #tpu.memory_space<vmem>>, vector<16xf32>,
        } else {
        }
        %parallel_loop3A_270 = arith.constant 0.000000e+00 : f32
        %parallel_loop3A_271 = arith.constant 1.000000e+00 : f32
        %parallel_loop3A_272 = arith.select %parallel_loop3A_266, %parallel_loop3A_270, %parallel_loop3A_271 : f32
        %parallel_loop3A_273 = vector.broadcast %parallel_loop3A_272 : f32 to vector<16xf32>
        %parallel_loop3A_274 = arith.mulf %parallel_loop3A_157, %parallel_loop3A_273 : vector<16xf32>
        %parallel_loop3A_275 = vector.broadcast %parallel_loop3A_272 : f32 to vector<16xf32>
        %parallel_loop3A_276 = arith.mulf %parallel_loop3A_164, %parallel_loop3A_275 : vector<16xf32>
        %parallel_loop3A_277 = vector.broadcast %parallel_loop3A_272 : f32 to vector<16xf32>
        %parallel_loop3A_278 = arith.mulf %parallel_loop3A_171, %parallel_loop3A_277 : vector<16xf32>
        %parallel_loop3A_279 = vector.broadcast %parallel_loop3A_272 : f32 to vector<16xf32>
        %parallel_loop3A_280 = arith.mulf %parallel_loop3A_178, %parallel_loop3A_279 : vector<16xf32>
        %parallel_loop3A_281 = vector.broadcast %parallel_loop3A_272 : f32 to vector<16xf32>
        %parallel_loop3A_282 = arith.mulf %parallel_loop3A_185, %parallel_loop3A_281 : vector<16xf32>
        %parallel_loop3A_283 = vector.broadcast %parallel_loop3A_272 : f32 to vector<16xf32>
        %parallel_loop3A_284 = arith.mulf %parallel_loop3A_192, %parallel_loop3A_283 : vector<16xf32>
        %parallel_loop3A_285 = vector.broadcast %parallel_loop3A_272 : f32 to vector<16xf32>
        %parallel_loop3A_286 = arith.mulf %parallel_loop3A_199, %parallel_loop3A_285 : vector<16xf32>
        %parallel_loop3A_287 = vector.broadcast %parallel_loop3A_272 : f32 to vector<16xf32>
        %parallel_loop3A_288 = arith.mulf %parallel_loop3A_206, %parallel_loop3A_287 : vector<16xf32>
        %parallel_loop3A_289 = vector.broadcast %parallel_loop3A_272 : f32 to vector<16xf32>
        %parallel_loop3A_290 = arith.mulf %parallel_loop3A_213, %parallel_loop3A_289 : vector<16xf32>
        %parallel_loop3A_291 = vector.broadcast %parallel_loop3A_272 : f32 to vector<16xf32>
        %parallel_loop3A_292 = arith.mulf %parallel_loop3A_220, %parallel_loop3A_291 : vector<16xf32>
        %parallel_loop3A_293 = vector.broadcast %parallel_loop3A_272 : f32 to vector<16xf32>
        %parallel_loop3A_294 = arith.mulf %parallel_loop3A_227, %parallel_loop3A_293 : vector<16xf32>
        %parallel_loop3A_295 = vector.broadcast %parallel_loop3A_272 : f32 to vector<16xf32>
        %parallel_loop3A_296 = arith.mulf %parallel_loop3A_234, %parallel_loop3A_295 : vector<16xf32>
        %parallel_loop3A_297 = vector.broadcast %parallel_loop3A_272 : f32 to vector<16xf32>
        %parallel_loop3A_298 = arith.mulf %parallel_loop3A_241, %parallel_loop3A_297 : vector<16xf32>
        %parallel_loop3A_299 = vector.broadcast %parallel_loop3A_272 : f32 to vector<16xf32>
        %parallel_loop3A_300 = arith.mulf %parallel_loop3A_248, %parallel_loop3A_299 : vector<16xf32>
        %parallel_loop3A_301 = vector.broadcast %parallel_loop3A_272 : f32 to vector<16xf32>
        %parallel_loop3A_302 = arith.mulf %parallel_loop3A_255, %parallel_loop3A_301 : vector<16xf32>
        %parallel_loop3A_303 = vector.broadcast %parallel_loop3A_272 : f32 to vector<16xf32>
        %parallel_loop3A_304 = arith.mulf %parallel_loop3A_262, %parallel_loop3A_303 : vector<16xf32>
        %parallel_loop3A_305 = arith.extui %parallel_loop3A_266 : i1 to i32
        %parallel_loop3A_306 = arith.addi %parallel_loop3A_129, %parallel_loop3A_305 : i32
        %parallel_loop3A_307 = arith.constant 1 : i32
        %parallel_loop3A_308 = arith.addi %parallel_loop3A_306, %parallel_loop3A_307 : i32
        %parallel_loop3A_309 = arith.select %parallel_loop3A_266, %parallel_loop3A_308, %parallel_loop3A_264 : i32
        scf.yield %parallel_loop3A_306, %parallel_loop3A_309, %parallel_loop3A_274, %parallel_loop3A_276, %parallel_loop3A_278, %parallel_loop3A_280, %parallel_loop3A_282, %parallel_loop3A_284, %parallel_loop3A_286, %parallel_loop3A_288, %parallel_loop3A_290, %parallel_loop3A_292, %parallel_loop3A_294, %parallel_loop3A_296, %parallel_loop3A_298, %parallel_loop3A_300, %parallel_loop3A_302, %parallel_loop3A_304 : i32, i32, vector<16xf32>, vector<16xf32>, vector<16xf32>, vector<16xf32>, vector<16xf32>, vector<16xf32>, vector<16xf32>, vector<16xf32>, vector<16xf32>, vector<16xf32>, vector<16xf32>, vector<16xf32>, vector<16xf32>, vector<16xf32>, vector<16xf32>, vector<16xf32>
      } {sc.loop_unroll_factor = 4 : i64, sc.parallel_access}
      %add3A_105 = arith.constant 2 : i32
      %add3A_106 = arith.addi %add3A_96, %add3A_105 : i32
      %lt3A = arith.constant 78 : i32
      %lt3A_107 = arith.cmpi slt, %add3A_106, %lt3A : i32
      %convert_element_type3A = arith.extui %lt3A_107 : i1 to i32
      %cond3A = arith.constant 0 : i32
      %cond3A_108 = arith.cmpi ne, %convert_element_type3A, %cond3A : i32
      scf.if %cond3A_108 {
        %mul3A_128 = arith.constant 64 : i32
        %mul3A_129 = arith.muli %add3A_106, %mul3A_128 : i32
        %dma_start3A_130 = tpu.memref_slice %arg2[%mul3A_129, %add3A_39] : memref<5051x16384xf32, #tpu.memory_space<hbm>> -> memref<64x256xf32, #tpu.memory_space<hbm>>
        %dma_start3A_131 = tpu.memref_slice %arg2[%mul3A_129, %add3A_39] : memref<5051x16384xf32, #tpu.memory_space<hbm>> -> memref<64x256xf32, #tpu.memory_space<hbm>>
        tpu.enqueue_dma source(%dma_start3A_131 : memref<64x256xf32, #tpu.memory_space<hbm>>) target(%arg5 : memref<64x256xf32, #tpu.memory_space<vmem>>) target_semaphore(%arg9 : memref<!tpu.dma_semaphore, #tpu.memory_space<semaphore_mem>>)
      } else {
      }
      %mul3A_109 = arith.constant 2 : i32
      %mul3A_110 = arith.muli %mul3A_109, %scan3A_74 : i32
      %add3A_111 = arith.constant 1 : i32
      %add3A_112 = arith.addi %mul3A_110, %add3A_111 : i32
      %mul3A_113 = arith.constant 64 : i32
      %mul3A_114 = arith.muli %add3A_112, %mul3A_113 : i32
      %dma_wait3A_115 = tpu.memref_slice %arg2[%mul3A_114, %add3A_39] : memref<5051x16384xf32, #tpu.memory_space<hbm>> -> memref<64x256xf32, #tpu.memory_space<hbm>>
      %dma_wait3A_116 = tpu.memref_slice %arg2[%mul3A_114, %add3A_39] : memref<5051x16384xf32, #tpu.memory_space<hbm>> -> memref<64x256xf32, #tpu.memory_space<hbm>>
      tpu.wait_dma2 semaphore(%arg10 : memref<!tpu.dma_semaphore, #tpu.memory_space<semaphore_mem>>) src(%dma_wait3A_116 : memref<64x256xf32, #tpu.memory_space<hbm>>) dst(%arg6 : memref<64x256xf32, #tpu.memory_space<vmem>>)
      %parallel_loop3A_117 = arith.constant 0 : i32
      %parallel_loop3A_118 = arith.constant 64 : i32
      %parallel_loop3A_119 = arith.constant 1 : i32
      %parallel_loop3A_120:18 = scf.for %parallel_loop3A_128 = %parallel_loop3A_117 to %parallel_loop3A_118 step %parallel_loop3A_119 iter_args(%parallel_loop3A_129 = %parallel_loop3A_104#0, %parallel_loop3A_130 = %parallel_loop3A_104#1, %parallel_loop3A_131 = %parallel_loop3A_104#2, %parallel_loop3A_132 = %parallel_loop3A_104#3, %parallel_loop3A_133 = %parallel_loop3A_104#4, %parallel_loop3A_134 = %parallel_loop3A_104#5, %parallel_loop3A_135 = %parallel_loop3A_104#6, %parallel_loop3A_136 = %parallel_loop3A_104#7, %parallel_loop3A_137 = %parallel_loop3A_104#8, %parallel_loop3A_138 = %parallel_loop3A_104#9, %parallel_loop3A_139 = %parallel_loop3A_104#10, %parallel_loop3A_140 = %parallel_loop3A_104#11, %parallel_loop3A_141 = %parallel_loop3A_104#12, %parallel_loop3A_142 = %parallel_loop3A_104#13, %parallel_loop3A_143 = %parallel_loop3A_104#14, %parallel_loop3A_144 = %parallel_loop3A_104#15, %parallel_loop3A_145 = %parallel_loop3A_104#16, %parallel_loop3A_146 = %parallel_loop3A_104#17) -> (i32, i32, vector<16xf32>, vector<16xf32>, vector<16xf32>, vector<16xf32>, vector<16xf32>, vector<16xf32>, vector<16xf32>, vector<16xf32>, vector<16xf32>, vector<16xf32>, vector<16xf32>, vector<16xf32>, vector<16xf32>, vector<16xf32>, vector<16xf32>, vector<16xf32>)  : i32 {
        %parallel_loop3A_147 = arith.constant 100 : i32
        %parallel_loop3A_148 = arith.cmpi sge, %parallel_loop3A_130, %parallel_loop3A_147 : i32
        %parallel_loop3A_149 = arith.constant 100 : i32
        %parallel_loop3A_150 = arith.select %parallel_loop3A_148, %parallel_loop3A_149, %parallel_loop3A_130 : i32
        %parallel_loop3A_151 = arith.index_cast %parallel_loop3A_128 : i32 to index
        %parallel_loop3A_152 = arith.constant 0 : index
        %parallel_loop3A_153 = tpu.vector_load %arg6[%parallel_loop3A_151, %parallel_loop3A_152] {strides = array<i32>} : memref<64x256xf32, #tpu.memory_space<vmem>>, vector<16xf32>,
        %parallel_loop3A_154 = arith.index_cast %parallel_loop3A_150 : i32 to index
        %parallel_loop3A_155 = arith.constant 0 : index
        %parallel_loop3A_156 = tpu.vector_load %arg8[%parallel_loop3A_154, %parallel_loop3A_155] {strides = array<i32>} : memref<104x256xf32, #tpu.memory_space<vmem>>, vector<16xf32>,
        tpu.vector_store %arg8[%parallel_loop3A_154, %parallel_loop3A_155], %parallel_loop3A_153 {add = true, strides = array<i32>} : memref<104x256xf32, #tpu.memory_space<vmem>>, vector<16xf32>,
        %parallel_loop3A_157 = arith.addf %parallel_loop3A_131, %parallel_loop3A_153 : vector<16xf32>
        %parallel_loop3A_158 = arith.index_cast %parallel_loop3A_128 : i32 to index
        %parallel_loop3A_159 = arith.constant 16 : index
        %parallel_loop3A_160 = tpu.vector_load %arg6[%parallel_loop3A_158, %parallel_loop3A_159] {strides = array<i32>} : memref<64x256xf32, #tpu.memory_space<vmem>>, vector<16xf32>,
        %parallel_loop3A_161 = arith.index_cast %parallel_loop3A_150 : i32 to index
        %parallel_loop3A_162 = arith.constant 16 : index
        %parallel_loop3A_163 = tpu.vector_load %arg8[%parallel_loop3A_161, %parallel_loop3A_162] {strides = array<i32>} : memref<104x256xf32, #tpu.memory_space<vmem>>, vector<16xf32>,
        tpu.vector_store %arg8[%parallel_loop3A_161, %parallel_loop3A_162], %parallel_loop3A_160 {add = true, strides = array<i32>} : memref<104x256xf32, #tpu.memory_space<vmem>>, vector<16xf32>,
        %parallel_loop3A_164 = arith.addf %parallel_loop3A_132, %parallel_loop3A_160 : vector<16xf32>
        %parallel_loop3A_165 = arith.index_cast %parallel_loop3A_128 : i32 to index
        %parallel_loop3A_166 = arith.constant 32 : index
        %parallel_loop3A_167 = tpu.vector_load %arg6[%parallel_loop3A_165, %parallel_loop3A_166] {strides = array<i32>} : memref<64x256xf32, #tpu.memory_space<vmem>>, vector<16xf32>,
        %parallel_loop3A_168 = arith.index_cast %parallel_loop3A_150 : i32 to index
        %parallel_loop3A_169 = arith.constant 32 : index
        %parallel_loop3A_170 = tpu.vector_load %arg8[%parallel_loop3A_168, %parallel_loop3A_169] {strides = array<i32>} : memref<104x256xf32, #tpu.memory_space<vmem>>, vector<16xf32>,
        tpu.vector_store %arg8[%parallel_loop3A_168, %parallel_loop3A_169], %parallel_loop3A_167 {add = true, strides = array<i32>} : memref<104x256xf32, #tpu.memory_space<vmem>>, vector<16xf32>,
        %parallel_loop3A_171 = arith.addf %parallel_loop3A_133, %parallel_loop3A_167 : vector<16xf32>
        %parallel_loop3A_172 = arith.index_cast %parallel_loop3A_128 : i32 to index
        %parallel_loop3A_173 = arith.constant 48 : index
        %parallel_loop3A_174 = tpu.vector_load %arg6[%parallel_loop3A_172, %parallel_loop3A_173] {strides = array<i32>} : memref<64x256xf32, #tpu.memory_space<vmem>>, vector<16xf32>,
        %parallel_loop3A_175 = arith.index_cast %parallel_loop3A_150 : i32 to index
        %parallel_loop3A_176 = arith.constant 48 : index
        %parallel_loop3A_177 = tpu.vector_load %arg8[%parallel_loop3A_175, %parallel_loop3A_176] {strides = array<i32>} : memref<104x256xf32, #tpu.memory_space<vmem>>, vector<16xf32>,
        tpu.vector_store %arg8[%parallel_loop3A_175, %parallel_loop3A_176], %parallel_loop3A_174 {add = true, strides = array<i32>} : memref<104x256xf32, #tpu.memory_space<vmem>>, vector<16xf32>,
        %parallel_loop3A_178 = arith.addf %parallel_loop3A_134, %parallel_loop3A_174 : vector<16xf32>
        %parallel_loop3A_179 = arith.index_cast %parallel_loop3A_128 : i32 to index
        %parallel_loop3A_180 = arith.constant 64 : index
        %parallel_loop3A_181 = tpu.vector_load %arg6[%parallel_loop3A_179, %parallel_loop3A_180] {strides = array<i32>} : memref<64x256xf32, #tpu.memory_space<vmem>>, vector<16xf32>,
        %parallel_loop3A_182 = arith.index_cast %parallel_loop3A_150 : i32 to index
        %parallel_loop3A_183 = arith.constant 64 : index
        %parallel_loop3A_184 = tpu.vector_load %arg8[%parallel_loop3A_182, %parallel_loop3A_183] {strides = array<i32>} : memref<104x256xf32, #tpu.memory_space<vmem>>, vector<16xf32>,
        tpu.vector_store %arg8[%parallel_loop3A_182, %parallel_loop3A_183], %parallel_loop3A_181 {add = true, strides = array<i32>} : memref<104x256xf32, #tpu.memory_space<vmem>>, vector<16xf32>,
        %parallel_loop3A_185 = arith.addf %parallel_loop3A_135, %parallel_loop3A_181 : vector<16xf32>
        %parallel_loop3A_186 = arith.index_cast %parallel_loop3A_128 : i32 to index
        %parallel_loop3A_187 = arith.constant 80 : index
        %parallel_loop3A_188 = tpu.vector_load %arg6[%parallel_loop3A_186, %parallel_loop3A_187] {strides = array<i32>} : memref<64x256xf32, #tpu.memory_space<vmem>>, vector<16xf32>,
        %parallel_loop3A_189 = arith.index_cast %parallel_loop3A_150 : i32 to index
        %parallel_loop3A_190 = arith.constant 80 : index
        %parallel_loop3A_191 = tpu.vector_load %arg8[%parallel_loop3A_189, %parallel_loop3A_190] {strides = array<i32>} : memref<104x256xf32, #tpu.memory_space<vmem>>, vector<16xf32>,
        tpu.vector_store %arg8[%parallel_loop3A_189, %parallel_loop3A_190], %parallel_loop3A_188 {add = true, strides = array<i32>} : memref<104x256xf32, #tpu.memory_space<vmem>>, vector<16xf32>,
        %parallel_loop3A_192 = arith.addf %parallel_loop3A_136, %parallel_loop3A_188 : vector<16xf32>
        %parallel_loop3A_193 = arith.index_cast %parallel_loop3A_128 : i32 to index
        %parallel_loop3A_194 = arith.constant 96 : index
        %parallel_loop3A_195 = tpu.vector_load %arg6[%parallel_loop3A_193, %parallel_loop3A_194] {strides = array<i32>} : memref<64x256xf32, #tpu.memory_space<vmem>>, vector<16xf32>,
        %parallel_loop3A_196 = arith.index_cast %parallel_loop3A_150 : i32 to index
        %parallel_loop3A_197 = arith.constant 96 : index
        %parallel_loop3A_198 = tpu.vector_load %arg8[%parallel_loop3A_196, %parallel_loop3A_197] {strides = array<i32>} : memref<104x256xf32, #tpu.memory_space<vmem>>, vector<16xf32>,
        tpu.vector_store %arg8[%parallel_loop3A_196, %parallel_loop3A_197], %parallel_loop3A_195 {add = true, strides = array<i32>} : memref<104x256xf32, #tpu.memory_space<vmem>>, vector<16xf32>,
        %parallel_loop3A_199 = arith.addf %parallel_loop3A_137, %parallel_loop3A_195 : vector<16xf32>
        %parallel_loop3A_200 = arith.index_cast %parallel_loop3A_128 : i32 to index
        %parallel_loop3A_201 = arith.constant 112 : index
        %parallel_loop3A_202 = tpu.vector_load %arg6[%parallel_loop3A_200, %parallel_loop3A_201] {strides = array<i32>} : memref<64x256xf32, #tpu.memory_space<vmem>>, vector<16xf32>,
        %parallel_loop3A_203 = arith.index_cast %parallel_loop3A_150 : i32 to index
        %parallel_loop3A_204 = arith.constant 112 : index
        %parallel_loop3A_205 = tpu.vector_load %arg8[%parallel_loop3A_203, %parallel_loop3A_204] {strides = array<i32>} : memref<104x256xf32, #tpu.memory_space<vmem>>, vector<16xf32>,
        tpu.vector_store %arg8[%parallel_loop3A_203, %parallel_loop3A_204], %parallel_loop3A_202 {add = true, strides = array<i32>} : memref<104x256xf32, #tpu.memory_space<vmem>>, vector<16xf32>,
        %parallel_loop3A_206 = arith.addf %parallel_loop3A_138, %parallel_loop3A_202 : vector<16xf32>
        %parallel_loop3A_207 = arith.index_cast %parallel_loop3A_128 : i32 to index
        %parallel_loop3A_208 = arith.constant 128 : index
        %parallel_loop3A_209 = tpu.vector_load %arg6[%parallel_loop3A_207, %parallel_loop3A_208] {strides = array<i32>} : memref<64x256xf32, #tpu.memory_space<vmem>>, vector<16xf32>,
        %parallel_loop3A_210 = arith.index_cast %parallel_loop3A_150 : i32 to index
        %parallel_loop3A_211 = arith.constant 128 : index
        %parallel_loop3A_212 = tpu.vector_load %arg8[%parallel_loop3A_210, %parallel_loop3A_211] {strides = array<i32>} : memref<104x256xf32, #tpu.memory_space<vmem>>, vector<16xf32>,
        tpu.vector_store %arg8[%parallel_loop3A_210, %parallel_loop3A_211], %parallel_loop3A_209 {add = true, strides = array<i32>} : memref<104x256xf32, #tpu.memory_space<vmem>>, vector<16xf32>,
        %parallel_loop3A_213 = arith.addf %parallel_loop3A_139, %parallel_loop3A_209 : vector<16xf32>
        %parallel_loop3A_214 = arith.index_cast %parallel_loop3A_128 : i32 to index
        %parallel_loop3A_215 = arith.constant 144 : index
        %parallel_loop3A_216 = tpu.vector_load %arg6[%parallel_loop3A_214, %parallel_loop3A_215] {strides = array<i32>} : memref<64x256xf32, #tpu.memory_space<vmem>>, vector<16xf32>,
        %parallel_loop3A_217 = arith.index_cast %parallel_loop3A_150 : i32 to index
        %parallel_loop3A_218 = arith.constant 144 : index
        %parallel_loop3A_219 = tpu.vector_load %arg8[%parallel_loop3A_217, %parallel_loop3A_218] {strides = array<i32>} : memref<104x256xf32, #tpu.memory_space<vmem>>, vector<16xf32>,
        tpu.vector_store %arg8[%parallel_loop3A_217, %parallel_loop3A_218], %parallel_loop3A_216 {add = true, strides = array<i32>} : memref<104x256xf32, #tpu.memory_space<vmem>>, vector<16xf32>,
        %parallel_loop3A_220 = arith.addf %parallel_loop3A_140, %parallel_loop3A_216 : vector<16xf32>
        %parallel_loop3A_221 = arith.index_cast %parallel_loop3A_128 : i32 to index
        %parallel_loop3A_222 = arith.constant 160 : index
        %parallel_loop3A_223 = tpu.vector_load %arg6[%parallel_loop3A_221, %parallel_loop3A_222] {strides = array<i32>} : memref<64x256xf32, #tpu.memory_space<vmem>>, vector<16xf32>,
        %parallel_loop3A_224 = arith.index_cast %parallel_loop3A_150 : i32 to index
        %parallel_loop3A_225 = arith.constant 160 : index
        %parallel_loop3A_226 = tpu.vector_load %arg8[%parallel_loop3A_224, %parallel_loop3A_225] {strides = array<i32>} : memref<104x256xf32, #tpu.memory_space<vmem>>, vector<16xf32>,
        tpu.vector_store %arg8[%parallel_loop3A_224, %parallel_loop3A_225], %parallel_loop3A_223 {add = true, strides = array<i32>} : memref<104x256xf32, #tpu.memory_space<vmem>>, vector<16xf32>,
        %parallel_loop3A_227 = arith.addf %parallel_loop3A_141, %parallel_loop3A_223 : vector<16xf32>
        %parallel_loop3A_228 = arith.index_cast %parallel_loop3A_128 : i32 to index
        %parallel_loop3A_229 = arith.constant 176 : index
        %parallel_loop3A_230 = tpu.vector_load %arg6[%parallel_loop3A_228, %parallel_loop3A_229] {strides = array<i32>} : memref<64x256xf32, #tpu.memory_space<vmem>>, vector<16xf32>,
        %parallel_loop3A_231 = arith.index_cast %parallel_loop3A_150 : i32 to index
        %parallel_loop3A_232 = arith.constant 176 : index
        %parallel_loop3A_233 = tpu.vector_load %arg8[%parallel_loop3A_231, %parallel_loop3A_232] {strides = array<i32>} : memref<104x256xf32, #tpu.memory_space<vmem>>, vector<16xf32>,
        tpu.vector_store %arg8[%parallel_loop3A_231, %parallel_loop3A_232], %parallel_loop3A_230 {add = true, strides = array<i32>} : memref<104x256xf32, #tpu.memory_space<vmem>>, vector<16xf32>,
        %parallel_loop3A_234 = arith.addf %parallel_loop3A_142, %parallel_loop3A_230 : vector<16xf32>
        %parallel_loop3A_235 = arith.index_cast %parallel_loop3A_128 : i32 to index
        %parallel_loop3A_236 = arith.constant 192 : index
        %parallel_loop3A_237 = tpu.vector_load %arg6[%parallel_loop3A_235, %parallel_loop3A_236] {strides = array<i32>} : memref<64x256xf32, #tpu.memory_space<vmem>>, vector<16xf32>,
        %parallel_loop3A_238 = arith.index_cast %parallel_loop3A_150 : i32 to index
        %parallel_loop3A_239 = arith.constant 192 : index
        %parallel_loop3A_240 = tpu.vector_load %arg8[%parallel_loop3A_238, %parallel_loop3A_239] {strides = array<i32>} : memref<104x256xf32, #tpu.memory_space<vmem>>, vector<16xf32>,
        tpu.vector_store %arg8[%parallel_loop3A_238, %parallel_loop3A_239], %parallel_loop3A_237 {add = true, strides = array<i32>} : memref<104x256xf32, #tpu.memory_space<vmem>>, vector<16xf32>,
        %parallel_loop3A_241 = arith.addf %parallel_loop3A_143, %parallel_loop3A_237 : vector<16xf32>
        %parallel_loop3A_242 = arith.index_cast %parallel_loop3A_128 : i32 to index
        %parallel_loop3A_243 = arith.constant 208 : index
        %parallel_loop3A_244 = tpu.vector_load %arg6[%parallel_loop3A_242, %parallel_loop3A_243] {strides = array<i32>} : memref<64x256xf32, #tpu.memory_space<vmem>>, vector<16xf32>,
        %parallel_loop3A_245 = arith.index_cast %parallel_loop3A_150 : i32 to index
        %parallel_loop3A_246 = arith.constant 208 : index
        %parallel_loop3A_247 = tpu.vector_load %arg8[%parallel_loop3A_245, %parallel_loop3A_246] {strides = array<i32>} : memref<104x256xf32, #tpu.memory_space<vmem>>, vector<16xf32>,
        tpu.vector_store %arg8[%parallel_loop3A_245, %parallel_loop3A_246], %parallel_loop3A_244 {add = true, strides = array<i32>} : memref<104x256xf32, #tpu.memory_space<vmem>>, vector<16xf32>,
        %parallel_loop3A_248 = arith.addf %parallel_loop3A_144, %parallel_loop3A_244 : vector<16xf32>
        %parallel_loop3A_249 = arith.index_cast %parallel_loop3A_128 : i32 to index
        %parallel_loop3A_250 = arith.constant 224 : index
        %parallel_loop3A_251 = tpu.vector_load %arg6[%parallel_loop3A_249, %parallel_loop3A_250] {strides = array<i32>} : memref<64x256xf32, #tpu.memory_space<vmem>>, vector<16xf32>,
        %parallel_loop3A_252 = arith.index_cast %parallel_loop3A_150 : i32 to index
        %parallel_loop3A_253 = arith.constant 224 : index
        %parallel_loop3A_254 = tpu.vector_load %arg8[%parallel_loop3A_252, %parallel_loop3A_253] {strides = array<i32>} : memref<104x256xf32, #tpu.memory_space<vmem>>, vector<16xf32>,
        tpu.vector_store %arg8[%parallel_loop3A_252, %parallel_loop3A_253], %parallel_loop3A_251 {add = true, strides = array<i32>} : memref<104x256xf32, #tpu.memory_space<vmem>>, vector<16xf32>,
        %parallel_loop3A_255 = arith.addf %parallel_loop3A_145, %parallel_loop3A_251 : vector<16xf32>
        %parallel_loop3A_256 = arith.index_cast %parallel_loop3A_128 : i32 to index
        %parallel_loop3A_257 = arith.constant 240 : index
        %parallel_loop3A_258 = tpu.vector_load %arg6[%parallel_loop3A_256, %parallel_loop3A_257] {strides = array<i32>} : memref<64x256xf32, #tpu.memory_space<vmem>>, vector<16xf32>,
        %parallel_loop3A_259 = arith.index_cast %parallel_loop3A_150 : i32 to index
        %parallel_loop3A_260 = arith.constant 240 : index
        %parallel_loop3A_261 = tpu.vector_load %arg8[%parallel_loop3A_259, %parallel_loop3A_260] {strides = array<i32>} : memref<104x256xf32, #tpu.memory_space<vmem>>, vector<16xf32>,
        tpu.vector_store %arg8[%parallel_loop3A_259, %parallel_loop3A_260], %parallel_loop3A_258 {add = true, strides = array<i32>} : memref<104x256xf32, #tpu.memory_space<vmem>>, vector<16xf32>,
        %parallel_loop3A_262 = arith.addf %parallel_loop3A_146, %parallel_loop3A_258 : vector<16xf32>
        %parallel_loop3A_263 = arith.constant 1 : i32
        %parallel_loop3A_264 = arith.addi %parallel_loop3A_130, %parallel_loop3A_263 : i32
        %parallel_loop3A_265 = arith.constant 100 : i32
        %parallel_loop3A_266 = arith.cmpi sgt, %parallel_loop3A_264, %parallel_loop3A_265 : i32
        %parallel_loop3A_267 = arith.extui %parallel_loop3A_266 : i1 to i32
        %parallel_loop3A_268 = arith.constant 0 : i32
        %parallel_loop3A_269 = arith.cmpi ne, %parallel_loop3A_267, %parallel_loop3A_268 : i32
        scf.if %parallel_loop3A_269 {
          %parallel_loop3A_310 = arith.constant 100 : i32
          %parallel_loop3A_311 = arith.cmpi sge, %parallel_loop3A_129, %parallel_loop3A_310 : i32
          %parallel_loop3A_312 = arith.constant 101 : i32
          %parallel_loop3A_313 = arith.select %parallel_loop3A_311, %parallel_loop3A_312, %parallel_loop3A_129 : i32
          %parallel_loop3A_314 = arith.index_cast %parallel_loop3A_313 : i32 to index
          %parallel_loop3A_315 = arith.constant 0 : index
          %parallel_loop3A_316 = tpu.vector_load %arg8[%parallel_loop3A_314, %parallel_loop3A_315] {strides = array<i32>} : memref<104x256xf32, #tpu.memory_space<vmem>>, vector<16xf32>,
          tpu.vector_store %arg8[%parallel_loop3A_314, %parallel_loop3A_315], %parallel_loop3A_157 {add = true, strides = array<i32>} : memref<104x256xf32, #tpu.memory_space<vmem>>, vector<16xf32>,
          %parallel_loop3A_317 = arith.index_cast %parallel_loop3A_313 : i32 to index
          %parallel_loop3A_318 = arith.constant 16 : index
          %parallel_loop3A_319 = tpu.vector_load %arg8[%parallel_loop3A_317, %parallel_loop3A_318] {strides = array<i32>} : memref<104x256xf32, #tpu.memory_space<vmem>>, vector<16xf32>,
          tpu.vector_store %arg8[%parallel_loop3A_317, %parallel_loop3A_318], %parallel_loop3A_164 {add = true, strides = array<i32>} : memref<104x256xf32, #tpu.memory_space<vmem>>, vector<16xf32>,
          %parallel_loop3A_320 = arith.index_cast %parallel_loop3A_313 : i32 to index
          %parallel_loop3A_321 = arith.constant 32 : index
          %parallel_loop3A_322 = tpu.vector_load %arg8[%parallel_loop3A_320, %parallel_loop3A_321] {strides = array<i32>} : memref<104x256xf32, #tpu.memory_space<vmem>>, vector<16xf32>,
          tpu.vector_store %arg8[%parallel_loop3A_320, %parallel_loop3A_321], %parallel_loop3A_171 {add = true, strides = array<i32>} : memref<104x256xf32, #tpu.memory_space<vmem>>, vector<16xf32>,
          %parallel_loop3A_323 = arith.index_cast %parallel_loop3A_313 : i32 to index
          %parallel_loop3A_324 = arith.constant 48 : index
          %parallel_loop3A_325 = tpu.vector_load %arg8[%parallel_loop3A_323, %parallel_loop3A_324] {strides = array<i32>} : memref<104x256xf32, #tpu.memory_space<vmem>>, vector<16xf32>,
          tpu.vector_store %arg8[%parallel_loop3A_323, %parallel_loop3A_324], %parallel_loop3A_178 {add = true, strides = array<i32>} : memref<104x256xf32, #tpu.memory_space<vmem>>, vector<16xf32>,
          %parallel_loop3A_326 = arith.index_cast %parallel_loop3A_313 : i32 to index
          %parallel_loop3A_327 = arith.constant 64 : index
          %parallel_loop3A_328 = tpu.vector_load %arg8[%parallel_loop3A_326, %parallel_loop3A_327] {strides = array<i32>} : memref<104x256xf32, #tpu.memory_space<vmem>>, vector<16xf32>,
          tpu.vector_store %arg8[%parallel_loop3A_326, %parallel_loop3A_327], %parallel_loop3A_185 {add = true, strides = array<i32>} : memref<104x256xf32, #tpu.memory_space<vmem>>, vector<16xf32>,
          %parallel_loop3A_329 = arith.index_cast %parallel_loop3A_313 : i32 to index
          %parallel_loop3A_330 = arith.constant 80 : index
          %parallel_loop3A_331 = tpu.vector_load %arg8[%parallel_loop3A_329, %parallel_loop3A_330] {strides = array<i32>} : memref<104x256xf32, #tpu.memory_space<vmem>>, vector<16xf32>,
          tpu.vector_store %arg8[%parallel_loop3A_329, %parallel_loop3A_330], %parallel_loop3A_192 {add = true, strides = array<i32>} : memref<104x256xf32, #tpu.memory_space<vmem>>, vector<16xf32>,
          %parallel_loop3A_332 = arith.index_cast %parallel_loop3A_313 : i32 to index
          %parallel_loop3A_333 = arith.constant 96 : index
          %parallel_loop3A_334 = tpu.vector_load %arg8[%parallel_loop3A_332, %parallel_loop3A_333] {strides = array<i32>} : memref<104x256xf32, #tpu.memory_space<vmem>>, vector<16xf32>,
          tpu.vector_store %arg8[%parallel_loop3A_332, %parallel_loop3A_333], %parallel_loop3A_199 {add = true, strides = array<i32>} : memref<104x256xf32, #tpu.memory_space<vmem>>, vector<16xf32>,
          %parallel_loop3A_335 = arith.index_cast %parallel_loop3A_313 : i32 to index
          %parallel_loop3A_336 = arith.constant 112 : index
          %parallel_loop3A_337 = tpu.vector_load %arg8[%parallel_loop3A_335, %parallel_loop3A_336] {strides = array<i32>} : memref<104x256xf32, #tpu.memory_space<vmem>>, vector<16xf32>,
          tpu.vector_store %arg8[%parallel_loop3A_335, %parallel_loop3A_336], %parallel_loop3A_206 {add = true, strides = array<i32>} : memref<104x256xf32, #tpu.memory_space<vmem>>, vector<16xf32>,
          %parallel_loop3A_338 = arith.index_cast %parallel_loop3A_313 : i32 to index
          %parallel_loop3A_339 = arith.constant 128 : index
          %parallel_loop3A_340 = tpu.vector_load %arg8[%parallel_loop3A_338, %parallel_loop3A_339] {strides = array<i32>} : memref<104x256xf32, #tpu.memory_space<vmem>>, vector<16xf32>,
          tpu.vector_store %arg8[%parallel_loop3A_338, %parallel_loop3A_339], %parallel_loop3A_213 {add = true, strides = array<i32>} : memref<104x256xf32, #tpu.memory_space<vmem>>, vector<16xf32>,
          %parallel_loop3A_341 = arith.index_cast %parallel_loop3A_313 : i32 to index
          %parallel_loop3A_342 = arith.constant 144 : index
          %parallel_loop3A_343 = tpu.vector_load %arg8[%parallel_loop3A_341, %parallel_loop3A_342] {strides = array<i32>} : memref<104x256xf32, #tpu.memory_space<vmem>>, vector<16xf32>,
          tpu.vector_store %arg8[%parallel_loop3A_341, %parallel_loop3A_342], %parallel_loop3A_220 {add = true, strides = array<i32>} : memref<104x256xf32, #tpu.memory_space<vmem>>, vector<16xf32>,
          %parallel_loop3A_344 = arith.index_cast %parallel_loop3A_313 : i32 to index
          %parallel_loop3A_345 = arith.constant 160 : index
          %parallel_loop3A_346 = tpu.vector_load %arg8[%parallel_loop3A_344, %parallel_loop3A_345] {strides = array<i32>} : memref<104x256xf32, #tpu.memory_space<vmem>>, vector<16xf32>,
          tpu.vector_store %arg8[%parallel_loop3A_344, %parallel_loop3A_345], %parallel_loop3A_227 {add = true, strides = array<i32>} : memref<104x256xf32, #tpu.memory_space<vmem>>, vector<16xf32>,
          %parallel_loop3A_347 = arith.index_cast %parallel_loop3A_313 : i32 to index
          %parallel_loop3A_348 = arith.constant 176 : index
          %parallel_loop3A_349 = tpu.vector_load %arg8[%parallel_loop3A_347, %parallel_loop3A_348] {strides = array<i32>} : memref<104x256xf32, #tpu.memory_space<vmem>>, vector<16xf32>,
          tpu.vector_store %arg8[%parallel_loop3A_347, %parallel_loop3A_348], %parallel_loop3A_234 {add = true, strides = array<i32>} : memref<104x256xf32, #tpu.memory_space<vmem>>, vector<16xf32>,
          %parallel_loop3A_350 = arith.index_cast %parallel_loop3A_313 : i32 to index
          %parallel_loop3A_351 = arith.constant 192 : index
          %parallel_loop3A_352 = tpu.vector_load %arg8[%parallel_loop3A_350, %parallel_loop3A_351] {strides = array<i32>} : memref<104x256xf32, #tpu.memory_space<vmem>>, vector<16xf32>,
          tpu.vector_store %arg8[%parallel_loop3A_350, %parallel_loop3A_351], %parallel_loop3A_241 {add = true, strides = array<i32>} : memref<104x256xf32, #tpu.memory_space<vmem>>, vector<16xf32>,
          %parallel_loop3A_353 = arith.index_cast %parallel_loop3A_313 : i32 to index
          %parallel_loop3A_354 = arith.constant 208 : index
          %parallel_loop3A_355 = tpu.vector_load %arg8[%parallel_loop3A_353, %parallel_loop3A_354] {strides = array<i32>} : memref<104x256xf32, #tpu.memory_space<vmem>>, vector<16xf32>,
          tpu.vector_store %arg8[%parallel_loop3A_353, %parallel_loop3A_354], %parallel_loop3A_248 {add = true, strides = array<i32>} : memref<104x256xf32, #tpu.memory_space<vmem>>, vector<16xf32>,
          %parallel_loop3A_356 = arith.index_cast %parallel_loop3A_313 : i32 to index
          %parallel_loop3A_357 = arith.constant 224 : index
          %parallel_loop3A_358 = tpu.vector_load %arg8[%parallel_loop3A_356, %parallel_loop3A_357] {strides = array<i32>} : memref<104x256xf32, #tpu.memory_space<vmem>>, vector<16xf32>,
          tpu.vector_store %arg8[%parallel_loop3A_356, %parallel_loop3A_357], %parallel_loop3A_255 {add = true, strides = array<i32>} : memref<104x256xf32, #tpu.memory_space<vmem>>, vector<16xf32>,
          %parallel_loop3A_359 = arith.index_cast %parallel_loop3A_313 : i32 to index
          %parallel_loop3A_360 = arith.constant 240 : index
          %parallel_loop3A_361 = tpu.vector_load %arg8[%parallel_loop3A_359, %parallel_loop3A_360] {strides = array<i32>} : memref<104x256xf32, #tpu.memory_space<vmem>>, vector<16xf32>,
          tpu.vector_store %arg8[%parallel_loop3A_359, %parallel_loop3A_360], %parallel_loop3A_262 {add = true, strides = array<i32>} : memref<104x256xf32, #tpu.memory_space<vmem>>, vector<16xf32>,
        } else {
        }
        %parallel_loop3A_270 = arith.constant 0.000000e+00 : f32
        %parallel_loop3A_271 = arith.constant 1.000000e+00 : f32
        %parallel_loop3A_272 = arith.select %parallel_loop3A_266, %parallel_loop3A_270, %parallel_loop3A_271 : f32
        %parallel_loop3A_273 = vector.broadcast %parallel_loop3A_272 : f32 to vector<16xf32>
        %parallel_loop3A_274 = arith.mulf %parallel_loop3A_157, %parallel_loop3A_273 : vector<16xf32>
        %parallel_loop3A_275 = vector.broadcast %parallel_loop3A_272 : f32 to vector<16xf32>
        %parallel_loop3A_276 = arith.mulf %parallel_loop3A_164, %parallel_loop3A_275 : vector<16xf32>
        %parallel_loop3A_277 = vector.broadcast %parallel_loop3A_272 : f32 to vector<16xf32>
        %parallel_loop3A_278 = arith.mulf %parallel_loop3A_171, %parallel_loop3A_277 : vector<16xf32>
        %parallel_loop3A_279 = vector.broadcast %parallel_loop3A_272 : f32 to vector<16xf32>
        %parallel_loop3A_280 = arith.mulf %parallel_loop3A_178, %parallel_loop3A_279 : vector<16xf32>
        %parallel_loop3A_281 = vector.broadcast %parallel_loop3A_272 : f32 to vector<16xf32>
        %parallel_loop3A_282 = arith.mulf %parallel_loop3A_185, %parallel_loop3A_281 : vector<16xf32>
        %parallel_loop3A_283 = vector.broadcast %parallel_loop3A_272 : f32 to vector<16xf32>
        %parallel_loop3A_284 = arith.mulf %parallel_loop3A_192, %parallel_loop3A_283 : vector<16xf32>
        %parallel_loop3A_285 = vector.broadcast %parallel_loop3A_272 : f32 to vector<16xf32>
        %parallel_loop3A_286 = arith.mulf %parallel_loop3A_199, %parallel_loop3A_285 : vector<16xf32>
        %parallel_loop3A_287 = vector.broadcast %parallel_loop3A_272 : f32 to vector<16xf32>
        %parallel_loop3A_288 = arith.mulf %parallel_loop3A_206, %parallel_loop3A_287 : vector<16xf32>
        %parallel_loop3A_289 = vector.broadcast %parallel_loop3A_272 : f32 to vector<16xf32>
        %parallel_loop3A_290 = arith.mulf %parallel_loop3A_213, %parallel_loop3A_289 : vector<16xf32>
        %parallel_loop3A_291 = vector.broadcast %parallel_loop3A_272 : f32 to vector<16xf32>
        %parallel_loop3A_292 = arith.mulf %parallel_loop3A_220, %parallel_loop3A_291 : vector<16xf32>
        %parallel_loop3A_293 = vector.broadcast %parallel_loop3A_272 : f32 to vector<16xf32>
        %parallel_loop3A_294 = arith.mulf %parallel_loop3A_227, %parallel_loop3A_293 : vector<16xf32>
        %parallel_loop3A_295 = vector.broadcast %parallel_loop3A_272 : f32 to vector<16xf32>
        %parallel_loop3A_296 = arith.mulf %parallel_loop3A_234, %parallel_loop3A_295 : vector<16xf32>
        %parallel_loop3A_297 = vector.broadcast %parallel_loop3A_272 : f32 to vector<16xf32>
        %parallel_loop3A_298 = arith.mulf %parallel_loop3A_241, %parallel_loop3A_297 : vector<16xf32>
        %parallel_loop3A_299 = vector.broadcast %parallel_loop3A_272 : f32 to vector<16xf32>
        %parallel_loop3A_300 = arith.mulf %parallel_loop3A_248, %parallel_loop3A_299 : vector<16xf32>
        %parallel_loop3A_301 = vector.broadcast %parallel_loop3A_272 : f32 to vector<16xf32>
        %parallel_loop3A_302 = arith.mulf %parallel_loop3A_255, %parallel_loop3A_301 : vector<16xf32>
        %parallel_loop3A_303 = vector.broadcast %parallel_loop3A_272 : f32 to vector<16xf32>
        %parallel_loop3A_304 = arith.mulf %parallel_loop3A_262, %parallel_loop3A_303 : vector<16xf32>
        %parallel_loop3A_305 = arith.extui %parallel_loop3A_266 : i1 to i32
        %parallel_loop3A_306 = arith.addi %parallel_loop3A_129, %parallel_loop3A_305 : i32
        %parallel_loop3A_307 = arith.constant 1 : i32
        %parallel_loop3A_308 = arith.addi %parallel_loop3A_306, %parallel_loop3A_307 : i32
        %parallel_loop3A_309 = arith.select %parallel_loop3A_266, %parallel_loop3A_308, %parallel_loop3A_264 : i32
        scf.yield %parallel_loop3A_306, %parallel_loop3A_309, %parallel_loop3A_274, %parallel_loop3A_276, %parallel_loop3A_278, %parallel_loop3A_280, %parallel_loop3A_282, %parallel_loop3A_284, %parallel_loop3A_286, %parallel_loop3A_288, %parallel_loop3A_290, %parallel_loop3A_292, %parallel_loop3A_294, %parallel_loop3A_296, %parallel_loop3A_298, %parallel_loop3A_300, %parallel_loop3A_302, %parallel_loop3A_304 : i32, i32, vector<16xf32>, vector<16xf32>, vector<16xf32>, vector<16xf32>, vector<16xf32>, vector<16xf32>, vector<16xf32>, vector<16xf32>, vector<16xf32>, vector<16xf32>, vector<16xf32>, vector<16xf32>, vector<16xf32>, vector<16xf32>, vector<16xf32>, vector<16xf32>
      } {sc.loop_unroll_factor = 4 : i64, sc.parallel_access}
      %add3A_121 = arith.constant 2 : i32
      %add3A_122 = arith.addi %add3A_112, %add3A_121 : i32
      %lt3A_123 = arith.constant 78 : i32
      %lt3A_124 = arith.cmpi slt, %add3A_122, %lt3A_123 : i32
      %convert_element_type3A_125 = arith.extui %lt3A_124 : i1 to i32
      %cond3A_126 = arith.constant 0 : i32
      %cond3A_127 = arith.cmpi ne, %convert_element_type3A_125, %cond3A_126 : i32
      scf.if %cond3A_127 {
        %mul3A_128 = arith.constant 64 : i32
        %mul3A_129 = arith.muli %add3A_122, %mul3A_128 : i32
        %dma_start3A_130 = tpu.memref_slice %arg2[%mul3A_129, %add3A_39] : memref<5051x16384xf32, #tpu.memory_space<hbm>> -> memref<64x256xf32, #tpu.memory_space<hbm>>
        %dma_start3A_131 = tpu.memref_slice %arg2[%mul3A_129, %add3A_39] : memref<5051x16384xf32, #tpu.memory_space<hbm>> -> memref<64x256xf32, #tpu.memory_space<hbm>>
        tpu.enqueue_dma source(%dma_start3A_131 : memref<64x256xf32, #tpu.memory_space<hbm>>) target(%arg6 : memref<64x256xf32, #tpu.memory_space<vmem>>) target_semaphore(%arg10 : memref<!tpu.dma_semaphore, #tpu.memory_space<semaphore_mem>>)
      } else {
      }
      scf.yield %parallel_loop3A_120#0, %parallel_loop3A_120#1, %parallel_loop3A_120#2, %parallel_loop3A_120#3, %parallel_loop3A_120#4, %parallel_loop3A_120#5, %parallel_loop3A_120#6, %parallel_loop3A_120#7, %parallel_loop3A_120#8, %parallel_loop3A_120#9, %parallel_loop3A_120#10, %parallel_loop3A_120#11, %parallel_loop3A_120#12, %parallel_loop3A_120#13, %parallel_loop3A_120#14, %parallel_loop3A_120#15, %parallel_loop3A_120#16, %parallel_loop3A_120#17 : i32, i32, vector<16xf32>, vector<16xf32>, vector<16xf32>, vector<16xf32>, vector<16xf32>, vector<16xf32>, vector<16xf32>, vector<16xf32>, vector<16xf32>, vector<16xf32>, vector<16xf32>, vector<16xf32>, vector<16xf32>, vector<16xf32>, vector<16xf32>, vector<16xf32>
    }
    %scan3A_65 = arith.constant 39 : i32
    %dma_wait3A_66 = arith.constant 0 : i32
    %dma_wait3A_67 = tpu.memref_slice %arg3[%dma_wait3A_66, %add3A_39] : memref<64x16384xf32, #tpu.memory_space<hbm>> -> memref<64x256xf32, #tpu.memory_space<hbm>>
    %dma_wait3A_68 = arith.constant 0 : i32
    %dma_wait3A_69 = tpu.memref_slice %arg3[%dma_wait3A_68, %add3A_39] : memref<64x16384xf32, #tpu.memory_space<hbm>> -> memref<64x256xf32, #tpu.memory_space<hbm>>
    tpu.wait_dma2 semaphore(%arg11 : memref<!tpu.dma_semaphore, #tpu.memory_space<semaphore_mem>>) src(%dma_wait3A_69 : memref<64x256xf32, #tpu.memory_space<hbm>>) dst(%arg7 : memref<64x256xf32, #tpu.memory_space<vmem>>)
    %parallel_loop3A_70 = arith.constant 5 : i32
    %parallel_loop3A_71 = arith.constant 64 : i32
    %parallel_loop3A_72 = arith.constant 1 : i32
    %parallel_loop3A_73:18 = scf.for %parallel_loop3A_74 = %parallel_loop3A_70 to %parallel_loop3A_71 step %parallel_loop3A_72 iter_args(%parallel_loop3A_75 = %scan3A_64#0, %parallel_loop3A_76 = %scan3A_64#1, %parallel_loop3A_77 = %scan3A_64#2, %parallel_loop3A_78 = %scan3A_64#3, %parallel_loop3A_79 = %scan3A_64#4, %parallel_loop3A_80 = %scan3A_64#5, %parallel_loop3A_81 = %scan3A_64#6, %parallel_loop3A_82 = %scan3A_64#7, %parallel_loop3A_83 = %scan3A_64#8, %parallel_loop3A_84 = %scan3A_64#9, %parallel_loop3A_85 = %scan3A_64#10, %parallel_loop3A_86 = %scan3A_64#11, %parallel_loop3A_87 = %scan3A_64#12, %parallel_loop3A_88 = %scan3A_64#13, %parallel_loop3A_89 = %scan3A_64#14, %parallel_loop3A_90 = %scan3A_64#15, %parallel_loop3A_91 = %scan3A_64#16, %parallel_loop3A_92 = %scan3A_64#17) -> (i32, i32, vector<16xf32>, vector<16xf32>, vector<16xf32>, vector<16xf32>, vector<16xf32>, vector<16xf32>, vector<16xf32>, vector<16xf32>, vector<16xf32>, vector<16xf32>, vector<16xf32>, vector<16xf32>, vector<16xf32>, vector<16xf32>, vector<16xf32>, vector<16xf32>)  : i32 {
      %parallel_loop3A_93 = arith.constant 100 : i32
      %parallel_loop3A_94 = arith.cmpi sge, %parallel_loop3A_76, %parallel_loop3A_93 : i32
      %parallel_loop3A_95 = arith.constant 100 : i32
      %parallel_loop3A_96 = arith.select %parallel_loop3A_94, %parallel_loop3A_95, %parallel_loop3A_76 : i32
      %parallel_loop3A_97 = arith.index_cast %parallel_loop3A_74 : i32 to index
      %parallel_loop3A_98 = arith.constant 0 : index
      %parallel_loop3A_99 = tpu.vector_load %arg7[%parallel_loop3A_97, %parallel_loop3A_98] {strides = array<i32>} : memref<64x256xf32, #tpu.memory_space<vmem>>, vector<16xf32>,
      %parallel_loop3A_100 = arith.index_cast %parallel_loop3A_96 : i32 to index
      %parallel_loop3A_101 = arith.constant 0 : index
      %parallel_loop3A_102 = tpu.vector_load %arg8[%parallel_loop3A_100, %parallel_loop3A_101] {strides = array<i32>} : memref<104x256xf32, #tpu.memory_space<vmem>>, vector<16xf32>,
      tpu.vector_store %arg8[%parallel_loop3A_100, %parallel_loop3A_101], %parallel_loop3A_99 {add = true, strides = array<i32>} : memref<104x256xf32, #tpu.memory_space<vmem>>, vector<16xf32>,
      %parallel_loop3A_103 = arith.addf %parallel_loop3A_77, %parallel_loop3A_99 : vector<16xf32>
      %parallel_loop3A_104 = arith.index_cast %parallel_loop3A_74 : i32 to index
      %parallel_loop3A_105 = arith.constant 16 : index
      %parallel_loop3A_106 = tpu.vector_load %arg7[%parallel_loop3A_104, %parallel_loop3A_105] {strides = array<i32>} : memref<64x256xf32, #tpu.memory_space<vmem>>, vector<16xf32>,
      %parallel_loop3A_107 = arith.index_cast %parallel_loop3A_96 : i32 to index
      %parallel_loop3A_108 = arith.constant 16 : index
      %parallel_loop3A_109 = tpu.vector_load %arg8[%parallel_loop3A_107, %parallel_loop3A_108] {strides = array<i32>} : memref<104x256xf32, #tpu.memory_space<vmem>>, vector<16xf32>,
      tpu.vector_store %arg8[%parallel_loop3A_107, %parallel_loop3A_108], %parallel_loop3A_106 {add = true, strides = array<i32>} : memref<104x256xf32, #tpu.memory_space<vmem>>, vector<16xf32>,
      %parallel_loop3A_110 = arith.addf %parallel_loop3A_78, %parallel_loop3A_106 : vector<16xf32>
      %parallel_loop3A_111 = arith.index_cast %parallel_loop3A_74 : i32 to index
      %parallel_loop3A_112 = arith.constant 32 : index
      %parallel_loop3A_113 = tpu.vector_load %arg7[%parallel_loop3A_111, %parallel_loop3A_112] {strides = array<i32>} : memref<64x256xf32, #tpu.memory_space<vmem>>, vector<16xf32>,
      %parallel_loop3A_114 = arith.index_cast %parallel_loop3A_96 : i32 to index
      %parallel_loop3A_115 = arith.constant 32 : index
      %parallel_loop3A_116 = tpu.vector_load %arg8[%parallel_loop3A_114, %parallel_loop3A_115] {strides = array<i32>} : memref<104x256xf32, #tpu.memory_space<vmem>>, vector<16xf32>,
      tpu.vector_store %arg8[%parallel_loop3A_114, %parallel_loop3A_115], %parallel_loop3A_113 {add = true, strides = array<i32>} : memref<104x256xf32, #tpu.memory_space<vmem>>, vector<16xf32>,
      %parallel_loop3A_117 = arith.addf %parallel_loop3A_79, %parallel_loop3A_113 : vector<16xf32>
      %parallel_loop3A_118 = arith.index_cast %parallel_loop3A_74 : i32 to index
      %parallel_loop3A_119 = arith.constant 48 : index
      %parallel_loop3A_120 = tpu.vector_load %arg7[%parallel_loop3A_118, %parallel_loop3A_119] {strides = array<i32>} : memref<64x256xf32, #tpu.memory_space<vmem>>, vector<16xf32>,
      %parallel_loop3A_121 = arith.index_cast %parallel_loop3A_96 : i32 to index
      %parallel_loop3A_122 = arith.constant 48 : index
      %parallel_loop3A_123 = tpu.vector_load %arg8[%parallel_loop3A_121, %parallel_loop3A_122] {strides = array<i32>} : memref<104x256xf32, #tpu.memory_space<vmem>>, vector<16xf32>,
      tpu.vector_store %arg8[%parallel_loop3A_121, %parallel_loop3A_122], %parallel_loop3A_120 {add = true, strides = array<i32>} : memref<104x256xf32, #tpu.memory_space<vmem>>, vector<16xf32>,
      %parallel_loop3A_124 = arith.addf %parallel_loop3A_80, %parallel_loop3A_120 : vector<16xf32>
      %parallel_loop3A_125 = arith.index_cast %parallel_loop3A_74 : i32 to index
      %parallel_loop3A_126 = arith.constant 64 : index
      %parallel_loop3A_127 = tpu.vector_load %arg7[%parallel_loop3A_125, %parallel_loop3A_126] {strides = array<i32>} : memref<64x256xf32, #tpu.memory_space<vmem>>, vector<16xf32>,
      %parallel_loop3A_128 = arith.index_cast %parallel_loop3A_96 : i32 to index
      %parallel_loop3A_129 = arith.constant 64 : index
      %parallel_loop3A_130 = tpu.vector_load %arg8[%parallel_loop3A_128, %parallel_loop3A_129] {strides = array<i32>} : memref<104x256xf32, #tpu.memory_space<vmem>>, vector<16xf32>,
      tpu.vector_store %arg8[%parallel_loop3A_128, %parallel_loop3A_129], %parallel_loop3A_127 {add = true, strides = array<i32>} : memref<104x256xf32, #tpu.memory_space<vmem>>, vector<16xf32>,
      %parallel_loop3A_131 = arith.addf %parallel_loop3A_81, %parallel_loop3A_127 : vector<16xf32>
      %parallel_loop3A_132 = arith.index_cast %parallel_loop3A_74 : i32 to index
      %parallel_loop3A_133 = arith.constant 80 : index
      %parallel_loop3A_134 = tpu.vector_load %arg7[%parallel_loop3A_132, %parallel_loop3A_133] {strides = array<i32>} : memref<64x256xf32, #tpu.memory_space<vmem>>, vector<16xf32>,
      %parallel_loop3A_135 = arith.index_cast %parallel_loop3A_96 : i32 to index
      %parallel_loop3A_136 = arith.constant 80 : index
      %parallel_loop3A_137 = tpu.vector_load %arg8[%parallel_loop3A_135, %parallel_loop3A_136] {strides = array<i32>} : memref<104x256xf32, #tpu.memory_space<vmem>>, vector<16xf32>,
      tpu.vector_store %arg8[%parallel_loop3A_135, %parallel_loop3A_136], %parallel_loop3A_134 {add = true, strides = array<i32>} : memref<104x256xf32, #tpu.memory_space<vmem>>, vector<16xf32>,
      %parallel_loop3A_138 = arith.addf %parallel_loop3A_82, %parallel_loop3A_134 : vector<16xf32>
      %parallel_loop3A_139 = arith.index_cast %parallel_loop3A_74 : i32 to index
      %parallel_loop3A_140 = arith.constant 96 : index
      %parallel_loop3A_141 = tpu.vector_load %arg7[%parallel_loop3A_139, %parallel_loop3A_140] {strides = array<i32>} : memref<64x256xf32, #tpu.memory_space<vmem>>, vector<16xf32>,
      %parallel_loop3A_142 = arith.index_cast %parallel_loop3A_96 : i32 to index
      %parallel_loop3A_143 = arith.constant 96 : index
      %parallel_loop3A_144 = tpu.vector_load %arg8[%parallel_loop3A_142, %parallel_loop3A_143] {strides = array<i32>} : memref<104x256xf32, #tpu.memory_space<vmem>>, vector<16xf32>,
      tpu.vector_store %arg8[%parallel_loop3A_142, %parallel_loop3A_143], %parallel_loop3A_141 {add = true, strides = array<i32>} : memref<104x256xf32, #tpu.memory_space<vmem>>, vector<16xf32>,
      %parallel_loop3A_145 = arith.addf %parallel_loop3A_83, %parallel_loop3A_141 : vector<16xf32>
      %parallel_loop3A_146 = arith.index_cast %parallel_loop3A_74 : i32 to index
      %parallel_loop3A_147 = arith.constant 112 : index
      %parallel_loop3A_148 = tpu.vector_load %arg7[%parallel_loop3A_146, %parallel_loop3A_147] {strides = array<i32>} : memref<64x256xf32, #tpu.memory_space<vmem>>, vector<16xf32>,
      %parallel_loop3A_149 = arith.index_cast %parallel_loop3A_96 : i32 to index
      %parallel_loop3A_150 = arith.constant 112 : index
      %parallel_loop3A_151 = tpu.vector_load %arg8[%parallel_loop3A_149, %parallel_loop3A_150] {strides = array<i32>} : memref<104x256xf32, #tpu.memory_space<vmem>>, vector<16xf32>,
      tpu.vector_store %arg8[%parallel_loop3A_149, %parallel_loop3A_150], %parallel_loop3A_148 {add = true, strides = array<i32>} : memref<104x256xf32, #tpu.memory_space<vmem>>, vector<16xf32>,
      %parallel_loop3A_152 = arith.addf %parallel_loop3A_84, %parallel_loop3A_148 : vector<16xf32>
      %parallel_loop3A_153 = arith.index_cast %parallel_loop3A_74 : i32 to index
      %parallel_loop3A_154 = arith.constant 128 : index
      %parallel_loop3A_155 = tpu.vector_load %arg7[%parallel_loop3A_153, %parallel_loop3A_154] {strides = array<i32>} : memref<64x256xf32, #tpu.memory_space<vmem>>, vector<16xf32>,
      %parallel_loop3A_156 = arith.index_cast %parallel_loop3A_96 : i32 to index
      %parallel_loop3A_157 = arith.constant 128 : index
      %parallel_loop3A_158 = tpu.vector_load %arg8[%parallel_loop3A_156, %parallel_loop3A_157] {strides = array<i32>} : memref<104x256xf32, #tpu.memory_space<vmem>>, vector<16xf32>,
      tpu.vector_store %arg8[%parallel_loop3A_156, %parallel_loop3A_157], %parallel_loop3A_155 {add = true, strides = array<i32>} : memref<104x256xf32, #tpu.memory_space<vmem>>, vector<16xf32>,
      %parallel_loop3A_159 = arith.addf %parallel_loop3A_85, %parallel_loop3A_155 : vector<16xf32>
      %parallel_loop3A_160 = arith.index_cast %parallel_loop3A_74 : i32 to index
      %parallel_loop3A_161 = arith.constant 144 : index
      %parallel_loop3A_162 = tpu.vector_load %arg7[%parallel_loop3A_160, %parallel_loop3A_161] {strides = array<i32>} : memref<64x256xf32, #tpu.memory_space<vmem>>, vector<16xf32>,
      %parallel_loop3A_163 = arith.index_cast %parallel_loop3A_96 : i32 to index
      %parallel_loop3A_164 = arith.constant 144 : index
      %parallel_loop3A_165 = tpu.vector_load %arg8[%parallel_loop3A_163, %parallel_loop3A_164] {strides = array<i32>} : memref<104x256xf32, #tpu.memory_space<vmem>>, vector<16xf32>,
      tpu.vector_store %arg8[%parallel_loop3A_163, %parallel_loop3A_164], %parallel_loop3A_162 {add = true, strides = array<i32>} : memref<104x256xf32, #tpu.memory_space<vmem>>, vector<16xf32>,
      %parallel_loop3A_166 = arith.addf %parallel_loop3A_86, %parallel_loop3A_162 : vector<16xf32>
      %parallel_loop3A_167 = arith.index_cast %parallel_loop3A_74 : i32 to index
      %parallel_loop3A_168 = arith.constant 160 : index
      %parallel_loop3A_169 = tpu.vector_load %arg7[%parallel_loop3A_167, %parallel_loop3A_168] {strides = array<i32>} : memref<64x256xf32, #tpu.memory_space<vmem>>, vector<16xf32>,
      %parallel_loop3A_170 = arith.index_cast %parallel_loop3A_96 : i32 to index
      %parallel_loop3A_171 = arith.constant 160 : index
      %parallel_loop3A_172 = tpu.vector_load %arg8[%parallel_loop3A_170, %parallel_loop3A_171] {strides = array<i32>} : memref<104x256xf32, #tpu.memory_space<vmem>>, vector<16xf32>,
      tpu.vector_store %arg8[%parallel_loop3A_170, %parallel_loop3A_171], %parallel_loop3A_169 {add = true, strides = array<i32>} : memref<104x256xf32, #tpu.memory_space<vmem>>, vector<16xf32>,
      %parallel_loop3A_173 = arith.addf %parallel_loop3A_87, %parallel_loop3A_169 : vector<16xf32>
      %parallel_loop3A_174 = arith.index_cast %parallel_loop3A_74 : i32 to index
      %parallel_loop3A_175 = arith.constant 176 : index
      %parallel_loop3A_176 = tpu.vector_load %arg7[%parallel_loop3A_174, %parallel_loop3A_175] {strides = array<i32>} : memref<64x256xf32, #tpu.memory_space<vmem>>, vector<16xf32>,
      %parallel_loop3A_177 = arith.index_cast %parallel_loop3A_96 : i32 to index
      %parallel_loop3A_178 = arith.constant 176 : index
      %parallel_loop3A_179 = tpu.vector_load %arg8[%parallel_loop3A_177, %parallel_loop3A_178] {strides = array<i32>} : memref<104x256xf32, #tpu.memory_space<vmem>>, vector<16xf32>,
      tpu.vector_store %arg8[%parallel_loop3A_177, %parallel_loop3A_178], %parallel_loop3A_176 {add = true, strides = array<i32>} : memref<104x256xf32, #tpu.memory_space<vmem>>, vector<16xf32>,
      %parallel_loop3A_180 = arith.addf %parallel_loop3A_88, %parallel_loop3A_176 : vector<16xf32>
      %parallel_loop3A_181 = arith.index_cast %parallel_loop3A_74 : i32 to index
      %parallel_loop3A_182 = arith.constant 192 : index
      %parallel_loop3A_183 = tpu.vector_load %arg7[%parallel_loop3A_181, %parallel_loop3A_182] {strides = array<i32>} : memref<64x256xf32, #tpu.memory_space<vmem>>, vector<16xf32>,
      %parallel_loop3A_184 = arith.index_cast %parallel_loop3A_96 : i32 to index
      %parallel_loop3A_185 = arith.constant 192 : index
      %parallel_loop3A_186 = tpu.vector_load %arg8[%parallel_loop3A_184, %parallel_loop3A_185] {strides = array<i32>} : memref<104x256xf32, #tpu.memory_space<vmem>>, vector<16xf32>,
      tpu.vector_store %arg8[%parallel_loop3A_184, %parallel_loop3A_185], %parallel_loop3A_183 {add = true, strides = array<i32>} : memref<104x256xf32, #tpu.memory_space<vmem>>, vector<16xf32>,
      %parallel_loop3A_187 = arith.addf %parallel_loop3A_89, %parallel_loop3A_183 : vector<16xf32>
      %parallel_loop3A_188 = arith.index_cast %parallel_loop3A_74 : i32 to index
      %parallel_loop3A_189 = arith.constant 208 : index
      %parallel_loop3A_190 = tpu.vector_load %arg7[%parallel_loop3A_188, %parallel_loop3A_189] {strides = array<i32>} : memref<64x256xf32, #tpu.memory_space<vmem>>, vector<16xf32>,
      %parallel_loop3A_191 = arith.index_cast %parallel_loop3A_96 : i32 to index
      %parallel_loop3A_192 = arith.constant 208 : index
      %parallel_loop3A_193 = tpu.vector_load %arg8[%parallel_loop3A_191, %parallel_loop3A_192] {strides = array<i32>} : memref<104x256xf32, #tpu.memory_space<vmem>>, vector<16xf32>,
      tpu.vector_store %arg8[%parallel_loop3A_191, %parallel_loop3A_192], %parallel_loop3A_190 {add = true, strides = array<i32>} : memref<104x256xf32, #tpu.memory_space<vmem>>, vector<16xf32>,
      %parallel_loop3A_194 = arith.addf %parallel_loop3A_90, %parallel_loop3A_190 : vector<16xf32>
      %parallel_loop3A_195 = arith.index_cast %parallel_loop3A_74 : i32 to index
      %parallel_loop3A_196 = arith.constant 224 : index
      %parallel_loop3A_197 = tpu.vector_load %arg7[%parallel_loop3A_195, %parallel_loop3A_196] {strides = array<i32>} : memref<64x256xf32, #tpu.memory_space<vmem>>, vector<16xf32>,
      %parallel_loop3A_198 = arith.index_cast %parallel_loop3A_96 : i32 to index
      %parallel_loop3A_199 = arith.constant 224 : index
      %parallel_loop3A_200 = tpu.vector_load %arg8[%parallel_loop3A_198, %parallel_loop3A_199] {strides = array<i32>} : memref<104x256xf32, #tpu.memory_space<vmem>>, vector<16xf32>,
      tpu.vector_store %arg8[%parallel_loop3A_198, %parallel_loop3A_199], %parallel_loop3A_197 {add = true, strides = array<i32>} : memref<104x256xf32, #tpu.memory_space<vmem>>, vector<16xf32>,
      %parallel_loop3A_201 = arith.addf %parallel_loop3A_91, %parallel_loop3A_197 : vector<16xf32>
      %parallel_loop3A_202 = arith.index_cast %parallel_loop3A_74 : i32 to index
      %parallel_loop3A_203 = arith.constant 240 : index
      %parallel_loop3A_204 = tpu.vector_load %arg7[%parallel_loop3A_202, %parallel_loop3A_203] {strides = array<i32>} : memref<64x256xf32, #tpu.memory_space<vmem>>, vector<16xf32>,
      %parallel_loop3A_205 = arith.index_cast %parallel_loop3A_96 : i32 to index
      %parallel_loop3A_206 = arith.constant 240 : index
      %parallel_loop3A_207 = tpu.vector_load %arg8[%parallel_loop3A_205, %parallel_loop3A_206] {strides = array<i32>} : memref<104x256xf32, #tpu.memory_space<vmem>>, vector<16xf32>,
      tpu.vector_store %arg8[%parallel_loop3A_205, %parallel_loop3A_206], %parallel_loop3A_204 {add = true, strides = array<i32>} : memref<104x256xf32, #tpu.memory_space<vmem>>, vector<16xf32>,
      %parallel_loop3A_208 = arith.addf %parallel_loop3A_92, %parallel_loop3A_204 : vector<16xf32>
      %parallel_loop3A_209 = arith.constant 1 : i32
      %parallel_loop3A_210 = arith.addi %parallel_loop3A_76, %parallel_loop3A_209 : i32
      %parallel_loop3A_211 = arith.constant 100 : i32
      %parallel_loop3A_212 = arith.cmpi sgt, %parallel_loop3A_210, %parallel_loop3A_211 : i32
      %parallel_loop3A_213 = arith.extui %parallel_loop3A_212 : i1 to i32
      %parallel_loop3A_214 = arith.constant 0 : i32
      %parallel_loop3A_215 = arith.cmpi ne, %parallel_loop3A_213, %parallel_loop3A_214 : i32
      scf.if %parallel_loop3A_215 {
        %parallel_loop3A_256 = arith.constant 100 : i32
        %parallel_loop3A_257 = arith.cmpi sge, %parallel_loop3A_75, %parallel_loop3A_256 : i32
        %parallel_loop3A_258 = arith.constant 101 : i32
        %parallel_loop3A_259 = arith.select %parallel_loop3A_257, %parallel_loop3A_258, %parallel_loop3A_75 : i32
        %parallel_loop3A_260 = arith.index_cast %parallel_loop3A_259 : i32 to index
        %parallel_loop3A_261 = arith.constant 0 : index
        %parallel_loop3A_262 = tpu.vector_load %arg8[%parallel_loop3A_260, %parallel_loop3A_261] {strides = array<i32>} : memref<104x256xf32, #tpu.memory_space<vmem>>, vector<16xf32>,
        tpu.vector_store %arg8[%parallel_loop3A_260, %parallel_loop3A_261], %parallel_loop3A_103 {add = true, strides = array<i32>} : memref<104x256xf32, #tpu.memory_space<vmem>>, vector<16xf32>,
        %parallel_loop3A_263 = arith.index_cast %parallel_loop3A_259 : i32 to index
        %parallel_loop3A_264 = arith.constant 16 : index
        %parallel_loop3A_265 = tpu.vector_load %arg8[%parallel_loop3A_263, %parallel_loop3A_264] {strides = array<i32>} : memref<104x256xf32, #tpu.memory_space<vmem>>, vector<16xf32>,
        tpu.vector_store %arg8[%parallel_loop3A_263, %parallel_loop3A_264], %parallel_loop3A_110 {add = true, strides = array<i32>} : memref<104x256xf32, #tpu.memory_space<vmem>>, vector<16xf32>,
        %parallel_loop3A_266 = arith.index_cast %parallel_loop3A_259 : i32 to index
        %parallel_loop3A_267 = arith.constant 32 : index
        %parallel_loop3A_268 = tpu.vector_load %arg8[%parallel_loop3A_266, %parallel_loop3A_267] {strides = array<i32>} : memref<104x256xf32, #tpu.memory_space<vmem>>, vector<16xf32>,
        tpu.vector_store %arg8[%parallel_loop3A_266, %parallel_loop3A_267], %parallel_loop3A_117 {add = true, strides = array<i32>} : memref<104x256xf32, #tpu.memory_space<vmem>>, vector<16xf32>,
        %parallel_loop3A_269 = arith.index_cast %parallel_loop3A_259 : i32 to index
        %parallel_loop3A_270 = arith.constant 48 : index
        %parallel_loop3A_271 = tpu.vector_load %arg8[%parallel_loop3A_269, %parallel_loop3A_270] {strides = array<i32>} : memref<104x256xf32, #tpu.memory_space<vmem>>, vector<16xf32>,
        tpu.vector_store %arg8[%parallel_loop3A_269, %parallel_loop3A_270], %parallel_loop3A_124 {add = true, strides = array<i32>} : memref<104x256xf32, #tpu.memory_space<vmem>>, vector<16xf32>,
        %parallel_loop3A_272 = arith.index_cast %parallel_loop3A_259 : i32 to index
        %parallel_loop3A_273 = arith.constant 64 : index
        %parallel_loop3A_274 = tpu.vector_load %arg8[%parallel_loop3A_272, %parallel_loop3A_273] {strides = array<i32>} : memref<104x256xf32, #tpu.memory_space<vmem>>, vector<16xf32>,
        tpu.vector_store %arg8[%parallel_loop3A_272, %parallel_loop3A_273], %parallel_loop3A_131 {add = true, strides = array<i32>} : memref<104x256xf32, #tpu.memory_space<vmem>>, vector<16xf32>,
        %parallel_loop3A_275 = arith.index_cast %parallel_loop3A_259 : i32 to index
        %parallel_loop3A_276 = arith.constant 80 : index
        %parallel_loop3A_277 = tpu.vector_load %arg8[%parallel_loop3A_275, %parallel_loop3A_276] {strides = array<i32>} : memref<104x256xf32, #tpu.memory_space<vmem>>, vector<16xf32>,
        tpu.vector_store %arg8[%parallel_loop3A_275, %parallel_loop3A_276], %parallel_loop3A_138 {add = true, strides = array<i32>} : memref<104x256xf32, #tpu.memory_space<vmem>>, vector<16xf32>,
        %parallel_loop3A_278 = arith.index_cast %parallel_loop3A_259 : i32 to index
        %parallel_loop3A_279 = arith.constant 96 : index
        %parallel_loop3A_280 = tpu.vector_load %arg8[%parallel_loop3A_278, %parallel_loop3A_279] {strides = array<i32>} : memref<104x256xf32, #tpu.memory_space<vmem>>, vector<16xf32>,
        tpu.vector_store %arg8[%parallel_loop3A_278, %parallel_loop3A_279], %parallel_loop3A_145 {add = true, strides = array<i32>} : memref<104x256xf32, #tpu.memory_space<vmem>>, vector<16xf32>,
        %parallel_loop3A_281 = arith.index_cast %parallel_loop3A_259 : i32 to index
        %parallel_loop3A_282 = arith.constant 112 : index
        %parallel_loop3A_283 = tpu.vector_load %arg8[%parallel_loop3A_281, %parallel_loop3A_282] {strides = array<i32>} : memref<104x256xf32, #tpu.memory_space<vmem>>, vector<16xf32>,
        tpu.vector_store %arg8[%parallel_loop3A_281, %parallel_loop3A_282], %parallel_loop3A_152 {add = true, strides = array<i32>} : memref<104x256xf32, #tpu.memory_space<vmem>>, vector<16xf32>,
        %parallel_loop3A_284 = arith.index_cast %parallel_loop3A_259 : i32 to index
        %parallel_loop3A_285 = arith.constant 128 : index
        %parallel_loop3A_286 = tpu.vector_load %arg8[%parallel_loop3A_284, %parallel_loop3A_285] {strides = array<i32>} : memref<104x256xf32, #tpu.memory_space<vmem>>, vector<16xf32>,
        tpu.vector_store %arg8[%parallel_loop3A_284, %parallel_loop3A_285], %parallel_loop3A_159 {add = true, strides = array<i32>} : memref<104x256xf32, #tpu.memory_space<vmem>>, vector<16xf32>,
        %parallel_loop3A_287 = arith.index_cast %parallel_loop3A_259 : i32 to index
        %parallel_loop3A_288 = arith.constant 144 : index
        %parallel_loop3A_289 = tpu.vector_load %arg8[%parallel_loop3A_287, %parallel_loop3A_288] {strides = array<i32>} : memref<104x256xf32, #tpu.memory_space<vmem>>, vector<16xf32>,
        tpu.vector_store %arg8[%parallel_loop3A_287, %parallel_loop3A_288], %parallel_loop3A_166 {add = true, strides = array<i32>} : memref<104x256xf32, #tpu.memory_space<vmem>>, vector<16xf32>,
        %parallel_loop3A_290 = arith.index_cast %parallel_loop3A_259 : i32 to index
        %parallel_loop3A_291 = arith.constant 160 : index
        %parallel_loop3A_292 = tpu.vector_load %arg8[%parallel_loop3A_290, %parallel_loop3A_291] {strides = array<i32>} : memref<104x256xf32, #tpu.memory_space<vmem>>, vector<16xf32>,
        tpu.vector_store %arg8[%parallel_loop3A_290, %parallel_loop3A_291], %parallel_loop3A_173 {add = true, strides = array<i32>} : memref<104x256xf32, #tpu.memory_space<vmem>>, vector<16xf32>,
        %parallel_loop3A_293 = arith.index_cast %parallel_loop3A_259 : i32 to index
        %parallel_loop3A_294 = arith.constant 176 : index
        %parallel_loop3A_295 = tpu.vector_load %arg8[%parallel_loop3A_293, %parallel_loop3A_294] {strides = array<i32>} : memref<104x256xf32, #tpu.memory_space<vmem>>, vector<16xf32>,
        tpu.vector_store %arg8[%parallel_loop3A_293, %parallel_loop3A_294], %parallel_loop3A_180 {add = true, strides = array<i32>} : memref<104x256xf32, #tpu.memory_space<vmem>>, vector<16xf32>,
        %parallel_loop3A_296 = arith.index_cast %parallel_loop3A_259 : i32 to index
        %parallel_loop3A_297 = arith.constant 192 : index
        %parallel_loop3A_298 = tpu.vector_load %arg8[%parallel_loop3A_296, %parallel_loop3A_297] {strides = array<i32>} : memref<104x256xf32, #tpu.memory_space<vmem>>, vector<16xf32>,
        tpu.vector_store %arg8[%parallel_loop3A_296, %parallel_loop3A_297], %parallel_loop3A_187 {add = true, strides = array<i32>} : memref<104x256xf32, #tpu.memory_space<vmem>>, vector<16xf32>,
        %parallel_loop3A_299 = arith.index_cast %parallel_loop3A_259 : i32 to index
        %parallel_loop3A_300 = arith.constant 208 : index
        %parallel_loop3A_301 = tpu.vector_load %arg8[%parallel_loop3A_299, %parallel_loop3A_300] {strides = array<i32>} : memref<104x256xf32, #tpu.memory_space<vmem>>, vector<16xf32>,
        tpu.vector_store %arg8[%parallel_loop3A_299, %parallel_loop3A_300], %parallel_loop3A_194 {add = true, strides = array<i32>} : memref<104x256xf32, #tpu.memory_space<vmem>>, vector<16xf32>,
        %parallel_loop3A_302 = arith.index_cast %parallel_loop3A_259 : i32 to index
        %parallel_loop3A_303 = arith.constant 224 : index
        %parallel_loop3A_304 = tpu.vector_load %arg8[%parallel_loop3A_302, %parallel_loop3A_303] {strides = array<i32>} : memref<104x256xf32, #tpu.memory_space<vmem>>, vector<16xf32>,
        tpu.vector_store %arg8[%parallel_loop3A_302, %parallel_loop3A_303], %parallel_loop3A_201 {add = true, strides = array<i32>} : memref<104x256xf32, #tpu.memory_space<vmem>>, vector<16xf32>,
        %parallel_loop3A_305 = arith.index_cast %parallel_loop3A_259 : i32 to index
        %parallel_loop3A_306 = arith.constant 240 : index
        %parallel_loop3A_307 = tpu.vector_load %arg8[%parallel_loop3A_305, %parallel_loop3A_306] {strides = array<i32>} : memref<104x256xf32, #tpu.memory_space<vmem>>, vector<16xf32>,
        tpu.vector_store %arg8[%parallel_loop3A_305, %parallel_loop3A_306], %parallel_loop3A_208 {add = true, strides = array<i32>} : memref<104x256xf32, #tpu.memory_space<vmem>>, vector<16xf32>,
      } else {
      }
      %parallel_loop3A_216 = arith.constant 0.000000e+00 : f32
      %parallel_loop3A_217 = arith.constant 1.000000e+00 : f32
      %parallel_loop3A_218 = arith.select %parallel_loop3A_212, %parallel_loop3A_216, %parallel_loop3A_217 : f32
      %parallel_loop3A_219 = vector.broadcast %parallel_loop3A_218 : f32 to vector<16xf32>
      %parallel_loop3A_220 = arith.mulf %parallel_loop3A_103, %parallel_loop3A_219 : vector<16xf32>
      %parallel_loop3A_221 = vector.broadcast %parallel_loop3A_218 : f32 to vector<16xf32>
      %parallel_loop3A_222 = arith.mulf %parallel_loop3A_110, %parallel_loop3A_221 : vector<16xf32>
      %parallel_loop3A_223 = vector.broadcast %parallel_loop3A_218 : f32 to vector<16xf32>
      %parallel_loop3A_224 = arith.mulf %parallel_loop3A_117, %parallel_loop3A_223 : vector<16xf32>
      %parallel_loop3A_225 = vector.broadcast %parallel_loop3A_218 : f32 to vector<16xf32>
      %parallel_loop3A_226 = arith.mulf %parallel_loop3A_124, %parallel_loop3A_225 : vector<16xf32>
      %parallel_loop3A_227 = vector.broadcast %parallel_loop3A_218 : f32 to vector<16xf32>
      %parallel_loop3A_228 = arith.mulf %parallel_loop3A_131, %parallel_loop3A_227 : vector<16xf32>
      %parallel_loop3A_229 = vector.broadcast %parallel_loop3A_218 : f32 to vector<16xf32>
      %parallel_loop3A_230 = arith.mulf %parallel_loop3A_138, %parallel_loop3A_229 : vector<16xf32>
      %parallel_loop3A_231 = vector.broadcast %parallel_loop3A_218 : f32 to vector<16xf32>
      %parallel_loop3A_232 = arith.mulf %parallel_loop3A_145, %parallel_loop3A_231 : vector<16xf32>
      %parallel_loop3A_233 = vector.broadcast %parallel_loop3A_218 : f32 to vector<16xf32>
      %parallel_loop3A_234 = arith.mulf %parallel_loop3A_152, %parallel_loop3A_233 : vector<16xf32>
      %parallel_loop3A_235 = vector.broadcast %parallel_loop3A_218 : f32 to vector<16xf32>
      %parallel_loop3A_236 = arith.mulf %parallel_loop3A_159, %parallel_loop3A_235 : vector<16xf32>
      %parallel_loop3A_237 = vector.broadcast %parallel_loop3A_218 : f32 to vector<16xf32>
      %parallel_loop3A_238 = arith.mulf %parallel_loop3A_166, %parallel_loop3A_237 : vector<16xf32>
      %parallel_loop3A_239 = vector.broadcast %parallel_loop3A_218 : f32 to vector<16xf32>
      %parallel_loop3A_240 = arith.mulf %parallel_loop3A_173, %parallel_loop3A_239 : vector<16xf32>
      %parallel_loop3A_241 = vector.broadcast %parallel_loop3A_218 : f32 to vector<16xf32>
      %parallel_loop3A_242 = arith.mulf %parallel_loop3A_180, %parallel_loop3A_241 : vector<16xf32>
      %parallel_loop3A_243 = vector.broadcast %parallel_loop3A_218 : f32 to vector<16xf32>
      %parallel_loop3A_244 = arith.mulf %parallel_loop3A_187, %parallel_loop3A_243 : vector<16xf32>
      %parallel_loop3A_245 = vector.broadcast %parallel_loop3A_218 : f32 to vector<16xf32>
      %parallel_loop3A_246 = arith.mulf %parallel_loop3A_194, %parallel_loop3A_245 : vector<16xf32>
      %parallel_loop3A_247 = vector.broadcast %parallel_loop3A_218 : f32 to vector<16xf32>
      %parallel_loop3A_248 = arith.mulf %parallel_loop3A_201, %parallel_loop3A_247 : vector<16xf32>
      %parallel_loop3A_249 = vector.broadcast %parallel_loop3A_218 : f32 to vector<16xf32>
      %parallel_loop3A_250 = arith.mulf %parallel_loop3A_208, %parallel_loop3A_249 : vector<16xf32>
      %parallel_loop3A_251 = arith.extui %parallel_loop3A_212 : i1 to i32
      %parallel_loop3A_252 = arith.addi %parallel_loop3A_75, %parallel_loop3A_251 : i32
      %parallel_loop3A_253 = arith.constant 1 : i32
      %parallel_loop3A_254 = arith.addi %parallel_loop3A_252, %parallel_loop3A_253 : i32
      %parallel_loop3A_255 = arith.select %parallel_loop3A_212, %parallel_loop3A_254, %parallel_loop3A_210 : i32
      scf.yield %parallel_loop3A_252, %parallel_loop3A_255, %parallel_loop3A_220, %parallel_loop3A_222, %parallel_loop3A_224, %parallel_loop3A_226, %parallel_loop3A_228, %parallel_loop3A_230, %parallel_loop3A_232, %parallel_loop3A_234, %parallel_loop3A_236, %parallel_loop3A_238, %parallel_loop3A_240, %parallel_loop3A_242, %parallel_loop3A_244, %parallel_loop3A_246, %parallel_loop3A_248, %parallel_loop3A_250 : i32, i32, vector<16xf32>, vector<16xf32>, vector<16xf32>, vector<16xf32>, vector<16xf32>, vector<16xf32>, vector<16xf32>, vector<16xf32>, vector<16xf32>, vector<16xf32>, vector<16xf32>, vector<16xf32>, vector<16xf32>, vector<16xf32>, vector<16xf32>, vector<16xf32>
    } {sc.loop_unroll_factor = 1 : i64, sc.parallel_access}
    "tpu.region"() ({
      %run_scoped3A = tpu.sem_alloc : memref<!tpu.dma_semaphore, #tpu.memory_space<semaphore_mem>>
      %dma_start3A_74 = arith.constant 0 : i32
      %dma_start3A_75 = tpu.memref_slice %arg4[%dma_start3A_74, %add3A_39] : memref<104x16384xf32, #tpu.memory_space<hbm>> -> memref<104x256xf32, #tpu.memory_space<hbm>>
      %dma_start3A_76 = arith.constant 0 : i32
      %dma_start3A_77 = tpu.memref_slice %arg4[%dma_start3A_76, %add3A_39] : memref<104x16384xf32, #tpu.memory_space<hbm>> -> memref<104x256xf32, #tpu.memory_space<hbm>>
      tpu.enqueue_dma source(%arg8 : memref<104x256xf32, #tpu.memory_space<vmem>>) target(%dma_start3A_77 : memref<104x256xf32, #tpu.memory_space<hbm>>) target_semaphore(%run_scoped3A : memref<!tpu.dma_semaphore, #tpu.memory_space<semaphore_mem>>)
      %dma_wait3A_78 = arith.constant 0 : i32
      %dma_wait3A_79 = tpu.memref_slice %arg4[%dma_wait3A_78, %add3A_39] : memref<104x16384xf32, #tpu.memory_space<hbm>> -> memref<104x256xf32, #tpu.memory_space<hbm>>
      %dma_wait3A_80 = arith.constant 0 : i32
      %dma_wait3A_81 = tpu.memref_slice %arg4[%dma_wait3A_80, %add3A_39] : memref<104x16384xf32, #tpu.memory_space<hbm>> -> memref<104x256xf32, #tpu.memory_space<hbm>>
      tpu.wait_dma2 semaphore(%run_scoped3A : memref<!tpu.dma_semaphore, #tpu.memory_space<semaphore_mem>>) src(%arg8 : memref<104x256xf32, #tpu.memory_space<vmem>>) dst(%dma_wait3A_81 : memref<104x256xf32, #tpu.memory_space<hbm>>)
      tpu.yield
    }) : () -> ()
    return
  }
}

</mosaic_0001>

<sc_bundles>
// kernel: kernel.3.cloned.1.call-start
scs
__scs_entry_jumppad:
0x0: {  	(pc) =	sbr.rel $0x88, $3  }
0x1: {  	(tag) =	ssettag $0x0;
	lr =	simm.s32 $0x1  }
0x2: {  	[smem:$0x3FA0] =	sst lr;
	_ =	strace $0xD0000000  }
0x3: {  	_ = 	snop  }
0x4: {  	_ = 	snop  }
0x5: {  	_ = 	snop  }
0x6: {  	_ = 	snop  }
0x7: {  	_ = 	snop  }
__scs_overlays_trampoline_lowered:
0x8: {  	[smem:$0x3FAF] =	sst s0  }
0x9: {  	[smem:$0x3FB0] =	sst s1  }
0xa: {  	[smem:$0x3FB1] =	sst s2  }
0xb: {  	[smem:$0x3FB2] =	sst s3  }
0xc: {  	[smem:$0x3FB3] =	sst s4  }
0xd: {  	[smem:$0x3FB4] =	sst s5  }
0xe: {  	[smem:$0x3FB5] =	sst s6  }
0xf: {  	[smem:$0x3FB6] =	sst s7  }
0x10: {  	[smem:$0x3FB7] =	sst s8  }
0x11: {  	[smem:$0x3FB8] =	sst s9;
	s0 =	simm.s32 @!p0 $0x0  }
0x12: {  	s1 =	sld [smem:$0x3F9E];
	s0 =	simm.s32 @p0 $0x1  }
0x13: {  	[smem:$0x3FB9] =	sst s0;
	s0 =	simm.s32 @!p1 $0x0  }
0x14: {  	s2 =	sld [smem:$0x3F9D];
	s0 =	simm.s32 @p1 $0x1  }
0x15: {  	[smem:$0x3FBA] =	sst s0;
	s0 =	simm.s32 @!p2 $0x0  }
0x16: {  	s3 =	sld [smem:$0x3FDB];
	s0 =	simm.s32 @p2 $0x1  }
0x17: {  	s4 =	simm.s32 $0x1BF5;
	[smem:$0x3FBC] =	sst s0  }
0x18: {  	s0 =	sld [smem:$0x3F9F];
	_ =	swait.ge [sflag:s4], $0x0  }
0x19: {  	s7 =	sld [smem:$0x3FA0]  }
0x1a: {  	s8 =	sadd.s32 $0xFFFFE003, lr  }
0x1b: {  	s9 =	sadd.s32 $0xFFFFFEF7, lr;
	s5 =	simm.s32 $0xFFFFFFFF;
	p2 =	slt.u32 s8, $0xFFFFF086  }
0x1c: {  	p1 =	slt.u32 s9, $0xF7A;
	s5 =	simm.s32 @!p2 $0x0  }
0x1d: {  	s5 =	simm.s32 @p1 $0x1;
	p0 =	seq.s32 s7, s2  }
0x1e: {  	s7 =	smul.u32 @!p0 $0xF7A, s2;
	p2 =	seq.s32 @!p0 s5, $0x0  }
0x1f: {  	s9 =	smul.u32 $0xF7A, s1;
	s8 =	simm.s32 @!p0 $0x1BF5;
	p2 =	por !p2, p0  }
0x20: {  	[sflag:s8] =	ssyncset.s32 @!p0 $0xFFFFF086;
	s6 =	sadd.s32 @!p0 s3, s7;
	s7 =	simm.s32 @!p0 $0x108  }
0x21: {  	s3 =	sadd.s32 s3, s9;
	s6 =	sadd.s32 @!p0 $0x88, s6;
	s7 =	simm.s32 @p2 $0x1082  }
0x22: {  	[simem:s7], [sflag:s8] =	dma.local @!p0 [hbm:s6], $0xF7A  }
0x23: {  	s9 =	sor.u32 $0xD0000000, s2;
	s6 =	simm.s32 $0x108;
	_ =	swait.ge @!p0 [sflag:s8], $0x0  }
0x24: {  	s3 =	sadd.s32 $0x88, s3;
	s6 =	simm.s32 @!p1 $0x1082;
	[sflag:s4] =	ssyncset.s32 $0xFFFFF086  }
0x25: {  	[simem:s6], [sflag:s4] =	dma.local [hbm:s3], $0xF7A  }
0x26: {  	[smem:$0x3FA0] =	sst s1;
	(tag) =	ssettag s2;
	_ =	strace s9  }
0x27: {  	s1 =	sld [smem:$0x3FB0]  }
0x28: {  	s2 =	sld [smem:$0x3FB1]  }
0x29: {  	s4 =	sld [smem:$0x3FB3]  }
0x2a: {  	p0 =	seq.s32 s5, $0x0;
	s5 =	sld [smem:$0x3FB4]  }
0x2b: {  	s6 =	sld [smem:$0x3FB5]  }
0x2c: {  	s7 =	sld [smem:$0x3FB6]  }
0x2d: {  	s3 =	simm.s32 $0x108;
	s8 =	sld [smem:$0x3FB7]  }
0x2e: {  	s3 =	simm.s32 @!p0 $0x1082;
	s9 =	sld [smem:$0x3FB8]  }
0x2f: {  	lr =	sadd.s32 s0, s3;
	s0 =	sld [smem:$0x3FAF]  }
0x30: {  	s3 =	sld [smem:$0x3FB2]  }
0x31: {  	[smem:$0x3FBB] =	sst s10  }
0x32: {  	s10 =	sld [smem:$0x3FB9];
	_ =	sdelay $0x3  }
0x33: {  	p0 =	seq.s32 s10, $0x1;
	s10 =	sld [smem:$0x3FBB];
	_ =	sdelay $0x3  }
0x34: {  	[smem:$0x3FBB] =	sst s10  }
0x35: {  	s10 =	sld [smem:$0x3FBA];
	_ =	sdelay $0x3  }
0x36: {  	p1 =	seq.s32 s10, $0x1;
	s10 =	sld [smem:$0x3FBB];
	_ =	sdelay $0x3  }
0x37: {  	[smem:$0x3FBB] =	sst s10  }
0x38: {  	s10 =	sld [smem:$0x3FBC]  }
0x39: {  	_ = 	snop;
	(pc) =	sbr.ind lr, $3  }
0x3a: {  	_ = 	snop  }
0x3b: {  	_ = 	snop  }
0x3c: {  	p2 =	seq.s32 s10, $0x1;
	s10 =	sld [smem:$0x3FBB]  }
0x3d: {  	_ =	shalt  }
0x3e: {  	_ =	shalt  }
0x3f: {  	_ =	shalt  }
0x40: {  	_ =	shalt  }
0x41: {  	_ =	shalt  }
0x42: {  	_ =	shalt  }
0x43: {  	_ =	shalt  }
0x44: {  	_ =	shalt  }
0x45: {  	_ =	shalt  }
0x46: {  	_ =	shalt  }
0x47: {  	_ =	shalt  }
0x48: {  	_ =	shalt  }
0x49: {  	_ =	shalt  }
0x4a: {  	_ =	shalt  }
0x4b: {  	_ =	shalt  }
0x4c: {  	_ =	shalt  }
0x4d: {  	_ =	shalt  }
0x4e: {  	_ =	shalt  }
0x4f: {  	_ =	shalt  }
0x50: {  	_ =	shalt  }
0x51: {  	_ =	shalt  }
0x52: {  	_ =	shalt  }
0x53: {  	_ =	shalt  }
0x54: {  	_ =	shalt  }
0x55: {  	_ =	shalt  }
0x56: {  	_ =	shalt  }
0x57: {  	_ =	shalt  }
0x58: {  	_ =	shalt  }
0x59: {  	_ =	shalt  }
0x5a: {  	_ =	shalt  }
0x5b: {  	_ =	shalt  }
0x5c: {  	_ =	shalt  }
0x5d: {  	_ =	shalt  }
0x5e: {  	_ =	shalt  }
0x5f: {  	_ =	shalt  }
0x60: {  	_ =	shalt  }
0x61: {  	_ =	shalt  }
0x62: {  	_ =	shalt  }
0x63: {  	_ =	shalt  }
0x64: {  	_ =	shalt  }
0x65: {  	_ =	shalt  }
0x66: {  	_ =	shalt  }
0x67: {  	_ =	shalt  }
0x68: {  	_ =	shalt  }
0x69: {  	_ =	shalt  }
0x6a: {  	_ =	shalt  }
0x6b: {  	_ =	shalt  }
0x6c: {  	_ =	shalt  }
0x6d: {  	_ =	shalt  }
0x6e: {  	_ =	shalt  }
0x6f: {  	_ =	shalt  }
0x70: {  	_ =	shalt  }
0x71: {  	_ =	shalt  }
0x72: {  	_ =	shalt  }
0x73: {  	_ =	shalt  }
0x74: {  	_ =	shalt  }
0x75: {  	_ =	shalt  }
0x76: {  	_ =	shalt  }
0x77: {  	_ =	shalt  }
0x78: {  	_ =	shalt  }
0x79: {  	_ =	shalt  }
0x7a: {  	_ =	shalt  }
0x7b: {  	_ =	shalt  }
0x7c: {  	_ =	shalt  }
0x7d: {  	_ =	shalt  }
0x7e: {  	_ =	shalt  }
0x7f: {  	_ =	shalt  }
0x80: {  	_ =	shalt  }
0x81: {  	_ =	shalt  }
0x82: {  	_ =	shalt  }
0x83: {  	_ =	shalt  }
0x84: {  	_ =	shalt  }
0x85: {  	_ =	shalt  }
0x86: {  	_ =	shalt  }
0x87: {  	_ =	shalt  }
.Lfunc_end0:
.L_simem_size_0:
called_computation_lowered:
.L_overlay_start_0:
0x88: {  	s2 =	sld [smem:$0x3FD9]  }
0x89: {  	s3 =	sld [smem:$0x3FFE];
	_ =	sdelay $0x1  }
0x8a: {  	s1 =	srdreg.scid  }
0x8b: {  	s0 =	sand.u32 $0x1, s1  }
0x8c: {  	s17 =	sshll.u32 s0, $0xA;
	s2 =	sadd.s32 s3, s2  }
0x8d: {  	s2 =	sadd.s32 s2, s17  }
0x8e: {  	[smem:$0x3FC7] =	sst s2  }
0x8f: {  	_ = 	snop  }
0x90: {  	s2 =	sld [smem:$0x3FC9]  }
0x91: {  	s18 =	sld [smem:$0x3FD0];
	(tm) =	ssettm $0x1  }
0x92: {  	s4 =	sld [smem:$0x3FFB];
	_ =	sdelay $0x3  }
0x93: {  	_ =	strace s4  }
0x94: {  	s4 =	sld [smem:$0x3FFC];
	_ =	sdelay $0x3  }
0x95: {  	_ =	strace s4  }
0x96: {  	s4 =	sld [smem:$0x3FFD];
	_ =	sdelay $0x3  }
0x97: {  	_ =	strace s4  }
0x98: {  	_ =	strace $0x8FFFFFFF  }
0x99: {  	s19 =	sld [smem:$0x3FDB];
	_ =	sdelay $0x1  }
0x9a: {  	s5 =	simm.s32 $_scs_section_size  }
0x9b: {  	s6 =	simm.s32 $_size__tile_overlayer_lowered;
	s7 =	simm.s32 $_tile_overlayer_lowered  }
0x9c: {  	s22 =	simm.s32 $0x1BFF;
	s21 =	sshll.u32 s7, $0x1;
	s4 =	sadd.s32 s5, s19  }
0x9d: {  	s8 =	simm.s32 $0x0;
	s20 =	sshll.u32 s6, $0x1;
	s6 =	sadd.s32 s21, s4  }
0x9e: {  	[timem:s8], [sflag:s22] =	dma.local [hbm:s6], s20  }
0x9f: {  	_ =	swait.ge [sflag:s22], s20  }
0xa0: {  	s5 =	ssub.s32 $0x0, s20;
	[sflag:s22] =	ssyncset.done $0x0  }
0xa1: {  	[sflag:s22] =	ssyncadd.s32 s5;
	_ =	sdelay $0x1  }
0xa2: {  	s23 =	simm.s32 $0x1B8B  }
0xa3: {  	_ =	swait.ge [sflag:s23], $0x1  }
0xa4: {  	[sflag:s23] =	ssyncset.done $0x0  }
0xa5: {  	s25 =	simm.s32 $0x1B8E;
	s24 =	sld [smem:$0x3FFE];
	[sflag:s23] =	ssyncadd.s32 $0xFFFFFFFF  }
0xa6: {  	s26 =	simm.s32 $execute0_lowered;
	[smem:$0x3FD2] =	sst s25  }
0xa7: {  	s6 =	sshll.u32 s26, $0x1;
	_ =	strace $0x80000046;
	[dreg:$0x1] =	wrdreg $0xFFFFFFFF  }
0xa8: {  	s28 =	simm.s32 $_size_execute0_lowered;
	s4 =	sadd.s32 s4, s6;
	[dreg:$0x0] =	wrdreg $0x0  }
0xa9: {  	s6 =	sshll.u32 s28, $0x1;
	[dreg:$0x2] =	wrdreg s4  }
0xaa: {  	[dreg:$0x3] =	wrdreg s6  }
0xab: {  	[dreg:$0x4] =	wrdreg $0xC0  }
0xac: {  	_ =	task [dreg:s8], $0x5FFFF  }
0xad: {  	[dreg:$0x1] =	wrdreg $0xFFFFFFFF  }
0xae: {  	[dreg:$0x0] =	wrdreg $0x60  }
0xaf: {  	[dreg:$0x2] =	wrdreg s2  }
0xb0: {  	[dreg:$0x3] =	wrdreg s18  }
0xb1: {  	[dreg:$0x4] =	wrdreg s24  }
0xb2: {  	[dreg:$0x5] =	wrdreg $0x9  }
0xb3: {  	_ =	task.clear_ibuf [dreg:s8], $0x6FFFF;
	_ =	strace $0x90000046  }
0xb4: {  	s29 =	simm.s32 $0x9;
	_ =	strace $0x80000048  }
0xb5: {  	_ =	swait.ge [sflag:s29], $0x1  }
0xb6: {  	[sflag:s29] =	ssyncadd.s32 $0xFFFFFFFF  }
0xb7: {  	_ =	strace $0x90000048  }
0xb8: {  	_ =	sfence  }
0xb9: {  	s30 =	sld [smem:$0x0];
	_ =	sdelay $0x2  }
0xba: {  	s31 =	sshll.u32 s1, $0xD;
	s1 =	sshrl.u32 s1, $0x2  }
0xbb: {  	s3 =	sand.u32 $0x4000, s31;
	s1 =	sadd.s32 s1, s30  }
0xbc: {  	s0 =	sor.u32 s3, s0;
	s1 =	sshll.u32 s1, $0x11  }
0xbd: {  	s0 =	sor.u32 s1, s0  }
0xbe: {  	s0 =	sadd.s32 $0x8F2B, s0  }
0xbf: {  	[sflag:s0] =	ssyncadd.remote.s32 $0x1  }
0xc0: {  	_ =	sfence.sel $0xFFFF  }
0xc1: {  	[dreg:$0x0] =	wrdreg $0xFFFFFFFF;
	(pc) =	sbr.abs _section_cstart, $3  }
0xc2: {  	[dreg:$0x1] =	wrdreg $0xFFFFFFFF  }
0xc3: {  	_ =	task.clear_ibuf [dreg:s8], $0x2FFFF;
	_ =	strace $0x9FFFFFFF  }
0xc4: {  	(tm) =	ssettm $0x7FFFFFFF  }
0xc5: {  	_ =	shalt  }
tec
execute0_lowered:
.L_overlay_start_1:
0x0: {  	(tag) =	ssettag $0x1  }
0x1: {  	s1 =	rddreg [dreg:$0x0]  }
0x2: {  	s0 =	rddreg [dreg:$0x1]  }
0x3: {  	s2 =	rddreg [dreg:$0x2];
	s3 =	simm.s32 $0x0;
	s4 =	srdreg.scid  }
0x4: {  	s23 =	stileid.u32;
	s17 =	simm.s32 $0x800;
	s18 =	simm.s32 $0x20000  }
0x5: {  	s19 =	simm.s32 $0x4000;
	s21 =	simm.s32 $0x1;
	s4 =	sand.u32 $0x1, s4  }
0x6: {  	s6 =	sshll.u32 s23, $0xA;
	s5 =	ssub.s32 $0x2, s4;
	s4 =	sshll.u32 s4, $0x9  }
0x7: {  	s22 =	simm.s32 $0x2;
	[smem:$0x7FF] =	sst s3;
	s4 =	sor.u32 s4, s6  }
0x8: {  	s2 =	sadd.s32 $0x400, s2;
	_ =	strace $0x80000047;
	s26 =	sadd.s32 s0, s4  }
0x9: {  	s7 =	sshrl.u32 s5, $0x1;
	s28 =	sadd.s32 s2, s4;
	[dreg:$0x6] =	wrdreg s26  }
0xa: {  	s5 =	ssub.s32 s5, s7;
	s24 =	sadd.s32 s1, s4;
	[dreg:$0x7] =	wrdreg s28  }
0xb: {  	s29 =	sor.u32 $0x100, s4;
	s25 =	sadd.s32 $0x20000, s24;
	[dreg:$0x4] =	wrdreg s24  }
0xc: {  	s4 =	sshll.u32 s4, $0x3;
	s9 =	sadd.s32 s1, s29;
	[dreg:$0x5] =	wrdreg s25  }
0xd: {  	s7 =	sadd.s32 $0x40000, s24;
	s3 =	sadd.s32 $0x20100, s24;
	[dreg:$0x8] =	wrdreg s9  }
0xe: {  	s8 =	sadd.s32 $0x60000, s24;
	s0 =	sadd.s32 s0, s29;
	[dreg:$0x9] =	wrdreg s3  }
0xf: {  	s13 =	sor.u32 $0x200800, s4;
	s30 =	sadd.s32 s2, s29;
	[dreg:$0xa] =	wrdreg s0  }
0x10: {  	s14 =	sor.u32 $0x300800, s4;
	s31 =	smax.u32 s5, $0x1;
	[dreg:$0xb] =	wrdreg s30  }
0x11: {  	s26 =	simm.s32 $0x0;
	[dreg:$0xc] =	wrdreg s31;
	s25 =	simm.s32 $0x4  }
.LBB2_1:
0x12: {  	s2 =	simm.s32 $0x0;
	s0 =	rddreg [dreg:$0x4]  }
0x13: {  	[tilespmem:s2], [sflag:$0x1] =	stream.strided.gather [hbm4b:s0+s17], $0x4000, s18, s17, $0x38;
	[tilespmem:$0x12800] =	vst v63  }
0x14: {  	s29 =	rddreg [dreg:$0x5];
	s31 =	sand.u32 $0x7800, s2;
	s2 =	sand.u32 $0x380, s2  }
0x15: {  	[tilespmem:s19], [sflag:$0x2] =	stream.strided.gather [hbm4b:s29+s17], $0x4000, s18, s17, $0x38;
	[tilespmem:$0x12800] =	vst v63  }
0x16: {  	s30 =	rddreg [dreg:$0x6];
	s3 =	simm.s32 $0x8000;
	s0 =	sor.u32 s2, s31  }
0x17: {  	v0 =	vimm.f32 $0.0e+00;
	[tilespmem:s3], [sflag:$0x3] =	stream.strided.gather [hbm4b:s30+s17], $0x4000, s18, s17, $0x38;
	[tilespmem:$0x12800] =	vst v63  }
0x18: {  	[tilespmem:s0+$0xC470] =	vst v0  }
0x19: {  	[tilespmem:s0+$0xC000] =	vst v0  }
0x1a: {  	[tilespmem:s0+$0xC010] =	vst v0  }
0x1b: {  	[tilespmem:s0+$0xC020] =	vst v0  }
0x1c: {  	[tilespmem:s0+$0xC030] =	vst v0  }
0x1d: {  	[tilespmem:s0+$0xC040] =	vst v0  }
0x1e: {  	[tilespmem:s0+$0xC050] =	vst v0  }
0x1f: {  	[tilespmem:s0+$0xC060] =	vst v0  }
0x20: {  	[tilespmem:s0+$0xC070] =	vst v0  }
0x21: {  	[tilespmem:s0+$0xC400] =	vst v0  }
0x22: {  	[tilespmem:s0+$0xC410] =	vst v0  }
0x23: {  	[tilespmem:s0+$0xC420] =	vst v0  }
0x24: {  	[tilespmem:s0+$0xC430] =	vst v0  }
0x25: {  	s4 =	simm.s32 $0x100;
	s2 =	simm.s32 $0x80;
	[tilespmem:s0+$0xC440] =	vst v0  }
0x26: {  	s5 =	sand.u32 $0x7800, s4;
	s4 =	simm.s32 $0x200;
	s6 =	sand.u32 $0x380, s2;
	[tilespmem:s0+$0xC450] =	vst v0  }
.LBB2_2:
0x27: {  	p0 =	sne.s32 s4, $0x6300;
	[tilespmem:s0+$0xC460] =	vst v0;
	s0 =	sor.u32 s6, s5  }
0x28: {  	[tilespmem:s0+$0xC470] =	vst v0  }
0x29: {  	[tilespmem:s0+$0xC000] =	vst v0  }
0x2a: {  	[tilespmem:s0+$0xC010] =	vst v0  }
0x2b: {  	[tilespmem:s0+$0xC020] =	vst v0  }
0x2c: {  	[tilespmem:s0+$0xC030] =	vst v0  }
0x2d: {  	[tilespmem:s0+$0xC040] =	vst v0  }
0x2e: {  	[tilespmem:s0+$0xC050] =	vst v0  }
0x2f: {  	[tilespmem:s0+$0xC060] =	vst v0  }
0x30: {  	[tilespmem:s0+$0xC070] =	vst v0  }
0x31: {  	[tilespmem:s0+$0xC400] =	vst v0  }
.Ltmp0:
0x32: {  	[tilespmem:s0+$0xC410] =	vst v0;
	(pc) =	sbr.rel @p0 .LBB2_2-.Ltmp0, $4  }
0x33: {  	[tilespmem:s0+$0xC420] =	vst v0  }
0x34: {  	[tilespmem:s0+$0xC430] =	vst v0  }
0x35: {  	s2 =	sadd.s32 $0x80, s2;
	[tilespmem:s0+$0xC440] =	vst v0  }
0x36: {  	s5 =	sand.u32 $0x7800, s4;
	s4 =	sadd.s32 $0x100, s4;
	s6 =	sand.u32 $0x380, s2;
	[tilespmem:s0+$0xC450] =	vst v0  }
0x37: {  	s2 =	sor.u32 s6, s5;
	v9 =	vimm.f32 $0.0e+00;
	[tilespmem:s0+$0xC460] =	vst v0  }
0x38: {  	[tilespmem:s2+$0xC470] =	vst v9  }
0x39: {  	[tilespmem:s2+$0xC000] =	vst v9  }
0x3a: {  	[tilespmem:s2+$0xC010] =	vst v9  }
0x3b: {  	[tilespmem:s2+$0xC020] =	vst v9  }
0x3c: {  	[tilespmem:s2+$0xC030] =	vst v9  }
0x3d: {  	[tilespmem:s2+$0xC040] =	vst v9  }
0x3e: {  	[tilespmem:s2+$0xC050] =	vst v9  }
0x3f: {  	[tilespmem:s2+$0xC060] =	vst v9  }
0x40: {  	[tilespmem:s2+$0xC070] =	vst v9  }
0x41: {  	[tilespmem:s2+$0xC400] =	vst v9  }
0x42: {  	[tilespmem:s2+$0xC410] =	vst v9  }
0x43: {  	v0 =	vimm.f32 $0.0e+00;
	v1 =	vimm.f32 $0.0e+00;
	v16 =	vimm.f32 $0.0e+00;
	[tilespmem:s2+$0xC420] =	vst v9  }
0x44: {  	v3 =	vimm.f32 $0.0e+00;
	v5 =	vimm.f32 $0.0e+00;
	v4 =	vimm.f32 $0.0e+00;
	[tilespmem:s2+$0xC430] =	vst v9  }
0x45: {  	v7 =	vimm.f32 $0.0e+00;
	v6 =	vimm.f32 $0.0e+00;
	v8 =	vimm.f32 $0.0e+00;
	[tilespmem:s2+$0xC440] =	vst v9  }
0x46: {  	v10 =	vimm.f32 $0.0e+00;
	v11 =	vimm.f32 $0.0e+00;
	v12 =	vimm.f32 $0.0e+00;
	[tilespmem:s2+$0xC450] =	vst v9  }
0x47: {  	s29 =	simm.s32 $0x0;
	s24 =	simm.s32 $0x1;
	v13 =	vimm.f32 $0.0e+00;
	v14 =	vimm.f32 $0.0e+00;
	v15 =	vimm.f32 $0.0e+00;
	s28 =	simm.s32 $0x0;
	[tilespmem:s2+$0xC460] =	vst v9  }
.LBB2_4:
0x48: {  	_ =	swait.ge [sflag:s21], $0x4000  }
0x49: {  	s30 =	simm.s32 $0xFFFFFFFC;
	p0 =	por $0x0, $0x0;
	[sflag:s21] =	ssyncset.done $0x0  }
0x4a: {  	s0 =	simm.s32 $0x0;
	s2 =	simm.s32 $0x0;
	[sflag:s21] =	ssyncadd.s32 $0xFFFFC000  }
.LBB2_5:
0x4b: {  	s4 =	sand.u32 $0x3800, s0;
	s5 =	sand.u32 $0x200, s2  }
0x4c: {  	s6 =	sor.u32 s5, s4  }
0x4d: {  	p1 =	slt.s32 s24, $0x64;
	s9 =	smov.u32 s24;
	v45 =	vld [tilespmem:s6+$0x0]  }
0x4e: {  	s9 =	simm.s32 @!p1 $0x64  }
0x4f: {  	s10 =	sshll.u32 s9, $0x8;
	s9 =	sshll.u32 s9, $0x7  }
0x50: {  	s10 =	sand.u32 $0xFFFFF800, s10;
	s9 =	sand.u32 $0x380, s9  }
0x51: {  	s15 =	sor.u32 s9, s10  }
0x52: {  	[tilespmem:s15+$0xC000] =	vst.add.f32.msk $0xffff, v45  }
0x53: {  	v47 =	vld [tilespmem:s6+$0x10];
	_ =	sdelay $0x4  }
0x54: {  	[tilespmem:s15+$0xC010] =	vst.add.f32.msk $0xffff, v47  }
0x55: {  	v48 =	vld [tilespmem:s6+$0x20];
	_ =	sdelay $0x4  }
0x56: {  	[tilespmem:s15+$0xC020] =	vst.add.f32.msk $0xffff, v48  }
0x57: {  	v49 =	vld [tilespmem:s6+$0x30];
	_ =	sdelay $0x4  }
0x58: {  	[tilespmem:s15+$0xC030] =	vst.add.f32.msk $0xffff, v49  }
0x59: {  	v40 =	vld [tilespmem:s6+$0x40];
	_ =	sdelay $0x4  }
0x5a: {  	[tilespmem:s15+$0xC040] =	vst.add.f32.msk $0xffff, v40  }
0x5b: {  	v39 =	vld [tilespmem:s6+$0x50];
	_ =	sdelay $0x4  }
0x5c: {  	[tilespmem:s15+$0xC050] =	vst.add.f32.msk $0xffff, v39  }
0x5d: {  	v36 =	vld [tilespmem:s6+$0x60];
	_ =	sdelay $0x4  }
0x5e: {  	[tilespmem:s15+$0xC060] =	vst.add.f32.msk $0xffff, v36  }
0x5f: {  	v35 =	vld [tilespmem:s6+$0x70]  }
0x60: {  	s10 =	sadd.s32 $0x1, s24;
	s6 =	simm.s32 $0x1  }
0x61: {  	s9 =	simm.s32 $0x1;
	p1 =	sgt.s32 s10, $0x64;
	s6 =	simm.s32 @!p0 $0x0  }
0x62: {  	s9 =	simm.s32 @!p1 $0x0;
	s6 =	sshll.u32 s6, $0x9  }
0x63: {  	s9 =	sadd.s32 s9, s29;
	s11 =	sadd.s32 s6, s0  }
0x64: {  	s12 =	sadd.s32 $0x1, s9;
	s6 =	sor.u32 $0x400, s11;
	[tilespmem:s15+$0xC070] =	vst.add.f32.msk $0xffff, v35  }
0x65: {  	p3 =	slt.s32 s10, $0x65;
	s10 =	smov.u32 @p1 s12;
	s12 =	sadd.s32 s5, s4;
	v42 =	vld [tilespmem:s6+$0x0]  }
0x66: {  	p1 =	slt.s32 s10, $0x64;
	v29 =	vld [tilespmem:s12+$0x80];
	s6 =	smov.u32 s10  }
0x67: {  	s6 =	simm.s32 @!p1 $0x64  }
0x68: {  	s3 =	sshll.u32 s6, $0x8;
	s6 =	sshll.u32 s6, $0x7  }
0x69: {  	s5 =	sand.u32 $0xFFFFF800, s3;
	s6 =	sand.u32 $0x380, s6  }
0x6a: {  	s16 =	sadd.s32 $0x1, s10;
	s10 =	sor.u32 s6, s5;
	[tilespmem:s15+$0xC400] =	vst.add.f32.msk $0xffff, v42  }
0x6b: {  	s31 =	sor.u32 $0x410, s11;
	[tilespmem:s10+$0xC000] =	vst.add.f32.msk $0xffff, v29  }
0x6c: {  	s20 =	simm.s32 $0x1;
	p1 =	sgt.s32 s16, $0x64;
	v51 =	vld [tilespmem:s31+$0x0]  }
0x6d: {  	s20 =	simm.s32 @!p1 $0x0;
	v33 =	vld [tilespmem:s12+$0x90]  }
0x6e: {  	s24 =	sadd.s32 s20, s9  }
0x6f: {  	s4 =	sadd.s32 $0x1, s24  }
0x70: {  	v18 =	vld [tilespmem:s12+$0x100];
	p2 =	slt.s32 s16, $0x65;
	s16 =	smov.u32 @p1 s4  }
0x71: {  	p1 =	slt.s32 s16, $0x64;
	s4 =	smov.u32 s16;
	[tilespmem:s15+$0xC410] =	vst.add.f32.msk $0xffff, v51  }
0x72: {  	s6 =	sor.u32 $0x420, s11;
	s4 =	simm.s32 @!p1 $0x64;
	[tilespmem:s10+$0xC010] =	vst.add.f32.msk $0xffff, v33  }
0x73: {  	s20 =	sshll.u32 s4, $0x8;
	s4 =	sshll.u32 s4, $0x7;
	v53 =	vld [tilespmem:s6+$0x0]  }
0x74: {  	s5 =	sand.u32 $0xFFFFF800, s20;
	s4 =	sand.u32 $0x380, s4;
	v38 =	vld [tilespmem:s12+$0xA0]  }
0x75: {  	s6 =	sor.u32 s4, s5  }
0x76: {  	[tilespmem:s6+$0xC000] =	vst.add.f32.msk $0xffff, v18  }
0x77: {  	v20 =	vld [tilespmem:s12+$0x110]  }
0x78: {  	[tilespmem:s15+$0xC420] =	vst.add.f32.msk $0xffff, v53  }
0x79: {  	s23 =	sor.u32 $0x430, s11;
	[tilespmem:s10+$0xC020] =	vst.add.f32.msk $0xffff, v38  }
0x7a: {  	v55 =	vld [tilespmem:s23+$0x0]  }
0x7b: {  	v43 =	vld [tilespmem:s12+$0xB0];
	_ =	sdelay $0x1  }
0x7c: {  	[tilespmem:s6+$0xC010] =	vst.add.f32.msk $0xffff, v20  }
0x7d: {  	v22 =	vld [tilespmem:s12+$0x120]  }
0x7e: {  	[tilespmem:s15+$0xC430] =	vst.add.f32.msk $0xffff, v55  }
0x7f: {  	s31 =	sor.u32 $0x440, s11;
	[tilespmem:s10+$0xC030] =	vst.add.f32.msk $0xffff, v43  }
0x80: {  	v57 =	vld [tilespmem:s31+$0x0]  }
0x81: {  	v44 =	vld [tilespmem:s12+$0xC0];
	_ =	sdelay $0x1  }
0x82: {  	[tilespmem:s6+$0xC020] =	vst.add.f32.msk $0xffff, v22  }
0x83: {  	v24 =	vld [tilespmem:s12+$0x130]  }
0x84: {  	[tilespmem:s15+$0xC440] =	vst.add.f32.msk $0xffff, v57  }
0x85: {  	s3 =	sor.u32 $0x450, s11;
	[tilespmem:s10+$0xC040] =	vst.add.f32.msk $0xffff, v44  }
0x86: {  	v58 =	vld [tilespmem:s3+$0x0]  }
0x87: {  	v46 =	vld [tilespmem:s12+$0xD0];
	_ =	sdelay $0x1  }
0x88: {  	[tilespmem:s6+$0xC030] =	vst.add.f32.msk $0xffff, v24  }
0x89: {  	v25 =	vld [tilespmem:s12+$0x140]  }
0x8a: {  	[tilespmem:s15+$0xC450] =	vst.add.f32.msk $0xffff, v58  }
0x8b: {  	s5 =	sor.u32 $0x460, s11;
	[tilespmem:s10+$0xC050] =	vst.add.f32.msk $0xffff, v46  }
0x8c: {  	v60 =	vld [tilespmem:s5+$0x0]  }
0x8d: {  	v50 =	vld [tilespmem:s12+$0xE0];
	_ =	sdelay $0x1  }
0x8e: {  	[tilespmem:s6+$0xC040] =	vst.add.f32.msk $0xffff, v25  }
0x8f: {  	v27 =	vld [tilespmem:s12+$0x150]  }
0x90: {  	s5 =	sadd.s32 $0x1, s16;
	[tilespmem:s15+$0xC460] =	vst.add.f32.msk $0xffff, v60  }
0x91: {  	s20 =	sor.u32 $0x470, s11;
	s4 =	simm.s32 $0x1;
	p4 =	sgt.s32 s5, $0x64;
	[tilespmem:s10+$0xC060] =	vst.add.f32.msk $0xffff, v50  }
0x92: {  	s4 =	simm.s32 @!p4 $0x0;
	v62 =	vld [tilespmem:s20+$0x0]  }
0x93: {  	s31 =	sadd.s32 s4, s24;
	v52 =	vld [tilespmem:s12+$0xF0]  }
0x94: {  	s4 =	sadd.s32 $0x1, s31;
	[tilespmem:s6+$0xC050] =	vst.add.f32.msk $0xffff, v27  }
0x95: {  	p1 =	slt.s32 s5, $0x65;
	s5 =	smov.u32 @p4 s4;
	v28 =	vld [tilespmem:s12+$0x160]  }
0x96: {  	v2 =	vld [tilespmem:s12+$0x180];
	p4 =	slt.s32 s5, $0x64;
	s4 =	smov.u32 s5  }
0x97: {  	s16 =	sadd.s32 $0x80, s11;
	s4 =	simm.s32 @!p4 $0x64;
	[tilespmem:s15+$0xC470] =	vst.add.f32.msk $0xffff, v62  }
0x98: {  	s23 =	sor.u32 $0x400, s16;
	s3 =	sshll.u32 s4, $0x8;
	s4 =	sshll.u32 s4, $0x7;
	[tilespmem:s10+$0xC070] =	vst.add.f32.msk $0xffff, v52  }
0x99: {  	s4 =	sand.u32 $0x380, s4;
	s15 =	sand.u32 $0xFFFFF800, s3;
	v54 =	vld [tilespmem:s23+$0x0]  }
0x9a: {  	s20 =	sor.u32 s4, s15;
	[tilespmem:s6+$0xC060] =	vst.add.f32.msk $0xffff, v28  }
0x9b: {  	[tilespmem:s20+$0xC000] =	vst.add.f32.msk $0xffff, v2  }
0x9c: {  	v30 =	vld [tilespmem:s12+$0x170]  }
0x9d: {  	v17 =	vld [tilespmem:s12+$0x190];
	_ =	sdelay $0x1  }
0x9e: {  	s15 =	sor.u32 $0x410, s16;
	[tilespmem:s10+$0xC400] =	vst.add.f32.msk $0xffff, v54  }
0x9f: {  	v56 =	vld [tilespmem:s15+$0x0]  }
0xa0: {  	s15 =	sadd.s32 $0x100, s11;
	[tilespmem:s6+$0xC070] =	vst.add.f32.msk $0xffff, v30  }
0xa1: {  	s23 =	sor.u32 $0x400, s15;
	[tilespmem:s20+$0xC010] =	vst.add.f32.msk $0xffff, v17  }
0xa2: {  	v31 =	vld [tilespmem:s23+$0x0]  }
0xa3: {  	v19 =	vld [tilespmem:s12+$0x1A0];
	_ =	sdelay $0x1  }
0xa4: {  	s3 =	sor.u32 $0x420, s16;
	[tilespmem:s10+$0xC410] =	vst.add.f32.msk $0xffff, v56  }
0xa5: {  	v59 =	vld [tilespmem:s3+$0x0]  }
0xa6: {  	[tilespmem:s6+$0xC400] =	vst.add.f32.msk $0xffff, v31  }
0xa7: {  	s23 =	sor.u32 $0x410, s15;
	[tilespmem:s20+$0xC020] =	vst.add.f32.msk $0xffff, v19  }
0xa8: {  	v32 =	vld [tilespmem:s23+$0x0]  }
0xa9: {  	v21 =	vld [tilespmem:s12+$0x1B0];
	_ =	sdelay $0x1  }
0xaa: {  	s3 =	sor.u32 $0x430, s16;
	[tilespmem:s10+$0xC420] =	vst.add.f32.msk $0xffff, v59  }
0xab: {  	v61 =	vld [tilespmem:s3+$0x0]  }
0xac: {  	[tilespmem:s6+$0xC410] =	vst.add.f32.msk $0xffff, v32  }
0xad: {  	s23 =	sor.u32 $0x420, s15;
	[tilespmem:s20+$0xC030] =	vst.add.f32.msk $0xffff, v21  }
0xae: {  	v34 =	vld [tilespmem:s23+$0x0]  }
0xaf: {  	v23 =	vld [tilespmem:s12+$0x1C0];
	_ =	sdelay $0x1  }
0xb0: {  	s3 =	sor.u32 $0x440, s16;
	[tilespmem:s10+$0xC430] =	vst.add.f32.msk $0xffff, v61  }
0xb1: {  	v63 =	vld [tilespmem:s3+$0x0]  }
0xb2: {  	[tilespmem:s6+$0xC420] =	vst.add.f32.msk $0xffff, v34  }
0xb3: {  	s23 =	sor.u32 $0x430, s15;
	[tilespmem:s20+$0xC040] =	vst.add.f32.msk $0xffff, v23  }
0xb4: {  	v37 =	vld [tilespmem:s23+$0x0]  }
0xb5: {  	v26 =	vld [tilespmem:s12+$0x1D0];
	_ =	sdelay $0x1  }
0xb6: {  	p4 =	sgt.s32 @!p3 s29, $0x63;
	s3 =	sor.u32 $0x450, s16;
	[tilespmem:s10+$0xC440] =	vst.add.f32.msk $0xffff, v63  }
0xb7: {  	[tilespmem:$0x1FFF0] =	vst v2;
	p4 =	por !p4, p3;
	v2 =	vld [tilespmem:s3+$0x0]  }
0xb8: {  	s29 =	simm.s32 @!p4 $0x65;
	[tilespmem:s6+$0xC430] =	vst.add.f32.msk $0xffff, v37  }
0xb9: {  	s23 =	sor.u32 $0x440, s15;
	s3 =	sshll.u32 @!p3 s29, $0x8;
	s29 =	sshll.u32 @!p3 s29, $0x7;
	[tilespmem:s20+$0xC050] =	vst.add.f32.msk $0xffff, v26  }
0xba: {  	v15 =	vadd.f32 v45, v15;
	s3 =	sand.u32 @!p3 $0xFFFFF800, s3;
	s4 =	sand.u32 @!p3 $0x380, s29;
	v41 =	vld [tilespmem:s23+$0x0]  }
0xbb: {  	v45 =	vadd.f32 v47, v14;
	s3 =	sor.u32 @!p3 s4, s3;
	v14 =	vld [tilespmem:s12+$0x1E0]  }
0xbc: {  	v47 =	vadd.f32 v48, v13;
	[tilespmem:s3+$0xC000] =	vst.add.f32.msk @!p3 $0xffff, v15  }
0xbd: {  	v48 =	vadd.f32 v49, v12;
	[tilespmem:s3+$0xC010] =	vst.add.f32.msk @!p3 $0xffff, v45  }
0xbe: {  	v11 =	vadd.f32 v40, v11;
	[tilespmem:s3+$0xC020] =	vst.add.f32.msk @!p3 $0xffff, v47  }
0xbf: {  	v39 =	vadd.f32 v39, v10;
	[tilespmem:s3+$0xC030] =	vst.add.f32.msk @!p3 $0xffff, v48  }
0xc0: {  	v36 =	vadd.f32 v36, v8;
	[tilespmem:s3+$0xC040] =	vst.add.f32.msk @!p3 $0xffff, v11  }
0xc1: {  	v35 =	vadd.f32 v35, v6;
	[tilespmem:s3+$0xC050] =	vst.add.f32.msk @!p3 $0xffff, v39  }
0xc2: {  	v7 =	vadd.f32 v42, v7;
	[tilespmem:s3+$0xC060] =	vst.add.f32.msk @!p3 $0xffff, v36  }
0xc3: {  	v4 =	vadd.f32 v51, v4;
	[tilespmem:s3+$0xC070] =	vst.add.f32.msk @!p3 $0xffff, v35  }
0xc4: {  	v5 =	vadd.f32 v53, v5;
	[tilespmem:s3+$0xC400] =	vst.add.f32.msk @!p3 $0xffff, v7  }
0xc5: {  	v3 =	vadd.f32 v55, v3;
	[tilespmem:s3+$0xC410] =	vst.add.f32.msk @!p3 $0xffff, v4  }
0xc6: {  	v16 =	vadd.f32 v57, v16;
	[tilespmem:s3+$0xC420] =	vst.add.f32.msk @!p3 $0xffff, v5  }
0xc7: {  	v42 =	vadd.f32 v58, v1;
	[tilespmem:s3+$0xC430] =	vst.add.f32.msk @!p3 $0xffff, v3  }
0xc8: {  	v51 =	vadd.f32 v60, v0;
	[tilespmem:s3+$0xC440] =	vst.add.f32.msk @!p3 $0xffff, v16  }
0xc9: {  	v9 =	vadd.f32 v62, v9;
	[tilespmem:s3+$0xC450] =	vst.add.f32.msk @!p3 $0xffff, v42  }
0xca: {  	[tilespmem:s3+$0xC460] =	vst.add.f32.msk @!p3 $0xffff, v51  }
0xcb: {  	[tilespmem:s3+$0xC470] =	vst.add.f32.msk @!p3 $0xffff, v9  }
0xcc: {  	s23 =	sor.u32 $0x460, s16;
	[tilespmem:s10+$0xC450] =	vst.add.f32.msk $0xffff, v2  }
0xcd: {  	v49 =	vld [tilespmem:s23+$0x0]  }
0xce: {  	[tilespmem:s20+$0xC060] =	vst.add.f32.msk $0xffff, v14  }
0xcf: {  	v12 =	vld [tilespmem:s12+$0x1F0]  }
0xd0: {  	[tilespmem:s6+$0xC440] =	vst.add.f32.msk $0xffff, v41;
	s12 =	sor.u32 $0x450, s15  }
0xd1: {  	v13 =	vld [tilespmem:s12+$0x0]  }
0xd2: {  	s12 =	sor.u32 $0x470, s16;
	[tilespmem:s10+$0xC460] =	vst.add.f32.msk $0xffff, v49  }
0xd3: {  	s11 =	sadd.s32 $0x180, s11;
	v40 =	vld [tilespmem:s12+$0x0]  }
0xd4: {  	s23 =	sor.u32 $0x400, s11;
	[tilespmem:s20+$0xC070] =	vst.add.f32.msk $0xffff, v12  }
0xd5: {  	v10 =	vld [tilespmem:s23+$0x0]  }
0xd6: {  	s16 =	sor.u32 $0x460, s15;
	[tilespmem:s6+$0xC450] =	vst.add.f32.msk $0xffff, v13  }
0xd7: {  	p4 =	sgt.s32 @!p2 s9, $0x63;
	s3 =	simm.f32 @!p3 $0.0e+00;
	v8 =	vld [tilespmem:s16+$0x0]  }
0xd8: {  	s3 =	simm.f32 @p3 $1.000000000e+00;
	p3 =	por !p4, p2  }
0xd9: {  	v0 =	vmul.f32 s3, v15;
	s9 =	simm.s32 @!p3 $0x65;
	[tilespmem:s10+$0xC470] =	vst.add.f32.msk $0xffff, v40  }
0xda: {  	v15 =	vmul.f32 s3, v45;
	s23 =	sor.u32 $0x410, s11;
	s10 =	sshll.u32 @!p2 s9, $0x8;
	s9 =	sshll.u32 @!p2 s9, $0x7;
	[tilespmem:s20+$0xC400] =	vst.add.f32.msk $0xffff, v10  }
0xdb: {  	v62 =	vmul.f32 s3, v47;
	v29 =	vadd.f32 v0, v29;
	s4 =	sand.u32 @!p2 $0xFFFFF800, s10;
	s9 =	sand.u32 @!p2 $0x380, s9;
	v6 =	vld [tilespmem:s23+$0x0]  }
0xdc: {  	v48 =	vmul.f32 s3, v48;
	v15 =	vadd.f32 v33, v15;
	s9 =	sor.u32 @!p2 s9, s4;
	[tilespmem:s6+$0xC460] =	vst.add.f32.msk $0xffff, v8  }
0xdd: {  	v11 =	vmul.f32 s3, v11;
	v38 =	vadd.f32 v38, v62;
	[tilespmem:s9+$0xC000] =	vst.add.f32.msk @!p2 $0xffff, v29  }
0xde: {  	v39 =	vmul.f32 s3, v39;
	v33 =	vadd.f32 v43, v48;
	[tilespmem:s9+$0xC010] =	vst.add.f32.msk @!p2 $0xffff, v15  }
0xdf: {  	v36 =	vmul.f32 s3, v36;
	v11 =	vadd.f32 v44, v11;
	[tilespmem:s9+$0xC020] =	vst.add.f32.msk @!p2 $0xffff, v38  }
0xe0: {  	v35 =	vmul.f32 s3, v35;
	v39 =	vadd.f32 v46, v39;
	[tilespmem:s9+$0xC030] =	vst.add.f32.msk @!p2 $0xffff, v33  }
0xe1: {  	v7 =	vmul.f32 s3, v7;
	v36 =	vadd.f32 v50, v36;
	[tilespmem:s9+$0xC040] =	vst.add.f32.msk @!p2 $0xffff, v11  }
0xe2: {  	v4 =	vmul.f32 s3, v4;
	v35 =	vadd.f32 v52, v35;
	[tilespmem:s9+$0xC050] =	vst.add.f32.msk @!p2 $0xffff, v39  }
0xe3: {  	v5 =	vmul.f32 s3, v5;
	v7 =	vadd.f32 v54, v7;
	[tilespmem:s9+$0xC060] =	vst.add.f32.msk @!p2 $0xffff, v36  }
0xe4: {  	v4 =	vadd.f32 v56, v4;
	[tilespmem:s9+$0xC070] =	vst.add.f32.msk @!p2 $0xffff, v35  }
0xe5: {  	v5 =	vadd.f32 v59, v5;
	[tilespmem:s9+$0xC400] =	vst.add.f32.msk @!p2 $0xffff, v7  }
0xe6: {  	v3 =	vmul.f32 s3, v3;
	[tilespmem:s9+$0xC410] =	vst.add.f32.msk @!p2 $0xffff, v4  }
0xe7: {  	[tilespmem:s9+$0xC420] =	vst.add.f32.msk @!p2 $0xffff, v5  }
0xe8: {  	v16 =	vmul.f32 s3, v16;
	v3 =	vadd.f32 v61, v3;
	s23 =	sor.u32 $0x420, s11;
	[tilespmem:s20+$0xC410] =	vst.add.f32.msk $0xffff, v6  }
0xe9: {  	v42 =	vmul.f32 s3, v42;
	v0 =	vld [tilespmem:s23+$0x0]  }
0xea: {  	v16 =	vadd.f32 v63, v16;
	s16 =	sor.u32 $0x470, s15;
	[tilespmem:s9+$0xC430] =	vst.add.f32.msk @!p2 $0xffff, v3  }
0xeb: {  	v42 =	vadd.f32 v2, v42;
	v1 =	vld [tilespmem:s16+$0x0]  }
0xec: {  	[tilespmem:s9+$0xC440] =	vst.add.f32.msk @!p2 $0xffff, v16  }
0xed: {  	v51 =	vmul.f32 s3, v51;
	p3 =	sgt.s32 @!p1 s24, $0x63;
	s4 =	simm.f32 @!p2 $0.0e+00;
	[tilespmem:s9+$0xC450] =	vst.add.f32.msk @!p2 $0xffff, v42  }
0xee: {  	v9 =	vmul.f32 s3, v9;
	p3 =	por !p3, p1;
	s10 =	sor.u32 $0x430, s11;
	s4 =	simm.f32 @p2 $1.000000000e+00;
	[tilespmem:s20+$0xC420] =	vst.add.f32.msk $0xffff, v0  }
0xef: {  	s24 =	simm.s32 @!p3 $0x65;
	v43 =	vadd.f32 v49, v51;
	v29 =	vmul.f32 s4, v29;
	v2 =	vld [tilespmem:s10+$0x0]  }
0xf0: {  	s3 =	sshll.u32 @!p1 s24, $0x8;
	v9 =	vadd.f32 v40, v9;
	[tilespmem:s6+$0xC470] =	vst.add.f32.msk $0xffff, v1;
	s6 =	sshll.u32 @!p1 s24, $0x7  }
0xf1: {  	s3 =	sand.u32 @!p1 $0xFFFFF800, s3;
	[tilespmem:s9+$0xC460] =	vst.add.f32.msk @!p2 $0xffff, v43;
	v18 =	vadd.f32 v29, v18;
	s6 =	sand.u32 @!p1 $0x380, s6  }
0xf2: {  	[tilespmem:s9+$0xC470] =	vst.add.f32.msk @!p2 $0xffff, v9;
	v15 =	vmul.f32 s4, v15;
	s6 =	sor.u32 @!p1 s6, s3  }
0xf3: {  	v52 =	vmul.f32 s4, v38;
	[tilespmem:s6+$0xC000] =	vst.add.f32.msk @!p1 $0xffff, v18  }
0xf4: {  	s12 =	sor.u32 $0x440, s11;
	v33 =	vmul.f32 s4, v33;
	v15 =	vadd.f32 v20, v15;
	[tilespmem:s20+$0xC430] =	vst.add.f32.msk $0xffff, v2  }
0xf5: {  	v11 =	vmul.f32 s4, v11;
	v22 =	vadd.f32 v22, v52;
	v53 =	vld [tilespmem:s12+$0x0]  }
0xf6: {  	v24 =	vadd.f32 v24, v33;
	[tilespmem:s6+$0xC010] =	vst.add.f32.msk @!p1 $0xffff, v15  }
0xf7: {  	v11 =	vadd.f32 v25, v11;
	[tilespmem:s6+$0xC020] =	vst.add.f32.msk @!p1 $0xffff, v22  }
0xf8: {  	v54 =	vmul.f32 s4, v39;
	[tilespmem:s6+$0xC030] =	vst.add.f32.msk @!p1 $0xffff, v24  }
0xf9: {  	v55 =	vmul.f32 s4, v36;
	[tilespmem:s6+$0xC040] =	vst.add.f32.msk @!p1 $0xffff, v11  }
0xfa: {  	s15 =	sor.u32 $0x450, s11;
	v56 =	vmul.f32 s4, v35;
	v27 =	vadd.f32 v27, v54;
	[tilespmem:s20+$0xC440] =	vst.add.f32.msk $0xffff, v53  }
0xfb: {  	v7 =	vmul.f32 s4, v7;
	v25 =	vadd.f32 v28, v55;
	v57 =	vld [tilespmem:s15+$0x0]  }
0xfc: {  	v28 =	vadd.f32 v30, v56;
	[tilespmem:s6+$0xC050] =	vst.add.f32.msk @!p1 $0xffff, v27  }
0xfd: {  	v7 =	vadd.f32 v31, v7;
	[tilespmem:s6+$0xC060] =	vst.add.f32.msk @!p1 $0xffff, v25  }
0xfe: {  	v4 =	vmul.f32 s4, v4;
	[tilespmem:s6+$0xC070] =	vst.add.f32.msk @!p1 $0xffff, v28  }
0xff: {  	v5 =	vmul.f32 s4, v5;
	[tilespmem:s6+$0xC400] =	vst.add.f32.msk @!p1 $0xffff, v7  }
0x100: {  	s16 =	sor.u32 $0x460, s11;
	v3 =	vmul.f32 s4, v3;
	v4 =	vadd.f32 v32, v4;
	[tilespmem:s20+$0xC450] =	vst.add.f32.msk $0xffff, v57  }
0x101: {  	v5 =	vadd.f32 v34, v5;
	v58 =	vld [tilespmem:s16+$0x0]  }
0x102: {  	v3 =	vadd.f32 v37, v3;
	[tilespmem:s6+$0xC410] =	vst.add.f32.msk @!p1 $0xffff, v4  }
0x103: {  	v9 =	vmul.f32 s4, v9;
	s24 =	sadd.s32 $0x1, s5;
	s5 =	simm.f32 @!p1 $0.0e+00;
	[tilespmem:s6+$0xC420] =	vst.add.f32.msk @!p1 $0xffff, v5  }
0x104: {  	v16 =	vmul.f32 s4, v16;
	s5 =	simm.f32 @p1 $1.000000000e+00;
	[tilespmem:s6+$0xC430] =	vst.add.f32.msk @!p1 $0xffff, v3  }
0x105: {  	v59 =	vmul.f32 s4, v42;
	v1 =	vadd.f32 v1, v9;
	v9 =	vmul.f32 s5, v18;
	v18 =	vld [tilespmem:$0x1FFF0]  }
0x106: {  	v60 =	vmul.f32 s4, v43;
	v16 =	vadd.f32 v41, v16;
	s23 =	sor.u32 $0x470, s11;
	p2 =	slt.s32 s24, $0x65;
	[tilespmem:s20+$0xC460] =	vst.add.f32.msk $0xffff, v58  }
0x107: {  	v13 =	vadd.f32 v13, v59;
	p3 =	sgt.s32 @!p2 s31, $0x63;
	v61 =	vld [tilespmem:s23+$0x0]  }
0x108: {  	v8 =	vadd.f32 v8, v60;
	s3 =	smov.u32 s31;
	[tilespmem:s6+$0xC440] =	vst.add.f32.msk @!p1 $0xffff, v16;
	p3 =	por !p3, p2  }
0x109: {  	[tilespmem:s6+$0xC450] =	vst.add.f32.msk @!p1 $0xffff, v13;
	s3 =	simm.s32 @!p3 $0x65  }
0x10a: {  	[tilespmem:s6+$0xC460] =	vst.add.f32.msk @!p1 $0xffff, v8;
	v15 =	vmul.f32 s5, v15;
	s4 =	sshll.u32 @!p2 s3, $0x8;
	s3 =	sshll.u32 @!p2 s3, $0x7  }
0x10b: {  	[tilespmem:s6+$0xC470] =	vst.add.f32.msk @!p1 $0xffff, v1;
	s4 =	sand.u32 @!p2 $0xFFFFF800, s4;
	s3 =	sand.u32 @!p2 $0x380, s3;
	v9 =	vadd.f32 v9, v18;
	v18 =	vmul.f32 s5, v22  }
0x10c: {  	v17 =	vadd.f32 v17, v15;
	v15 =	vmul.f32 s5, v24;
	s4 =	sor.u32 @!p2 s3, s4;
	[tilespmem:s20+$0xC470] =	vst.add.f32.msk $0xffff, v61  }
0x10d: {  	v11 =	vmul.f32 s5, v11;
	v18 =	vadd.f32 v19, v18;
	[tilespmem:s4+$0xC000] =	vst.add.f32.msk @!p2 $0xffff, v9  }
0x10e: {  	v62 =	vmul.f32 s5, v25;
	v19 =	vadd.f32 v21, v15;
	v15 =	vmul.f32 s5, v27;
	[tilespmem:s4+$0xC010] =	vst.add.f32.msk @!p2 $0xffff, v17  }
0x10f: {  	v63 =	vmul.f32 s5, v8;
	v7 =	vmul.f32 s5, v7;
	v11 =	vadd.f32 v23, v11;
	[tilespmem:s4+$0xC020] =	vst.add.f32.msk @!p2 $0xffff, v18  }
0x110: {  	v4 =	vmul.f32 s5, v4;
	v22 =	vadd.f32 v26, v15;
	v15 =	vmul.f32 s5, v28;
	[tilespmem:s4+$0xC030] =	vst.add.f32.msk @!p2 $0xffff, v19  }
0x111: {  	v5 =	vmul.f32 s5, v5;
	v3 =	vmul.f32 s5, v3;
	v21 =	vadd.f32 v14, v62;
	[tilespmem:s4+$0xC040] =	vst.add.f32.msk @!p2 $0xffff, v11  }
0x112: {  	v1 =	vmul.f32 s5, v1;
	v7 =	vadd.f32 v10, v7;
	v23 =	vadd.f32 v12, v15;
	[tilespmem:s4+$0xC050] =	vst.add.f32.msk @!p2 $0xffff, v22  }
0x113: {  	p1 =	sgt.s32 s24, $0x64;
	v10 =	vmul.f32 s5, v16;
	v16 =	vmul.f32 s5, v13;
	v0 =	vadd.f32 v0, v5;
	s3 =	simm.f32 @!p2 $0.0e+00;
	s5 =	simm.s32 $0x1;
	[tilespmem:s4+$0xC060] =	vst.add.f32.msk @!p2 $0xffff, v21  }
0x114: {  	v4 =	vadd.f32 v6, v4;
	s3 =	simm.f32 @p2 $1.000000000e+00;
	s5 =	simm.s32 @!p1 $0x0;
	[tilespmem:s4+$0xC070] =	vst.add.f32.msk @!p2 $0xffff, v23  }
0x115: {  	v5 =	vmul.f32 s3, v0;
	v14 =	vmul.f32 s3, v17;
	v2 =	vadd.f32 v2, v3;
	s29 =	sadd.s32 s5, s31;
	[tilespmem:s4+$0xC400] =	vst.add.f32.msk @!p2 $0xffff, v7  }
0x116: {  	s30 =	sadd.s32 $0x4, s30;
	v13 =	vmul.f32 s3, v18;
	v8 =	vmul.f32 s3, v21;
	s5 =	sadd.s32 $0x1, s29;
	[tilespmem:s4+$0xC410] =	vst.add.f32.msk @!p2 $0xffff, v4  }
0x117: {  	v3 =	vmul.f32 s3, v2;
	v15 =	vmul.f32 s3, v9;
	s24 =	smov.u32 @p1 s5;
	p1 =	slt.u32 s30, $0x3C;
	v9 =	vadd.f32 v53, v10;
	[tilespmem:s4+$0xC420] =	vst.add.f32.msk @!p2 $0xffff, v0  }
.Ltmp1:
0x118: {  	v12 =	vmul.f32 s3, v19;
	v6 =	vmul.f32 s3, v23;
	v17 =	vadd.f32 v57, v16;
	[tilespmem:s4+$0xC430] =	vst.add.f32.msk @!p2 $0xffff, v2;
	(pc) =	sbr.rel @p1 .LBB2_5-.Ltmp1, $4  }
0x119: {  	v11 =	vmul.f32 s3, v11;
	v10 =	vmul.f32 s3, v22;
	v18 =	vadd.f32 v58, v63;
	[tilespmem:s4+$0xC440] =	vst.add.f32.msk @!p2 $0xffff, v9  }
0x11a: {  	v7 =	vmul.f32 s3, v7;
	v4 =	vmul.f32 s3, v4;
	v19 =	vadd.f32 v61, v1;
	[tilespmem:s4+$0xC450] =	vst.add.f32.msk @!p2 $0xffff, v17  }
0x11b: {  	[tilespmem:s4+$0xC460] =	vst.add.f32.msk @!p2 $0xffff, v18;
	v16 =	vmul.f32 s3, v9;
	v1 =	vmul.f32 s3, v17  }
0x11c: {  	s2 =	sadd.s32 $0x200, s2;
	p0 =	por !p0, !p0;
	s0 =	sadd.s32 $0x400, s0;
	[tilespmem:s4+$0xC470] =	vst.add.f32.msk @!p2 $0xffff, v19;
	v0 =	vmul.f32 s3, v18;
	v9 =	vmul.f32 s3, v19  }
0x11d: {  	s30 =	sshll.u32 s28, $0x12;
	p0 =	seq.s32 s28, $0x26  }
0x11e: {  	s0 =	sadd.s32 @!p0 s30, s7  }
0x11f: {  	s2 =	simm.s32 @!p0 $0x800;
	s3 =	simm.s32 @!p0 $0x20000;
	s4 =	simm.s32 @!p0 $0x0  }
0x120: {  	[tilespmem:s4], [sflag:$0x1] =	stream.strided.gather @!p0 [hbm4b:s0+s2], $0x4000, s3, s2, $0x38;
	[tilespmem:$0x12800] =	vst v63  }
0x121: {  	_ =	swait.ge [sflag:s22], $0x4000  }
0x122: {  	s31 =	simm.s32 $0xFFFFFFFC;
	p1 =	por $0x0, $0x0;
	[sflag:s22] =	ssyncset.done $0x0  }
0x123: {  	s0 =	simm.s32 $0x0;
	s2 =	simm.s32 $0x0;
	[sflag:s22] =	ssyncadd.s32 $0xFFFFC000  }
.LBB2_7:
0x124: {  	s3 =	sand.u32 $0x3800, s0  }
0x125: {  	s4 =	sand.u32 $0x200, s2;
	s3 =	sor.u32 $0x4000, s3  }
0x126: {  	s6 =	sor.u32 s4, s3  }
0x127: {  	p2 =	slt.s32 s24, $0x64;
	s5 =	smov.u32 s24;
	v45 =	vld [tilespmem:s6+$0x0]  }
0x128: {  	s5 =	simm.s32 @!p2 $0x64  }
0x129: {  	s9 =	sshll.u32 s5, $0x8;
	s5 =	sshll.u32 s5, $0x7  }
0x12a: {  	s9 =	sand.u32 $0xFFFFF800, s9;
	s5 =	sand.u32 $0x380, s5  }
0x12b: {  	s5 =	sor.u32 s5, s9  }
0x12c: {  	[tilespmem:s5+$0xC000] =	vst.add.f32.msk $0xffff, v45  }
0x12d: {  	v47 =	vld [tilespmem:s6+$0x10];
	_ =	sdelay $0x4  }
0x12e: {  	[tilespmem:s5+$0xC010] =	vst.add.f32.msk $0xffff, v47  }
0x12f: {  	v48 =	vld [tilespmem:s6+$0x20];
	_ =	sdelay $0x4  }
0x130: {  	[tilespmem:s5+$0xC020] =	vst.add.f32.msk $0xffff, v48  }
0x131: {  	v49 =	vld [tilespmem:s6+$0x30];
	_ =	sdelay $0x4  }
0x132: {  	[tilespmem:s5+$0xC030] =	vst.add.f32.msk $0xffff, v49  }
0x133: {  	v40 =	vld [tilespmem:s6+$0x40];
	_ =	sdelay $0x4  }
0x134: {  	[tilespmem:s5+$0xC040] =	vst.add.f32.msk $0xffff, v40  }
0x135: {  	v39 =	vld [tilespmem:s6+$0x50];
	_ =	sdelay $0x4  }
0x136: {  	[tilespmem:s5+$0xC050] =	vst.add.f32.msk $0xffff, v39  }
0x137: {  	v36 =	vld [tilespmem:s6+$0x60];
	_ =	sdelay $0x4  }
0x138: {  	[tilespmem:s5+$0xC060] =	vst.add.f32.msk $0xffff, v36  }
0x139: {  	v35 =	vld [tilespmem:s6+$0x70]  }
0x13a: {  	s6 =	simm.s32 $0x1  }
0x13b: {  	s9 =	sadd.s32 $0x1, s24;
	s6 =	simm.s32 @!p1 $0x0  }
0x13c: {  	s10 =	simm.s32 $0x1;
	p2 =	sgt.s32 s9, $0x64;
	s6 =	sshll.u32 s6, $0x9  }
0x13d: {  	s10 =	simm.s32 @!p2 $0x0;
	s12 =	sadd.s32 s6, s0  }
0x13e: {  	s10 =	sadd.s32 s10, s29;
	s6 =	sor.u32 $0x400, s12;
	[tilespmem:s5+$0xC070] =	vst.add.f32.msk $0xffff, v35  }
0x13f: {  	s11 =	sadd.s32 $0x1, s10;
	v42 =	vld [tilespmem:s6+$0x4000]  }
0x140: {  	s15 =	sadd.s32 s4, s3;
	p4 =	slt.s32 s9, $0x65;
	s9 =	smov.u32 @p2 s11  }
0x141: {  	v29 =	vld [tilespmem:s15+$0x80];
	p2 =	slt.s32 s9, $0x64;
	s6 =	smov.u32 s9  }
0x142: {  	s16 =	sadd.s32 $0x1, s9;
	s11 =	sor.u32 $0x410, s12;
	s6 =	simm.s32 @!p2 $0x64  }
0x143: {  	s9 =	simm.s32 $0x1;
	s20 =	sshll.u32 s6, $0x8;
	s6 =	sshll.u32 s6, $0x7  }
0x144: {  	p2 =	sgt.s32 s16, $0x64;
	s4 =	sand.u32 $0xFFFFF800, s20;
	s6 =	sand.u32 $0x380, s6;
	[tilespmem:s5+$0xC400] =	vst.add.f32.msk $0xffff, v42  }
0x145: {  	s9 =	simm.s32 @!p2 $0x0;
	v51 =	vld [tilespmem:s11+$0x4000];
	s11 =	sor.u32 s6, s4  }
0x146: {  	s6 =	sadd.s32 s9, s10;
	[tilespmem:s11+$0xC000] =	vst.add.f32.msk $0xffff, v29  }
0x147: {  	s3 =	sadd.s32 $0x1, s6;
	v33 =	vld [tilespmem:s15+$0x90]  }
0x148: {  	p3 =	slt.s32 s16, $0x65;
	s16 =	smov.u32 @p2 s3  }
0x149: {  	v18 =	vld [tilespmem:s15+$0x100];
	p2 =	slt.s32 s16, $0x64;
	s3 =	smov.u32 s16  }
0x14a: {  	s23 =	sor.u32 $0x420, s12;
	s3 =	simm.s32 @!p2 $0x64;
	[tilespmem:s5+$0xC410] =	vst.add.f32.msk $0xffff, v51  }
0x14b: {  	s24 =	sshll.u32 s3, $0x8;
	s3 =	sshll.u32 s3, $0x7;
	v53 =	vld [tilespmem:s23+$0x4000]  }
0x14c: {  	s4 =	sand.u32 $0xFFFFF800, s24;
	s3 =	sand.u32 $0x380, s3;
	[tilespmem:s11+$0xC010] =	vst.add.f32.msk $0xffff, v33  }
0x14d: {  	s9 =	sor.u32 s3, s4;
	v38 =	vld [tilespmem:s15+$0xA0]  }
0x14e: {  	[tilespmem:s9+$0xC000] =	vst.add.f32.msk $0xffff, v18  }
0x14f: {  	v20 =	vld [tilespmem:s15+$0x110]  }
0x150: {  	s4 =	sor.u32 $0x430, s12;
	[tilespmem:s5+$0xC420] =	vst.add.f32.msk $0xffff, v53  }
0x151: {  	v55 =	vld [tilespmem:s4+$0x4000]  }
0x152: {  	[tilespmem:s11+$0xC020] =	vst.add.f32.msk $0xffff, v38  }
0x153: {  	v43 =	vld [tilespmem:s15+$0xB0]  }
0x154: {  	[tilespmem:s9+$0xC010] =	vst.add.f32.msk $0xffff, v20  }
0x155: {  	v22 =	vld [tilespmem:s15+$0x120]  }
0x156: {  	s20 =	sor.u32 $0x440, s12;
	[tilespmem:s5+$0xC430] =	vst.add.f32.msk $0xffff, v55  }
0x157: {  	v57 =	vld [tilespmem:s20+$0x4000]  }
0x158: {  	[tilespmem:s11+$0xC030] =	vst.add.f32.msk $0xffff, v43  }
0x159: {  	v44 =	vld [tilespmem:s15+$0xC0]  }
0x15a: {  	[tilespmem:s9+$0xC020] =	vst.add.f32.msk $0xffff, v22  }
0x15b: {  	v24 =	vld [tilespmem:s15+$0x130]  }
0x15c: {  	s23 =	sor.u32 $0x450, s12;
	[tilespmem:s5+$0xC440] =	vst.add.f32.msk $0xffff, v57  }
0x15d: {  	v58 =	vld [tilespmem:s23+$0x4000]  }
0x15e: {  	[tilespmem:s11+$0xC040] =	vst.add.f32.msk $0xffff, v44  }
0x15f: {  	v46 =	vld [tilespmem:s15+$0xD0]  }
0x160: {  	[tilespmem:s9+$0xC030] =	vst.add.f32.msk $0xffff, v24  }
0x161: {  	v25 =	vld [tilespmem:s15+$0x140]  }
0x162: {  	s24 =	sor.u32 $0x460, s12;
	[tilespmem:s5+$0xC450] =	vst.add.f32.msk $0xffff, v58  }
0x163: {  	v60 =	vld [tilespmem:s24+$0x4000]  }
0x164: {  	[tilespmem:s11+$0xC050] =	vst.add.f32.msk $0xffff, v46  }
0x165: {  	v50 =	vld [tilespmem:s15+$0xE0]  }
0x166: {  	s24 =	sadd.s32 $0x1, s16;
	[tilespmem:s9+$0xC040] =	vst.add.f32.msk $0xffff, v25  }
0x167: {  	s3 =	simm.s32 $0x1;
	p5 =	sgt.s32 s24, $0x64;
	v27 =	vld [tilespmem:s15+$0x150]  }
0x168: {  	s4 =	sor.u32 $0x470, s12;
	s3 =	simm.s32 @!p5 $0x0;
	[tilespmem:s5+$0xC460] =	vst.add.f32.msk $0xffff, v60  }
0x169: {  	s20 =	sadd.s32 s3, s6;
	v62 =	vld [tilespmem:s4+$0x4000]  }
0x16a: {  	s3 =	sadd.s32 $0x1, s20;
	[tilespmem:s11+$0xC060] =	vst.add.f32.msk $0xffff, v50  }
0x16b: {  	p2 =	slt.s32 s24, $0x65;
	s24 =	smov.u32 @p5 s3;
	v52 =	vld [tilespmem:s15+$0xF0]  }
0x16c: {  	v2 =	vld [tilespmem:s15+$0x180];
	p5 =	slt.s32 s24, $0x64;
	s3 =	smov.u32 s24  }
0x16d: {  	s3 =	simm.s32 @!p5 $0x64;
	[tilespmem:s9+$0xC050] =	vst.add.f32.msk $0xffff, v27  }
0x16e: {  	s23 =	sshll.u32 s3, $0x8;
	s3 =	sshll.u32 s3, $0x7;
	v28 =	vld [tilespmem:s15+$0x160]  }
0x16f: {  	s3 =	sand.u32 $0x380, s3;
	[tilespmem:s5+$0xC470] =	vst.add.f32.msk $0xffff, v62;
	s5 =	sand.u32 $0xFFFFF800, s23  }
0x170: {  	s4 =	sadd.s32 $0x80, s12;
	s5 =	sor.u32 s3, s5;
	[tilespmem:s11+$0xC070] =	vst.add.f32.msk $0xffff, v52  }
0x171: {  	s16 =	sor.u32 $0x400, s4;
	[tilespmem:s5+$0xC000] =	vst.add.f32.msk $0xffff, v2  }
0x172: {  	v54 =	vld [tilespmem:s16+$0x4000]  }
0x173: {  	v17 =	vld [tilespmem:s15+$0x190];
	_ =	sdelay $0x1  }
0x174: {  	[tilespmem:s9+$0xC060] =	vst.add.f32.msk $0xffff, v28  }
0x175: {  	v30 =	vld [tilespmem:s15+$0x170]  }
0x176: {  	[tilespmem:s11+$0xC400] =	vst.add.f32.msk $0xffff, v54  }
0x177: {  	s16 =	sor.u32 $0x410, s4;
	[tilespmem:s5+$0xC010] =	vst.add.f32.msk $0xffff, v17  }
0x178: {  	v56 =	vld [tilespmem:s16+$0x4000]  }
0x179: {  	v19 =	vld [tilespmem:s15+$0x1A0]  }
0x17a: {  	s16 =	sadd.s32 $0x100, s12  }
0x17b: {  	[tilespmem:s9+$0xC070] =	vst.add.f32.msk $0xffff, v30;
	s23 =	sor.u32 $0x400, s16  }
0x17c: {  	v31 =	vld [tilespmem:s23+$0x4000]  }
0x17d: {  	[tilespmem:s11+$0xC410] =	vst.add.f32.msk $0xffff, v56  }
0x17e: {  	s23 =	sor.u32 $0x420, s4;
	[tilespmem:s5+$0xC020] =	vst.add.f32.msk $0xffff, v19  }
0x17f: {  	v59 =	vld [tilespmem:s23+$0x4000]  }
0x180: {  	v21 =	vld [tilespmem:s15+$0x1B0];
	_ =	sdelay $0x1  }
0x181: {  	s23 =	sor.u32 $0x410, s16;
	[tilespmem:s9+$0xC400] =	vst.add.f32.msk $0xffff, v31  }
0x182: {  	v32 =	vld [tilespmem:s23+$0x4000]  }
0x183: {  	[tilespmem:s11+$0xC420] =	vst.add.f32.msk $0xffff, v59  }
0x184: {  	s23 =	sor.u32 $0x430, s4;
	[tilespmem:s5+$0xC030] =	vst.add.f32.msk $0xffff, v21  }
0x185: {  	v61 =	vld [tilespmem:s23+$0x4000]  }
0x186: {  	v23 =	vld [tilespmem:s15+$0x1C0];
	_ =	sdelay $0x1  }
0x187: {  	s23 =	sor.u32 $0x420, s16;
	[tilespmem:s9+$0xC410] =	vst.add.f32.msk $0xffff, v32  }
0x188: {  	v34 =	vld [tilespmem:s23+$0x4000]  }
0x189: {  	[tilespmem:s11+$0xC430] =	vst.add.f32.msk $0xffff, v61  }
0x18a: {  	s23 =	sor.u32 $0x440, s4;
	[tilespmem:s5+$0xC040] =	vst.add.f32.msk $0xffff, v23  }
0x18b: {  	v63 =	vld [tilespmem:s23+$0x4000]  }
0x18c: {  	v26 =	vld [tilespmem:s15+$0x1D0]  }
0x18d: {  	s23 =	sor.u32 $0x430, s16;
	[tilespmem:s9+$0xC420] =	vst.add.f32.msk $0xffff, v34  }
0x18e: {  	v37 =	vld [tilespmem:s23+$0x4000];
	_ =	sdelay $0x1  }
0x18f: {  	p5 =	sgt.s32 @!p4 s29, $0x63;
	[tilespmem:s11+$0xC440] =	vst.add.f32.msk $0xffff, v63  }
0x190: {  	p5 =	por !p5, p4;
	s23 =	sor.u32 $0x450, s4;
	[tilespmem:s5+$0xC050] =	vst.add.f32.msk $0xffff, v26  }
0x191: {  	[tilespmem:$0x1FFE0] =	vst v2;
	s29 =	simm.s32 @!p5 $0x65;
	v2 =	vld [tilespmem:s23+$0x4000]  }
0x192: {  	s3 =	sor.u32 $0x440, s16;
	s23 =	sshll.u32 @!p4 s29, $0x8;
	s29 =	sshll.u32 @!p4 s29, $0x7;
	[tilespmem:s9+$0xC430] =	vst.add.f32.msk $0xffff, v37  }
0x193: {  	v15 =	vadd.f32 v45, v15;
	v41 =	vld [tilespmem:s3+$0x4000];
	s3 =	sand.u32 @!p4 $0xFFFFF800, s23;
	s23 =	sand.u32 @!p4 $0x380, s29  }
0x194: {  	v45 =	vadd.f32 v47, v14;
	v14 =	vld [tilespmem:s15+$0x1E0];
	s3 =	sor.u32 @!p4 s23, s3  }
0x195: {  	v47 =	vadd.f32 v48, v13;
	[tilespmem:s3+$0xC000] =	vst.add.f32.msk @!p4 $0xffff, v15  }
0x196: {  	v48 =	vadd.f32 v49, v12;
	[tilespmem:s3+$0xC010] =	vst.add.f32.msk @!p4 $0xffff, v45  }
0x197: {  	v11 =	vadd.f32 v40, v11;
	[tilespmem:s3+$0xC020] =	vst.add.f32.msk @!p4 $0xffff, v47  }
0x198: {  	v39 =	vadd.f32 v39, v10;
	[tilespmem:s3+$0xC030] =	vst.add.f32.msk @!p4 $0xffff, v48  }
0x199: {  	v36 =	vadd.f32 v36, v8;
	[tilespmem:s3+$0xC040] =	vst.add.f32.msk @!p4 $0xffff, v11  }
0x19a: {  	v35 =	vadd.f32 v35, v6;
	[tilespmem:s3+$0xC050] =	vst.add.f32.msk @!p4 $0xffff, v39  }
0x19b: {  	v7 =	vadd.f32 v42, v7;
	[tilespmem:s3+$0xC060] =	vst.add.f32.msk @!p4 $0xffff, v36  }
0x19c: {  	v4 =	vadd.f32 v51, v4;
	[tilespmem:s3+$0xC070] =	vst.add.f32.msk @!p4 $0xffff, v35  }
0x19d: {  	v5 =	vadd.f32 v53, v5;
	[tilespmem:s3+$0xC400] =	vst.add.f32.msk @!p4 $0xffff, v7  }
0x19e: {  	v3 =	vadd.f32 v55, v3;
	[tilespmem:s3+$0xC410] =	vst.add.f32.msk @!p4 $0xffff, v4  }
0x19f: {  	v16 =	vadd.f32 v57, v16;
	[tilespmem:s3+$0xC420] =	vst.add.f32.msk @!p4 $0xffff, v5  }
0x1a0: {  	v42 =	vadd.f32 v58, v1;
	[tilespmem:s3+$0xC430] =	vst.add.f32.msk @!p4 $0xffff, v3  }
0x1a1: {  	[tilespmem:s3+$0xC440] =	vst.add.f32.msk @!p4 $0xffff, v16  }
0x1a2: {  	[tilespmem:s3+$0xC450] =	vst.add.f32.msk @!p4 $0xffff, v42  }
0x1a3: {  	[tilespmem:s5+$0xC060] =	vst.add.f32.msk $0xffff, v14  }
0x1a4: {  	[tilespmem:s11+$0xC450] =	vst.add.f32.msk $0xffff, v2  }
0x1a5: {  	v51 =	vadd.f32 v60, v0;
	s23 =	sor.u32 $0x460, s4;
	v12 =	vld [tilespmem:s15+$0x1F0]  }
0x1a6: {  	v49 =	vld [tilespmem:s23+$0x4000]  }
0x1a7: {  	[tilespmem:s3+$0xC460] =	vst.add.f32.msk @!p4 $0xffff, v51  }
0x1a8: {  	s23 =	sor.u32 $0x450, s16;
	[tilespmem:s9+$0xC440] =	vst.add.f32.msk $0xffff, v41  }
0x1a9: {  	v13 =	vld [tilespmem:s23+$0x4000]  }
0x1aa: {  	s12 =	sadd.s32 $0x180, s12;
	[tilespmem:s5+$0xC070] =	vst.add.f32.msk $0xffff, v12  }
0x1ab: {  	s23 =	sor.u32 $0x400, s12;
	[tilespmem:s11+$0xC460] =	vst.add.f32.msk $0xffff, v49  }
0x1ac: {  	s4 =	sor.u32 $0x470, s4;
	v10 =	vld [tilespmem:s23+$0x4000]  }
0x1ad: {  	v40 =	vld [tilespmem:s4+$0x4000]  }
0x1ae: {  	v9 =	vadd.f32 v62, v9;
	s15 =	sor.u32 $0x460, s16;
	[tilespmem:s9+$0xC450] =	vst.add.f32.msk $0xffff, v13  }
0x1af: {  	v8 =	vld [tilespmem:s15+$0x4000]  }
0x1b0: {  	p5 =	sgt.s32 @!p3 s10, $0x63;
	[tilespmem:s3+$0xC470] =	vst.add.f32.msk @!p4 $0xffff, v9;
	s3 =	simm.f32 @!p4 $0.0e+00  }
0x1b1: {  	s3 =	simm.f32 @p4 $1.000000000e+00;
	p4 =	por !p5, p3;
	[tilespmem:s5+$0xC400] =	vst.add.f32.msk $0xffff, v10  }
0x1b2: {  	v0 =	vmul.f32 s3, v15;
	s10 =	simm.s32 @!p4 $0x65;
	s23 =	sor.u32 $0x410, s12;
	[tilespmem:s11+$0xC470] =	vst.add.f32.msk $0xffff, v40  }
0x1b3: {  	v15 =	vmul.f32 s3, v45;
	s11 =	sshll.u32 @!p3 s10, $0x8;
	s10 =	sshll.u32 @!p3 s10, $0x7;
	v6 =	vld [tilespmem:s23+$0x4000]  }
0x1b4: {  	s16 =	sor.u32 $0x470, s16;
	v62 =	vmul.f32 s3, v47;
	v29 =	vadd.f32 v0, v29;
	s4 =	sand.u32 @!p3 $0xFFFFF800, s11;
	s10 =	sand.u32 @!p3 $0x380, s10;
	[tilespmem:s9+$0xC460] =	vst.add.f32.msk $0xffff, v8  }
0x1b5: {  	v48 =	vmul.f32 s3, v48;
	v15 =	vadd.f32 v33, v15;
	s10 =	sor.u32 @!p3 s10, s4;
	v1 =	vld [tilespmem:s16+$0x4000]  }
0x1b6: {  	v11 =	vmul.f32 s3, v11;
	v38 =	vadd.f32 v38, v62;
	[tilespmem:s10+$0xC000] =	vst.add.f32.msk @!p3 $0xffff, v29  }
0x1b7: {  	v39 =	vmul.f32 s3, v39;
	v33 =	vadd.f32 v43, v48;
	[tilespmem:s10+$0xC010] =	vst.add.f32.msk @!p3 $0xffff, v15  }
0x1b8: {  	v36 =	vmul.f32 s3, v36;
	v11 =	vadd.f32 v44, v11;
	[tilespmem:s10+$0xC020] =	vst.add.f32.msk @!p3 $0xffff, v38  }
0x1b9: {  	v35 =	vmul.f32 s3, v35;
	v39 =	vadd.f32 v46, v39;
	[tilespmem:s10+$0xC030] =	vst.add.f32.msk @!p3 $0xffff, v33  }
0x1ba: {  	v7 =	vmul.f32 s3, v7;
	v36 =	vadd.f32 v50, v36;
	[tilespmem:s10+$0xC040] =	vst.add.f32.msk @!p3 $0xffff, v11  }
0x1bb: {  	v35 =	vadd.f32 v52, v35;
	[tilespmem:s10+$0xC050] =	vst.add.f32.msk @!p3 $0xffff, v39  }
0x1bc: {  	v7 =	vadd.f32 v54, v7;
	[tilespmem:s10+$0xC060] =	vst.add.f32.msk @!p3 $0xffff, v36  }
0x1bd: {  	v4 =	vmul.f32 s3, v4;
	[tilespmem:s10+$0xC070] =	vst.add.f32.msk @!p3 $0xffff, v35  }
0x1be: {  	v5 =	vmul.f32 s3, v5;
	[tilespmem:s10+$0xC400] =	vst.add.f32.msk @!p3 $0xffff, v7  }
0x1bf: {  	v3 =	vmul.f32 s3, v3;
	v4 =	vadd.f32 v56, v4;
	s23 =	sor.u32 $0x420, s12;
	[tilespmem:s5+$0xC410] =	vst.add.f32.msk $0xffff, v6  }
0x1c0: {  	v16 =	vmul.f32 s3, v16;
	v5 =	vadd.f32 v59, v5;
	v0 =	vld [tilespmem:s23+$0x4000]  }
0x1c1: {  	v3 =	vadd.f32 v61, v3;
	[tilespmem:s10+$0xC410] =	vst.add.f32.msk @!p3 $0xffff, v4  }
0x1c2: {  	v16 =	vadd.f32 v63, v16;
	[tilespmem:s10+$0xC420] =	vst.add.f32.msk @!p3 $0xffff, v5  }
0x1c3: {  	v42 =	vmul.f32 s3, v42;
	[tilespmem:s10+$0xC430] =	vst.add.f32.msk @!p3 $0xffff, v3  }
0x1c4: {  	v51 =	vmul.f32 s3, v51;
	[tilespmem:s10+$0xC440] =	vst.add.f32.msk @!p3 $0xffff, v16  }
0x1c5: {  	v9 =	vmul.f32 s3, v9;
	v42 =	vadd.f32 v2, v42;
	s4 =	sor.u32 $0x430, s12;
	[tilespmem:s5+$0xC420] =	vst.add.f32.msk $0xffff, v0  }
0x1c6: {  	v43 =	vadd.f32 v49, v51;
	v2 =	vld [tilespmem:s4+$0x4000]  }
0x1c7: {  	p4 =	sgt.s32 @!p2 s6, $0x63;
	v9 =	vadd.f32 v40, v9;
	[tilespmem:s10+$0xC450] =	vst.add.f32.msk @!p3 $0xffff, v42;
	s4 =	simm.f32 @!p3 $0.0e+00  }
0x1c8: {  	p4 =	por !p4, p2;
	[tilespmem:s10+$0xC460] =	vst.add.f32.msk @!p3 $0xffff, v43;
	s4 =	simm.f32 @p3 $1.000000000e+00  }
0x1c9: {  	s6 =	simm.s32 @!p4 $0x65;
	[tilespmem:s10+$0xC470] =	vst.add.f32.msk @!p3 $0xffff, v9;
	v29 =	vmul.f32 s4, v29  }
0x1ca: {  	s3 =	sshll.u32 @!p2 s6, $0x8;
	s6 =	sshll.u32 @!p2 s6, $0x7;
	[tilespmem:s9+$0xC470] =	vst.add.f32.msk $0xffff, v1;
	v15 =	vmul.f32 s4, v15  }
0x1cb: {  	s3 =	sand.u32 @!p2 $0xFFFFF800, s3;
	s6 =	sand.u32 @!p2 $0x380, s6;
	s11 =	sor.u32 $0x440, s12;
	v52 =	vmul.f32 s4, v38;
	v18 =	vadd.f32 v29, v18;
	[tilespmem:s5+$0xC430] =	vst.add.f32.msk $0xffff, v2  }
0x1cc: {  	s6 =	sor.u32 @!p2 s6, s3;
	v33 =	vmul.f32 s4, v33;
	v15 =	vadd.f32 v20, v15;
	v53 =	vld [tilespmem:s11+$0x4000]  }
0x1cd: {  	v11 =	vmul.f32 s4, v11;
	v22 =	vadd.f32 v22, v52;
	[tilespmem:s6+$0xC000] =	vst.add.f32.msk @!p2 $0xffff, v18  }
0x1ce: {  	v24 =	vadd.f32 v24, v33;
	[tilespmem:s6+$0xC010] =	vst.add.f32.msk @!p2 $0xffff, v15  }
0x1cf: {  	v11 =	vadd.f32 v25, v11;
	[tilespmem:s6+$0xC020] =	vst.add.f32.msk @!p2 $0xffff, v22  }
0x1d0: {  	v54 =	vmul.f32 s4, v39;
	[tilespmem:s6+$0xC030] =	vst.add.f32.msk @!p2 $0xffff, v24  }
0x1d1: {  	v55 =	vmul.f32 s4, v36;
	[tilespmem:s6+$0xC040] =	vst.add.f32.msk @!p2 $0xffff, v11  }
0x1d2: {  	s15 =	sor.u32 $0x450, s12;
	v56 =	vmul.f32 s4, v35;
	v27 =	vadd.f32 v27, v54;
	[tilespmem:s5+$0xC440] =	vst.add.f32.msk $0xffff, v53  }
0x1d3: {  	v7 =	vmul.f32 s4, v7;
	v25 =	vadd.f32 v28, v55;
	v57 =	vld [tilespmem:s15+$0x4000]  }
0x1d4: {  	v28 =	vadd.f32 v30, v56;
	[tilespmem:s6+$0xC050] =	vst.add.f32.msk @!p2 $0xffff, v27  }
0x1d5: {  	v7 =	vadd.f32 v31, v7;
	[tilespmem:s6+$0xC060] =	vst.add.f32.msk @!p2 $0xffff, v25  }
0x1d6: {  	v4 =	vmul.f32 s4, v4;
	[tilespmem:s6+$0xC070] =	vst.add.f32.msk @!p2 $0xffff, v28  }
0x1d7: {  	v5 =	vmul.f32 s4, v5;
	[tilespmem:s6+$0xC400] =	vst.add.f32.msk @!p2 $0xffff, v7  }
0x1d8: {  	s16 =	sor.u32 $0x460, s12;
	v3 =	vmul.f32 s4, v3;
	v4 =	vadd.f32 v32, v4;
	[tilespmem:s5+$0xC450] =	vst.add.f32.msk $0xffff, v57  }
0x1d9: {  	v5 =	vadd.f32 v34, v5;
	v58 =	vld [tilespmem:s16+$0x4000]  }
0x1da: {  	v3 =	vadd.f32 v37, v3;
	[tilespmem:s6+$0xC410] =	vst.add.f32.msk @!p2 $0xffff, v4  }
0x1db: {  	s9 =	simm.f32 @!p2 $0.0e+00;
	v9 =	vmul.f32 s4, v9;
	[tilespmem:s6+$0xC420] =	vst.add.f32.msk @!p2 $0xffff, v5  }
0x1dc: {  	s9 =	simm.f32 @p2 $1.000000000e+00;
	v16 =	vmul.f32 s4, v16;
	[tilespmem:s6+$0xC430] =	vst.add.f32.msk @!p2 $0xffff, v3  }
0x1dd: {  	s24 =	sadd.s32 $0x1, s24;
	v59 =	vmul.f32 s4, v42;
	v1 =	vadd.f32 v1, v9;
	v9 =	vmul.f32 s9, v18;
	v18 =	vld [tilespmem:$0x1FFE0]  }
0x1de: {  	s23 =	sor.u32 $0x470, s12;
	p3 =	slt.s32 s24, $0x65;
	v60 =	vmul.f32 s4, v43;
	v16 =	vadd.f32 v41, v16;
	[tilespmem:s5+$0xC460] =	vst.add.f32.msk $0xffff, v58  }
0x1df: {  	p4 =	sgt.s32 @!p3 s20, $0x63;
	v13 =	vadd.f32 v13, v59;
	v61 =	vld [tilespmem:s23+$0x4000]  }
0x1e0: {  	s3 =	smov.u32 s20;
	p4 =	por !p4, p3;
	v8 =	vadd.f32 v8, v60;
	[tilespmem:s6+$0xC440] =	vst.add.f32.msk @!p2 $0xffff, v16  }
0x1e1: {  	s3 =	simm.s32 @!p4 $0x65;
	[tilespmem:s6+$0xC450] =	vst.add.f32.msk @!p2 $0xffff, v13  }
0x1e2: {  	s4 =	sshll.u32 @!p3 s3, $0x8;
	s3 =	sshll.u32 @!p3 s3, $0x7;
	[tilespmem:s6+$0xC460] =	vst.add.f32.msk @!p2 $0xffff, v8;
	v15 =	vmul.f32 s9, v15  }
0x1e3: {  	[tilespmem:s6+$0xC470] =	vst.add.f32.msk @!p2 $0xffff, v1;
	s4 =	sand.u32 @!p3 $0xFFFFF800, s4;
	s3 =	sand.u32 @!p3 $0x380, s3;
	v9 =	vadd.f32 v9, v18;
	v18 =	vmul.f32 s9, v22  }
0x1e4: {  	s4 =	sor.u32 @!p3 s3, s4;
	v17 =	vadd.f32 v17, v15;
	v15 =	vmul.f32 s9, v24;
	[tilespmem:s5+$0xC470] =	vst.add.f32.msk $0xffff, v61  }
0x1e5: {  	v11 =	vmul.f32 s9, v11;
	v18 =	vadd.f32 v19, v18;
	[tilespmem:s4+$0xC000] =	vst.add.f32.msk @!p3 $0xffff, v9  }
0x1e6: {  	v19 =	vadd.f32 v21, v15;
	v15 =	vmul.f32 s9, v27;
	[tilespmem:s4+$0xC010] =	vst.add.f32.msk @!p3 $0xffff, v17  }
0x1e7: {  	v62 =	vmul.f32 s9, v25;
	v7 =	vmul.f32 s9, v7;
	v11 =	vadd.f32 v23, v11;
	[tilespmem:s4+$0xC020] =	vst.add.f32.msk @!p3 $0xffff, v18  }
0x1e8: {  	v4 =	vmul.f32 s9, v4;
	v22 =	vadd.f32 v26, v15;
	v15 =	vmul.f32 s9, v28;
	[tilespmem:s4+$0xC030] =	vst.add.f32.msk @!p3 $0xffff, v19  }
0x1e9: {  	v5 =	vmul.f32 s9, v5;
	v3 =	vmul.f32 s9, v3;
	v21 =	vadd.f32 v14, v62;
	[tilespmem:s4+$0xC040] =	vst.add.f32.msk @!p3 $0xffff, v11  }
0x1ea: {  	v63 =	vmul.f32 s9, v8;
	v7 =	vadd.f32 v10, v7;
	v23 =	vadd.f32 v12, v15;
	[tilespmem:s4+$0xC050] =	vst.add.f32.msk @!p3 $0xffff, v22  }
0x1eb: {  	v1 =	vmul.f32 s9, v1;
	p2 =	sgt.s32 s24, $0x64;
	s3 =	simm.f32 @!p3 $0.0e+00;
	v0 =	vadd.f32 v0, v5;
	v2 =	vadd.f32 v2, v3;
	s5 =	simm.s32 $0x1;
	[tilespmem:s4+$0xC060] =	vst.add.f32.msk @!p3 $0xffff, v21  }
0x1ec: {  	v10 =	vmul.f32 s9, v16;
	v16 =	vmul.f32 s9, v13;
	v4 =	vadd.f32 v6, v4;
	s3 =	simm.f32 @p3 $1.000000000e+00;
	[tilespmem:s4+$0xC070] =	vst.add.f32.msk @!p3 $0xffff, v23;
	s5 =	simm.s32 @!p2 $0x0  }
0x1ed: {  	v5 =	vmul.f32 s3, v0;
	v3 =	vmul.f32 s3, v2;
	[tilespmem:s4+$0xC400] =	vst.add.f32.msk @!p3 $0xffff, v7;
	s29 =	sadd.s32 s5, s20  }
0x1ee: {  	s31 =	sadd.s32 $0x4, s31;
	v14 =	vmul.f32 s3, v17;
	v13 =	vmul.f32 s3, v18;
	[tilespmem:s4+$0xC410] =	vst.add.f32.msk @!p3 $0xffff, v4;
	s5 =	sadd.s32 $0x1, s29  }
0x1ef: {  	v8 =	vmul.f32 s3, v21;
	v15 =	vmul.f32 s3, v9;
	v9 =	vadd.f32 v53, v10;
	[tilespmem:s4+$0xC420] =	vst.add.f32.msk @!p3 $0xffff, v0;
	s24 =	smov.u32 @p2 s5;
	p2 =	slt.u32 s31, $0x3C  }
.Ltmp2:
0x1f0: {  	v12 =	vmul.f32 s3, v19;
	v6 =	vmul.f32 s3, v23;
	v17 =	vadd.f32 v57, v16;
	[tilespmem:s4+$0xC430] =	vst.add.f32.msk @!p3 $0xffff, v2;
	(pc) =	sbr.rel @p2 .LBB2_7-.Ltmp2, $4  }
0x1f1: {  	v11 =	vmul.f32 s3, v11;
	v10 =	vmul.f32 s3, v22;
	v18 =	vadd.f32 v58, v63;
	[tilespmem:s4+$0xC440] =	vst.add.f32.msk @!p3 $0xffff, v9  }
0x1f2: {  	v7 =	vmul.f32 s3, v7;
	v4 =	vmul.f32 s3, v4;
	v19 =	vadd.f32 v61, v1;
	[tilespmem:s4+$0xC450] =	vst.add.f32.msk @!p3 $0xffff, v17  }
0x1f3: {  	[tilespmem:s4+$0xC460] =	vst.add.f32.msk @!p3 $0xffff, v18;
	v16 =	vmul.f32 s3, v9;
	v1 =	vmul.f32 s3, v17  }
0x1f4: {  	s2 =	sadd.s32 $0x200, s2;
	p1 =	por !p1, !p1;
	s0 =	sadd.s32 $0x400, s0;
	[tilespmem:s4+$0xC470] =	vst.add.f32.msk @!p3 $0xffff, v19;
	v0 =	vmul.f32 s3, v18;
	v9 =	vmul.f32 s3, v19  }
.Ltmp3:
0x1f5: {  	(pc) =	sbr.rel @p0 .LBB2_10-.Ltmp3, $1  }
0x1f6: {  	_ =	sdelay $0x3  }
.Ltmp4:
0x1f7: {  	(pc) =	sbr.rel .LBB2_4-.Ltmp4, $3  }
0x1f8: {  	_ =	sdelay $0x1  }
0x1f9: {  	s0 =	sadd.s32 s30, s8;
	s28 =	sadd.s32 $0x1, s28  }
0x1fa: {  	[tilespmem:s19], [sflag:$0x2] =	stream.strided.gather [hbm4b:s0+s17], $0x4000, s18, s17, $0x38;
	[tilespmem:$0x12800] =	vst v63  }
.LBB2_10:
0x1fb: {  	s3 =	simm.s32 $0x3  }
0x1fc: {  	s0 =	simm.s32 $0x500;
	s2 =	simm.s32 $0x280;
	_ =	swait.ge [sflag:s3], $0x4000  }
0x1fd: {  	s0 =	sand.u32 $0x3800, s0;
	s2 =	sand.u32 $0x380, s2;
	[sflag:s3] =	ssyncset.done $0x0  }
0x1fe: {  	s2 =	sor.u32 s2, s0;
	[sflag:s3] =	ssyncadd.s32 $0xFFFFC000  }
0x1ff: {  	p0 =	slt.s32 s24, $0x64;
	s0 =	smov.u32 s24;
	v2 =	vld [tilespmem:s2+$0x8000]  }
0x200: {  	s0 =	simm.s32 @!p0 $0x64  }
0x201: {  	s20 =	sshll.u32 s0, $0x8;
	s0 =	sshll.u32 s0, $0x7  }
0x202: {  	s3 =	sand.u32 $0xFFFFF800, s20;
	s0 =	sand.u32 $0x380, s0  }
0x203: {  	s0 =	sor.u32 s0, s3  }
0x204: {  	[tilespmem:s0+$0xC000] =	vst.add.f32.msk $0xffff, v2  }
0x205: {  	v26 =	vld [tilespmem:s2+$0x8010];
	_ =	sdelay $0x4  }
0x206: {  	[tilespmem:s0+$0xC010] =	vst.add.f32.msk $0xffff, v26  }
0x207: {  	v27 =	vld [tilespmem:s2+$0x8020];
	_ =	sdelay $0x4  }
0x208: {  	[tilespmem:s0+$0xC020] =	vst.add.f32.msk $0xffff, v27  }
0x209: {  	v28 =	vld [tilespmem:s2+$0x8030];
	_ =	sdelay $0x4  }
0x20a: {  	[tilespmem:s0+$0xC030] =	vst.add.f32.msk $0xffff, v28  }
0x20b: {  	v29 =	vld [tilespmem:s2+$0x8040];
	_ =	sdelay $0x3  }
0x20c: {  	s3 =	sadd.s32 $0x1, s24  }
0x20d: {  	s4 =	simm.s32 $0x1;
	p1 =	sgt.s32 s3, $0x64;
	[tilespmem:s0+$0xC040] =	vst.add.f32.msk $0xffff, v29  }
0x20e: {  	s4 =	simm.s32 @!p1 $0x0;
	v30 =	vld [tilespmem:s2+$0x8050]  }
0x20f: {  	s5 =	simm.s32 $0x600;
	s23 =	simm.s32 $0x300;
	s6 =	sadd.s32 s4, s29  }
0x210: {  	s5 =	sand.u32 $0x3800, s5;
	s4 =	sand.u32 $0x380, s23;
	s9 =	sadd.s32 $0x1, s6  }
0x211: {  	p0 =	slt.s32 s3, $0x65;
	s11 =	sor.u32 s4, s5;
	s3 =	smov.u32 @p1 s9  }
0x212: {  	v40 =	vld [tilespmem:s11+$0x8000];
	p1 =	slt.s32 s3, $0x64;
	s4 =	smov.u32 s3  }
0x213: {  	s4 =	simm.s32 @!p1 $0x64;
	[tilespmem:s0+$0xC050] =	vst.add.f32.msk $0xffff, v30  }
0x214: {  	s24 =	sshll.u32 s4, $0x8;
	s4 =	sshll.u32 s4, $0x7;
	v31 =	vld [tilespmem:s2+$0x8060]  }
0x215: {  	s5 =	sand.u32 $0xFFFFF800, s24;
	s4 =	sand.u32 $0x380, s4  }
0x216: {  	s20 =	sor.u32 s4, s5  }
0x217: {  	[tilespmem:s20+$0xC000] =	vst.add.f32.msk $0xffff, v40  }
0x218: {  	v17 =	vld [tilespmem:s11+$0x8010]  }
0x219: {  	[tilespmem:s0+$0xC060] =	vst.add.f32.msk $0xffff, v31  }
0x21a: {  	v32 =	vld [tilespmem:s2+$0x8070];
	_ =	sdelay $0x2  }
0x21b: {  	[tilespmem:s20+$0xC010] =	vst.add.f32.msk $0xffff, v17  }
0x21c: {  	v19 =	vld [tilespmem:s11+$0x8020]  }
0x21d: {  	[tilespmem:s0+$0xC070] =	vst.add.f32.msk $0xffff, v32  }
0x21e: {  	v33 =	vld [tilespmem:s2+$0x8400];
	_ =	sdelay $0x2  }
0x21f: {  	[tilespmem:s20+$0xC020] =	vst.add.f32.msk $0xffff, v19  }
0x220: {  	v21 =	vld [tilespmem:s11+$0x8030]  }
0x221: {  	[tilespmem:s0+$0xC400] =	vst.add.f32.msk $0xffff, v33  }
0x222: {  	v34 =	vld [tilespmem:s2+$0x8410];
	_ =	sdelay $0x2  }
0x223: {  	[tilespmem:s20+$0xC030] =	vst.add.f32.msk $0xffff, v21  }
0x224: {  	v22 =	vld [tilespmem:s11+$0x8040]  }
0x225: {  	[tilespmem:s0+$0xC410] =	vst.add.f32.msk $0xffff, v34  }
0x226: {  	v35 =	vld [tilespmem:s2+$0x8420];
	_ =	sdelay $0x2  }
0x227: {  	[tilespmem:s20+$0xC040] =	vst.add.f32.msk $0xffff, v22  }
0x228: {  	v23 =	vld [tilespmem:s11+$0x8050]  }
0x229: {  	[tilespmem:s0+$0xC420] =	vst.add.f32.msk $0xffff, v35  }
0x22a: {  	v37 =	vld [tilespmem:s2+$0x8430];
	_ =	sdelay $0x2  }
0x22b: {  	[tilespmem:s20+$0xC050] =	vst.add.f32.msk $0xffff, v23  }
0x22c: {  	v20 =	vld [tilespmem:s11+$0x8060]  }
0x22d: {  	[tilespmem:s0+$0xC430] =	vst.add.f32.msk $0xffff, v37  }
0x22e: {  	v38 =	vld [tilespmem:s2+$0x8440];
	_ =	sdelay $0x2  }
0x22f: {  	[tilespmem:s20+$0xC060] =	vst.add.f32.msk $0xffff, v20  }
0x230: {  	v24 =	vld [tilespmem:s11+$0x8070]  }
0x231: {  	[tilespmem:s0+$0xC440] =	vst.add.f32.msk $0xffff, v38  }
0x232: {  	v39 =	vld [tilespmem:s2+$0x8450];
	_ =	sdelay $0x2  }
0x233: {  	[tilespmem:s20+$0xC070] =	vst.add.f32.msk $0xffff, v24  }
0x234: {  	v25 =	vld [tilespmem:s11+$0x8400]  }
0x235: {  	[tilespmem:s0+$0xC450] =	vst.add.f32.msk $0xffff, v39  }
0x236: {  	v36 =	vld [tilespmem:s2+$0x8460];
	_ =	sdelay $0x1  }
0x237: {  	s10 =	sadd.s32 $0x1, s3  }
0x238: {  	s3 =	simm.s32 $0x1;
	p2 =	sgt.s32 s10, $0x64;
	[tilespmem:s20+$0xC400] =	vst.add.f32.msk $0xffff, v25  }
0x239: {  	s12 =	simm.s32 $0x380;
	v43 =	vadd.f32 v2, v15;
	s9 =	simm.s32 $0x700;
	s3 =	simm.s32 @!p2 $0x0;
	v15 =	vadd.f32 v27, v13;
	v13 =	vld [tilespmem:s11+$0x8410]  }
0x23a: {  	p1 =	sgt.s32 @!p0 s29, $0x63;
	p3 =	slt.s32 s10, $0x65;
	s24 =	sadd.s32 s3, s6;
	[tilespmem:s0+$0xC460] =	vst.add.f32.msk $0xffff, v36  }
0x23b: {  	s3 =	sadd.s32 $0x1, s24;
	s4 =	sand.u32 $0x3800, s9;
	v41 =	vld [tilespmem:s2+$0x8470];
	s2 =	sand.u32 $0x380, s12  }
0x23c: {  	p1 =	por !p1, p0;
	s10 =	smov.u32 @p2 s3;
	s2 =	sor.u32 s2, s4  }
0x23d: {  	s29 =	simm.s32 @!p1 $0x65;
	p1 =	slt.s32 s10, $0x64;
	s4 =	smov.u32 s10;
	v18 =	vld [tilespmem:s2+$0x8000]  }
0x23e: {  	s4 =	simm.s32 @!p1 $0x64  }
0x23f: {  	[tilespmem:s20+$0xC410] =	vst.add.f32.msk $0xffff, v13;
	s15 =	sshll.u32 s4, $0x8;
	s4 =	sshll.u32 s4, $0x7  }
0x240: {  	v44 =	vadd.f32 v28, v12;
	v12 =	vld [tilespmem:s11+$0x8420];
	s16 =	sand.u32 $0xFFFFF800, s15;
	s23 =	sand.u32 $0x380, s4  }
0x241: {  	[tilespmem:s0+$0xC470] =	vst.add.f32.msk $0xffff, v41;
	s0 =	sor.u32 s23, s16  }
0x242: {  	[tilespmem:s0+$0xC000] =	vst.add.f32.msk $0xffff, v18  }
0x243: {  	v42 =	vadd.f32 v41, v9;
	v9 =	vld [tilespmem:s2+$0x8010]  }
0x244: {  	s5 =	sshll.u32 @!p0 s29, $0x8;
	s3 =	sshll.u32 @!p0 s29, $0x7;
	p2 =	por p0, p0  }
0x245: {  	s5 =	sand.u32 @!p2 $0xFFFFF800, s5;
	s3 =	sand.u32 @!p2 $0x380, s3;
	[tilespmem:s20+$0xC420] =	vst.add.f32.msk $0xffff, v12  }
0x246: {  	s29 =	sor.u32 @!p2 s3, s5;
	v41 =	vadd.f32 v26, v14;
	v26 =	vld [tilespmem:s11+$0x8430]  }
0x247: {  	[tilespmem:s29+$0xC000] =	vst.add.f32.msk @!p2 $0xffff, v43  }
0x248: {  	[tilespmem:s0+$0xC010] =	vst.add.f32.msk $0xffff, v9  }
0x249: {  	p1 =	por p2, p2;
	v14 =	vld [tilespmem:s2+$0x8020]  }
0x24a: {  	v29 =	vadd.f32 v29, v11;
	[tilespmem:s29+$0xC020] =	vst.add.f32.msk @!p1 $0xffff, v15  }
0x24b: {  	v45 =	vadd.f32 v30, v10;
	[tilespmem:s29+$0xC030] =	vst.add.f32.msk @!p1 $0xffff, v44  }
0x24c: {  	[tilespmem:s29+$0xC040] =	vst.add.f32.msk @!p1 $0xffff, v29  }
0x24d: {  	[tilespmem:s29+$0xC050] =	vst.add.f32.msk @!p1 $0xffff, v45  }
0x24e: {  	v31 =	vadd.f32 v31, v8;
	[tilespmem:s0+$0xC020] =	vst.add.f32.msk $0xffff, v14  }
0x24f: {  	v6 =	vadd.f32 v32, v6;
	v11 =	vld [tilespmem:s2+$0x8030]  }
0x250: {  	v33 =	vadd.f32 v33, v7;
	[tilespmem:s29+$0xC060] =	vst.add.f32.msk @!p1 $0xffff, v31  }
0x251: {  	v46 =	vadd.f32 v34, v4;
	[tilespmem:s29+$0xC070] =	vst.add.f32.msk @!p1 $0xffff, v6  }
0x252: {  	[tilespmem:s29+$0xC400] =	vst.add.f32.msk @!p1 $0xffff, v33  }
0x253: {  	[tilespmem:s29+$0xC410] =	vst.add.f32.msk @!p1 $0xffff, v46  }
0x254: {  	[tilespmem:s0+$0xC030] =	vst.add.f32.msk $0xffff, v11  }
0x255: {  	v8 =	vld [tilespmem:s2+$0x8040]  }
0x256: {  	v5 =	vadd.f32 v35, v5;
	[tilespmem:s20+$0xC430] =	vst.add.f32.msk $0xffff, v26  }
0x257: {  	v7 =	vadd.f32 v37, v3;
	v32 =	vld [tilespmem:s11+$0x8440]  }
0x258: {  	[tilespmem:s29+$0xC420] =	vst.add.f32.msk @!p1 $0xffff, v5  }
0x259: {  	[tilespmem:s29+$0xC430] =	vst.add.f32.msk @!p1 $0xffff, v7  }
0x25a: {  	[tilespmem:s0+$0xC040] =	vst.add.f32.msk $0xffff, v8  }
0x25b: {  	v28 =	vld [tilespmem:s2+$0x8050]  }
0x25c: {  	v16 =	vadd.f32 v38, v16;
	[tilespmem:s20+$0xC440] =	vst.add.f32.msk $0xffff, v32  }
0x25d: {  	v4 =	vld [tilespmem:s11+$0x8450]  }
0x25e: {  	[tilespmem:s29+$0xC440] =	vst.add.f32.msk @!p1 $0xffff, v16  }
0x25f: {  	[tilespmem:s29+$0xC470] =	vst.add.f32.msk @!p2 $0xffff, v42  }
0x260: {  	s5 =	simm.f32 @!p0 $0.0e+00;
	[tilespmem:s0+$0xC050] =	vst.add.f32.msk $0xffff, v28  }
0x261: {  	s5 =	simm.f32 @p2 $1.000000000e+00;
	v30 =	vld [tilespmem:s2+$0x8060]  }
0x262: {  	s30 =	sadd.s32 $0x1, s10;
	v10 =	vmul.f32 s5, v15;
	[tilespmem:s20+$0xC450] =	vst.add.f32.msk $0xffff, v4  }
0x263: {  	p0 =	sgt.s32 @!p3 s6, $0x63;
	p4 =	sgt.s32 s30, $0x64;
	s3 =	simm.s32 $0x1;
	v35 =	vmul.f32 s5, v33;
	v34 =	vmul.f32 s5, v16;
	v16 =	vadd.f32 v39, v1;
	v2 =	vld [tilespmem:s11+$0x8460]  }
0x264: {  	s28 =	simm.f32 @!p3 $0.0e+00;
	p0 =	por !p0, p3;
	s3 =	simm.s32 @!p4 $0x0;
	v37 =	vmul.f32 s5, v43;
	v3 =	vmul.f32 s5, v7;
	[tilespmem:s29+$0xC010] =	vst.add.f32.msk @!p1 $0xffff, v41  }
0x265: {  	s6 =	simm.s32 @!p0 $0x65;
	p0 =	por p3, p3;
	v38 =	vmul.f32 s5, v45;
	v15 =	vmul.f32 s5, v44;
	p2 =	slt.s32 s30, $0x65;
	[tilespmem:s29+$0xC450] =	vst.add.f32.msk @!p1 $0xffff, v16  }
0x266: {  	s31 =	sshll.u32 @!p3 s6, $0x8;
	s10 =	sadd.s32 s3, s24;
	v7 =	vmul.f32 s5, v29;
	v29 =	vmul.f32 s5, v31;
	p5 =	sgt.s32 @!p2 s24, $0x63;
	[tilespmem:s0+$0xC060] =	vst.add.f32.msk $0xffff, v30  }
0x267: {  	s6 =	sshll.u32 @!p3 s6, $0x7;
	s3 =	sadd.s32 $0x1, s10;
	v6 =	vmul.f32 s5, v6;
	v5 =	vmul.f32 s5, v5;
	p3 =	por !p5, p2;
	v33 =	vld [tilespmem:s2+$0x8070]  }
0x268: {  	s9 =	simm.s32 $0x800;
	v1 =	vmul.f32 s5, v46;
	v27 =	vmul.f32 s5, v42;
	s30 =	smov.u32 @p4 s3;
	s24 =	simm.s32 @!p3 $0x65;
	[tilespmem:s20+$0xC460] =	vst.add.f32.msk $0xffff, v2  }
0x269: {  	v36 =	vadd.f32 v36, v0;
	v31 =	vmul.f32 s5, v41;
	s16 =	simm.f32 @!p2 $0.0e+00;
	v0 =	vmul.f32 s5, v16;
	s15 =	sshll.u32 @!p2 s24, $0x8;
	v39 =	vld [tilespmem:s11+$0x8470];
	s11 =	simm.s32 $0x400  }
.LBB2_11:
0x26a: {  	p3 =	slt.s32 s30, $0x64;
	s3 =	sand.u32 $0x3800, s9;
	s4 =	sand.u32 $0x380, s11  }
0x26b: {  	v16 =	vadd.f32 v23, v38;
	[tilespmem:s29+$0xC460] =	vst.add.f32.msk @!p1 $0xffff, v36;
	v36 =	vmul.f32 s5, v36;
	v23 =	vmov v28;
	s5 =	smov.u32 s30;
	s9 =	sadd.s32 $0x100, s9;
	s23 =	sand.u32 @!p0 $0xFFFFF800, s31  }
0x26c: {  	v28 =	vadd.f32 v40, v37;
	v41 =	vadd.f32 v25, v35;
	v40 =	vmov v18;
	s5 =	simm.s32 @!p3 $0x64;
	s12 =	sor.u32 s4, s3;
	[tilespmem:s0+$0xC070] =	vst.add.f32.msk $0xffff, v33;
	p3 =	sne.s32 s9, $0x4000  }
0x26d: {  	v42 =	vadd.f32 v20, v29;
	v43 =	vadd.f32 v32, v34;
	v20 =	vmov v30;
	s4 =	sshll.u32 @!p2 s24, $0x7;
	s24 =	sand.u32 @!p0 $0x380, s6;
	v18 =	vld [tilespmem:s12+$0x8000];
	s3 =	sshll.u32 s5, $0x8  }
0x26e: {  	v44 =	vadd.f32 v26, v3;
	s6 =	smov.u32 s4;
	s4 =	sshll.u32 s5, $0x7;
	s5 =	smov.u32 s28;
	v25 =	vld [tilespmem:s2+$0x8400];
	v26 =	vadd.f32 v39, v27  }
0x26f: {  	v30 =	vadd.f32 v19, v10;
	v32 =	vadd.f32 v21, v15;
	v19 =	vmovc v14;
	v21 =	vmov v11;
	s29 =	sor.u32 @!p0 s24, s23;
	s5 =	simm.f32 @p0 $1.000000000e+00;
	[tilespmem:s20+$0xC470] =	vst.add.f32.msk $0xffff, v39  }
0x270: {  	v11 =	vadd.f32 v22, v7;
	v22 =	vmovc v8;
	s3 =	sand.u32 $0xFFFFF800, s3;
	s4 =	sand.u32 $0x380, s4;
	v3 =	vmul.f32 s5, v44;
	s20 =	smov.u32 s0;
	[tilespmem:s29+$0xC470] =	vst.add.f32.msk @!p0 $0xffff, v26;
	v27 =	vmul.f32 s5, v26  }
0x271: {  	s28 =	smov.u32 s16;
	s24 =	smov.u32 s10;
	s0 =	sor.u32 s4, s3;
	v39 =	vadd.f32 v24, v6;
	v10 =	vmul.f32 s5, v30;
	v15 =	vmul.f32 s5, v32;
	v24 =	vmovc v33;
	[tilespmem:s29+$0xC000] =	vst.add.f32.msk @!p0 $0xffff, v28  }
0x272: {  	s31 =	smov.u32 s15;
	p1 =	por p0, p0;
	v33 =	vadd.f32 v12, v5;
	v7 =	vmul.f32 s5, v11;
	v29 =	vmul.f32 s5, v42;
	p0 =	por p2, p2;
	[tilespmem:s0+$0xC000] =	vst.add.f32.msk $0xffff, v18  }
0x273: {  	v8 =	vadd.f32 v17, v31;
	v17 =	vmovc v9;
	v35 =	vmul.f32 s5, v41;
	v6 =	vmul.f32 s5, v39;
	v9 =	vld [tilespmem:s12+$0x8010]  }
0x274: {  	v45 =	vadd.f32 v13, v1;
	v34 =	vmul.f32 s5, v43;
	v5 =	vmul.f32 s5, v33;
	[tilespmem:s20+$0xC400] =	vst.add.f32.msk $0xffff, v25  }
0x275: {  	v37 =	vmul.f32 s5, v28;
	v31 =	vmul.f32 s5, v8;
	v13 =	vld [tilespmem:s2+$0x8410]  }
0x276: {  	v38 =	vmul.f32 s5, v16;
	v1 =	vmul.f32 s5, v45;
	[tilespmem:s29+$0xC010] =	vst.add.f32.msk @!p1 $0xffff, v8  }
0x277: {  	[tilespmem:s29+$0xC020] =	vst.add.f32.msk @!p1 $0xffff, v30  }
0x278: {  	[tilespmem:s0+$0xC010] =	vst.add.f32.msk $0xffff, v9  }
0x279: {  	v14 =	vld [tilespmem:s12+$0x8020]  }
0x27a: {  	[tilespmem:s20+$0xC410] =	vst.add.f32.msk $0xffff, v13  }
0x27b: {  	v12 =	vld [tilespmem:s2+$0x8420]  }
0x27c: {  	[tilespmem:s29+$0xC030] =	vst.add.f32.msk @!p1 $0xffff, v32  }
0x27d: {  	[tilespmem:s29+$0xC040] =	vst.add.f32.msk @!p1 $0xffff, v11  }
0x27e: {  	[tilespmem:s0+$0xC020] =	vst.add.f32.msk $0xffff, v14  }
0x27f: {  	v11 =	vld [tilespmem:s12+$0x8030]  }
0x280: {  	[tilespmem:s20+$0xC420] =	vst.add.f32.msk $0xffff, v12  }
0x281: {  	v26 =	vld [tilespmem:s2+$0x8430]  }
0x282: {  	[tilespmem:s29+$0xC050] =	vst.add.f32.msk @!p1 $0xffff, v16  }
0x283: {  	[tilespmem:s29+$0xC060] =	vst.add.f32.msk @!p1 $0xffff, v42  }
0x284: {  	[tilespmem:s0+$0xC030] =	vst.add.f32.msk $0xffff, v11  }
0x285: {  	v8 =	vld [tilespmem:s12+$0x8040]  }
0x286: {  	[tilespmem:s20+$0xC430] =	vst.add.f32.msk $0xffff, v26  }
0x287: {  	v32 =	vld [tilespmem:s2+$0x8440]  }
0x288: {  	[tilespmem:s29+$0xC070] =	vst.add.f32.msk @!p1 $0xffff, v39  }
0x289: {  	[tilespmem:s29+$0xC400] =	vst.add.f32.msk @!p1 $0xffff, v41  }
0x28a: {  	[tilespmem:s0+$0xC040] =	vst.add.f32.msk $0xffff, v8  }
0x28b: {  	v28 =	vld [tilespmem:s12+$0x8050]  }
0x28c: {  	[tilespmem:s20+$0xC440] =	vst.add.f32.msk $0xffff, v32  }
0x28d: {  	v16 =	vld [tilespmem:s2+$0x8450]  }
0x28e: {  	[tilespmem:s29+$0xC410] =	vst.add.f32.msk @!p1 $0xffff, v45  }
0x28f: {  	[tilespmem:s29+$0xC420] =	vst.add.f32.msk @!p1 $0xffff, v33  }
0x290: {  	[tilespmem:s0+$0xC050] =	vst.add.f32.msk $0xffff, v28  }
0x291: {  	v30 =	vld [tilespmem:s12+$0x8060]  }
0x292: {  	[tilespmem:s20+$0xC450] =	vst.add.f32.msk $0xffff, v16  }
0x293: {  	v41 =	vld [tilespmem:s2+$0x8460]  }
0x294: {  	s30 =	sadd.s32 $0x1, s30;
	[tilespmem:s29+$0xC430] =	vst.add.f32.msk @!p1 $0xffff, v44  }
0x295: {  	p4 =	sgt.s32 s30, $0x64;
	[tilespmem:s29+$0xC440] =	vst.add.f32.msk @!p1 $0xffff, v43  }
.Ltmp5:
0x296: {  	s3 =	simm.s32 $0x1;
	p2 =	slt.s32 s30, $0x65;
	[tilespmem:s0+$0xC060] =	vst.add.f32.msk $0xffff, v30;
	(pc) =	sbr.rel @p3 .LBB2_11-.Ltmp5, $4  }
0x297: {  	s3 =	simm.s32 @!p4 $0x0;
	p5 =	sgt.s32 @!p2 s10, $0x63;
	s16 =	simm.f32 @!p2 $0.0e+00;
	v33 =	vld [tilespmem:s12+$0x8070]  }
0x298: {  	v0 =	vadd.f32 v4, v0;
	s10 =	sadd.s32 s3, s10;
	p5 =	por !p5, p2;
	v4 =	vmov v16;
	[tilespmem:s20+$0xC460] =	vst.add.f32.msk $0xffff, v41  }
0x299: {  	v36 =	vadd.f32 v2, v36;
	s3 =	sadd.s32 $0x1, s10;
	s24 =	simm.s32 @!p5 $0x65;
	v2 =	vmov v41;
	v39 =	vld [tilespmem:s2+$0x8470];
	s2 =	smov.u32 s12  }
0x29a: {  	s11 =	sadd.s32 $0x80, s11;
	s30 =	smov.u32 @p4 s3;
	s15 =	sshll.u32 @!p2 s24, $0x8;
	[tilespmem:s29+$0xC450] =	vst.add.f32.msk @!p1 $0xffff, v0;
	v0 =	vmul.f32 s5, v0  }
0x29b: {  	_ = 	snop  }
0x29c: {  	[tilespmem:s0+$0xC070] =	vst.add.f32.msk $0xffff, v33  }
0x29d: {  	v16 =	vld [tilespmem:s2+$0x8400];
	_ =	sdelay $0x4  }
0x29e: {  	[tilespmem:s0+$0xC400] =	vst.add.f32.msk $0xffff, v16  }
0x29f: {  	v41 =	vld [tilespmem:s2+$0x8410];
	_ =	sdelay $0x4  }
0x2a0: {  	[tilespmem:s0+$0xC410] =	vst.add.f32.msk $0xffff, v41  }
0x2a1: {  	v42 =	vld [tilespmem:s2+$0x8420];
	_ =	sdelay $0x4  }
0x2a2: {  	[tilespmem:s0+$0xC420] =	vst.add.f32.msk $0xffff, v42  }
0x2a3: {  	v43 =	vld [tilespmem:s2+$0x8430];
	_ =	sdelay $0x2  }
0x2a4: {  	[tilespmem:s29+$0xC460] =	vst.add.f32.msk @!p1 $0xffff, v36  }
0x2a5: {  	[tilespmem:s20+$0xC470] =	vst.add.f32.msk $0xffff, v39  }
0x2a6: {  	s3 =	sand.u32 @!p0 $0xFFFFF800, s31;
	s4 =	sand.u32 @!p0 $0x380, s6;
	v37 =	vadd.f32 v40, v37;
	[tilespmem:s0+$0xC430] =	vst.add.f32.msk $0xffff, v43  }
0x2a7: {  	v17 =	vadd.f32 v17, v31;
	s3 =	sor.u32 @!p0 s4, s3;
	v52 =	vld [tilespmem:s2+$0x8440]  }
0x2a8: {  	p1 =	por p0, p0;
	v10 =	vadd.f32 v19, v10;
	[tilespmem:s3+$0xC000] =	vst.add.f32.msk @!p0 $0xffff, v37  }
0x2a9: {  	v15 =	vadd.f32 v21, v15;
	[tilespmem:s3+$0xC010] =	vst.add.f32.msk @!p1 $0xffff, v17  }
0x2aa: {  	[tilespmem:s3+$0xC020] =	vst.add.f32.msk @!p1 $0xffff, v10  }
0x2ab: {  	[tilespmem:s3+$0xC030] =	vst.add.f32.msk @!p1 $0xffff, v15  }
0x2ac: {  	v7 =	vadd.f32 v22, v7;
	[tilespmem:s0+$0xC440] =	vst.add.f32.msk $0xffff, v52  }
0x2ad: {  	v21 =	vadd.f32 v23, v38;
	v53 =	vld [tilespmem:s2+$0x8450]  }
0x2ae: {  	v20 =	vadd.f32 v20, v29;
	[tilespmem:s3+$0xC040] =	vst.add.f32.msk @!p1 $0xffff, v7  }
0x2af: {  	v6 =	vadd.f32 v24, v6;
	[tilespmem:s3+$0xC050] =	vst.add.f32.msk @!p1 $0xffff, v21  }
0x2b0: {  	[tilespmem:s3+$0xC060] =	vst.add.f32.msk @!p1 $0xffff, v20  }
0x2b1: {  	[tilespmem:s3+$0xC070] =	vst.add.f32.msk @!p1 $0xffff, v6  }
0x2b2: {  	v23 =	vadd.f32 v25, v35;
	[tilespmem:s0+$0xC450] =	vst.add.f32.msk $0xffff, v53  }
0x2b3: {  	v1 =	vadd.f32 v13, v1;
	v54 =	vld [tilespmem:s2+$0x8460]  }
0x2b4: {  	v5 =	vadd.f32 v12, v5;
	[tilespmem:s3+$0xC400] =	vst.add.f32.msk @!p1 $0xffff, v23  }
0x2b5: {  	v3 =	vadd.f32 v26, v3;
	[tilespmem:s3+$0xC410] =	vst.add.f32.msk @!p1 $0xffff, v1  }
0x2b6: {  	[tilespmem:s3+$0xC420] =	vst.add.f32.msk @!p1 $0xffff, v5  }
0x2b7: {  	[tilespmem:s3+$0xC430] =	vst.add.f32.msk @!p1 $0xffff, v3  }
0x2b8: {  	v24 =	vadd.f32 v32, v34;
	[tilespmem:s0+$0xC460] =	vst.add.f32.msk $0xffff, v54  }
0x2b9: {  	v56 =	vmul.f32 s5, v36;
	v0 =	vadd.f32 v4, v0;
	v55 =	vld [tilespmem:s2+$0x8470]  }
0x2ba: {  	s28 =	simm.f32 @p0 $1.000000000e+00;
	v27 =	vadd.f32 v39, v27;
	[tilespmem:s3+$0xC440] =	vst.add.f32.msk @!p1 $0xffff, v24  }
0x2bb: {  	v2 =	vadd.f32 v2, v56;
	v58 =	vmul.f32 s28, v37;
	[tilespmem:s3+$0xC450] =	vst.add.f32.msk @!p1 $0xffff, v0  }
0x2bc: {  	[tilespmem:s3+$0xC470] =	vst.add.f32.msk @!p0 $0xffff, v27;
	v57 =	vmul.f32 s28, v27;
	p0 =	por p2, p2;
	s2 =	sshll.u32 @!p2 s24, $0x7  }
0x2bd: {  	v59 =	vmul.f32 s28, v15;
	[tilespmem:s3+$0xC460] =	vst.add.f32.msk @!p1 $0xffff, v2;
	v13 =	vadd.f32 v18, v58;
	s3 =	sand.u32 @!p0 $0xFFFFF800, s15;
	s2 =	sand.u32 @!p0 $0x380, s2  }
0x2be: {  	v7 =	vmul.f32 s28, v7;
	v4 =	vadd.f32 v55, v57;
	[tilespmem:s0+$0xC470] =	vst.add.f32.msk $0xffff, v55;
	s0 =	sor.u32 @!p0 s2, s3  }
0x2bf: {  	v60 =	vmul.f32 s28, v21;
	v11 =	vadd.f32 v11, v59;
	[tilespmem:s0+$0xC000] =	vst.add.f32.msk @!p0 $0xffff, v13  }
0x2c0: {  	v6 =	vmul.f32 s28, v6;
	v7 =	vadd.f32 v8, v7;
	[tilespmem:s0+$0xC470] =	vst.add.f32.msk @!p0 $0xffff, v4;
	p0 =	por p0, p0  }
0x2c1: {  	v1 =	vmul.f32 s28, v1;
	v8 =	vadd.f32 v28, v60;
	[tilespmem:s0+$0xC030] =	vst.add.f32.msk @!p0 $0xffff, v11  }
0x2c2: {  	v5 =	vmul.f32 s28, v5;
	v6 =	vadd.f32 v33, v6;
	[tilespmem:s0+$0xC040] =	vst.add.f32.msk @!p0 $0xffff, v7  }
0x2c3: {  	v3 =	vmul.f32 s28, v3;
	v1 =	vadd.f32 v41, v1;
	[tilespmem:s0+$0xC050] =	vst.add.f32.msk @!p0 $0xffff, v8  }
0x2c4: {  	v0 =	vmul.f32 s28, v0;
	v5 =	vadd.f32 v42, v5;
	[tilespmem:s0+$0xC070] =	vst.add.f32.msk @!p0 $0xffff, v6  }
0x2c5: {  	v17 =	vmul.f32 s28, v17;
	v3 =	vadd.f32 v43, v3;
	[tilespmem:s0+$0xC410] =	vst.add.f32.msk @!p0 $0xffff, v1  }
0x2c6: {  	v10 =	vmul.f32 s28, v10;
	v0 =	vadd.f32 v53, v0;
	[tilespmem:s0+$0xC420] =	vst.add.f32.msk @!p0 $0xffff, v5  }
0x2c7: {  	v62 =	vmul.f32 s28, v23;
	v4 =	vadd.f32 v9, v17;
	[tilespmem:s0+$0xC430] =	vst.add.f32.msk @!p0 $0xffff, v3  }
0x2c8: {  	v63 =	vmul.f32 s28, v24;
	v9 =	vadd.f32 v14, v10;
	[tilespmem:s0+$0xC450] =	vst.add.f32.msk @!p0 $0xffff, v0  }
0x2c9: {  	v61 =	vmul.f32 s28, v20;
	v7 =	vadd.f32 v16, v62;
	[tilespmem:s0+$0xC010] =	vst.add.f32.msk @!p0 $0xffff, v4  }
0x2ca: {  	v1 =	vmul.f32 s28, v2;
	v2 =	vadd.f32 v52, v63;
	[tilespmem:s0+$0xC020] =	vst.add.f32.msk @!p0 $0xffff, v9  }
0x2cb: {  	v4 =	vadd.f32 v30, v61;
	[tilespmem:s0+$0xC400] =	vst.add.f32.msk @!p0 $0xffff, v7  }
0x2cc: {  	[tilespmem:s0+$0xC440] =	vst.add.f32.msk @!p0 $0xffff, v2;
	v1 =	vadd.f32 v54, v1  }
0x2cd: {  	[tilespmem:s0+$0xC060] =	vst.add.f32.msk @!p0 $0xffff, v4  }
0x2ce: {  	[tilespmem:s0+$0xC460] =	vst.add.f32.msk @!p0 $0xffff, v1  }
0x2cf: {  	s15 =	simm.s32 $0xC000;
	s0 =	rddreg [dreg:$0x7]  }
0x2d0: {  	[hbm4b:s0+s17] =	stream.strided.scatter [tilespmem:s15], [sflag:$0x4], $0x6800, s18, s17, $0x38;
	[tilespmem:$0x12800] =	vst v63  }
0x2d1: {  	_ =	swait.ge [sflag:s25], $0x6800  }
0x2d2: {  	[sflag:s25] =	ssyncset.done $0x0  }
0x2d3: {  	s29 =	simm.s32 $0x0;
	s16 =	rddreg [dreg:$0x8];
	[sflag:s25] =	ssyncadd.s32 $0xFFFF9800  }
0x2d4: {  	[tilespmem:s29], [sflag:$0x1] =	stream.strided.gather [hbm4b:s16+s17], $0x4000, s18, s17, $0x38;
	[tilespmem:$0x12800] =	vst v63  }
0x2d5: {  	s30 =	sand.u32 $0x380, s29;
	s28 =	sand.u32 $0x7800, s29;
	s20 =	rddreg [dreg:$0x9]  }
0x2d6: {  	[tilespmem:s19], [sflag:$0x2] =	stream.strided.gather [hbm4b:s20+s17], $0x4000, s18, s17, $0x38;
	[tilespmem:$0x12800] =	vst v63  }
0x2d7: {  	s24 =	simm.s32 $0x8000;
	s0 =	sor.u32 s30, s28;
	s23 =	rddreg [dreg:$0xa]  }
0x2d8: {  	v0 =	vimm.f32 $0.0e+00;
	[tilespmem:s24], [sflag:$0x3] =	stream.strided.gather [hbm4b:s23+s17], $0x4000, s18, s17, $0x38;
	[tilespmem:$0x12800] =	vst v63  }
0x2d9: {  	[tilespmem:s0+$0xC470] =	vst v0  }
0x2da: {  	[tilespmem:s0+$0xC000] =	vst v0  }
0x2db: {  	[tilespmem:s0+$0xC010] =	vst v0  }
0x2dc: {  	[tilespmem:s0+$0xC020] =	vst v0  }
0x2dd: {  	[tilespmem:s0+$0xC030] =	vst v0  }
0x2de: {  	[tilespmem:s0+$0xC040] =	vst v0  }
0x2df: {  	[tilespmem:s0+$0xC050] =	vst v0  }
0x2e0: {  	[tilespmem:s0+$0xC060] =	vst v0  }
0x2e1: {  	[tilespmem:s0+$0xC070] =	vst v0  }
0x2e2: {  	[tilespmem:s0+$0xC400] =	vst v0  }
0x2e3: {  	[tilespmem:s0+$0xC410] =	vst v0  }
0x2e4: {  	[tilespmem:s0+$0xC420] =	vst v0  }
0x2e5: {  	[tilespmem:s0+$0xC430] =	vst v0  }
0x2e6: {  	s31 =	simm.s32 $0x100;
	s2 =	simm.s32 $0x80;
	[tilespmem:s0+$0xC440] =	vst v0  }
0x2e7: {  	s5 =	sand.u32 $0x7800, s31;
	s4 =	simm.s32 $0x200;
	s6 =	sand.u32 $0x380, s2;
	[tilespmem:s0+$0xC450] =	vst v0  }
.LBB2_13:
0x2e8: {  	p0 =	sne.s32 s4, $0x6300;
	[tilespmem:s0+$0xC460] =	vst v0;
	s0 =	sor.u32 s6, s5  }
0x2e9: {  	[tilespmem:s0+$0xC470] =	vst v0  }
0x2ea: {  	[tilespmem:s0+$0xC000] =	vst v0  }
0x2eb: {  	[tilespmem:s0+$0xC010] =	vst v0  }
0x2ec: {  	[tilespmem:s0+$0xC020] =	vst v0  }
0x2ed: {  	[tilespmem:s0+$0xC030] =	vst v0  }
0x2ee: {  	[tilespmem:s0+$0xC040] =	vst v0  }
0x2ef: {  	[tilespmem:s0+$0xC050] =	vst v0  }
0x2f0: {  	[tilespmem:s0+$0xC060] =	vst v0  }
0x2f1: {  	[tilespmem:s0+$0xC070] =	vst v0  }
0x2f2: {  	[tilespmem:s0+$0xC400] =	vst v0  }
.Ltmp6:
0x2f3: {  	[tilespmem:s0+$0xC410] =	vst v0;
	(pc) =	sbr.rel @p0 .LBB2_13-.Ltmp6, $4  }
0x2f4: {  	[tilespmem:s0+$0xC420] =	vst v0  }
0x2f5: {  	[tilespmem:s0+$0xC430] =	vst v0  }
0x2f6: {  	s2 =	sadd.s32 $0x80, s2;
	[tilespmem:s0+$0xC440] =	vst v0  }
0x2f7: {  	s5 =	sand.u32 $0x7800, s4;
	s4 =	sadd.s32 $0x100, s4;
	s6 =	sand.u32 $0x380, s2;
	[tilespmem:s0+$0xC450] =	vst v0  }
0x2f8: {  	s2 =	sor.u32 s6, s5;
	v9 =	vimm.f32 $0.0e+00;
	[tilespmem:s0+$0xC460] =	vst v0  }
0x2f9: {  	[tilespmem:s2+$0xC470] =	vst v9  }
0x2fa: {  	[tilespmem:s2+$0xC000] =	vst v9  }
0x2fb: {  	[tilespmem:s2+$0xC010] =	vst v9  }
0x2fc: {  	[tilespmem:s2+$0xC020] =	vst v9  }
0x2fd: {  	[tilespmem:s2+$0xC030] =	vst v9  }
0x2fe: {  	[tilespmem:s2+$0xC040] =	vst v9  }
0x2ff: {  	[tilespmem:s2+$0xC050] =	vst v9  }
0x300: {  	[tilespmem:s2+$0xC060] =	vst v9  }
0x301: {  	[tilespmem:s2+$0xC070] =	vst v9  }
0x302: {  	[tilespmem:s2+$0xC400] =	vst v9  }
0x303: {  	[tilespmem:s2+$0xC410] =	vst v9  }
0x304: {  	v46 =	vimm.f32 $0.0e+00;
	v16 =	vimm.f32 $0.0e+00;
	v0 =	vimm.f32 $0.0e+00;
	[tilespmem:s2+$0xC420] =	vst v9  }
0x305: {  	v3 =	vimm.f32 $0.0e+00;
	v5 =	vimm.f32 $0.0e+00;
	v4 =	vimm.f32 $0.0e+00;
	[tilespmem:s2+$0xC430] =	vst v9  }
0x306: {  	v7 =	vimm.f32 $0.0e+00;
	v6 =	vimm.f32 $0.0e+00;
	v8 =	vimm.f32 $0.0e+00;
	[tilespmem:s2+$0xC440] =	vst v9  }
0x307: {  	v10 =	vimm.f32 $0.0e+00;
	v11 =	vimm.f32 $0.0e+00;
	v12 =	vimm.f32 $0.0e+00;
	[tilespmem:s2+$0xC450] =	vst v9  }
0x308: {  	s24 =	simm.s32 $0x1;
	v13 =	vimm.f32 $0.0e+00;
	v14 =	vimm.f32 $0.0e+00;
	v15 =	vimm.f32 $0.0e+00;
	s28 =	simm.s32 $0x0;
	[tilespmem:s2+$0xC460] =	vst v9  }
.LBB2_15:
0x309: {  	_ =	swait.ge [sflag:s21], $0x4000  }
0x30a: {  	s0 =	simm.s32 $0xFFFFFFFC;
	s30 =	simm.s32 $0x0;
	[sflag:s21] =	ssyncset.done $0x0  }
0x30b: {  	p0 =	por $0x0, $0x0;
	s2 =	simm.s32 $0x0;
	[sflag:s21] =	ssyncadd.s32 $0xFFFFC000  }
.LBB2_16:
0x30c: {  	s3 =	sand.u32 $0x3800, s30;
	s4 =	sand.u32 $0x200, s2  }
0x30d: {  	s6 =	sor.u32 s4, s3  }
0x30e: {  	p1 =	slt.s32 s24, $0x64;
	s5 =	smov.u32 s24;
	v45 =	vld [tilespmem:s6+$0x0]  }
0x30f: {  	s5 =	simm.s32 @!p1 $0x64  }
0x310: {  	s9 =	sshll.u32 s5, $0x8;
	s5 =	sshll.u32 s5, $0x7  }
0x311: {  	s9 =	sand.u32 $0xFFFFF800, s9;
	s5 =	sand.u32 $0x380, s5  }
0x312: {  	s5 =	sor.u32 s5, s9  }
0x313: {  	[tilespmem:s5+$0xC000] =	vst.add.f32.msk $0xffff, v45  }
0x314: {  	v47 =	vld [tilespmem:s6+$0x10];
	_ =	sdelay $0x4  }
0x315: {  	[tilespmem:s5+$0xC010] =	vst.add.f32.msk $0xffff, v47  }
0x316: {  	v48 =	vld [tilespmem:s6+$0x20];
	_ =	sdelay $0x4  }
0x317: {  	[tilespmem:s5+$0xC020] =	vst.add.f32.msk $0xffff, v48  }
0x318: {  	v49 =	vld [tilespmem:s6+$0x30];
	_ =	sdelay $0x4  }
0x319: {  	[tilespmem:s5+$0xC030] =	vst.add.f32.msk $0xffff, v49  }
0x31a: {  	v40 =	vld [tilespmem:s6+$0x40];
	_ =	sdelay $0x4  }
0x31b: {  	[tilespmem:s5+$0xC040] =	vst.add.f32.msk $0xffff, v40  }
0x31c: {  	v39 =	vld [tilespmem:s6+$0x50];
	_ =	sdelay $0x4  }
0x31d: {  	[tilespmem:s5+$0xC050] =	vst.add.f32.msk $0xffff, v39  }
0x31e: {  	v36 =	vld [tilespmem:s6+$0x60];
	_ =	sdelay $0x4  }
0x31f: {  	[tilespmem:s5+$0xC060] =	vst.add.f32.msk $0xffff, v36  }
0x320: {  	v35 =	vld [tilespmem:s6+$0x70]  }
0x321: {  	s6 =	simm.s32 $0x1  }
0x322: {  	s9 =	sadd.s32 $0x1, s24;
	s6 =	simm.s32 @!p0 $0x0  }
0x323: {  	s10 =	simm.s32 $0x1;
	p1 =	sgt.s32 s9, $0x64;
	s6 =	sshll.u32 s6, $0x9  }
0x324: {  	s10 =	simm.s32 @!p1 $0x0;
	s12 =	sadd.s32 s6, s30  }
0x325: {  	s10 =	sadd.s32 s10, s29;
	s6 =	sor.u32 $0x400, s12;
	[tilespmem:s5+$0xC070] =	vst.add.f32.msk $0xffff, v35  }
0x326: {  	s11 =	sadd.s32 $0x1, s10;
	v42 =	vld [tilespmem:s6+$0x0]  }
0x327: {  	s15 =	sadd.s32 s4, s3;
	p3 =	slt.s32 s9, $0x65;
	s9 =	smov.u32 @p1 s11  }
0x328: {  	v29 =	vld [tilespmem:s15+$0x80];
	p1 =	slt.s32 s9, $0x64;
	s6 =	smov.u32 s9  }
0x329: {  	s16 =	sadd.s32 $0x1, s9;
	s11 =	sor.u32 $0x410, s12;
	s6 =	simm.s32 @!p1 $0x64  }
0x32a: {  	s9 =	simm.s32 $0x1;
	s20 =	sshll.u32 s6, $0x8;
	s6 =	sshll.u32 s6, $0x7  }
0x32b: {  	p1 =	sgt.s32 s16, $0x64;
	s4 =	sand.u32 $0xFFFFF800, s20;
	s6 =	sand.u32 $0x380, s6;
	[tilespmem:s5+$0xC400] =	vst.add.f32.msk $0xffff, v42  }
0x32c: {  	s9 =	simm.s32 @!p1 $0x0;
	v51 =	vld [tilespmem:s11+$0x0];
	s11 =	sor.u32 s6, s4  }
0x32d: {  	s6 =	sadd.s32 s9, s10;
	[tilespmem:s11+$0xC000] =	vst.add.f32.msk $0xffff, v29  }
0x32e: {  	s3 =	sadd.s32 $0x1, s6;
	v33 =	vld [tilespmem:s15+$0x90]  }
0x32f: {  	v18 =	vld [tilespmem:s15+$0x100];
	p2 =	slt.s32 s16, $0x65;
	s16 =	smov.u32 @p1 s3  }
0x330: {  	v2 =	vld [tilespmem:s15+$0x180];
	p1 =	slt.s32 s16, $0x64;
	s3 =	smov.u32 s16  }
0x331: {  	s23 =	sor.u32 $0x420, s12;
	s3 =	simm.s32 @!p1 $0x64;
	[tilespmem:s5+$0xC410] =	vst.add.f32.msk $0xffff, v51  }
0x332: {  	s24 =	sshll.u32 s3, $0x8;
	s3 =	sshll.u32 s3, $0x7;
	v53 =	vld [tilespmem:s23+$0x0]  }
0x333: {  	s4 =	sand.u32 $0xFFFFF800, s24;
	s3 =	sand.u32 $0x380, s3;
	[tilespmem:s11+$0xC010] =	vst.add.f32.msk $0xffff, v33  }
0x334: {  	s9 =	sor.u32 s3, s4;
	v38 =	vld [tilespmem:s15+$0xA0]  }
0x335: {  	[tilespmem:s9+$0xC000] =	vst.add.f32.msk $0xffff, v18  }
0x336: {  	v20 =	vld [tilespmem:s15+$0x110]  }
0x337: {  	s31 =	sor.u32 $0x430, s12;
	[tilespmem:s5+$0xC420] =	vst.add.f32.msk $0xffff, v53  }
0x338: {  	v55 =	vld [tilespmem:s31+$0x0]  }
0x339: {  	[tilespmem:s11+$0xC020] =	vst.add.f32.msk $0xffff, v38  }
0x33a: {  	v43 =	vld [tilespmem:s15+$0xB0]  }
0x33b: {  	[tilespmem:s9+$0xC010] =	vst.add.f32.msk $0xffff, v20  }
0x33c: {  	v22 =	vld [tilespmem:s15+$0x120]  }
0x33d: {  	s4 =	sor.u32 $0x440, s12;
	[tilespmem:s5+$0xC430] =	vst.add.f32.msk $0xffff, v55  }
0x33e: {  	v57 =	vld [tilespmem:s4+$0x0]  }
0x33f: {  	[tilespmem:s11+$0xC030] =	vst.add.f32.msk $0xffff, v43  }
0x340: {  	v44 =	vld [tilespmem:s15+$0xC0]  }
0x341: {  	[tilespmem:s9+$0xC020] =	vst.add.f32.msk $0xffff, v22  }
0x342: {  	v24 =	vld [tilespmem:s15+$0x130]  }
0x343: {  	s20 =	sor.u32 $0x450, s12;
	[tilespmem:s5+$0xC440] =	vst.add.f32.msk $0xffff, v57  }
0x344: {  	v58 =	vld [tilespmem:s20+$0x0]  }
0x345: {  	[tilespmem:s11+$0xC040] =	vst.add.f32.msk $0xffff, v44  }
0x346: {  	v1 =	vmov v46;
	v46 =	vld [tilespmem:s15+$0xD0]  }
0x347: {  	[tilespmem:s9+$0xC030] =	vst.add.f32.msk $0xffff, v24  }
0x348: {  	v25 =	vld [tilespmem:s15+$0x140]  }
0x349: {  	s23 =	sor.u32 $0x460, s12;
	[tilespmem:s5+$0xC450] =	vst.add.f32.msk $0xffff, v58  }
0x34a: {  	v60 =	vld [tilespmem:s23+$0x0]  }
0x34b: {  	[tilespmem:s11+$0xC050] =	vst.add.f32.msk $0xffff, v46  }
0x34c: {  	v50 =	vld [tilespmem:s15+$0xE0]  }
0x34d: {  	[tilespmem:s9+$0xC040] =	vst.add.f32.msk $0xffff, v25  }
0x34e: {  	v27 =	vld [tilespmem:s15+$0x150]  }
0x34f: {  	s24 =	sor.u32 $0x470, s12;
	[tilespmem:s5+$0xC460] =	vst.add.f32.msk $0xffff, v60  }
0x350: {  	v62 =	vld [tilespmem:s24+$0x0];
	s24 =	sadd.s32 $0x1, s16  }
0x351: {  	s3 =	simm.s32 $0x1;
	[tilespmem:s11+$0xC060] =	vst.add.f32.msk $0xffff, v50;
	p4 =	sgt.s32 s24, $0x64  }
0x352: {  	v52 =	vld [tilespmem:s15+$0xF0];
	s3 =	simm.s32 @!p4 $0x0  }
0x353: {  	[tilespmem:s9+$0xC050] =	vst.add.f32.msk $0xffff, v27;
	s20 =	sadd.s32 s3, s6  }
0x354: {  	[tilespmem:$0x1FFD0] =	vst v2;
	v28 =	vld [tilespmem:s15+$0x160];
	s3 =	sadd.s32 $0x1, s20  }
0x355: {  	v4 =	vadd.f32 v51, v4;
	v51 =	vadd.f32 v58, v16;
	v16 =	vld [tilespmem:$0x1FFD0];
	p1 =	slt.s32 s24, $0x65;
	s24 =	smov.u32 @p4 s3  }
0x356: {  	s4 =	sadd.s32 $0x80, s12;
	[tilespmem:s5+$0xC470] =	vst.add.f32.msk $0xffff, v62;
	p4 =	slt.s32 s24, $0x64;
	s3 =	smov.u32 s24  }
0x357: {  	s31 =	sor.u32 $0x400, s4;
	[tilespmem:s11+$0xC070] =	vst.add.f32.msk $0xffff, v52;
	s3 =	simm.s32 @!p4 $0x64  }
0x358: {  	v54 =	vld [tilespmem:s31+$0x0];
	s16 =	sshll.u32 s3, $0x8;
	s3 =	sshll.u32 s3, $0x7  }
0x359: {  	[tilespmem:s9+$0xC060] =	vst.add.f32.msk $0xffff, v28;
	s5 =	sand.u32 $0xFFFFF800, s16;
	s3 =	sand.u32 $0x380, s3  }
0x35a: {  	v30 =	vld [tilespmem:s15+$0x170];
	s5 =	sor.u32 s3, s5  }
0x35b: {  	[tilespmem:s5+$0xC000] =	vst.add.f32.msk $0xffff, v2  }
0x35c: {  	v17 =	vld [tilespmem:s15+$0x190]  }
0x35d: {  	s23 =	sor.u32 $0x410, s4;
	[tilespmem:s11+$0xC400] =	vst.add.f32.msk $0xffff, v54  }
0x35e: {  	s16 =	sadd.s32 $0x100, s12;
	v56 =	vld [tilespmem:s23+$0x0]  }
0x35f: {  	s31 =	sor.u32 $0x400, s16;
	[tilespmem:s9+$0xC070] =	vst.add.f32.msk $0xffff, v30  }
0x360: {  	v31 =	vld [tilespmem:s31+$0x0]  }
0x361: {  	[tilespmem:s5+$0xC010] =	vst.add.f32.msk $0xffff, v17  }
0x362: {  	v19 =	vld [tilespmem:s15+$0x1A0]  }
0x363: {  	s23 =	sor.u32 $0x420, s4;
	[tilespmem:s11+$0xC410] =	vst.add.f32.msk $0xffff, v56  }
0x364: {  	v59 =	vld [tilespmem:s23+$0x0]  }
0x365: {  	s31 =	sor.u32 $0x410, s16;
	[tilespmem:s9+$0xC400] =	vst.add.f32.msk $0xffff, v31  }
0x366: {  	v32 =	vld [tilespmem:s31+$0x0]  }
0x367: {  	[tilespmem:s5+$0xC020] =	vst.add.f32.msk $0xffff, v19  }
0x368: {  	v21 =	vld [tilespmem:s15+$0x1B0]  }
0x369: {  	s23 =	sor.u32 $0x430, s4;
	[tilespmem:s11+$0xC420] =	vst.add.f32.msk $0xffff, v59  }
0x36a: {  	v61 =	vld [tilespmem:s23+$0x0]  }
0x36b: {  	s31 =	sor.u32 $0x420, s16;
	[tilespmem:s9+$0xC410] =	vst.add.f32.msk $0xffff, v32  }
0x36c: {  	v34 =	vld [tilespmem:s31+$0x0]  }
0x36d: {  	[tilespmem:s5+$0xC030] =	vst.add.f32.msk $0xffff, v21  }
0x36e: {  	v23 =	vld [tilespmem:s15+$0x1C0]  }
0x36f: {  	s23 =	sor.u32 $0x440, s4;
	[tilespmem:s11+$0xC430] =	vst.add.f32.msk $0xffff, v61  }
0x370: {  	v63 =	vld [tilespmem:s23+$0x0]  }
0x371: {  	s31 =	sor.u32 $0x430, s16;
	[tilespmem:s9+$0xC420] =	vst.add.f32.msk $0xffff, v34  }
0x372: {  	v37 =	vld [tilespmem:s31+$0x0]  }
0x373: {  	[tilespmem:s5+$0xC040] =	vst.add.f32.msk $0xffff, v23  }
0x374: {  	p4 =	sgt.s32 @!p3 s29, $0x63;
	v26 =	vld [tilespmem:s15+$0x1D0]  }
0x375: {  	p4 =	por !p4, p3;
	s23 =	sor.u32 $0x450, s4;
	[tilespmem:s11+$0xC440] =	vst.add.f32.msk $0xffff, v63  }
0x376: {  	s29 =	simm.s32 @!p4 $0x65;
	v2 =	vld [tilespmem:s23+$0x0]  }
0x377: {  	s31 =	sor.u32 $0x440, s16;
	[tilespmem:s9+$0xC430] =	vst.add.f32.msk $0xffff, v37;
	s23 =	sshll.u32 @!p3 s29, $0x8;
	s29 =	sshll.u32 @!p3 s29, $0x7  }
0x378: {  	v15 =	vadd.f32 v45, v15;
	v41 =	vld [tilespmem:s31+$0x0];
	s3 =	sand.u32 @!p3 $0xFFFFF800, s23;
	s23 =	sand.u32 @!p3 $0x380, s29  }
0x379: {  	v45 =	vadd.f32 v47, v14;
	s3 =	sor.u32 @!p3 s23, s3;
	[tilespmem:s5+$0xC050] =	vst.add.f32.msk $0xffff, v26  }
0x37a: {  	v47 =	vadd.f32 v48, v13;
	[tilespmem:s3+$0xC000] =	vst.add.f32.msk @!p3 $0xffff, v15  }
0x37b: {  	v48 =	vadd.f32 v49, v12;
	[tilespmem:s3+$0xC010] =	vst.add.f32.msk @!p3 $0xffff, v45  }
0x37c: {  	v11 =	vadd.f32 v40, v11;
	[tilespmem:s3+$0xC020] =	vst.add.f32.msk @!p3 $0xffff, v47  }
0x37d: {  	v39 =	vadd.f32 v39, v10;
	[tilespmem:s3+$0xC030] =	vst.add.f32.msk @!p3 $0xffff, v48  }
0x37e: {  	v36 =	vadd.f32 v36, v8;
	[tilespmem:s3+$0xC040] =	vst.add.f32.msk @!p3 $0xffff, v11  }
0x37f: {  	v35 =	vadd.f32 v35, v6;
	[tilespmem:s3+$0xC050] =	vst.add.f32.msk @!p3 $0xffff, v39  }
0x380: {  	v7 =	vadd.f32 v42, v7;
	[tilespmem:s3+$0xC060] =	vst.add.f32.msk @!p3 $0xffff, v36  }
0x381: {  	[tilespmem:s3+$0xC070] =	vst.add.f32.msk @!p3 $0xffff, v35  }
0x382: {  	v5 =	vadd.f32 v53, v5;
	[tilespmem:s3+$0xC400] =	vst.add.f32.msk @!p3 $0xffff, v7  }
0x383: {  	v3 =	vadd.f32 v55, v3;
	[tilespmem:s3+$0xC410] =	vst.add.f32.msk @!p3 $0xffff, v4  }
0x384: {  	v42 =	vadd.f32 v57, v0;
	[tilespmem:s3+$0xC420] =	vst.add.f32.msk @!p3 $0xffff, v5  }
0x385: {  	[tilespmem:s3+$0xC430] =	vst.add.f32.msk @!p3 $0xffff, v3  }
0x386: {  	[tilespmem:s3+$0xC440] =	vst.add.f32.msk @!p3 $0xffff, v42  }
0x387: {  	[tilespmem:s3+$0xC450] =	vst.add.f32.msk @!p3 $0xffff, v51  }
0x388: {  	v14 =	vld [tilespmem:s15+$0x1E0]  }
0x389: {  	s31 =	sor.u32 $0x460, s4;
	[tilespmem:s11+$0xC450] =	vst.add.f32.msk $0xffff, v2  }
0x38a: {  	v49 =	vld [tilespmem:s31+$0x0]  }
0x38b: {  	v53 =	vadd.f32 v60, v1;
	s23 =	sor.u32 $0x450, s16;
	[tilespmem:s9+$0xC440] =	vst.add.f32.msk $0xffff, v41  }
0x38c: {  	v13 =	vld [tilespmem:s23+$0x0]  }
0x38d: {  	[tilespmem:s3+$0xC460] =	vst.add.f32.msk @!p3 $0xffff, v53  }
0x38e: {  	[tilespmem:s5+$0xC060] =	vst.add.f32.msk $0xffff, v14  }
0x38f: {  	v12 =	vld [tilespmem:s15+$0x1F0]  }
0x390: {  	[tilespmem:s11+$0xC460] =	vst.add.f32.msk $0xffff, v49  }
0x391: {  	s4 =	sor.u32 $0x470, s4;
	[tilespmem:s9+$0xC450] =	vst.add.f32.msk $0xffff, v13  }
0x392: {  	v9 =	vadd.f32 v62, v9;
	s23 =	sor.u32 $0x460, s16;
	v40 =	vld [tilespmem:s4+$0x0]  }
0x393: {  	v8 =	vld [tilespmem:s23+$0x0]  }
0x394: {  	s12 =	sadd.s32 $0x180, s12;
	p4 =	sgt.s32 @!p2 s10, $0x63;
	[tilespmem:s3+$0xC470] =	vst.add.f32.msk @!p3 $0xffff, v9;
	s3 =	simm.f32 @!p3 $0.0e+00  }
0x395: {  	s3 =	simm.f32 @p3 $1.000000000e+00;
	p3 =	por !p4, p2;
	s31 =	sor.u32 $0x400, s12;
	[tilespmem:s5+$0xC070] =	vst.add.f32.msk $0xffff, v12  }
0x396: {  	v0 =	vmul.f32 s3, v15;
	s10 =	simm.s32 @!p3 $0x65;
	v10 =	vld [tilespmem:s31+$0x0]  }
0x397: {  	v15 =	vmul.f32 s3, v45;
	[tilespmem:s11+$0xC470] =	vst.add.f32.msk $0xffff, v40;
	s11 =	sshll.u32 @!p2 s10, $0x8;
	s10 =	sshll.u32 @!p2 s10, $0x7  }
0x398: {  	v62 =	vmul.f32 s3, v47;
	v29 =	vadd.f32 v0, v29;
	s23 =	sor.u32 $0x470, s16;
	[tilespmem:s9+$0xC460] =	vst.add.f32.msk $0xffff, v8;
	s4 =	sand.u32 @!p2 $0xFFFFF800, s11;
	s10 =	sand.u32 @!p2 $0x380, s10  }
0x399: {  	v47 =	vmul.f32 s3, v48;
	v15 =	vadd.f32 v33, v15;
	v1 =	vld [tilespmem:s23+$0x0];
	s10 =	sor.u32 @!p2 s10, s4  }
0x39a: {  	v11 =	vmul.f32 s3, v11;
	v38 =	vadd.f32 v38, v62;
	[tilespmem:s10+$0xC000] =	vst.add.f32.msk @!p2 $0xffff, v29  }
0x39b: {  	v33 =	vadd.f32 v43, v47;
	[tilespmem:s10+$0xC010] =	vst.add.f32.msk @!p2 $0xffff, v15  }
0x39c: {  	v11 =	vadd.f32 v44, v11;
	[tilespmem:s10+$0xC020] =	vst.add.f32.msk @!p2 $0xffff, v38  }
0x39d: {  	v39 =	vmul.f32 s3, v39;
	[tilespmem:s10+$0xC030] =	vst.add.f32.msk @!p2 $0xffff, v33  }
0x39e: {  	v36 =	vmul.f32 s3, v36;
	[tilespmem:s10+$0xC040] =	vst.add.f32.msk @!p2 $0xffff, v11  }
0x39f: {  	v35 =	vmul.f32 s3, v35;
	v39 =	vadd.f32 v46, v39;
	s31 =	sor.u32 $0x410, s12;
	[tilespmem:s5+$0xC400] =	vst.add.f32.msk $0xffff, v10  }
0x3a0: {  	v7 =	vmul.f32 s3, v7;
	v36 =	vadd.f32 v50, v36;
	v6 =	vld [tilespmem:s31+$0x0]  }
0x3a1: {  	v35 =	vadd.f32 v52, v35;
	[tilespmem:s10+$0xC050] =	vst.add.f32.msk @!p2 $0xffff, v39  }
0x3a2: {  	v7 =	vadd.f32 v54, v7;
	[tilespmem:s10+$0xC060] =	vst.add.f32.msk @!p2 $0xffff, v36  }
0x3a3: {  	v4 =	vmul.f32 s3, v4;
	[tilespmem:s10+$0xC070] =	vst.add.f32.msk @!p2 $0xffff, v35  }
0x3a4: {  	v5 =	vmul.f32 s3, v5;
	[tilespmem:s10+$0xC400] =	vst.add.f32.msk @!p2 $0xffff, v7  }
0x3a5: {  	v3 =	vmul.f32 s3, v3;
	v4 =	vadd.f32 v56, v4;
	s31 =	sor.u32 $0x420, s12;
	[tilespmem:s5+$0xC410] =	vst.add.f32.msk $0xffff, v6  }
0x3a6: {  	v42 =	vmul.f32 s3, v42;
	v5 =	vadd.f32 v59, v5;
	v0 =	vld [tilespmem:s31+$0x0]  }
0x3a7: {  	v3 =	vadd.f32 v61, v3;
	[tilespmem:s10+$0xC410] =	vst.add.f32.msk @!p2 $0xffff, v4  }
0x3a8: {  	v42 =	vadd.f32 v63, v42;
	[tilespmem:s10+$0xC420] =	vst.add.f32.msk @!p2 $0xffff, v5  }
0x3a9: {  	v48 =	vmul.f32 s3, v51;
	[tilespmem:s10+$0xC430] =	vst.add.f32.msk @!p2 $0xffff, v3  }
0x3aa: {  	v50 =	vmul.f32 s3, v53;
	[tilespmem:s10+$0xC440] =	vst.add.f32.msk @!p2 $0xffff, v42  }
0x3ab: {  	v9 =	vmul.f32 s3, v9;
	v43 =	vadd.f32 v2, v48;
	s11 =	sor.u32 $0x430, s12;
	[tilespmem:s5+$0xC420] =	vst.add.f32.msk $0xffff, v0  }
0x3ac: {  	v44 =	vadd.f32 v49, v50;
	v2 =	vld [tilespmem:s11+$0x0]  }
0x3ad: {  	p3 =	sgt.s32 @!p1 s6, $0x63;
	v9 =	vadd.f32 v40, v9;
	s4 =	simm.f32 @!p2 $0.0e+00;
	[tilespmem:s10+$0xC450] =	vst.add.f32.msk @!p2 $0xffff, v43  }
0x3ae: {  	p3 =	por !p3, p1;
	[tilespmem:s10+$0xC460] =	vst.add.f32.msk @!p2 $0xffff, v44;
	s4 =	simm.f32 @p2 $1.000000000e+00  }
0x3af: {  	s6 =	simm.s32 @!p3 $0x65;
	[tilespmem:s10+$0xC470] =	vst.add.f32.msk @!p2 $0xffff, v9;
	v29 =	vmul.f32 s4, v29  }
0x3b0: {  	s3 =	sshll.u32 @!p1 s6, $0x8;
	s6 =	sshll.u32 @!p1 s6, $0x7;
	v15 =	vmul.f32 s4, v15;
	[tilespmem:s9+$0xC470] =	vst.add.f32.msk $0xffff, v1  }
0x3b1: {  	s3 =	sand.u32 @!p1 $0xFFFFF800, s3;
	s6 =	sand.u32 @!p1 $0x380, s6;
	s15 =	sor.u32 $0x440, s12;
	v51 =	vmul.f32 s4, v38;
	v18 =	vadd.f32 v29, v18;
	[tilespmem:s5+$0xC430] =	vst.add.f32.msk $0xffff, v2  }
0x3b2: {  	s6 =	sor.u32 @!p1 s6, s3;
	v33 =	vmul.f32 s4, v33;
	v15 =	vadd.f32 v20, v15;
	v52 =	vld [tilespmem:s15+$0x0]  }
0x3b3: {  	v22 =	vadd.f32 v22, v51;
	[tilespmem:s6+$0xC000] =	vst.add.f32.msk @!p1 $0xffff, v18  }
0x3b4: {  	v24 =	vadd.f32 v24, v33;
	[tilespmem:s6+$0xC010] =	vst.add.f32.msk @!p1 $0xffff, v15  }
0x3b5: {  	v11 =	vmul.f32 s4, v11;
	[tilespmem:s6+$0xC020] =	vst.add.f32.msk @!p1 $0xffff, v22  }
0x3b6: {  	v53 =	vmul.f32 s4, v39;
	[tilespmem:s6+$0xC030] =	vst.add.f32.msk @!p1 $0xffff, v24  }
0x3b7: {  	s16 =	sor.u32 $0x450, s12;
	v54 =	vmul.f32 s4, v36;
	v11 =	vadd.f32 v25, v11;
	[tilespmem:s5+$0xC440] =	vst.add.f32.msk $0xffff, v52  }
0x3b8: {  	v55 =	vmul.f32 s4, v35;
	v27 =	vadd.f32 v27, v53;
	v56 =	vld [tilespmem:s16+$0x0]  }
0x3b9: {  	v25 =	vadd.f32 v28, v54;
	[tilespmem:s6+$0xC040] =	vst.add.f32.msk @!p1 $0xffff, v11  }
0x3ba: {  	v28 =	vadd.f32 v30, v55;
	[tilespmem:s6+$0xC050] =	vst.add.f32.msk @!p1 $0xffff, v27  }
0x3bb: {  	v7 =	vmul.f32 s4, v7;
	[tilespmem:s6+$0xC060] =	vst.add.f32.msk @!p1 $0xffff, v25  }
0x3bc: {  	v4 =	vmul.f32 s4, v4;
	[tilespmem:s6+$0xC070] =	vst.add.f32.msk @!p1 $0xffff, v28  }
0x3bd: {  	s23 =	sor.u32 $0x460, s12;
	v5 =	vmul.f32 s4, v5;
	v7 =	vadd.f32 v31, v7;
	[tilespmem:s5+$0xC450] =	vst.add.f32.msk $0xffff, v56  }
0x3be: {  	v3 =	vmul.f32 s4, v3;
	v4 =	vadd.f32 v32, v4;
	v57 =	vld [tilespmem:s23+$0x0]  }
0x3bf: {  	v5 =	vadd.f32 v34, v5;
	[tilespmem:s6+$0xC400] =	vst.add.f32.msk @!p1 $0xffff, v7  }
0x3c0: {  	v3 =	vadd.f32 v37, v3;
	[tilespmem:s6+$0xC410] =	vst.add.f32.msk @!p1 $0xffff, v4  }
0x3c1: {  	v58 =	vmul.f32 s4, v42;
	[tilespmem:s6+$0xC420] =	vst.add.f32.msk @!p1 $0xffff, v5  }
0x3c2: {  	s24 =	sadd.s32 $0x1, s24;
	v59 =	vmul.f32 s4, v43;
	[tilespmem:s6+$0xC430] =	vst.add.f32.msk @!p1 $0xffff, v3  }
0x3c3: {  	p2 =	slt.s32 s24, $0x65;
	v60 =	vmul.f32 s4, v44;
	v31 =	vadd.f32 v41, v58;
	s31 =	sor.u32 $0x470, s12;
	[tilespmem:s5+$0xC460] =	vst.add.f32.msk $0xffff, v57  }
0x3c4: {  	v9 =	vmul.f32 s4, v9;
	p3 =	sgt.s32 @!p2 s20, $0x63;
	v13 =	vadd.f32 v13, v59;
	s9 =	simm.f32 @!p1 $0.0e+00;
	v61 =	vld [tilespmem:s31+$0x0]  }
0x3c5: {  	s3 =	smov.u32 s20;
	p3 =	por !p3, p2;
	v8 =	vadd.f32 v8, v60;
	[tilespmem:s6+$0xC440] =	vst.add.f32.msk @!p1 $0xffff, v31;
	s9 =	simm.f32 @p1 $1.000000000e+00  }
0x3c6: {  	s3 =	simm.s32 @!p3 $0x65;
	v1 =	vadd.f32 v1, v9;
	[tilespmem:s6+$0xC450] =	vst.add.f32.msk @!p1 $0xffff, v13;
	v9 =	vmul.f32 s9, v18  }
0x3c7: {  	s4 =	sshll.u32 @!p2 s3, $0x8;
	s3 =	sshll.u32 @!p2 s3, $0x7;
	[tilespmem:s6+$0xC460] =	vst.add.f32.msk @!p1 $0xffff, v8;
	v15 =	vmul.f32 s9, v15  }
0x3c8: {  	s4 =	sand.u32 @!p2 $0xFFFFF800, s4;
	s3 =	sand.u32 @!p2 $0x380, s3;
	[tilespmem:s6+$0xC470] =	vst.add.f32.msk @!p1 $0xffff, v1;
	v9 =	vadd.f32 v9, v16;
	v16 =	vmul.f32 s9, v22  }
0x3c9: {  	s4 =	sor.u32 @!p2 s3, s4;
	v17 =	vadd.f32 v17, v15;
	v15 =	vmul.f32 s9, v24;
	[tilespmem:s5+$0xC470] =	vst.add.f32.msk $0xffff, v61  }
0x3ca: {  	v11 =	vmul.f32 s9, v11;
	v16 =	vadd.f32 v19, v16;
	[tilespmem:s4+$0xC000] =	vst.add.f32.msk @!p2 $0xffff, v9  }
0x3cb: {  	v18 =	vadd.f32 v21, v15;
	v15 =	vmul.f32 s9, v27;
	[tilespmem:s4+$0xC010] =	vst.add.f32.msk @!p2 $0xffff, v17  }
0x3cc: {  	v11 =	vadd.f32 v23, v11;
	v19 =	vmul.f32 s9, v25;
	[tilespmem:s4+$0xC020] =	vst.add.f32.msk @!p2 $0xffff, v16  }
0x3cd: {  	v21 =	vadd.f32 v26, v15;
	v15 =	vmul.f32 s9, v28;
	[tilespmem:s4+$0xC030] =	vst.add.f32.msk @!p2 $0xffff, v18  }
0x3ce: {  	v7 =	vmul.f32 s9, v7;
	v4 =	vmul.f32 s9, v4;
	v19 =	vadd.f32 v14, v19;
	[tilespmem:s4+$0xC040] =	vst.add.f32.msk @!p2 $0xffff, v11  }
0x3cf: {  	v5 =	vmul.f32 s9, v5;
	v3 =	vmul.f32 s9, v3;
	v22 =	vadd.f32 v12, v15;
	[tilespmem:s4+$0xC050] =	vst.add.f32.msk @!p2 $0xffff, v21  }
0x3d0: {  	v62 =	vmul.f32 s9, v13;
	s3 =	simm.f32 @!p2 $0.0e+00;
	v63 =	vmul.f32 s9, v8;
	p1 =	sgt.s32 s24, $0x64;
	v7 =	vadd.f32 v10, v7;
	s5 =	simm.s32 $0x1;
	[tilespmem:s4+$0xC060] =	vst.add.f32.msk @!p2 $0xffff, v19  }
0x3d1: {  	v1 =	vmul.f32 s9, v1;
	s3 =	simm.f32 @p2 $1.000000000e+00;
	v10 =	vmul.f32 s9, v31;
	v4 =	vadd.f32 v6, v4;
	[tilespmem:s4+$0xC070] =	vst.add.f32.msk @!p2 $0xffff, v22;
	s5 =	simm.s32 @!p1 $0x0  }
0x3d2: {  	v14 =	vmul.f32 s3, v17;
	v13 =	vmul.f32 s3, v16;
	v0 =	vadd.f32 v0, v5;
	[tilespmem:s4+$0xC400] =	vst.add.f32.msk @!p2 $0xffff, v7;
	s29 =	sadd.s32 s5, s20  }
0x3d3: {  	s0 =	sadd.s32 $0x4, s0;
	v15 =	vmul.f32 s3, v9;
	v12 =	vmul.f32 s3, v18;
	v2 =	vadd.f32 v2, v3;
	[tilespmem:s4+$0xC410] =	vst.add.f32.msk @!p2 $0xffff, v4;
	s5 =	sadd.s32 $0x1, s29  }
0x3d4: {  	v8 =	vmul.f32 s3, v19;
	v5 =	vmul.f32 s3, v0;
	v9 =	vadd.f32 v52, v10;
	[tilespmem:s4+$0xC420] =	vst.add.f32.msk @!p2 $0xffff, v0;
	s24 =	smov.u32 @p1 s5;
	p1 =	slt.u32 s0, $0x3C  }
.Ltmp7:
0x3d5: {  	v6 =	vmul.f32 s3, v22;
	v3 =	vmul.f32 s3, v2;
	v16 =	vadd.f32 v56, v62;
	[tilespmem:s4+$0xC430] =	vst.add.f32.msk @!p2 $0xffff, v2;
	(pc) =	sbr.rel @p1 .LBB2_16-.Ltmp7, $4  }
0x3d6: {  	v11 =	vmul.f32 s3, v11;
	v10 =	vmul.f32 s3, v21;
	v17 =	vadd.f32 v57, v63;
	[tilespmem:s4+$0xC440] =	vst.add.f32.msk @!p2 $0xffff, v9  }
0x3d7: {  	v7 =	vmul.f32 s3, v7;
	v4 =	vmul.f32 s3, v4;
	v18 =	vadd.f32 v61, v1;
	[tilespmem:s4+$0xC450] =	vst.add.f32.msk @!p2 $0xffff, v16  }
0x3d8: {  	[tilespmem:s4+$0xC460] =	vst.add.f32.msk @!p2 $0xffff, v17;
	v0 =	vmul.f32 s3, v9;
	v16 =	vmul.f32 s3, v16  }
0x3d9: {  	s2 =	sadd.s32 $0x200, s2;
	p0 =	por !p0, !p0;
	s30 =	sadd.s32 $0x400, s30;
	[tilespmem:s4+$0xC470] =	vst.add.f32.msk @!p2 $0xffff, v18;
	v46 =	vmul.f32 s3, v17;
	v9 =	vmul.f32 s3, v18  }
0x3da: {  	s30 =	sshll.u32 s28, $0x15;
	p0 =	seq.s32 s28, $0x26  }
0x3db: {  	s0 =	sadd.s32 @!p0 s13, s30  }
0x3dc: {  	s2 =	simm.s32 @!p0 $0x800;
	s0 =	sshrl.u32 @!p0 s0, $0x3  }
0x3dd: {  	s3 =	simm.s32 @!p0 $0x20000;
	s4 =	simm.s32 @!p0 $0x0;
	s0 =	sadd.s32 @!p0 s1, s0  }
0x3de: {  	[tilespmem:s4], [sflag:$0x1] =	stream.strided.gather @!p0 [hbm4b:s0+s2], $0x4000, s3, s2, $0x38;
	[tilespmem:$0x12800] =	vst v63  }
0x3df: {  	_ =	swait.ge [sflag:s22], $0x4000  }
0x3e0: {  	s31 =	simm.s32 $0xFFFFFFFC;
	p1 =	por $0x0, $0x0;
	[sflag:s22] =	ssyncset.done $0x0  }
0x3e1: {  	s0 =	simm.s32 $0x0;
	s2 =	simm.s32 $0x0;
	[sflag:s22] =	ssyncadd.s32 $0xFFFFC000  }
.LBB2_18:
0x3e2: {  	s3 =	sand.u32 $0x3800, s0  }
0x3e3: {  	s4 =	sand.u32 $0x200, s2;
	s3 =	sor.u32 $0x4000, s3  }
0x3e4: {  	s6 =	sor.u32 s4, s3  }
0x3e5: {  	p2 =	slt.s32 s24, $0x64;
	s5 =	smov.u32 s24;
	v45 =	vld [tilespmem:s6+$0x0]  }
0x3e6: {  	s5 =	simm.s32 @!p2 $0x64  }
0x3e7: {  	s9 =	sshll.u32 s5, $0x8;
	s5 =	sshll.u32 s5, $0x7  }
0x3e8: {  	s9 =	sand.u32 $0xFFFFF800, s9;
	s5 =	sand.u32 $0x380, s5  }
0x3e9: {  	s5 =	sor.u32 s5, s9  }
0x3ea: {  	[tilespmem:s5+$0xC000] =	vst.add.f32.msk $0xffff, v45  }
0x3eb: {  	v47 =	vld [tilespmem:s6+$0x10];
	_ =	sdelay $0x4  }
0x3ec: {  	[tilespmem:s5+$0xC010] =	vst.add.f32.msk $0xffff, v47  }
0x3ed: {  	v48 =	vld [tilespmem:s6+$0x20];
	_ =	sdelay $0x4  }
0x3ee: {  	[tilespmem:s5+$0xC020] =	vst.add.f32.msk $0xffff, v48  }
0x3ef: {  	v49 =	vld [tilespmem:s6+$0x30];
	_ =	sdelay $0x4  }
0x3f0: {  	[tilespmem:s5+$0xC030] =	vst.add.f32.msk $0xffff, v49  }
0x3f1: {  	v40 =	vld [tilespmem:s6+$0x40];
	_ =	sdelay $0x4  }
0x3f2: {  	[tilespmem:s5+$0xC040] =	vst.add.f32.msk $0xffff, v40  }
0x3f3: {  	v39 =	vld [tilespmem:s6+$0x50];
	_ =	sdelay $0x4  }
0x3f4: {  	[tilespmem:s5+$0xC050] =	vst.add.f32.msk $0xffff, v39  }
0x3f5: {  	v36 =	vld [tilespmem:s6+$0x60];
	_ =	sdelay $0x4  }
0x3f6: {  	[tilespmem:s5+$0xC060] =	vst.add.f32.msk $0xffff, v36  }
0x3f7: {  	v35 =	vld [tilespmem:s6+$0x70]  }
0x3f8: {  	s6 =	simm.s32 $0x1  }
0x3f9: {  	s9 =	sadd.s32 $0x1, s24;
	s6 =	simm.s32 @!p1 $0x0  }
0x3fa: {  	s10 =	simm.s32 $0x1;
	p2 =	sgt.s32 s9, $0x64;
	s6 =	sshll.u32 s6, $0x9  }
0x3fb: {  	s10 =	simm.s32 @!p2 $0x0;
	s12 =	sadd.s32 s6, s0  }
0x3fc: {  	s10 =	sadd.s32 s10, s29;
	s6 =	sor.u32 $0x400, s12;
	[tilespmem:s5+$0xC070] =	vst.add.f32.msk $0xffff, v35  }
0x3fd: {  	s11 =	sadd.s32 $0x1, s10;
	v42 =	vld [tilespmem:s6+$0x4000]  }
0x3fe: {  	s15 =	sadd.s32 s4, s3;
	p4 =	slt.s32 s9, $0x65;
	s9 =	smov.u32 @p2 s11  }
0x3ff: {  	v29 =	vld [tilespmem:s15+$0x80];
	p2 =	slt.s32 s9, $0x64;
	s6 =	smov.u32 s9  }
0x400: {  	s16 =	sadd.s32 $0x1, s9;
	s11 =	sor.u32 $0x410, s12;
	s6 =	simm.s32 @!p2 $0x64  }
0x401: {  	s9 =	simm.s32 $0x1;
	s20 =	sshll.u32 s6, $0x8;
	s6 =	sshll.u32 s6, $0x7  }
0x402: {  	p2 =	sgt.s32 s16, $0x64;
	s4 =	sand.u32 $0xFFFFF800, s20;
	s6 =	sand.u32 $0x380, s6;
	[tilespmem:s5+$0xC400] =	vst.add.f32.msk $0xffff, v42  }
0x403: {  	s9 =	simm.s32 @!p2 $0x0;
	v51 =	vld [tilespmem:s11+$0x4000];
	s11 =	sor.u32 s6, s4  }
0x404: {  	s6 =	sadd.s32 s9, s10;
	[tilespmem:s11+$0xC000] =	vst.add.f32.msk $0xffff, v29  }
0x405: {  	s3 =	sadd.s32 $0x1, s6;
	v33 =	vld [tilespmem:s15+$0x90]  }
0x406: {  	p3 =	slt.s32 s16, $0x65;
	s16 =	smov.u32 @p2 s3  }
0x407: {  	v18 =	vld [tilespmem:s15+$0x100];
	p2 =	slt.s32 s16, $0x64;
	s3 =	smov.u32 s16  }
0x408: {  	s23 =	sor.u32 $0x420, s12;
	s3 =	simm.s32 @!p2 $0x64;
	[tilespmem:s5+$0xC410] =	vst.add.f32.msk $0xffff, v51  }
0x409: {  	s24 =	sshll.u32 s3, $0x8;
	s3 =	sshll.u32 s3, $0x7;
	v53 =	vld [tilespmem:s23+$0x4000]  }
0x40a: {  	s4 =	sand.u32 $0xFFFFF800, s24;
	s3 =	sand.u32 $0x380, s3;
	[tilespmem:s11+$0xC010] =	vst.add.f32.msk $0xffff, v33  }
0x40b: {  	s9 =	sor.u32 s3, s4;
	v38 =	vld [tilespmem:s15+$0xA0]  }
0x40c: {  	[tilespmem:s9+$0xC000] =	vst.add.f32.msk $0xffff, v18  }
0x40d: {  	v20 =	vld [tilespmem:s15+$0x110]  }
0x40e: {  	s4 =	sor.u32 $0x430, s12;
	[tilespmem:s5+$0xC420] =	vst.add.f32.msk $0xffff, v53  }
0x40f: {  	v55 =	vld [tilespmem:s4+$0x4000]  }
0x410: {  	[tilespmem:s11+$0xC020] =	vst.add.f32.msk $0xffff, v38  }
0x411: {  	v43 =	vld [tilespmem:s15+$0xB0]  }
0x412: {  	[tilespmem:s9+$0xC010] =	vst.add.f32.msk $0xffff, v20  }
0x413: {  	v22 =	vld [tilespmem:s15+$0x120]  }
0x414: {  	s20 =	sor.u32 $0x440, s12;
	[tilespmem:s5+$0xC430] =	vst.add.f32.msk $0xffff, v55  }
0x415: {  	v57 =	vld [tilespmem:s20+$0x4000]  }
0x416: {  	[tilespmem:s11+$0xC030] =	vst.add.f32.msk $0xffff, v43  }
0x417: {  	v44 =	vld [tilespmem:s15+$0xC0]  }
0x418: {  	[tilespmem:s9+$0xC020] =	vst.add.f32.msk $0xffff, v22  }
0x419: {  	v24 =	vld [tilespmem:s15+$0x130]  }
0x41a: {  	s23 =	sor.u32 $0x450, s12;
	[tilespmem:s5+$0xC440] =	vst.add.f32.msk $0xffff, v57  }
0x41b: {  	v58 =	vld [tilespmem:s23+$0x4000]  }
0x41c: {  	[tilespmem:s11+$0xC040] =	vst.add.f32.msk $0xffff, v44  }
0x41d: {  	v1 =	vmov v46;
	v46 =	vld [tilespmem:s15+$0xD0]  }
0x41e: {  	[tilespmem:s9+$0xC030] =	vst.add.f32.msk $0xffff, v24  }
0x41f: {  	v25 =	vld [tilespmem:s15+$0x140]  }
0x420: {  	s24 =	sor.u32 $0x460, s12;
	[tilespmem:s5+$0xC450] =	vst.add.f32.msk $0xffff, v58  }
0x421: {  	v60 =	vld [tilespmem:s24+$0x4000]  }
0x422: {  	[tilespmem:s11+$0xC050] =	vst.add.f32.msk $0xffff, v46  }
0x423: {  	v50 =	vld [tilespmem:s15+$0xE0]  }
0x424: {  	s24 =	sadd.s32 $0x1, s16;
	[tilespmem:s9+$0xC040] =	vst.add.f32.msk $0xffff, v25  }
0x425: {  	s3 =	simm.s32 $0x1;
	p5 =	sgt.s32 s24, $0x64;
	v27 =	vld [tilespmem:s15+$0x150]  }
0x426: {  	s4 =	sor.u32 $0x470, s12;
	s3 =	simm.s32 @!p5 $0x0;
	[tilespmem:s5+$0xC460] =	vst.add.f32.msk $0xffff, v60  }
0x427: {  	s20 =	sadd.s32 s3, s6;
	v62 =	vld [tilespmem:s4+$0x4000]  }
0x428: {  	s3 =	sadd.s32 $0x1, s20;
	[tilespmem:s11+$0xC060] =	vst.add.f32.msk $0xffff, v50  }
0x429: {  	p2 =	slt.s32 s24, $0x65;
	s24 =	smov.u32 @p5 s3;
	v52 =	vld [tilespmem:s15+$0xF0]  }
0x42a: {  	v2 =	vld [tilespmem:s15+$0x180];
	p5 =	slt.s32 s24, $0x64;
	s3 =	smov.u32 s24  }
0x42b: {  	s3 =	simm.s32 @!p5 $0x64;
	[tilespmem:s9+$0xC050] =	vst.add.f32.msk $0xffff, v27  }
0x42c: {  	s23 =	sshll.u32 s3, $0x8;
	s3 =	sshll.u32 s3, $0x7;
	v28 =	vld [tilespmem:s15+$0x160]  }
0x42d: {  	s3 =	sand.u32 $0x380, s3;
	[tilespmem:s5+$0xC470] =	vst.add.f32.msk $0xffff, v62;
	s5 =	sand.u32 $0xFFFFF800, s23  }
0x42e: {  	s4 =	sadd.s32 $0x80, s12;
	s5 =	sor.u32 s3, s5;
	[tilespmem:s11+$0xC070] =	vst.add.f32.msk $0xffff, v52  }
0x42f: {  	s16 =	sor.u32 $0x400, s4;
	[tilespmem:s5+$0xC000] =	vst.add.f32.msk $0xffff, v2  }
0x430: {  	v54 =	vld [tilespmem:s16+$0x4000]  }
0x431: {  	v17 =	vld [tilespmem:s15+$0x190];
	_ =	sdelay $0x1  }
0x432: {  	[tilespmem:s9+$0xC060] =	vst.add.f32.msk $0xffff, v28  }
0x433: {  	v30 =	vld [tilespmem:s15+$0x170]  }
0x434: {  	[tilespmem:s11+$0xC400] =	vst.add.f32.msk $0xffff, v54  }
0x435: {  	s16 =	sor.u32 $0x410, s4;
	[tilespmem:s5+$0xC010] =	vst.add.f32.msk $0xffff, v17  }
0x436: {  	v56 =	vld [tilespmem:s16+$0x4000]  }
0x437: {  	v19 =	vld [tilespmem:s15+$0x1A0]  }
0x438: {  	s16 =	sadd.s32 $0x100, s12  }
0x439: {  	[tilespmem:s9+$0xC070] =	vst.add.f32.msk $0xffff, v30;
	s23 =	sor.u32 $0x400, s16  }
0x43a: {  	v31 =	vld [tilespmem:s23+$0x4000]  }
0x43b: {  	[tilespmem:s11+$0xC410] =	vst.add.f32.msk $0xffff, v56  }
0x43c: {  	s23 =	sor.u32 $0x420, s4;
	[tilespmem:s5+$0xC020] =	vst.add.f32.msk $0xffff, v19  }
0x43d: {  	v59 =	vld [tilespmem:s23+$0x4000]  }
0x43e: {  	v21 =	vld [tilespmem:s15+$0x1B0];
	_ =	sdelay $0x1  }
0x43f: {  	s23 =	sor.u32 $0x410, s16;
	[tilespmem:s9+$0xC400] =	vst.add.f32.msk $0xffff, v31  }
0x440: {  	v32 =	vld [tilespmem:s23+$0x4000]  }
0x441: {  	[tilespmem:s11+$0xC420] =	vst.add.f32.msk $0xffff, v59  }
0x442: {  	s23 =	sor.u32 $0x430, s4;
	[tilespmem:s5+$0xC030] =	vst.add.f32.msk $0xffff, v21  }
0x443: {  	v61 =	vld [tilespmem:s23+$0x4000]  }
0x444: {  	v23 =	vld [tilespmem:s15+$0x1C0];
	_ =	sdelay $0x1  }
0x445: {  	s23 =	sor.u32 $0x420, s16;
	[tilespmem:s9+$0xC410] =	vst.add.f32.msk $0xffff, v32  }
0x446: {  	v34 =	vld [tilespmem:s23+$0x4000]  }
0x447: {  	[tilespmem:s11+$0xC430] =	vst.add.f32.msk $0xffff, v61  }
0x448: {  	s23 =	sor.u32 $0x440, s4;
	[tilespmem:s5+$0xC040] =	vst.add.f32.msk $0xffff, v23  }
0x449: {  	v63 =	vld [tilespmem:s23+$0x4000]  }
0x44a: {  	v26 =	vld [tilespmem:s15+$0x1D0]  }
0x44b: {  	s23 =	sor.u32 $0x430, s16;
	[tilespmem:s9+$0xC420] =	vst.add.f32.msk $0xffff, v34  }
0x44c: {  	[tilespmem:$0x1FFC0] =	vst v2;
	v37 =	vld [tilespmem:s23+$0x4000]  }
0x44d: {  	v4 =	vadd.f32 v51, v4;
	v51 =	vadd.f32 v58, v16;
	v16 =	vld [tilespmem:$0x1FFC0]  }
0x44e: {  	p5 =	sgt.s32 @!p4 s29, $0x63;
	[tilespmem:s11+$0xC440] =	vst.add.f32.msk $0xffff, v63  }
0x44f: {  	p5 =	por !p5, p4;
	s23 =	sor.u32 $0x450, s4;
	[tilespmem:s5+$0xC050] =	vst.add.f32.msk $0xffff, v26  }
0x450: {  	s29 =	simm.s32 @!p5 $0x65;
	v2 =	vld [tilespmem:s23+$0x4000]  }
0x451: {  	s3 =	sor.u32 $0x440, s16;
	s23 =	sshll.u32 @!p4 s29, $0x8;
	s29 =	sshll.u32 @!p4 s29, $0x7;
	[tilespmem:s9+$0xC430] =	vst.add.f32.msk $0xffff, v37  }
0x452: {  	v15 =	vadd.f32 v45, v15;
	v41 =	vld [tilespmem:s3+$0x4000];
	s3 =	sand.u32 @!p4 $0xFFFFF800, s23;
	s23 =	sand.u32 @!p4 $0x380, s29  }
0x453: {  	v45 =	vadd.f32 v47, v14;
	v14 =	vld [tilespmem:s15+$0x1E0];
	s3 =	sor.u32 @!p4 s23, s3  }
0x454: {  	v47 =	vadd.f32 v48, v13;
	[tilespmem:s3+$0xC000] =	vst.add.f32.msk @!p4 $0xffff, v15  }
0x455: {  	v48 =	vadd.f32 v49, v12;
	[tilespmem:s3+$0xC010] =	vst.add.f32.msk @!p4 $0xffff, v45  }
0x456: {  	v11 =	vadd.f32 v40, v11;
	[tilespmem:s3+$0xC020] =	vst.add.f32.msk @!p4 $0xffff, v47  }
0x457: {  	v39 =	vadd.f32 v39, v10;
	[tilespmem:s3+$0xC030] =	vst.add.f32.msk @!p4 $0xffff, v48  }
0x458: {  	v36 =	vadd.f32 v36, v8;
	[tilespmem:s3+$0xC040] =	vst.add.f32.msk @!p4 $0xffff, v11  }
0x459: {  	v35 =	vadd.f32 v35, v6;
	[tilespmem:s3+$0xC050] =	vst.add.f32.msk @!p4 $0xffff, v39  }
0x45a: {  	v7 =	vadd.f32 v42, v7;
	[tilespmem:s3+$0xC060] =	vst.add.f32.msk @!p4 $0xffff, v36  }
0x45b: {  	[tilespmem:s3+$0xC070] =	vst.add.f32.msk @!p4 $0xffff, v35  }
0x45c: {  	v5 =	vadd.f32 v53, v5;
	[tilespmem:s3+$0xC400] =	vst.add.f32.msk @!p4 $0xffff, v7  }
0x45d: {  	v3 =	vadd.f32 v55, v3;
	[tilespmem:s3+$0xC410] =	vst.add.f32.msk @!p4 $0xffff, v4  }
0x45e: {  	v42 =	vadd.f32 v57, v0;
	[tilespmem:s3+$0xC420] =	vst.add.f32.msk @!p4 $0xffff, v5  }
0x45f: {  	[tilespmem:s3+$0xC430] =	vst.add.f32.msk @!p4 $0xffff, v3  }
0x460: {  	[tilespmem:s3+$0xC440] =	vst.add.f32.msk @!p4 $0xffff, v42  }
0x461: {  	[tilespmem:s3+$0xC450] =	vst.add.f32.msk @!p4 $0xffff, v51  }
0x462: {  	[tilespmem:s5+$0xC060] =	vst.add.f32.msk $0xffff, v14  }
0x463: {  	[tilespmem:s11+$0xC450] =	vst.add.f32.msk $0xffff, v2  }
0x464: {  	v53 =	vadd.f32 v60, v1;
	s23 =	sor.u32 $0x460, s4;
	v12 =	vld [tilespmem:s15+$0x1F0]  }
0x465: {  	v49 =	vld [tilespmem:s23+$0x4000]  }
0x466: {  	[tilespmem:s3+$0xC460] =	vst.add.f32.msk @!p4 $0xffff, v53  }
0x467: {  	s23 =	sor.u32 $0x450, s16;
	[tilespmem:s9+$0xC440] =	vst.add.f32.msk $0xffff, v41  }
0x468: {  	v13 =	vld [tilespmem:s23+$0x4000]  }
0x469: {  	s12 =	sadd.s32 $0x180, s12;
	[tilespmem:s5+$0xC070] =	vst.add.f32.msk $0xffff, v12  }
0x46a: {  	s23 =	sor.u32 $0x400, s12;
	[tilespmem:s11+$0xC460] =	vst.add.f32.msk $0xffff, v49  }
0x46b: {  	s4 =	sor.u32 $0x470, s4;
	v10 =	vld [tilespmem:s23+$0x4000]  }
0x46c: {  	v40 =	vld [tilespmem:s4+$0x4000]  }
0x46d: {  	v9 =	vadd.f32 v62, v9;
	s15 =	sor.u32 $0x460, s16;
	[tilespmem:s9+$0xC450] =	vst.add.f32.msk $0xffff, v13  }
0x46e: {  	v8 =	vld [tilespmem:s15+$0x4000]  }
0x46f: {  	p5 =	sgt.s32 @!p3 s10, $0x63;
	[tilespmem:s3+$0xC470] =	vst.add.f32.msk @!p4 $0xffff, v9;
	s3 =	simm.f32 @!p4 $0.0e+00  }
0x470: {  	s3 =	simm.f32 @p4 $1.000000000e+00;
	p4 =	por !p5, p3;
	[tilespmem:s5+$0xC400] =	vst.add.f32.msk $0xffff, v10  }
0x471: {  	v0 =	vmul.f32 s3, v15;
	s10 =	simm.s32 @!p4 $0x65;
	s23 =	sor.u32 $0x410, s12;
	[tilespmem:s11+$0xC470] =	vst.add.f32.msk $0xffff, v40  }
0x472: {  	v15 =	vmul.f32 s3, v45;
	s11 =	sshll.u32 @!p3 s10, $0x8;
	s10 =	sshll.u32 @!p3 s10, $0x7;
	v6 =	vld [tilespmem:s23+$0x4000]  }
0x473: {  	s16 =	sor.u32 $0x470, s16;
	v62 =	vmul.f32 s3, v47;
	v29 =	vadd.f32 v0, v29;
	s4 =	sand.u32 @!p3 $0xFFFFF800, s11;
	s10 =	sand.u32 @!p3 $0x380, s10;
	[tilespmem:s9+$0xC460] =	vst.add.f32.msk $0xffff, v8  }
0x474: {  	v47 =	vmul.f32 s3, v48;
	v15 =	vadd.f32 v33, v15;
	s10 =	sor.u32 @!p3 s10, s4;
	v1 =	vld [tilespmem:s16+$0x4000]  }
0x475: {  	v11 =	vmul.f32 s3, v11;
	v38 =	vadd.f32 v38, v62;
	[tilespmem:s10+$0xC000] =	vst.add.f32.msk @!p3 $0xffff, v29  }
0x476: {  	v39 =	vmul.f32 s3, v39;
	v33 =	vadd.f32 v43, v47;
	[tilespmem:s10+$0xC010] =	vst.add.f32.msk @!p3 $0xffff, v15  }
0x477: {  	v36 =	vmul.f32 s3, v36;
	v11 =	vadd.f32 v44, v11;
	[tilespmem:s10+$0xC020] =	vst.add.f32.msk @!p3 $0xffff, v38  }
0x478: {  	v35 =	vmul.f32 s3, v35;
	v39 =	vadd.f32 v46, v39;
	[tilespmem:s10+$0xC030] =	vst.add.f32.msk @!p3 $0xffff, v33  }
0x479: {  	v7 =	vmul.f32 s3, v7;
	v36 =	vadd.f32 v50, v36;
	[tilespmem:s10+$0xC040] =	vst.add.f32.msk @!p3 $0xffff, v11  }
0x47a: {  	v35 =	vadd.f32 v52, v35;
	[tilespmem:s10+$0xC050] =	vst.add.f32.msk @!p3 $0xffff, v39  }
0x47b: {  	v7 =	vadd.f32 v54, v7;
	[tilespmem:s10+$0xC060] =	vst.add.f32.msk @!p3 $0xffff, v36  }
0x47c: {  	v4 =	vmul.f32 s3, v4;
	[tilespmem:s10+$0xC070] =	vst.add.f32.msk @!p3 $0xffff, v35  }
0x47d: {  	v5 =	vmul.f32 s3, v5;
	[tilespmem:s10+$0xC400] =	vst.add.f32.msk @!p3 $0xffff, v7  }
0x47e: {  	v3 =	vmul.f32 s3, v3;
	v4 =	vadd.f32 v56, v4;
	s23 =	sor.u32 $0x420, s12;
	[tilespmem:s5+$0xC410] =	vst.add.f32.msk $0xffff, v6  }
0x47f: {  	v42 =	vmul.f32 s3, v42;
	v5 =	vadd.f32 v59, v5;
	v0 =	vld [tilespmem:s23+$0x4000]  }
0x480: {  	v3 =	vadd.f32 v61, v3;
	[tilespmem:s10+$0xC410] =	vst.add.f32.msk @!p3 $0xffff, v4  }
0x481: {  	v42 =	vadd.f32 v63, v42;
	[tilespmem:s10+$0xC420] =	vst.add.f32.msk @!p3 $0xffff, v5  }
0x482: {  	v48 =	vmul.f32 s3, v51;
	[tilespmem:s10+$0xC430] =	vst.add.f32.msk @!p3 $0xffff, v3  }
0x483: {  	v50 =	vmul.f32 s3, v53;
	[tilespmem:s10+$0xC440] =	vst.add.f32.msk @!p3 $0xffff, v42  }
0x484: {  	v9 =	vmul.f32 s3, v9;
	v43 =	vadd.f32 v2, v48;
	s4 =	sor.u32 $0x430, s12;
	[tilespmem:s5+$0xC420] =	vst.add.f32.msk $0xffff, v0  }
0x485: {  	v44 =	vadd.f32 v49, v50;
	v2 =	vld [tilespmem:s4+$0x4000]  }
0x486: {  	p4 =	sgt.s32 @!p2 s6, $0x63;
	v9 =	vadd.f32 v40, v9;
	[tilespmem:s10+$0xC450] =	vst.add.f32.msk @!p3 $0xffff, v43;
	s4 =	simm.f32 @!p3 $0.0e+00  }
0x487: {  	p4 =	por !p4, p2;
	[tilespmem:s10+$0xC460] =	vst.add.f32.msk @!p3 $0xffff, v44;
	s4 =	simm.f32 @p3 $1.000000000e+00  }
0x488: {  	s6 =	simm.s32 @!p4 $0x65;
	[tilespmem:s10+$0xC470] =	vst.add.f32.msk @!p3 $0xffff, v9;
	v29 =	vmul.f32 s4, v29  }
0x489: {  	s3 =	sshll.u32 @!p2 s6, $0x8;
	s6 =	sshll.u32 @!p2 s6, $0x7;
	[tilespmem:s9+$0xC470] =	vst.add.f32.msk $0xffff, v1;
	v15 =	vmul.f32 s4, v15  }
0x48a: {  	s3 =	sand.u32 @!p2 $0xFFFFF800, s3;
	s6 =	sand.u32 @!p2 $0x380, s6;
	s11 =	sor.u32 $0x440, s12;
	v51 =	vmul.f32 s4, v38;
	v18 =	vadd.f32 v29, v18;
	[tilespmem:s5+$0xC430] =	vst.add.f32.msk $0xffff, v2  }
0x48b: {  	s6 =	sor.u32 @!p2 s6, s3;
	v33 =	vmul.f32 s4, v33;
	v15 =	vadd.f32 v20, v15;
	v52 =	vld [tilespmem:s11+$0x4000]  }
0x48c: {  	v22 =	vadd.f32 v22, v51;
	[tilespmem:s6+$0xC000] =	vst.add.f32.msk @!p2 $0xffff, v18  }
0x48d: {  	v24 =	vadd.f32 v24, v33;
	[tilespmem:s6+$0xC010] =	vst.add.f32.msk @!p2 $0xffff, v15  }
0x48e: {  	v11 =	vmul.f32 s4, v11;
	[tilespmem:s6+$0xC020] =	vst.add.f32.msk @!p2 $0xffff, v22  }
0x48f: {  	v53 =	vmul.f32 s4, v39;
	[tilespmem:s6+$0xC030] =	vst.add.f32.msk @!p2 $0xffff, v24  }
0x490: {  	s15 =	sor.u32 $0x450, s12;
	v54 =	vmul.f32 s4, v36;
	v11 =	vadd.f32 v25, v11;
	[tilespmem:s5+$0xC440] =	vst.add.f32.msk $0xffff, v52  }
0x491: {  	v55 =	vmul.f32 s4, v35;
	v27 =	vadd.f32 v27, v53;
	v56 =	vld [tilespmem:s15+$0x4000]  }
0x492: {  	v25 =	vadd.f32 v28, v54;
	[tilespmem:s6+$0xC040] =	vst.add.f32.msk @!p2 $0xffff, v11  }
0x493: {  	v28 =	vadd.f32 v30, v55;
	[tilespmem:s6+$0xC050] =	vst.add.f32.msk @!p2 $0xffff, v27  }
0x494: {  	v7 =	vmul.f32 s4, v7;
	[tilespmem:s6+$0xC060] =	vst.add.f32.msk @!p2 $0xffff, v25  }
0x495: {  	v4 =	vmul.f32 s4, v4;
	[tilespmem:s6+$0xC070] =	vst.add.f32.msk @!p2 $0xffff, v28  }
0x496: {  	s16 =	sor.u32 $0x460, s12;
	v5 =	vmul.f32 s4, v5;
	v7 =	vadd.f32 v31, v7;
	[tilespmem:s5+$0xC450] =	vst.add.f32.msk $0xffff, v56  }
0x497: {  	v3 =	vmul.f32 s4, v3;
	v4 =	vadd.f32 v32, v4;
	v57 =	vld [tilespmem:s16+$0x4000]  }
0x498: {  	v5 =	vadd.f32 v34, v5;
	[tilespmem:s6+$0xC400] =	vst.add.f32.msk @!p2 $0xffff, v7  }
0x499: {  	v3 =	vadd.f32 v37, v3;
	[tilespmem:s6+$0xC410] =	vst.add.f32.msk @!p2 $0xffff, v4  }
0x49a: {  	v58 =	vmul.f32 s4, v42;
	[tilespmem:s6+$0xC420] =	vst.add.f32.msk @!p2 $0xffff, v5  }
0x49b: {  	s24 =	sadd.s32 $0x1, s24;
	v59 =	vmul.f32 s4, v43;
	[tilespmem:s6+$0xC430] =	vst.add.f32.msk @!p2 $0xffff, v3  }
0x49c: {  	s23 =	sor.u32 $0x470, s12;
	p3 =	slt.s32 s24, $0x65;
	v60 =	vmul.f32 s4, v44;
	v31 =	vadd.f32 v41, v58;
	[tilespmem:s5+$0xC460] =	vst.add.f32.msk $0xffff, v57  }
0x49d: {  	s9 =	simm.f32 @!p2 $0.0e+00;
	v9 =	vmul.f32 s4, v9;
	p4 =	sgt.s32 @!p3 s20, $0x63;
	v13 =	vadd.f32 v13, v59;
	v61 =	vld [tilespmem:s23+$0x4000]  }
0x49e: {  	s3 =	smov.u32 s20;
	s9 =	simm.f32 @p2 $1.000000000e+00;
	p4 =	por !p4, p3;
	v8 =	vadd.f32 v8, v60;
	[tilespmem:s6+$0xC440] =	vst.add.f32.msk @!p2 $0xffff, v31  }
0x49f: {  	s3 =	simm.s32 @!p4 $0x65;
	v1 =	vadd.f32 v1, v9;
	[tilespmem:s6+$0xC450] =	vst.add.f32.msk @!p2 $0xffff, v13;
	v9 =	vmul.f32 s9, v18  }
0x4a0: {  	s4 =	sshll.u32 @!p3 s3, $0x8;
	s3 =	sshll.u32 @!p3 s3, $0x7;
	[tilespmem:s6+$0xC460] =	vst.add.f32.msk @!p2 $0xffff, v8;
	v15 =	vmul.f32 s9, v15  }
0x4a1: {  	[tilespmem:s6+$0xC470] =	vst.add.f32.msk @!p2 $0xffff, v1;
	s4 =	sand.u32 @!p3 $0xFFFFF800, s4;
	s3 =	sand.u32 @!p3 $0x380, s3;
	v9 =	vadd.f32 v9, v16;
	v16 =	vmul.f32 s9, v22  }
0x4a2: {  	s4 =	sor.u32 @!p3 s3, s4;
	v17 =	vadd.f32 v17, v15;
	v15 =	vmul.f32 s9, v24;
	[tilespmem:s5+$0xC470] =	vst.add.f32.msk $0xffff, v61  }
0x4a3: {  	v11 =	vmul.f32 s9, v11;
	v16 =	vadd.f32 v19, v16;
	[tilespmem:s4+$0xC000] =	vst.add.f32.msk @!p3 $0xffff, v9  }
0x4a4: {  	v18 =	vadd.f32 v21, v15;
	v15 =	vmul.f32 s9, v27;
	[tilespmem:s4+$0xC010] =	vst.add.f32.msk @!p3 $0xffff, v17  }
0x4a5: {  	v7 =	vmul.f32 s9, v7;
	v11 =	vadd.f32 v23, v11;
	v19 =	vmul.f32 s9, v25;
	[tilespmem:s4+$0xC020] =	vst.add.f32.msk @!p3 $0xffff, v16  }
0x4a6: {  	v4 =	vmul.f32 s9, v4;
	v21 =	vadd.f32 v26, v15;
	v15 =	vmul.f32 s9, v28;
	[tilespmem:s4+$0xC030] =	vst.add.f32.msk @!p3 $0xffff, v18  }
0x4a7: {  	v5 =	vmul.f32 s9, v5;
	v3 =	vmul.f32 s9, v3;
	v19 =	vadd.f32 v14, v19;
	[tilespmem:s4+$0xC040] =	vst.add.f32.msk @!p3 $0xffff, v11  }
0x4a8: {  	v62 =	vmul.f32 s9, v13;
	v7 =	vadd.f32 v10, v7;
	v22 =	vadd.f32 v12, v15;
	[tilespmem:s4+$0xC050] =	vst.add.f32.msk @!p3 $0xffff, v21  }
0x4a9: {  	v63 =	vmul.f32 s9, v8;
	p2 =	sgt.s32 s24, $0x64;
	s3 =	simm.f32 @!p3 $0.0e+00;
	v0 =	vadd.f32 v0, v5;
	v2 =	vadd.f32 v2, v3;
	s5 =	simm.s32 $0x1;
	[tilespmem:s4+$0xC060] =	vst.add.f32.msk @!p3 $0xffff, v19  }
0x4aa: {  	v1 =	vmul.f32 s9, v1;
	v10 =	vmul.f32 s9, v31;
	v4 =	vadd.f32 v6, v4;
	s3 =	simm.f32 @p3 $1.000000000e+00;
	[tilespmem:s4+$0xC070] =	vst.add.f32.msk @!p3 $0xffff, v22;
	s5 =	simm.s32 @!p2 $0x0  }
0x4ab: {  	v5 =	vmul.f32 s3, v0;
	v3 =	vmul.f32 s3, v2;
	[tilespmem:s4+$0xC400] =	vst.add.f32.msk @!p3 $0xffff, v7;
	s29 =	sadd.s32 s5, s20  }
0x4ac: {  	s31 =	sadd.s32 $0x4, s31;
	v14 =	vmul.f32 s3, v17;
	v13 =	vmul.f32 s3, v16;
	[tilespmem:s4+$0xC410] =	vst.add.f32.msk @!p3 $0xffff, v4;
	s5 =	sadd.s32 $0x1, s29  }
0x4ad: {  	v15 =	vmul.f32 s3, v9;
	v12 =	vmul.f32 s3, v18;
	v9 =	vadd.f32 v52, v10;
	[tilespmem:s4+$0xC420] =	vst.add.f32.msk @!p3 $0xffff, v0;
	s24 =	smov.u32 @p2 s5;
	p2 =	slt.u32 s31, $0x3C  }
.Ltmp8:
0x4ae: {  	v8 =	vmul.f32 s3, v19;
	v6 =	vmul.f32 s3, v22;
	v16 =	vadd.f32 v56, v62;
	[tilespmem:s4+$0xC430] =	vst.add.f32.msk @!p3 $0xffff, v2;
	(pc) =	sbr.rel @p2 .LBB2_18-.Ltmp8, $4  }
0x4af: {  	v11 =	vmul.f32 s3, v11;
	v10 =	vmul.f32 s3, v21;
	v17 =	vadd.f32 v57, v63;
	[tilespmem:s4+$0xC440] =	vst.add.f32.msk @!p3 $0xffff, v9  }
0x4b0: {  	v7 =	vmul.f32 s3, v7;
	v4 =	vmul.f32 s3, v4;
	v18 =	vadd.f32 v61, v1;
	[tilespmem:s4+$0xC450] =	vst.add.f32.msk @!p3 $0xffff, v16  }
0x4b1: {  	[tilespmem:s4+$0xC460] =	vst.add.f32.msk @!p3 $0xffff, v17;
	v0 =	vmul.f32 s3, v9;
	v16 =	vmul.f32 s3, v16  }
0x4b2: {  	s2 =	sadd.s32 $0x200, s2;
	p1 =	por !p1, !p1;
	s0 =	sadd.s32 $0x400, s0;
	[tilespmem:s4+$0xC470] =	vst.add.f32.msk @!p3 $0xffff, v18;
	v46 =	vmul.f32 s3, v17;
	v9 =	vmul.f32 s3, v18  }
.Ltmp9:
0x4b3: {  	(pc) =	sbr.rel @p0 .LBB2_21-.Ltmp9, $1  }
0x4b4: {  	_ =	sdelay $0x3  }
.Ltmp10:
0x4b5: {  	(pc) =	sbr.rel .LBB2_15-.Ltmp10, $4  }
0x4b6: {  	s0 =	sadd.s32 s14, s30  }
0x4b7: {  	s0 =	sshrl.u32 s0, $0x3  }
0x4b8: {  	s28 =	sadd.s32 $0x1, s28;
	s0 =	sadd.s32 s1, s0  }
0x4b9: {  	[tilespmem:s19], [sflag:$0x2] =	stream.strided.gather [hbm4b:s0+s17], $0x4000, s18, s17, $0x38;
	[tilespmem:$0x12800] =	vst v63  }
.LBB2_21:
0x4ba: {  	s3 =	simm.s32 $0x3  }
0x4bb: {  	s0 =	simm.s32 $0x500;
	s2 =	simm.s32 $0x280;
	_ =	swait.ge [sflag:s3], $0x4000  }
0x4bc: {  	s0 =	sand.u32 $0x3800, s0;
	s2 =	sand.u32 $0x380, s2;
	[sflag:s3] =	ssyncset.done $0x0  }
0x4bd: {  	s2 =	sor.u32 s2, s0;
	[sflag:s3] =	ssyncadd.s32 $0xFFFFC000  }
0x4be: {  	p0 =	slt.s32 s24, $0x64;
	s0 =	smov.u32 s24;
	v2 =	vld [tilespmem:s2+$0x8000]  }
0x4bf: {  	s0 =	simm.s32 @!p0 $0x64  }
0x4c0: {  	s20 =	sshll.u32 s0, $0x8;
	s0 =	sshll.u32 s0, $0x7  }
0x4c1: {  	s3 =	sand.u32 $0xFFFFF800, s20;
	s0 =	sand.u32 $0x380, s0  }
0x4c2: {  	s0 =	sor.u32 s0, s3  }
0x4c3: {  	[tilespmem:s0+$0xC000] =	vst.add.f32.msk $0xffff, v2  }
0x4c4: {  	v26 =	vld [tilespmem:s2+$0x8010];
	_ =	sdelay $0x4  }
0x4c5: {  	[tilespmem:s0+$0xC010] =	vst.add.f32.msk $0xffff, v26  }
0x4c6: {  	v27 =	vld [tilespmem:s2+$0x8020];
	_ =	sdelay $0x4  }
0x4c7: {  	[tilespmem:s0+$0xC020] =	vst.add.f32.msk $0xffff, v27  }
0x4c8: {  	v28 =	vld [tilespmem:s2+$0x8030];
	_ =	sdelay $0x4  }
0x4c9: {  	[tilespmem:s0+$0xC030] =	vst.add.f32.msk $0xffff, v28  }
0x4ca: {  	v29 =	vld [tilespmem:s2+$0x8040];
	_ =	sdelay $0x3  }
0x4cb: {  	s3 =	sadd.s32 $0x1, s24  }
0x4cc: {  	s4 =	simm.s32 $0x1;
	p1 =	sgt.s32 s3, $0x64;
	[tilespmem:s0+$0xC040] =	vst.add.f32.msk $0xffff, v29  }
0x4cd: {  	s4 =	simm.s32 @!p1 $0x0;
	v30 =	vld [tilespmem:s2+$0x8050]  }
0x4ce: {  	s5 =	simm.s32 $0x600;
	s23 =	simm.s32 $0x300;
	s6 =	sadd.s32 s4, s29  }
0x4cf: {  	s5 =	sand.u32 $0x3800, s5;
	s4 =	sand.u32 $0x380, s23;
	s9 =	sadd.s32 $0x1, s6  }
0x4d0: {  	p0 =	slt.s32 s3, $0x65;
	s11 =	sor.u32 s4, s5;
	s3 =	smov.u32 @p1 s9  }
0x4d1: {  	v47 =	vld [tilespmem:s11+$0x8000];
	p1 =	slt.s32 s3, $0x64;
	s4 =	smov.u32 s3  }
0x4d2: {  	s4 =	simm.s32 @!p1 $0x64;
	[tilespmem:s0+$0xC050] =	vst.add.f32.msk $0xffff, v30  }
0x4d3: {  	s24 =	sshll.u32 s4, $0x8;
	s4 =	sshll.u32 s4, $0x7;
	v31 =	vld [tilespmem:s2+$0x8060]  }
0x4d4: {  	s5 =	sand.u32 $0xFFFFF800, s24;
	s4 =	sand.u32 $0x380, s4  }
0x4d5: {  	s20 =	sor.u32 s4, s5  }
0x4d6: {  	[tilespmem:s20+$0xC000] =	vst.add.f32.msk $0xffff, v47  }
0x4d7: {  	v17 =	vld [tilespmem:s11+$0x8010]  }
0x4d8: {  	[tilespmem:s0+$0xC060] =	vst.add.f32.msk $0xffff, v31  }
0x4d9: {  	v32 =	vld [tilespmem:s2+$0x8070];
	_ =	sdelay $0x2  }
0x4da: {  	[tilespmem:s20+$0xC010] =	vst.add.f32.msk $0xffff, v17  }
0x4db: {  	v19 =	vld [tilespmem:s11+$0x8020]  }
0x4dc: {  	[tilespmem:s0+$0xC070] =	vst.add.f32.msk $0xffff, v32  }
0x4dd: {  	v33 =	vld [tilespmem:s2+$0x8400];
	_ =	sdelay $0x2  }
0x4de: {  	[tilespmem:s20+$0xC020] =	vst.add.f32.msk $0xffff, v19  }
0x4df: {  	v21 =	vld [tilespmem:s11+$0x8030]  }
0x4e0: {  	[tilespmem:s0+$0xC400] =	vst.add.f32.msk $0xffff, v33  }
0x4e1: {  	v34 =	vld [tilespmem:s2+$0x8410];
	_ =	sdelay $0x2  }
0x4e2: {  	[tilespmem:s20+$0xC030] =	vst.add.f32.msk $0xffff, v21  }
0x4e3: {  	v22 =	vld [tilespmem:s11+$0x8040]  }
0x4e4: {  	[tilespmem:s0+$0xC410] =	vst.add.f32.msk $0xffff, v34  }
0x4e5: {  	v35 =	vld [tilespmem:s2+$0x8420];
	_ =	sdelay $0x2  }
0x4e6: {  	[tilespmem:s20+$0xC040] =	vst.add.f32.msk $0xffff, v22  }
0x4e7: {  	v23 =	vld [tilespmem:s11+$0x8050]  }
0x4e8: {  	[tilespmem:s0+$0xC420] =	vst.add.f32.msk $0xffff, v35  }
0x4e9: {  	v37 =	vld [tilespmem:s2+$0x8430];
	_ =	sdelay $0x2  }
0x4ea: {  	[tilespmem:s20+$0xC050] =	vst.add.f32.msk $0xffff, v23  }
0x4eb: {  	v20 =	vld [tilespmem:s11+$0x8060]  }
0x4ec: {  	[tilespmem:s0+$0xC430] =	vst.add.f32.msk $0xffff, v37  }
0x4ed: {  	v38 =	vld [tilespmem:s2+$0x8440];
	_ =	sdelay $0x2  }
0x4ee: {  	[tilespmem:s20+$0xC060] =	vst.add.f32.msk $0xffff, v20  }
0x4ef: {  	v24 =	vld [tilespmem:s11+$0x8070]  }
0x4f0: {  	[tilespmem:s0+$0xC440] =	vst.add.f32.msk $0xffff, v38  }
0x4f1: {  	v39 =	vld [tilespmem:s2+$0x8450];
	_ =	sdelay $0x2  }
0x4f2: {  	[tilespmem:s20+$0xC070] =	vst.add.f32.msk $0xffff, v24  }
0x4f3: {  	v25 =	vld [tilespmem:s11+$0x8400]  }
0x4f4: {  	[tilespmem:s0+$0xC450] =	vst.add.f32.msk $0xffff, v39  }
0x4f5: {  	v36 =	vld [tilespmem:s2+$0x8460];
	_ =	sdelay $0x1  }
0x4f6: {  	s10 =	sadd.s32 $0x1, s3  }
0x4f7: {  	s3 =	simm.s32 $0x1;
	p2 =	sgt.s32 s10, $0x64;
	[tilespmem:s20+$0xC400] =	vst.add.f32.msk $0xffff, v25  }
0x4f8: {  	s12 =	simm.s32 $0x380;
	v42 =	vadd.f32 v2, v15;
	s9 =	simm.s32 $0x700;
	s3 =	simm.s32 @!p2 $0x0;
	v15 =	vadd.f32 v27, v13;
	v13 =	vld [tilespmem:s11+$0x8410]  }
0x4f9: {  	p1 =	sgt.s32 @!p0 s29, $0x63;
	p3 =	slt.s32 s10, $0x65;
	s24 =	sadd.s32 s3, s6;
	[tilespmem:s0+$0xC460] =	vst.add.f32.msk $0xffff, v36  }
0x4fa: {  	s3 =	sadd.s32 $0x1, s24;
	s4 =	sand.u32 $0x3800, s9;
	v40 =	vld [tilespmem:s2+$0x8470];
	s2 =	sand.u32 $0x380, s12  }
0x4fb: {  	p1 =	por !p1, p0;
	s10 =	smov.u32 @p2 s3;
	s2 =	sor.u32 s2, s4  }
0x4fc: {  	s29 =	simm.s32 @!p1 $0x65;
	p1 =	slt.s32 s10, $0x64;
	s4 =	smov.u32 s10;
	v18 =	vld [tilespmem:s2+$0x8000]  }
0x4fd: {  	s4 =	simm.s32 @!p1 $0x64  }
0x4fe: {  	[tilespmem:s20+$0xC410] =	vst.add.f32.msk $0xffff, v13;
	s15 =	sshll.u32 s4, $0x8;
	s4 =	sshll.u32 s4, $0x7  }
0x4ff: {  	v43 =	vadd.f32 v28, v12;
	v12 =	vld [tilespmem:s11+$0x8420];
	s16 =	sand.u32 $0xFFFFF800, s15;
	s23 =	sand.u32 $0x380, s4  }
0x500: {  	[tilespmem:s0+$0xC470] =	vst.add.f32.msk $0xffff, v40;
	s0 =	sor.u32 s23, s16  }
0x501: {  	[tilespmem:s0+$0xC000] =	vst.add.f32.msk $0xffff, v18  }
0x502: {  	v41 =	vadd.f32 v40, v9;
	v9 =	vld [tilespmem:s2+$0x8010]  }
0x503: {  	s5 =	sshll.u32 @!p0 s29, $0x8;
	s3 =	sshll.u32 @!p0 s29, $0x7;
	p2 =	por p0, p0  }
0x504: {  	s5 =	sand.u32 @!p2 $0xFFFFF800, s5;
	s3 =	sand.u32 @!p2 $0x380, s3;
	[tilespmem:s20+$0xC420] =	vst.add.f32.msk $0xffff, v12  }
0x505: {  	s29 =	sor.u32 @!p2 s3, s5;
	v40 =	vadd.f32 v26, v14;
	v26 =	vld [tilespmem:s11+$0x8430]  }
0x506: {  	[tilespmem:s29+$0xC000] =	vst.add.f32.msk @!p2 $0xffff, v42  }
0x507: {  	[tilespmem:s0+$0xC010] =	vst.add.f32.msk $0xffff, v9  }
0x508: {  	p1 =	por p2, p2;
	v14 =	vld [tilespmem:s2+$0x8020]  }
0x509: {  	v29 =	vadd.f32 v29, v11;
	[tilespmem:s29+$0xC020] =	vst.add.f32.msk @!p1 $0xffff, v15  }
0x50a: {  	v44 =	vadd.f32 v30, v10;
	[tilespmem:s29+$0xC030] =	vst.add.f32.msk @!p1 $0xffff, v43  }
0x50b: {  	[tilespmem:s29+$0xC040] =	vst.add.f32.msk @!p1 $0xffff, v29  }
0x50c: {  	[tilespmem:s29+$0xC050] =	vst.add.f32.msk @!p1 $0xffff, v44  }
0x50d: {  	v31 =	vadd.f32 v31, v8;
	[tilespmem:s0+$0xC020] =	vst.add.f32.msk $0xffff, v14  }
0x50e: {  	v6 =	vadd.f32 v32, v6;
	v11 =	vld [tilespmem:s2+$0x8030]  }
0x50f: {  	v33 =	vadd.f32 v33, v7;
	[tilespmem:s29+$0xC060] =	vst.add.f32.msk @!p1 $0xffff, v31  }
0x510: {  	v45 =	vadd.f32 v34, v4;
	[tilespmem:s29+$0xC070] =	vst.add.f32.msk @!p1 $0xffff, v6  }
0x511: {  	[tilespmem:s29+$0xC400] =	vst.add.f32.msk @!p1 $0xffff, v33  }
0x512: {  	[tilespmem:s29+$0xC410] =	vst.add.f32.msk @!p1 $0xffff, v45  }
0x513: {  	[tilespmem:s0+$0xC030] =	vst.add.f32.msk $0xffff, v11  }
0x514: {  	v8 =	vld [tilespmem:s2+$0x8040]  }
0x515: {  	v5 =	vadd.f32 v35, v5;
	[tilespmem:s20+$0xC430] =	vst.add.f32.msk $0xffff, v26  }
0x516: {  	v7 =	vadd.f32 v37, v3;
	v32 =	vld [tilespmem:s11+$0x8440]  }
0x517: {  	[tilespmem:s29+$0xC420] =	vst.add.f32.msk @!p1 $0xffff, v5  }
0x518: {  	[tilespmem:s29+$0xC430] =	vst.add.f32.msk @!p1 $0xffff, v7  }
0x519: {  	[tilespmem:s0+$0xC040] =	vst.add.f32.msk $0xffff, v8  }
0x51a: {  	v28 =	vld [tilespmem:s2+$0x8050]  }
0x51b: {  	v0 =	vadd.f32 v38, v0;
	[tilespmem:s20+$0xC440] =	vst.add.f32.msk $0xffff, v32  }
0x51c: {  	v4 =	vld [tilespmem:s11+$0x8450]  }
0x51d: {  	[tilespmem:s29+$0xC440] =	vst.add.f32.msk @!p1 $0xffff, v0  }
0x51e: {  	[tilespmem:s29+$0xC470] =	vst.add.f32.msk @!p2 $0xffff, v41  }
0x51f: {  	s5 =	simm.f32 @!p0 $0.0e+00;
	[tilespmem:s0+$0xC050] =	vst.add.f32.msk $0xffff, v28  }
0x520: {  	s5 =	simm.f32 @p2 $1.000000000e+00;
	v30 =	vld [tilespmem:s2+$0x8060]  }
0x521: {  	s30 =	sadd.s32 $0x1, s10;
	v10 =	vmul.f32 s5, v15;
	[tilespmem:s20+$0xC450] =	vst.add.f32.msk $0xffff, v4  }
0x522: {  	p0 =	sgt.s32 @!p3 s6, $0x63;
	p4 =	sgt.s32 s30, $0x64;
	s3 =	simm.s32 $0x1;
	v1 =	vmul.f32 s5, v45;
	v34 =	vmul.f32 s5, v0;
	v0 =	vadd.f32 v39, v16;
	v2 =	vld [tilespmem:s11+$0x8460]  }
0x523: {  	s28 =	simm.f32 @!p3 $0.0e+00;
	p0 =	por !p0, p3;
	s3 =	simm.s32 @!p4 $0x0;
	v35 =	vmul.f32 s5, v33;
	v37 =	vmul.f32 s5, v42;
	[tilespmem:s29+$0xC010] =	vst.add.f32.msk @!p1 $0xffff, v40  }
0x524: {  	s6 =	simm.s32 @!p0 $0x65;
	p0 =	por p3, p3;
	v3 =	vmul.f32 s5, v7;
	v38 =	vmul.f32 s5, v44;
	p2 =	slt.s32 s30, $0x65;
	[tilespmem:s29+$0xC450] =	vst.add.f32.msk @!p1 $0xffff, v0  }
0x525: {  	s31 =	sshll.u32 @!p3 s6, $0x8;
	s10 =	sadd.s32 s3, s24;
	v15 =	vmul.f32 s5, v43;
	v7 =	vmul.f32 s5, v29;
	p5 =	sgt.s32 @!p2 s24, $0x63;
	[tilespmem:s0+$0xC060] =	vst.add.f32.msk $0xffff, v30  }
0x526: {  	s6 =	sshll.u32 @!p3 s6, $0x7;
	s3 =	sadd.s32 $0x1, s10;
	v29 =	vmul.f32 s5, v31;
	v6 =	vmul.f32 s5, v6;
	p3 =	por !p5, p2;
	v33 =	vld [tilespmem:s2+$0x8070]  }
0x527: {  	s9 =	simm.s32 $0x800;
	v5 =	vmul.f32 s5, v5;
	v27 =	vmul.f32 s5, v41;
	s30 =	smov.u32 @p4 s3;
	s24 =	simm.s32 @!p3 $0x65;
	[tilespmem:s20+$0xC460] =	vst.add.f32.msk $0xffff, v2  }
0x528: {  	v36 =	vadd.f32 v36, v46;
	v31 =	vmul.f32 s5, v40;
	s16 =	simm.f32 @!p2 $0.0e+00;
	v0 =	vmul.f32 s5, v0;
	s15 =	sshll.u32 @!p2 s24, $0x8;
	v39 =	vld [tilespmem:s11+$0x8470];
	s11 =	simm.s32 $0x400  }
.LBB2_22:
0x529: {  	p3 =	slt.s32 s30, $0x64;
	s3 =	sand.u32 $0x3800, s9;
	s4 =	sand.u32 $0x380, s11  }
0x52a: {  	v40 =	vadd.f32 v23, v38;
	[tilespmem:s29+$0xC460] =	vst.add.f32.msk @!p1 $0xffff, v36;
	v36 =	vmul.f32 s5, v36;
	v23 =	vmov v28;
	s5 =	smov.u32 s30;
	s9 =	sadd.s32 $0x100, s9;
	s23 =	sand.u32 @!p0 $0xFFFFF800, s31  }
0x52b: {  	v28 =	vadd.f32 v47, v37;
	v41 =	vadd.f32 v25, v35;
	v47 =	vmov v18;
	s5 =	simm.s32 @!p3 $0x64;
	s12 =	sor.u32 s4, s3;
	[tilespmem:s0+$0xC070] =	vst.add.f32.msk $0xffff, v33;
	p3 =	sne.s32 s9, $0x4000  }
0x52c: {  	v42 =	vadd.f32 v20, v29;
	v43 =	vadd.f32 v32, v34;
	v20 =	vmov v30;
	s4 =	sshll.u32 @!p2 s24, $0x7;
	s24 =	sand.u32 @!p0 $0x380, s6;
	v18 =	vld [tilespmem:s12+$0x8000];
	s3 =	sshll.u32 s5, $0x8  }
0x52d: {  	v44 =	vadd.f32 v26, v3;
	s6 =	smov.u32 s4;
	s4 =	sshll.u32 s5, $0x7;
	s5 =	smov.u32 s28;
	v25 =	vld [tilespmem:s2+$0x8400];
	v26 =	vadd.f32 v39, v27  }
0x52e: {  	v30 =	vadd.f32 v19, v10;
	v32 =	vadd.f32 v21, v15;
	v19 =	vmovc v14;
	v21 =	vmov v11;
	s29 =	sor.u32 @!p0 s24, s23;
	s5 =	simm.f32 @p0 $1.000000000e+00;
	[tilespmem:s20+$0xC470] =	vst.add.f32.msk $0xffff, v39  }
0x52f: {  	v11 =	vadd.f32 v22, v7;
	v22 =	vmovc v8;
	s3 =	sand.u32 $0xFFFFF800, s3;
	s4 =	sand.u32 $0x380, s4;
	v3 =	vmul.f32 s5, v44;
	s20 =	smov.u32 s0;
	[tilespmem:s29+$0xC470] =	vst.add.f32.msk @!p0 $0xffff, v26;
	v27 =	vmul.f32 s5, v26  }
0x530: {  	s28 =	smov.u32 s16;
	s24 =	smov.u32 s10;
	s0 =	sor.u32 s4, s3;
	v39 =	vadd.f32 v24, v6;
	v10 =	vmul.f32 s5, v30;
	v15 =	vmul.f32 s5, v32;
	v24 =	vmovc v33;
	[tilespmem:s29+$0xC000] =	vst.add.f32.msk @!p0 $0xffff, v28  }
0x531: {  	s31 =	smov.u32 s15;
	p1 =	por p0, p0;
	v33 =	vadd.f32 v12, v5;
	v7 =	vmul.f32 s5, v11;
	v29 =	vmul.f32 s5, v42;
	p0 =	por p2, p2;
	[tilespmem:s0+$0xC000] =	vst.add.f32.msk $0xffff, v18  }
0x532: {  	v8 =	vadd.f32 v17, v31;
	v17 =	vmovc v9;
	v35 =	vmul.f32 s5, v41;
	v6 =	vmul.f32 s5, v39;
	v9 =	vld [tilespmem:s12+$0x8010]  }
0x533: {  	v45 =	vadd.f32 v13, v1;
	v34 =	vmul.f32 s5, v43;
	v5 =	vmul.f32 s5, v33;
	[tilespmem:s20+$0xC400] =	vst.add.f32.msk $0xffff, v25  }
0x534: {  	v37 =	vmul.f32 s5, v28;
	v31 =	vmul.f32 s5, v8;
	v13 =	vld [tilespmem:s2+$0x8410]  }
0x535: {  	v38 =	vmul.f32 s5, v40;
	v1 =	vmul.f32 s5, v45;
	[tilespmem:s29+$0xC010] =	vst.add.f32.msk @!p1 $0xffff, v8  }
0x536: {  	[tilespmem:s29+$0xC020] =	vst.add.f32.msk @!p1 $0xffff, v30  }
0x537: {  	[tilespmem:s0+$0xC010] =	vst.add.f32.msk $0xffff, v9  }
0x538: {  	v14 =	vld [tilespmem:s12+$0x8020]  }
0x539: {  	[tilespmem:s20+$0xC410] =	vst.add.f32.msk $0xffff, v13  }
0x53a: {  	v12 =	vld [tilespmem:s2+$0x8420]  }
0x53b: {  	[tilespmem:s29+$0xC030] =	vst.add.f32.msk @!p1 $0xffff, v32  }
0x53c: {  	[tilespmem:s29+$0xC040] =	vst.add.f32.msk @!p1 $0xffff, v11  }
0x53d: {  	[tilespmem:s0+$0xC020] =	vst.add.f32.msk $0xffff, v14  }
0x53e: {  	v11 =	vld [tilespmem:s12+$0x8030]  }
0x53f: {  	[tilespmem:s20+$0xC420] =	vst.add.f32.msk $0xffff, v12  }
0x540: {  	v26 =	vld [tilespmem:s2+$0x8430]  }
0x541: {  	[tilespmem:s29+$0xC050] =	vst.add.f32.msk @!p1 $0xffff, v40  }
0x542: {  	[tilespmem:s29+$0xC060] =	vst.add.f32.msk @!p1 $0xffff, v42  }
0x543: {  	[tilespmem:s0+$0xC030] =	vst.add.f32.msk $0xffff, v11  }
0x544: {  	v8 =	vld [tilespmem:s12+$0x8040]  }
0x545: {  	[tilespmem:s20+$0xC430] =	vst.add.f32.msk $0xffff, v26  }
0x546: {  	v32 =	vld [tilespmem:s2+$0x8440]  }
0x547: {  	[tilespmem:s29+$0xC070] =	vst.add.f32.msk @!p1 $0xffff, v39  }
0x548: {  	[tilespmem:s29+$0xC400] =	vst.add.f32.msk @!p1 $0xffff, v41  }
0x549: {  	[tilespmem:s0+$0xC040] =	vst.add.f32.msk $0xffff, v8  }
0x54a: {  	v28 =	vld [tilespmem:s12+$0x8050]  }
0x54b: {  	[tilespmem:s20+$0xC440] =	vst.add.f32.msk $0xffff, v32  }
0x54c: {  	v39 =	vld [tilespmem:s2+$0x8450]  }
0x54d: {  	[tilespmem:s29+$0xC410] =	vst.add.f32.msk @!p1 $0xffff, v45  }
0x54e: {  	[tilespmem:s29+$0xC420] =	vst.add.f32.msk @!p1 $0xffff, v33  }
0x54f: {  	[tilespmem:s0+$0xC050] =	vst.add.f32.msk $0xffff, v28  }
0x550: {  	v30 =	vld [tilespmem:s12+$0x8060]  }
0x551: {  	[tilespmem:s20+$0xC450] =	vst.add.f32.msk $0xffff, v39  }
0x552: {  	v40 =	vld [tilespmem:s2+$0x8460]  }
0x553: {  	s30 =	sadd.s32 $0x1, s30;
	[tilespmem:s29+$0xC430] =	vst.add.f32.msk @!p1 $0xffff, v44  }
0x554: {  	p4 =	sgt.s32 s30, $0x64;
	[tilespmem:s29+$0xC440] =	vst.add.f32.msk @!p1 $0xffff, v43  }
.Ltmp11:
0x555: {  	s3 =	simm.s32 $0x1;
	p2 =	slt.s32 s30, $0x65;
	[tilespmem:s0+$0xC060] =	vst.add.f32.msk $0xffff, v30;
	(pc) =	sbr.rel @p3 .LBB2_22-.Ltmp11, $4  }
0x556: {  	s3 =	simm.s32 @!p4 $0x0;
	p5 =	sgt.s32 @!p2 s10, $0x63;
	s16 =	simm.f32 @!p2 $0.0e+00;
	v33 =	vld [tilespmem:s12+$0x8070]  }
0x557: {  	v0 =	vadd.f32 v4, v0;
	s10 =	sadd.s32 s3, s10;
	p5 =	por !p5, p2;
	v4 =	vmov v39;
	[tilespmem:s20+$0xC460] =	vst.add.f32.msk $0xffff, v40  }
0x558: {  	v36 =	vadd.f32 v2, v36;
	s3 =	sadd.s32 $0x1, s10;
	s24 =	simm.s32 @!p5 $0x65;
	v2 =	vmov v40;
	v39 =	vld [tilespmem:s2+$0x8470];
	s2 =	smov.u32 s12  }
0x559: {  	s11 =	sadd.s32 $0x80, s11;
	s30 =	smov.u32 @p4 s3;
	s15 =	sshll.u32 @!p2 s24, $0x8;
	[tilespmem:s29+$0xC450] =	vst.add.f32.msk @!p1 $0xffff, v0;
	v0 =	vmul.f32 s5, v0  }
0x55a: {  	_ = 	snop  }
0x55b: {  	[tilespmem:s0+$0xC070] =	vst.add.f32.msk $0xffff, v33  }
0x55c: {  	v40 =	vld [tilespmem:s2+$0x8400];
	_ =	sdelay $0x4  }
0x55d: {  	[tilespmem:s0+$0xC400] =	vst.add.f32.msk $0xffff, v40  }
0x55e: {  	v41 =	vld [tilespmem:s2+$0x8410];
	_ =	sdelay $0x4  }
0x55f: {  	[tilespmem:s0+$0xC410] =	vst.add.f32.msk $0xffff, v41  }
0x560: {  	v42 =	vld [tilespmem:s2+$0x8420];
	_ =	sdelay $0x4  }
0x561: {  	[tilespmem:s0+$0xC420] =	vst.add.f32.msk $0xffff, v42  }
0x562: {  	v43 =	vld [tilespmem:s2+$0x8430];
	_ =	sdelay $0x2  }
0x563: {  	[tilespmem:s29+$0xC460] =	vst.add.f32.msk @!p1 $0xffff, v36  }
0x564: {  	[tilespmem:s20+$0xC470] =	vst.add.f32.msk $0xffff, v39  }
0x565: {  	s3 =	sand.u32 @!p0 $0xFFFFF800, s31;
	s4 =	sand.u32 @!p0 $0x380, s6;
	v16 =	vadd.f32 v47, v37;
	[tilespmem:s0+$0xC430] =	vst.add.f32.msk $0xffff, v43  }
0x566: {  	v17 =	vadd.f32 v17, v31;
	s3 =	sor.u32 @!p0 s4, s3;
	v50 =	vld [tilespmem:s2+$0x8440]  }
0x567: {  	p1 =	por p0, p0;
	v10 =	vadd.f32 v19, v10;
	[tilespmem:s3+$0xC000] =	vst.add.f32.msk @!p0 $0xffff, v16  }
0x568: {  	v15 =	vadd.f32 v21, v15;
	[tilespmem:s3+$0xC010] =	vst.add.f32.msk @!p1 $0xffff, v17  }
0x569: {  	[tilespmem:s3+$0xC020] =	vst.add.f32.msk @!p1 $0xffff, v10  }
0x56a: {  	[tilespmem:s3+$0xC030] =	vst.add.f32.msk @!p1 $0xffff, v15  }
0x56b: {  	v7 =	vadd.f32 v22, v7;
	[tilespmem:s0+$0xC440] =	vst.add.f32.msk $0xffff, v50  }
0x56c: {  	v21 =	vadd.f32 v23, v38;
	v51 =	vld [tilespmem:s2+$0x8450]  }
0x56d: {  	v20 =	vadd.f32 v20, v29;
	[tilespmem:s3+$0xC040] =	vst.add.f32.msk @!p1 $0xffff, v7  }
0x56e: {  	v6 =	vadd.f32 v24, v6;
	[tilespmem:s3+$0xC050] =	vst.add.f32.msk @!p1 $0xffff, v21  }
0x56f: {  	[tilespmem:s3+$0xC060] =	vst.add.f32.msk @!p1 $0xffff, v20  }
0x570: {  	[tilespmem:s3+$0xC070] =	vst.add.f32.msk @!p1 $0xffff, v6  }
0x571: {  	v23 =	vadd.f32 v25, v35;
	[tilespmem:s0+$0xC450] =	vst.add.f32.msk $0xffff, v51  }
0x572: {  	v1 =	vadd.f32 v13, v1;
	v52 =	vld [tilespmem:s2+$0x8460]  }
0x573: {  	v5 =	vadd.f32 v12, v5;
	[tilespmem:s3+$0xC400] =	vst.add.f32.msk @!p1 $0xffff, v23  }
0x574: {  	v3 =	vadd.f32 v26, v3;
	[tilespmem:s3+$0xC410] =	vst.add.f32.msk @!p1 $0xffff, v1  }
0x575: {  	[tilespmem:s3+$0xC420] =	vst.add.f32.msk @!p1 $0xffff, v5  }
0x576: {  	[tilespmem:s3+$0xC430] =	vst.add.f32.msk @!p1 $0xffff, v3  }
0x577: {  	v24 =	vadd.f32 v32, v34;
	[tilespmem:s0+$0xC460] =	vst.add.f32.msk $0xffff, v52  }
0x578: {  	v54 =	vmul.f32 s5, v36;
	v0 =	vadd.f32 v4, v0;
	v53 =	vld [tilespmem:s2+$0x8470]  }
0x579: {  	s28 =	simm.f32 @p0 $1.000000000e+00;
	v27 =	vadd.f32 v39, v27;
	[tilespmem:s3+$0xC440] =	vst.add.f32.msk @!p1 $0xffff, v24  }
0x57a: {  	v2 =	vadd.f32 v2, v54;
	v56 =	vmul.f32 s28, v16;
	[tilespmem:s3+$0xC450] =	vst.add.f32.msk @!p1 $0xffff, v0  }
0x57b: {  	[tilespmem:s3+$0xC470] =	vst.add.f32.msk @!p0 $0xffff, v27;
	v55 =	vmul.f32 s28, v27;
	p0 =	por p2, p2;
	s2 =	sshll.u32 @!p2 s24, $0x7  }
0x57c: {  	v58 =	vmul.f32 s28, v15;
	[tilespmem:s3+$0xC460] =	vst.add.f32.msk @!p1 $0xffff, v2;
	v13 =	vadd.f32 v18, v56;
	s3 =	sand.u32 @!p0 $0xFFFFF800, s15;
	s2 =	sand.u32 @!p0 $0x380, s2  }
0x57d: {  	v7 =	vmul.f32 s28, v7;
	v4 =	vadd.f32 v53, v55;
	[tilespmem:s0+$0xC470] =	vst.add.f32.msk $0xffff, v53;
	s0 =	sor.u32 @!p0 s2, s3  }
0x57e: {  	v59 =	vmul.f32 s28, v21;
	v11 =	vadd.f32 v11, v58;
	[tilespmem:s0+$0xC000] =	vst.add.f32.msk @!p0 $0xffff, v13  }
0x57f: {  	v6 =	vmul.f32 s28, v6;
	v7 =	vadd.f32 v8, v7;
	[tilespmem:s0+$0xC470] =	vst.add.f32.msk @!p0 $0xffff, v4;
	p0 =	por p0, p0  }
0x580: {  	v1 =	vmul.f32 s28, v1;
	v8 =	vadd.f32 v28, v59;
	[tilespmem:s0+$0xC030] =	vst.add.f32.msk @!p0 $0xffff, v11  }
0x581: {  	v5 =	vmul.f32 s28, v5;
	v6 =	vadd.f32 v33, v6;
	[tilespmem:s0+$0xC040] =	vst.add.f32.msk @!p0 $0xffff, v7  }
0x582: {  	v3 =	vmul.f32 s28, v3;
	v1 =	vadd.f32 v41, v1;
	[tilespmem:s0+$0xC050] =	vst.add.f32.msk @!p0 $0xffff, v8  }
0x583: {  	v62 =	vmul.f32 s28, v24;
	v5 =	vadd.f32 v42, v5;
	[tilespmem:s0+$0xC070] =	vst.add.f32.msk @!p0 $0xffff, v6  }
0x584: {  	v0 =	vmul.f32 s28, v0;
	v3 =	vadd.f32 v43, v3;
	[tilespmem:s0+$0xC410] =	vst.add.f32.msk @!p0 $0xffff, v1  }
0x585: {  	v57 =	vmul.f32 s28, v17;
	v63 =	vmul.f32 s28, v2;
	v2 =	vadd.f32 v50, v62;
	[tilespmem:s0+$0xC420] =	vst.add.f32.msk @!p0 $0xffff, v5  }
0x586: {  	v10 =	vmul.f32 s28, v10;
	v0 =	vadd.f32 v51, v0;
	[tilespmem:s0+$0xC430] =	vst.add.f32.msk @!p0 $0xffff, v3  }
0x587: {  	v61 =	vmul.f32 s28, v23;
	v4 =	vadd.f32 v9, v57;
	[tilespmem:s0+$0xC440] =	vst.add.f32.msk @!p0 $0xffff, v2  }
0x588: {  	v9 =	vadd.f32 v14, v10;
	[tilespmem:s0+$0xC450] =	vst.add.f32.msk @!p0 $0xffff, v0  }
0x589: {  	v60 =	vmul.f32 s28, v20;
	v7 =	vadd.f32 v40, v61;
	[tilespmem:s0+$0xC010] =	vst.add.f32.msk @!p0 $0xffff, v4  }
0x58a: {  	v1 =	vadd.f32 v52, v63;
	[tilespmem:s0+$0xC020] =	vst.add.f32.msk @!p0 $0xffff, v9  }
0x58b: {  	v4 =	vadd.f32 v30, v60;
	[tilespmem:s0+$0xC400] =	vst.add.f32.msk @!p0 $0xffff, v7  }
0x58c: {  	[tilespmem:s0+$0xC460] =	vst.add.f32.msk @!p0 $0xffff, v1  }
0x58d: {  	[tilespmem:s0+$0xC060] =	vst.add.f32.msk @!p0 $0xffff, v4  }
0x58e: {  	s30 =	simm.s32 $0xC000;
	s0 =	rddreg [dreg:$0xb]  }
0x58f: {  	[hbm4b:s0+s17] =	stream.strided.scatter [tilespmem:s30], [sflag:$0x4], $0x6800, s18, s17, $0x38;
	[tilespmem:$0x12800] =	vst v63  }
0x590: {  	_ =	swait.ge [sflag:s25], $0x6800  }
0x591: {  	s26 =	sadd.s32 $0x1, s26;
	s31 =	rddreg [dreg:$0xc]  }
0x592: {  	p0 =	sne.s32 s26, s31  }
.Ltmp12:
0x593: {  	_ = 	snop;
	(pc) =	sbr.rel @p0 .LBB2_1-.Ltmp12, $3  }
0x594: {  	_ =	sdelay $0x1  }
0x595: {  	[sflag:s25] =	ssyncset.done $0x0  }
0x596: {  	[sflag:s25] =	ssyncadd.s32 $0xFFFF9800  }
0x597: {  	_ =	sfence.sel $0x180000  }
0x598: {  	[bflag:$0x0] =	sbarrier.arrive $0xFFFF  }
0x599: {  	_ =	strace $0x90000047  }
0x59a: {  	s0 =	stileid.u32;
	[bflag:$0x2] =	sbarrier.arrive $0xFFFF  }
0x59b: {  	p0 =	sne.s32 s0, $0x0;
	s0 =	rddreg [dreg:$0x3]  }
0x59c: {  	s0 =	sadd.s32 @!p0 $0x100000, s0  }
0x59d: {  	[sflag:s0] =	ssyncadd.tile.s32 @!p0 $0x1;
	_ =	shalt  }
.Lfunc_end2:
_tile_overlayer_lowered:
.L_overlay_start_2:
0x59e: {  	(tag) =	ssettag $0x2  }
0x59f: {  	s0 =	rddreg [dreg:$0x0];
	s2 =	stileid.u32  }
0x5a0: {  	s1 =	rddreg [dreg:$0x1];
	p0 =	sne.s32 s2, $0x0  }
0x5a1: {  	s3 =	rddreg [dreg:$0x2];
	[bflag:$0x3] =	sbarrier.arrive $0xFFFF;
	s2 =	simm.s32 @!p0 $0x1C04  }
0x5a2: {  	[timem:s3], [sflag:s2] =	dma.local @!p0 [hbm:s0], s1  }
0x5a3: {  	s0 =	simm.s32 @!p0 $0x4  }
0x5a4: {  	_ =	swait.ge @!p0 [sflag:s0], s1  }
0x5a5: {  	s1 =	ssub.s32 @!p0 $0x0, s1;
	[sflag:s0] =	ssyncset.done @!p0 $0x0  }
0x5a6: {  	[sflag:s0] =	ssyncadd.s32 @!p0 s1  }
0x5a7: {  	[bflag:$0x3] =	sbarrier.arrive $0xFFFF  }
0x5a8: {  	_ =	shalt  }

</sc_bundles>
